<compile_context>
chip_gen: v7x
topology: tpu7x:2x2x1
jax: 0.10.2.dev20260603
libtpu: 0.0.44.dev20260713+nightly
codegen_flags: <defaults>
</compile_context>

<pallas_src>
import functools

import jax
import jax.numpy as jnp
from jax import lax
from jax.experimental import pallas as pl
from jax.experimental.pallas import tpu as pltpu
from jax.experimental.pallas import tpu_sc as plsc

B = 4096
T = 77
D = 768
V = 49408

NC = 2
NS = 16
NW = NC * NS
BPW = B // NW
NBUF = 2
C = BPW // NBUF
H = C // 2
NVREG = D // 16


def _make_embed_kernel():
    mesh = plsc.VectorSubcoreMesh(core_axis_name="c", subcore_axis_name="s")

    scratch = (
        [pltpu.VMEM((C,), jnp.int32) for _ in range(NBUF)]
        + [pltpu.VMEM((D,), jnp.float32) for _ in range(NBUF)]
        + [pltpu.VMEM((C, D), jnp.float32) for _ in range(NBUF)]
        + [pltpu.SemaphoreType.DMA for _ in range(4 * NBUF)]
    )

    @functools.partial(
        pl.kernel,
        out_type=jax.ShapeDtypeStruct((T * B, D), jnp.float32),
        mesh=mesh,
        scratch_types=scratch,
    )
    def embed(ids_hbm, table_hbm, pos_hbm, out_hbm, *scr):
        idx = scr[0:NBUF]
        pos = scr[NBUF:2 * NBUF]
        rows = scr[2 * NBUF:3 * NBUF]
        gasems = scr[3 * NBUF:4 * NBUF]
        gbsems = scr[4 * NBUF:5 * NBUF]
        osems = scr[5 * NBUF:6 * NBUF]
        ssems = scr[6 * NBUF:7 * NBUF]

        wid = lax.axis_index("s") * NC + lax.axis_index("c")
        b_base = wid * BPW

        def start_gather(p, slot):
            idxb, rowsb = idx[slot], rows[slot]
            pltpu.async_copy(table_hbm.at[idxb.at[pl.ds(0, H)]],
                             rowsb.at[pl.ds(0, H)], gasems[slot])
            pltpu.async_copy(table_hbm.at[idxb.at[pl.ds(H, H)]],
                             rowsb.at[pl.ds(H, H)], gbsems[slot])

        def fetch(p, slot):
            b0 = b_base + slot * C
            pltpu.sync_copy(ids_hbm.at[pl.ds(p * B + b0, C)], idx[slot])
            pltpu.sync_copy(pos_hbm.at[pl.ds(p * D, D)], pos[slot])
            start_gather(p, slot)

        def process(p, slot):
            idxb, posb, rowsb = idx[slot], pos[slot], rows[slot]
            osem, ssem = osems[slot], ssems[slot]
            b0 = b_base + slot * C

            def row_body(b, pv):
                for k in range(NVREG):
                    plsc.addupdate(rowsb.at[b, pl.ds(k * 16, 16)], pv[k])
                return pv

            def out_half(q):
                return pltpu.make_async_copy(
                    rowsb.at[pl.ds(q * H, H)],
                    out_hbm.at[pl.ds(p * B + b0 + q * H, H)], osem)

            pltpu.make_async_copy(table_hbm.at[idxb.at[pl.ds(0, H)]],
                                  rowsb.at[pl.ds(0, H)], gasems[slot]).wait()
            pvs = tuple(posb[pl.ds(k * 16, 16)] for k in range(NVREG))
            pvs = lax.fori_loop(0, H, row_body, pvs, unroll=2)
            out_half(0).start()
            pltpu.make_async_copy(table_hbm.at[idxb.at[pl.ds(H, H)]],
                                  rowsb.at[pl.ds(H, H)], gbsems[slot]).wait()
            @pl.when(p + 1 < T)
            def _():
                pltpu.async_copy(ids_hbm.at[pl.ds((p + 1) * B + b0, C)],
                                 idxb, ssem)
                pltpu.async_copy(pos_hbm.at[pl.ds((p + 1) * D, D)], posb, ssem)
            lax.fori_loop(H, C, row_body, pvs, unroll=2)
            out_half(1).start()

            @pl.when(p + 1 < T)
            def _():
                pltpu.make_async_copy(ids_hbm.at[pl.ds((p + 1) * B + b0, C)],
                                      idxb, ssem).wait()
                pltpu.make_async_copy(pos_hbm.at[pl.ds((p + 1) * D, D)],
                                      posb, ssem).wait()
                out_half(0).wait()
                out_half(1).wait()
                start_gather(p + 1, slot)

        for slot in range(NBUF):
            fetch(0, slot)

        def trip(p, acc):
            for slot in range(NBUF):
                process(p, slot)
            return acc

        lax.fori_loop(0, T, trip, 0)

        for slot in range(NBUF):
            b0 = b_base + slot * C
            for q in range(2):
                pltpu.make_async_copy(
                    rows[slot].at[pl.ds(q * H, H)],
                    out_hbm.at[pl.ds((T - 1) * B + b0 + q * H, H)],
                    osems[slot]).wait()

    return embed


_embed = _make_embed_kernel()


@jax.jit
def kernel(input_ids, table, pos_table):
    ids_t = input_ids.astype(jnp.int32).T.reshape(-1)
    pos_flat = pos_table.reshape(-1)
    out_flat = _embed(ids_t, table, pos_flat)
    return out_flat.reshape(T, B, D).transpose(1, 0, 2)

# --- scband reference (transcript-rebuilt; emitter-appended) ---
"""Pipeline reference for scband-embed-80814104641698 (READ-ONLY COPY).

The authoritative reference and input builder live on the scoring server;
editing this copy changes nothing except your own understanding.
"""

import jax, jax.numpy as jnp
import numpy as np

VOCAB = 49408
N_TOKENS = 77
EMBED_DIM = 768
BATCH = 4096

def setup_inputs(seed: int = 0) -> dict:
    key = jax.random.key(seed)
    k1, k2, k3 = jax.random.split(key, 3)
    input_ids = jax.random.randint(k1, (BATCH, N_TOKENS), 0, VOCAB, dtype=jnp.int64 if jax.config.jax_enable_x64 else jnp.int32)
    table = jax.random.normal(k2, (VOCAB, EMBED_DIM), dtype=jnp.float32) * 0.02
    pos_table = jax.random.normal(k3, (N_TOKENS, EMBED_DIM), dtype=jnp.float32) * 0.02
    return {"input_ids": input_ids, "table": table, "pos_table": pos_table}

def reference(input_ids, table, pos_table):
    # token embedding lookup
    embed = jnp.take(table, input_ids, axis=0)          # [B, n_tokens, d]
    # positional embedding: pos_ids = arange(n_tokens)[None, :]
    pos_ids = jnp.arange(N_TOKENS)[None, :]
    pos_embed = jnp.take(pos_table, pos_ids, axis=0)    # [1, n_tokens, d]
    return embed + pos_embed

if __name__ == "__main__":
    import jax
    _d = setup_inputs()
    print(jax.jit(kernel)(*tuple(_d.values())))

</pallas_src>

<mosaic_0001>
#map = affine_map<(d0, d1) -> (0)>
#map1 = affine_map<(d0, d1) -> (0, 0)>
module attributes {stable_mosaic.version = 14 : i64} {
  func.func @embed(%arg0: i32, %arg1: i32, %arg2: memref<315392xi32, #tpu.memory_space<hbm>>, %arg3: memref<49408x768xf32, #tpu.memory_space<hbm>>, %arg4: memref<59136xf32, #tpu.memory_space<hbm>>, %arg5: memref<315392x768xf32, #tpu.memory_space<hbm>>, %arg6: memref<64xi32, #tpu.memory_space<vmem>>, %arg7: memref<64xi32, #tpu.memory_space<vmem>>, %arg8: memref<768xf32, #tpu.memory_space<vmem>>, %arg9: memref<768xf32, #tpu.memory_space<vmem>>, %arg10: memref<64x768xf32, #tpu.memory_space<vmem>>, %arg11: memref<64x768xf32, #tpu.memory_space<vmem>>, %arg12: memref<!tpu.dma_semaphore, #tpu.memory_space<semaphore_mem>>, %arg13: memref<!tpu.dma_semaphore, #tpu.memory_space<semaphore_mem>>, %arg14: memref<!tpu.dma_semaphore, #tpu.memory_space<semaphore_mem>>, %arg15: memref<!tpu.dma_semaphore, #tpu.memory_space<semaphore_mem>>, %arg16: memref<!tpu.dma_semaphore, #tpu.memory_space<semaphore_mem>>, %arg17: memref<!tpu.dma_semaphore, #tpu.memory_space<semaphore_mem>>, %arg18: memref<!tpu.dma_semaphore, #tpu.memory_space<semaphore_mem>>, %arg19: memref<!tpu.dma_semaphore, #tpu.memory_space<semaphore_mem>>) attributes {dimension_semantics = [#tpu.dimension_semantics<core_parallel>, #tpu.dimension_semantics<subcore_parallel>], iteration_bounds = array<i64: 2, 16>, scalar_prefetch = 0 : i64, scratch_operands = 14 : i64, tpu.core_type = #tpu.core_type<sc_vector_subcore>, window_params = [{transform_indices = #map}, {transform_indices = #map1}, {transform_indices = #map}, {transform_indices = #map1}]} {
    %mul3A = arith.constant 2 : i32
    %mul3A_0 = arith.muli %arg1, %mul3A : i32
    %add3A = arith.addi %mul3A_0, %arg0 : i32
    %mul3A_1 = arith.constant 128 : i32
    %mul3A_2 = arith.muli %add3A, %mul3A_1 : i32
    %add3A_3 = arith.constant 0 : i32
    %add3A_4 = arith.addi %mul3A_2, %add3A_3 : i32
    %add3A_5 = arith.constant 0 : i32
    %add3A_6 = arith.addi %add3A_5, %add3A_4 : i32
    "tpu.region"() ({
      %run_scoped3A = tpu.sem_alloc : memref<!tpu.dma_semaphore, #tpu.memory_space<semaphore_mem>>
      %dma_start3A_106 = tpu.memref_slice %arg2[%add3A_6] : memref<315392xi32, #tpu.memory_space<hbm>> -> memref<64xi32, #tpu.memory_space<hbm>>
      %dma_start3A_107 = tpu.memref_slice %arg2[%add3A_6] : memref<315392xi32, #tpu.memory_space<hbm>> -> memref<64xi32, #tpu.memory_space<hbm>>
      tpu.enqueue_dma source(%dma_start3A_107 : memref<64xi32, #tpu.memory_space<hbm>>) target(%arg6 : memref<64xi32, #tpu.memory_space<vmem>>) target_semaphore(%run_scoped3A : memref<!tpu.dma_semaphore, #tpu.memory_space<semaphore_mem>>)
      %dma_wait3A_108 = tpu.memref_slice %arg2[%add3A_6] : memref<315392xi32, #tpu.memory_space<hbm>> -> memref<64xi32, #tpu.memory_space<hbm>>
      %dma_wait3A_109 = tpu.memref_slice %arg2[%add3A_6] : memref<315392xi32, #tpu.memory_space<hbm>> -> memref<64xi32, #tpu.memory_space<hbm>>
      tpu.wait_dma2 semaphore(%run_scoped3A : memref<!tpu.dma_semaphore, #tpu.memory_space<semaphore_mem>>) src(%dma_wait3A_109 : memref<64xi32, #tpu.memory_space<hbm>>) dst(%arg6 : memref<64xi32, #tpu.memory_space<vmem>>)
      tpu.yield
    }) : () -> ()
    "tpu.region"() ({
      %run_scoped3A = tpu.sem_alloc : memref<!tpu.dma_semaphore, #tpu.memory_space<semaphore_mem>>
      %dma_start3A_106 = arith.constant 0 : i32
      %dma_start3A_107 = tpu.memref_slice %arg4[%dma_start3A_106] : memref<59136xf32, #tpu.memory_space<hbm>> -> memref<768xf32, #tpu.memory_space<hbm>>
      %dma_start3A_108 = arith.constant 0 : i32
      %dma_start3A_109 = tpu.memref_slice %arg4[%dma_start3A_108] : memref<59136xf32, #tpu.memory_space<hbm>> -> memref<768xf32, #tpu.memory_space<hbm>>
      tpu.enqueue_dma source(%dma_start3A_109 : memref<768xf32, #tpu.memory_space<hbm>>) target(%arg8 : memref<768xf32, #tpu.memory_space<vmem>>) target_semaphore(%run_scoped3A : memref<!tpu.dma_semaphore, #tpu.memory_space<semaphore_mem>>)
      %dma_wait3A_110 = arith.constant 0 : i32
      %dma_wait3A_111 = tpu.memref_slice %arg4[%dma_wait3A_110] : memref<59136xf32, #tpu.memory_space<hbm>> -> memref<768xf32, #tpu.memory_space<hbm>>
      %dma_wait3A_112 = arith.constant 0 : i32
      %dma_wait3A_113 = tpu.memref_slice %arg4[%dma_wait3A_112] : memref<59136xf32, #tpu.memory_space<hbm>> -> memref<768xf32, #tpu.memory_space<hbm>>
      tpu.wait_dma2 semaphore(%run_scoped3A : memref<!tpu.dma_semaphore, #tpu.memory_space<semaphore_mem>>) src(%dma_wait3A_113 : memref<768xf32, #tpu.memory_space<hbm>>) dst(%arg8 : memref<768xf32, #tpu.memory_space<vmem>>)
      tpu.yield
    }) : () -> ()
    %dma_start3A = arith.constant 0 : i32
    %dma_start3A_7 = arith.constant 0 : i32
    %dma_start3A_8 = tpu.memref_slice %arg10[%dma_start3A, %dma_start3A_7] : memref<64x768xf32, #tpu.memory_space<vmem>> -> memref<32x768xf32, #tpu.memory_space<vmem>>
    %dma_start3A_9 = arith.constant 0 : i32
    %dma_start3A_10 = tpu.memref_slice %arg6[%dma_start3A_9] : memref<64xi32, #tpu.memory_space<vmem>> -> memref<32xi32, #tpu.memory_space<vmem>>
    %dma_start3A_11 = arith.constant 0 : i32
    %dma_start3A_12 = arith.constant 0 : i32
    %dma_start3A_13 = tpu.memref_slice %arg3[%dma_start3A_11, %dma_start3A_12] : memref<49408x768xf32, #tpu.memory_space<hbm>> -> memref<49408x768xf32, #tpu.memory_space<hbm>>
    tpu.enqueue_indirect_dma source(%dma_start3A_13 : memref<49408x768xf32, #tpu.memory_space<hbm>>) target(%dma_start3A_8 : memref<32x768xf32, #tpu.memory_space<vmem>>) offsets(%dma_start3A_10 : memref<32xi32, #tpu.memory_space<vmem>>) semaphore(%arg12 : memref<!tpu.dma_semaphore, #tpu.memory_space<semaphore_mem>>)
    %dma_start3A_14 = arith.constant 32 : i32
    %dma_start3A_15 = arith.constant 0 : i32
    %dma_start3A_16 = tpu.memref_slice %arg10[%dma_start3A_14, %dma_start3A_15] : memref<64x768xf32, #tpu.memory_space<vmem>> -> memref<32x768xf32, #tpu.memory_space<vmem>>
    %dma_start3A_17 = arith.constant 32 : i32
    %dma_start3A_18 = tpu.memref_slice %arg6[%dma_start3A_17] : memref<64xi32, #tpu.memory_space<vmem>> -> memref<32xi32, #tpu.memory_space<vmem>>
    %dma_start3A_19 = arith.constant 0 : i32
    %dma_start3A_20 = arith.constant 0 : i32
    %dma_start3A_21 = tpu.memref_slice %arg3[%dma_start3A_19, %dma_start3A_20] : memref<49408x768xf32, #tpu.memory_space<hbm>> -> memref<49408x768xf32, #tpu.memory_space<hbm>>
    tpu.enqueue_indirect_dma source(%dma_start3A_21 : memref<49408x768xf32, #tpu.memory_space<hbm>>) target(%dma_start3A_16 : memref<32x768xf32, #tpu.memory_space<vmem>>) offsets(%dma_start3A_18 : memref<32xi32, #tpu.memory_space<vmem>>) semaphore(%arg14 : memref<!tpu.dma_semaphore, #tpu.memory_space<semaphore_mem>>)
    %add3A_22 = arith.constant 64 : i32
    %add3A_23 = arith.addi %mul3A_2, %add3A_22 : i32
    %add3A_24 = arith.constant 0 : i32
    %add3A_25 = arith.addi %add3A_24, %add3A_23 : i32
    "tpu.region"() ({
      %run_scoped3A = tpu.sem_alloc : memref<!tpu.dma_semaphore, #tpu.memory_space<semaphore_mem>>
      %dma_start3A_106 = tpu.memref_slice %arg2[%add3A_25] : memref<315392xi32, #tpu.memory_space<hbm>> -> memref<64xi32, #tpu.memory_space<hbm>>
      %dma_start3A_107 = tpu.memref_slice %arg2[%add3A_25] : memref<315392xi32, #tpu.memory_space<hbm>> -> memref<64xi32, #tpu.memory_space<hbm>>
      tpu.enqueue_dma source(%dma_start3A_107 : memref<64xi32, #tpu.memory_space<hbm>>) target(%arg7 : memref<64xi32, #tpu.memory_space<vmem>>) target_semaphore(%run_scoped3A : memref<!tpu.dma_semaphore, #tpu.memory_space<semaphore_mem>>)
      %dma_wait3A_108 = tpu.memref_slice %arg2[%add3A_25] : memref<315392xi32, #tpu.memory_space<hbm>> -> memref<64xi32, #tpu.memory_space<hbm>>
      %dma_wait3A_109 = tpu.memref_slice %arg2[%add3A_25] : memref<315392xi32, #tpu.memory_space<hbm>> -> memref<64xi32, #tpu.memory_space<hbm>>
      tpu.wait_dma2 semaphore(%run_scoped3A : memref<!tpu.dma_semaphore, #tpu.memory_space<semaphore_mem>>) src(%dma_wait3A_109 : memref<64xi32, #tpu.memory_space<hbm>>) dst(%arg7 : memref<64xi32, #tpu.memory_space<vmem>>)
      tpu.yield
    }) : () -> ()
    "tpu.region"() ({
      %run_scoped3A = tpu.sem_alloc : memref<!tpu.dma_semaphore, #tpu.memory_space<semaphore_mem>>
      %dma_start3A_106 = arith.constant 0 : i32
      %dma_start3A_107 = tpu.memref_slice %arg4[%dma_start3A_106] : memref<59136xf32, #tpu.memory_space<hbm>> -> memref<768xf32, #tpu.memory_space<hbm>>
      %dma_start3A_108 = arith.constant 0 : i32
      %dma_start3A_109 = tpu.memref_slice %arg4[%dma_start3A_108] : memref<59136xf32, #tpu.memory_space<hbm>> -> memref<768xf32, #tpu.memory_space<hbm>>
      tpu.enqueue_dma source(%dma_start3A_109 : memref<768xf32, #tpu.memory_space<hbm>>) target(%arg9 : memref<768xf32, #tpu.memory_space<vmem>>) target_semaphore(%run_scoped3A : memref<!tpu.dma_semaphore, #tpu.memory_space<semaphore_mem>>)
      %dma_wait3A_110 = arith.constant 0 : i32
      %dma_wait3A_111 = tpu.memref_slice %arg4[%dma_wait3A_110] : memref<59136xf32, #tpu.memory_space<hbm>> -> memref<768xf32, #tpu.memory_space<hbm>>
      %dma_wait3A_112 = arith.constant 0 : i32
      %dma_wait3A_113 = tpu.memref_slice %arg4[%dma_wait3A_112] : memref<59136xf32, #tpu.memory_space<hbm>> -> memref<768xf32, #tpu.memory_space<hbm>>
      tpu.wait_dma2 semaphore(%run_scoped3A : memref<!tpu.dma_semaphore, #tpu.memory_space<semaphore_mem>>) src(%dma_wait3A_113 : memref<768xf32, #tpu.memory_space<hbm>>) dst(%arg9 : memref<768xf32, #tpu.memory_space<vmem>>)
      tpu.yield
    }) : () -> ()
    %dma_start3A_26 = arith.constant 0 : i32
    %dma_start3A_27 = arith.constant 0 : i32
    %dma_start3A_28 = tpu.memref_slice %arg11[%dma_start3A_26, %dma_start3A_27] : memref<64x768xf32, #tpu.memory_space<vmem>> -> memref<32x768xf32, #tpu.memory_space<vmem>>
    %dma_start3A_29 = arith.constant 0 : i32
    %dma_start3A_30 = tpu.memref_slice %arg7[%dma_start3A_29] : memref<64xi32, #tpu.memory_space<vmem>> -> memref<32xi32, #tpu.memory_space<vmem>>
    %dma_start3A_31 = arith.constant 0 : i32
    %dma_start3A_32 = arith.constant 0 : i32
    %dma_start3A_33 = tpu.memref_slice %arg3[%dma_start3A_31, %dma_start3A_32] : memref<49408x768xf32, #tpu.memory_space<hbm>> -> memref<49408x768xf32, #tpu.memory_space<hbm>>
    tpu.enqueue_indirect_dma source(%dma_start3A_33 : memref<49408x768xf32, #tpu.memory_space<hbm>>) target(%dma_start3A_28 : memref<32x768xf32, #tpu.memory_space<vmem>>) offsets(%dma_start3A_30 : memref<32xi32, #tpu.memory_space<vmem>>) semaphore(%arg13 : memref<!tpu.dma_semaphore, #tpu.memory_space<semaphore_mem>>)
    %dma_start3A_34 = arith.constant 32 : i32
    %dma_start3A_35 = arith.constant 0 : i32
    %dma_start3A_36 = tpu.memref_slice %arg11[%dma_start3A_34, %dma_start3A_35] : memref<64x768xf32, #tpu.memory_space<vmem>> -> memref<32x768xf32, #tpu.memory_space<vmem>>
    %dma_start3A_37 = arith.constant 32 : i32
    %dma_start3A_38 = tpu.memref_slice %arg7[%dma_start3A_37] : memref<64xi32, #tpu.memory_space<vmem>> -> memref<32xi32, #tpu.memory_space<vmem>>
    %dma_start3A_39 = arith.constant 0 : i32
    %dma_start3A_40 = arith.constant 0 : i32
    %dma_start3A_41 = tpu.memref_slice %arg3[%dma_start3A_39, %dma_start3A_40] : memref<49408x768xf32, #tpu.memory_space<hbm>> -> memref<49408x768xf32, #tpu.memory_space<hbm>>
    tpu.enqueue_indirect_dma source(%dma_start3A_41 : memref<49408x768xf32, #tpu.memory_space<hbm>>) target(%dma_start3A_36 : memref<32x768xf32, #tpu.memory_space<vmem>>) offsets(%dma_start3A_38 : memref<32xi32, #tpu.memory_space<vmem>>) semaphore(%arg15 : memref<!tpu.dma_semaphore, #tpu.memory_space<semaphore_mem>>)
    %scan3A = arith.constant 0 : i32
    %scan3A_42 = arith.constant 0 : i32
    %scan3A_43 = arith.constant 77 : i32
    %scan3A_44 = arith.addi %scan3A_42, %scan3A_43 : i32
    %scan3A_45 = arith.constant 1 : i32
    scf.for %scan3A_106 = %scan3A_42 to %scan3A_44 step %scan3A_45  : i32 {
      %add3A_107 = arith.constant 0 : i32
      %add3A_108 = arith.addi %mul3A_2, %add3A_107 : i32
      %dma_wait3A_109 = arith.constant 0 : i32
      %dma_wait3A_110 = arith.constant 0 : i32
      %dma_wait3A_111 = tpu.memref_slice %arg10[%dma_wait3A_109, %dma_wait3A_110] : memref<64x768xf32, #tpu.memory_space<vmem>> -> memref<32x768xf32, #tpu.memory_space<vmem>>
      %dma_wait3A_112 = arith.constant 0 : i32
      %dma_wait3A_113 = tpu.memref_slice %arg6[%dma_wait3A_112] : memref<64xi32, #tpu.memory_space<vmem>> -> memref<32xi32, #tpu.memory_space<vmem>>
      %dma_wait3A_114 = arith.constant 0 : i32
      %dma_wait3A_115 = arith.constant 0 : i32
      %dma_wait3A_116 = tpu.memref_slice %arg3[%dma_wait3A_114, %dma_wait3A_115] : memref<49408x768xf32, #tpu.memory_space<hbm>> -> memref<49408x768xf32, #tpu.memory_space<hbm>>
      tpu.wait_indirect_dma semaphore(%arg12 : memref<!tpu.dma_semaphore, #tpu.memory_space<semaphore_mem>>) src(%dma_wait3A_116 : memref<49408x768xf32, #tpu.memory_space<hbm>>) dst(%dma_wait3A_111 : memref<32x768xf32, #tpu.memory_space<vmem>>)
      %get3A = arith.constant 0 : index
      %get3A_117 = tpu.vector_load %arg8[%get3A] {strides = array<i32>} : memref<768xf32, #tpu.memory_space<vmem>>, vector<16xf32>,
      %get3A_118 = vector.shape_cast %get3A_117 : vector<16xf32> to vector<16xf32>
      %get3A_119 = arith.constant 16 : index
      %get3A_120 = tpu.vector_load %arg8[%get3A_119] {strides = array<i32>} : memref<768xf32, #tpu.memory_space<vmem>>, vector<16xf32>,
      %get3A_121 = vector.shape_cast %get3A_120 : vector<16xf32> to vector<16xf32>
      %get3A_122 = arith.constant 32 : index
      %get3A_123 = tpu.vector_load %arg8[%get3A_122] {strides = array<i32>} : memref<768xf32, #tpu.memory_space<vmem>>, vector<16xf32>,
      %get3A_124 = vector.shape_cast %get3A_123 : vector<16xf32> to vector<16xf32>
      %get3A_125 = arith.constant 48 : index
      %get3A_126 = tpu.vector_load %arg8[%get3A_125] {strides = array<i32>} : memref<768xf32, #tpu.memory_space<vmem>>, vector<16xf32>,
      %get3A_127 = vector.shape_cast %get3A_126 : vector<16xf32> to vector<16xf32>
      %get3A_128 = arith.constant 64 : index
      %get3A_129 = tpu.vector_load %arg8[%get3A_128] {strides = array<i32>} : memref<768xf32, #tpu.memory_space<vmem>>, vector<16xf32>,
      %get3A_130 = vector.shape_cast %get3A_129 : vector<16xf32> to vector<16xf32>
      %get3A_131 = arith.constant 80 : index
      %get3A_132 = tpu.vector_load %arg8[%get3A_131] {strides = array<i32>} : memref<768xf32, #tpu.memory_space<vmem>>, vector<16xf32>,
      %get3A_133 = vector.shape_cast %get3A_132 : vector<16xf32> to vector<16xf32>
      %get3A_134 = arith.constant 96 : index
      %get3A_135 = tpu.vector_load %arg8[%get3A_134] {strides = array<i32>} : memref<768xf32, #tpu.memory_space<vmem>>, vector<16xf32>,
      %get3A_136 = vector.shape_cast %get3A_135 : vector<16xf32> to vector<16xf32>
      %get3A_137 = arith.constant 112 : index
      %get3A_138 = tpu.vector_load %arg8[%get3A_137] {strides = array<i32>} : memref<768xf32, #tpu.memory_space<vmem>>, vector<16xf32>,
      %get3A_139 = vector.shape_cast %get3A_138 : vector<16xf32> to vector<16xf32>
      %get3A_140 = arith.constant 128 : index
      %get3A_141 = tpu.vector_load %arg8[%get3A_140] {strides = array<i32>} : memref<768xf32, #tpu.memory_space<vmem>>, vector<16xf32>,
      %get3A_142 = vector.shape_cast %get3A_141 : vector<16xf32> to vector<16xf32>
      %get3A_143 = arith.constant 144 : index
      %get3A_144 = tpu.vector_load %arg8[%get3A_143] {strides = array<i32>} : memref<768xf32, #tpu.memory_space<vmem>>, vector<16xf32>,
      %get3A_145 = vector.shape_cast %get3A_144 : vector<16xf32> to vector<16xf32>
      %get3A_146 = arith.constant 160 : index
      %get3A_147 = tpu.vector_load %arg8[%get3A_146] {strides = array<i32>} : memref<768xf32, #tpu.memory_space<vmem>>, vector<16xf32>,
      %get3A_148 = vector.shape_cast %get3A_147 : vector<16xf32> to vector<16xf32>
      %get3A_149 = arith.constant 176 : index
      %get3A_150 = tpu.vector_load %arg8[%get3A_149] {strides = array<i32>} : memref<768xf32, #tpu.memory_space<vmem>>, vector<16xf32>,
      %get3A_151 = vector.shape_cast %get3A_150 : vector<16xf32> to vector<16xf32>
      %get3A_152 = arith.constant 192 : index
      %get3A_153 = tpu.vector_load %arg8[%get3A_152] {strides = array<i32>} : memref<768xf32, #tpu.memory_space<vmem>>, vector<16xf32>,
      %get3A_154 = vector.shape_cast %get3A_153 : vector<16xf32> to vector<16xf32>
      %get3A_155 = arith.constant 208 : index
      %get3A_156 = tpu.vector_load %arg8[%get3A_155] {strides = array<i32>} : memref<768xf32, #tpu.memory_space<vmem>>, vector<16xf32>,
      %get3A_157 = vector.shape_cast %get3A_156 : vector<16xf32> to vector<16xf32>
      %get3A_158 = arith.constant 224 : index
      %get3A_159 = tpu.vector_load %arg8[%get3A_158] {strides = array<i32>} : memref<768xf32, #tpu.memory_space<vmem>>, vector<16xf32>,
      %get3A_160 = vector.shape_cast %get3A_159 : vector<16xf32> to vector<16xf32>
      %get3A_161 = arith.constant 240 : index
      %get3A_162 = tpu.vector_load %arg8[%get3A_161] {strides = array<i32>} : memref<768xf32, #tpu.memory_space<vmem>>, vector<16xf32>,
      %get3A_163 = vector.shape_cast %get3A_162 : vector<16xf32> to vector<16xf32>
      %get3A_164 = arith.constant 256 : index
      %get3A_165 = tpu.vector_load %arg8[%get3A_164] {strides = array<i32>} : memref<768xf32, #tpu.memory_space<vmem>>, vector<16xf32>,
      %get3A_166 = vector.shape_cast %get3A_165 : vector<16xf32> to vector<16xf32>
      %get3A_167 = arith.constant 272 : index
      %get3A_168 = tpu.vector_load %arg8[%get3A_167] {strides = array<i32>} : memref<768xf32, #tpu.memory_space<vmem>>, vector<16xf32>,
      %get3A_169 = vector.shape_cast %get3A_168 : vector<16xf32> to vector<16xf32>
      %get3A_170 = arith.constant 288 : index
      %get3A_171 = tpu.vector_load %arg8[%get3A_170] {strides = array<i32>} : memref<768xf32, #tpu.memory_space<vmem>>, vector<16xf32>,
      %get3A_172 = vector.shape_cast %get3A_171 : vector<16xf32> to vector<16xf32>
      %get3A_173 = arith.constant 304 : index
      %get3A_174 = tpu.vector_load %arg8[%get3A_173] {strides = array<i32>} : memref<768xf32, #tpu.memory_space<vmem>>, vector<16xf32>,
      %get3A_175 = vector.shape_cast %get3A_174 : vector<16xf32> to vector<16xf32>
      %get3A_176 = arith.constant 320 : index
      %get3A_177 = tpu.vector_load %arg8[%get3A_176] {strides = array<i32>} : memref<768xf32, #tpu.memory_space<vmem>>, vector<16xf32>,
      %get3A_178 = vector.shape_cast %get3A_177 : vector<16xf32> to vector<16xf32>
      %get3A_179 = arith.constant 336 : index
      %get3A_180 = tpu.vector_load %arg8[%get3A_179] {strides = array<i32>} : memref<768xf32, #tpu.memory_space<vmem>>, vector<16xf32>,
      %get3A_181 = vector.shape_cast %get3A_180 : vector<16xf32> to vector<16xf32>
      %get3A_182 = arith.constant 352 : index
      %get3A_183 = tpu.vector_load %arg8[%get3A_182] {strides = array<i32>} : memref<768xf32, #tpu.memory_space<vmem>>, vector<16xf32>,
      %get3A_184 = vector.shape_cast %get3A_183 : vector<16xf32> to vector<16xf32>
      %get3A_185 = arith.constant 368 : index
      %get3A_186 = tpu.vector_load %arg8[%get3A_185] {strides = array<i32>} : memref<768xf32, #tpu.memory_space<vmem>>, vector<16xf32>,
      %get3A_187 = vector.shape_cast %get3A_186 : vector<16xf32> to vector<16xf32>
      %get3A_188 = arith.constant 384 : index
      %get3A_189 = tpu.vector_load %arg8[%get3A_188] {strides = array<i32>} : memref<768xf32, #tpu.memory_space<vmem>>, vector<16xf32>,
      %get3A_190 = vector.shape_cast %get3A_189 : vector<16xf32> to vector<16xf32>
      %get3A_191 = arith.constant 400 : index
      %get3A_192 = tpu.vector_load %arg8[%get3A_191] {strides = array<i32>} : memref<768xf32, #tpu.memory_space<vmem>>, vector<16xf32>,
      %get3A_193 = vector.shape_cast %get3A_192 : vector<16xf32> to vector<16xf32>
      %get3A_194 = arith.constant 416 : index
      %get3A_195 = tpu.vector_load %arg8[%get3A_194] {strides = array<i32>} : memref<768xf32, #tpu.memory_space<vmem>>, vector<16xf32>,
      %get3A_196 = vector.shape_cast %get3A_195 : vector<16xf32> to vector<16xf32>
      %get3A_197 = arith.constant 432 : index
      %get3A_198 = tpu.vector_load %arg8[%get3A_197] {strides = array<i32>} : memref<768xf32, #tpu.memory_space<vmem>>, vector<16xf32>,
      %get3A_199 = vector.shape_cast %get3A_198 : vector<16xf32> to vector<16xf32>
      %get3A_200 = arith.constant 448 : index
      %get3A_201 = tpu.vector_load %arg8[%get3A_200] {strides = array<i32>} : memref<768xf32, #tpu.memory_space<vmem>>, vector<16xf32>,
      %get3A_202 = vector.shape_cast %get3A_201 : vector<16xf32> to vector<16xf32>
      %get3A_203 = arith.constant 464 : index
      %get3A_204 = tpu.vector_load %arg8[%get3A_203] {strides = array<i32>} : memref<768xf32, #tpu.memory_space<vmem>>, vector<16xf32>,
      %get3A_205 = vector.shape_cast %get3A_204 : vector<16xf32> to vector<16xf32>
      %get3A_206 = arith.constant 480 : index
      %get3A_207 = tpu.vector_load %arg8[%get3A_206] {strides = array<i32>} : memref<768xf32, #tpu.memory_space<vmem>>, vector<16xf32>,
      %get3A_208 = vector.shape_cast %get3A_207 : vector<16xf32> to vector<16xf32>
      %get3A_209 = arith.constant 496 : index
      %get3A_210 = tpu.vector_load %arg8[%get3A_209] {strides = array<i32>} : memref<768xf32, #tpu.memory_space<vmem>>, vector<16xf32>,
      %get3A_211 = vector.shape_cast %get3A_210 : vector<16xf32> to vector<16xf32>
      %get3A_212 = arith.constant 512 : index
      %get3A_213 = tpu.vector_load %arg8[%get3A_212] {strides = array<i32>} : memref<768xf32, #tpu.memory_space<vmem>>, vector<16xf32>,
      %get3A_214 = vector.shape_cast %get3A_213 : vector<16xf32> to vector<16xf32>
      %get3A_215 = arith.constant 528 : index
      %get3A_216 = tpu.vector_load %arg8[%get3A_215] {strides = array<i32>} : memref<768xf32, #tpu.memory_space<vmem>>, vector<16xf32>,
      %get3A_217 = vector.shape_cast %get3A_216 : vector<16xf32> to vector<16xf32>
      %get3A_218 = arith.constant 544 : index
      %get3A_219 = tpu.vector_load %arg8[%get3A_218] {strides = array<i32>} : memref<768xf32, #tpu.memory_space<vmem>>, vector<16xf32>,
      %get3A_220 = vector.shape_cast %get3A_219 : vector<16xf32> to vector<16xf32>
      %get3A_221 = arith.constant 560 : index
      %get3A_222 = tpu.vector_load %arg8[%get3A_221] {strides = array<i32>} : memref<768xf32, #tpu.memory_space<vmem>>, vector<16xf32>,
      %get3A_223 = vector.shape_cast %get3A_222 : vector<16xf32> to vector<16xf32>
      %get3A_224 = arith.constant 576 : index
      %get3A_225 = tpu.vector_load %arg8[%get3A_224] {strides = array<i32>} : memref<768xf32, #tpu.memory_space<vmem>>, vector<16xf32>,
      %get3A_226 = vector.shape_cast %get3A_225 : vector<16xf32> to vector<16xf32>
      %get3A_227 = arith.constant 592 : index
      %get3A_228 = tpu.vector_load %arg8[%get3A_227] {strides = array<i32>} : memref<768xf32, #tpu.memory_space<vmem>>, vector<16xf32>,
      %get3A_229 = vector.shape_cast %get3A_228 : vector<16xf32> to vector<16xf32>
      %get3A_230 = arith.constant 608 : index
      %get3A_231 = tpu.vector_load %arg8[%get3A_230] {strides = array<i32>} : memref<768xf32, #tpu.memory_space<vmem>>, vector<16xf32>,
      %get3A_232 = vector.shape_cast %get3A_231 : vector<16xf32> to vector<16xf32>
      %get3A_233 = arith.constant 624 : index
      %get3A_234 = tpu.vector_load %arg8[%get3A_233] {strides = array<i32>} : memref<768xf32, #tpu.memory_space<vmem>>, vector<16xf32>,
      %get3A_235 = vector.shape_cast %get3A_234 : vector<16xf32> to vector<16xf32>
      %get3A_236 = arith.constant 640 : index
      %get3A_237 = tpu.vector_load %arg8[%get3A_236] {strides = array<i32>} : memref<768xf32, #tpu.memory_space<vmem>>, vector<16xf32>,
      %get3A_238 = vector.shape_cast %get3A_237 : vector<16xf32> to vector<16xf32>
      %get3A_239 = arith.constant 656 : index
      %get3A_240 = tpu.vector_load %arg8[%get3A_239] {strides = array<i32>} : memref<768xf32, #tpu.memory_space<vmem>>, vector<16xf32>,
      %get3A_241 = vector.shape_cast %get3A_240 : vector<16xf32> to vector<16xf32>
      %get3A_242 = arith.constant 672 : index
      %get3A_243 = tpu.vector_load %arg8[%get3A_242] {strides = array<i32>} : memref<768xf32, #tpu.memory_space<vmem>>, vector<16xf32>,
      %get3A_244 = vector.shape_cast %get3A_243 : vector<16xf32> to vector<16xf32>
      %get3A_245 = arith.constant 688 : index
      %get3A_246 = tpu.vector_load %arg8[%get3A_245] {strides = array<i32>} : memref<768xf32, #tpu.memory_space<vmem>>, vector<16xf32>,
      %get3A_247 = vector.shape_cast %get3A_246 : vector<16xf32> to vector<16xf32>
      %get3A_248 = arith.constant 704 : index
      %get3A_249 = tpu.vector_load %arg8[%get3A_248] {strides = array<i32>} : memref<768xf32, #tpu.memory_space<vmem>>, vector<16xf32>,
      %get3A_250 = vector.shape_cast %get3A_249 : vector<16xf32> to vector<16xf32>
      %get3A_251 = arith.constant 720 : index
      %get3A_252 = tpu.vector_load %arg8[%get3A_251] {strides = array<i32>} : memref<768xf32, #tpu.memory_space<vmem>>, vector<16xf32>,
      %get3A_253 = vector.shape_cast %get3A_252 : vector<16xf32> to vector<16xf32>
      %get3A_254 = arith.constant 736 : index
      %get3A_255 = tpu.vector_load %arg8[%get3A_254] {strides = array<i32>} : memref<768xf32, #tpu.memory_space<vmem>>, vector<16xf32>,
      %get3A_256 = vector.shape_cast %get3A_255 : vector<16xf32> to vector<16xf32>
      %get3A_257 = arith.constant 752 : index
      %get3A_258 = tpu.vector_load %arg8[%get3A_257] {strides = array<i32>} : memref<768xf32, #tpu.memory_space<vmem>>, vector<16xf32>,
      %get3A_259 = vector.shape_cast %get3A_258 : vector<16xf32> to vector<16xf32>
      %scan3A_260 = arith.constant 0 : i32
      %scan3A_261 = arith.constant 32 : i32
      %scan3A_262 = arith.addi %scan3A_260, %scan3A_261 : i32
      %scan3A_263 = arith.constant 2 : i32
      scf.for %scan3A_535 = %scan3A_260 to %scan3A_262 step %scan3A_263  : i32 {
        %swap3A = arith.index_cast %scan3A_535 : i32 to index
        %swap3A_536 = arith.constant 0 : index
        %swap3A_537 = tpu.vector_load %arg10[%swap3A, %swap3A_536] {strides = array<i32>} : memref<64x768xf32, #tpu.memory_space<vmem>>, vector<1x16xf32>,
        %swap3A_538 = vector.shape_cast %swap3A_537 : vector<1x16xf32> to vector<16xf32>
        %swap3A_539 = vector.shape_cast %get3A_118 : vector<16xf32> to vector<1x16xf32>
        tpu.vector_store %arg10[%swap3A, %swap3A_536], %swap3A_539 {add = true, strides = array<i32>} : memref<64x768xf32, #tpu.memory_space<vmem>>, vector<1x16xf32>,
        %swap3A_540 = arith.index_cast %scan3A_535 : i32 to index
        %swap3A_541 = arith.constant 16 : index
        %swap3A_542 = tpu.vector_load %arg10[%swap3A_540, %swap3A_541] {strides = array<i32>} : memref<64x768xf32, #tpu.memory_space<vmem>>, vector<1x16xf32>,
        %swap3A_543 = vector.shape_cast %swap3A_542 : vector<1x16xf32> to vector<16xf32>
        %swap3A_544 = vector.shape_cast %get3A_121 : vector<16xf32> to vector<1x16xf32>
        tpu.vector_store %arg10[%swap3A_540, %swap3A_541], %swap3A_544 {add = true, strides = array<i32>} : memref<64x768xf32, #tpu.memory_space<vmem>>, vector<1x16xf32>,
        %swap3A_545 = arith.index_cast %scan3A_535 : i32 to index
        %swap3A_546 = arith.constant 32 : index
        %swap3A_547 = tpu.vector_load %arg10[%swap3A_545, %swap3A_546] {strides = array<i32>} : memref<64x768xf32, #tpu.memory_space<vmem>>, vector<1x16xf32>,
        %swap3A_548 = vector.shape_cast %swap3A_547 : vector<1x16xf32> to vector<16xf32>
        %swap3A_549 = vector.shape_cast %get3A_124 : vector<16xf32> to vector<1x16xf32>
        tpu.vector_store %arg10[%swap3A_545, %swap3A_546], %swap3A_549 {add = true, strides = array<i32>} : memref<64x768xf32, #tpu.memory_space<vmem>>, vector<1x16xf32>,
        %swap3A_550 = arith.index_cast %scan3A_535 : i32 to index
        %swap3A_551 = arith.constant 48 : index
        %swap3A_552 = tpu.vector_load %arg10[%swap3A_550, %swap3A_551] {strides = array<i32>} : memref<64x768xf32, #tpu.memory_space<vmem>>, vector<1x16xf32>,
        %swap3A_553 = vector.shape_cast %swap3A_552 : vector<1x16xf32> to vector<16xf32>
        %swap3A_554 = vector.shape_cast %get3A_127 : vector<16xf32> to vector<1x16xf32>
        tpu.vector_store %arg10[%swap3A_550, %swap3A_551], %swap3A_554 {add = true, strides = array<i32>} : memref<64x768xf32, #tpu.memory_space<vmem>>, vector<1x16xf32>,
        %swap3A_555 = arith.index_cast %scan3A_535 : i32 to index
        %swap3A_556 = arith.constant 64 : index
        %swap3A_557 = tpu.vector_load %arg10[%swap3A_555, %swap3A_556] {strides = array<i32>} : memref<64x768xf32, #tpu.memory_space<vmem>>, vector<1x16xf32>,
        %swap3A_558 = vector.shape_cast %swap3A_557 : vector<1x16xf32> to vector<16xf32>
        %swap3A_559 = vector.shape_cast %get3A_130 : vector<16xf32> to vector<1x16xf32>
        tpu.vector_store %arg10[%swap3A_555, %swap3A_556], %swap3A_559 {add = true, strides = array<i32>} : memref<64x768xf32, #tpu.memory_space<vmem>>, vector<1x16xf32>,
        %swap3A_560 = arith.index_cast %scan3A_535 : i32 to index
        %swap3A_561 = arith.constant 80 : index
        %swap3A_562 = tpu.vector_load %arg10[%swap3A_560, %swap3A_561] {strides = array<i32>} : memref<64x768xf32, #tpu.memory_space<vmem>>, vector<1x16xf32>,
        %swap3A_563 = vector.shape_cast %swap3A_562 : vector<1x16xf32> to vector<16xf32>
        %swap3A_564 = vector.shape_cast %get3A_133 : vector<16xf32> to vector<1x16xf32>
        tpu.vector_store %arg10[%swap3A_560, %swap3A_561], %swap3A_564 {add = true, strides = array<i32>} : memref<64x768xf32, #tpu.memory_space<vmem>>, vector<1x16xf32>,
        %swap3A_565 = arith.index_cast %scan3A_535 : i32 to index
        %swap3A_566 = arith.constant 96 : index
        %swap3A_567 = tpu.vector_load %arg10[%swap3A_565, %swap3A_566] {strides = array<i32>} : memref<64x768xf32, #tpu.memory_space<vmem>>, vector<1x16xf32>,
        %swap3A_568 = vector.shape_cast %swap3A_567 : vector<1x16xf32> to vector<16xf32>
        %swap3A_569 = vector.shape_cast %get3A_136 : vector<16xf32> to vector<1x16xf32>
        tpu.vector_store %arg10[%swap3A_565, %swap3A_566], %swap3A_569 {add = true, strides = array<i32>} : memref<64x768xf32, #tpu.memory_space<vmem>>, vector<1x16xf32>,
        %swap3A_570 = arith.index_cast %scan3A_535 : i32 to index
        %swap3A_571 = arith.constant 112 : index
        %swap3A_572 = tpu.vector_load %arg10[%swap3A_570, %swap3A_571] {strides = array<i32>} : memref<64x768xf32, #tpu.memory_space<vmem>>, vector<1x16xf32>,
        %swap3A_573 = vector.shape_cast %swap3A_572 : vector<1x16xf32> to vector<16xf32>
        %swap3A_574 = vector.shape_cast %get3A_139 : vector<16xf32> to vector<1x16xf32>
        tpu.vector_store %arg10[%swap3A_570, %swap3A_571], %swap3A_574 {add = true, strides = array<i32>} : memref<64x768xf32, #tpu.memory_space<vmem>>, vector<1x16xf32>,
        %swap3A_575 = arith.index_cast %scan3A_535 : i32 to index
        %swap3A_576 = arith.constant 128 : index
        %swap3A_577 = tpu.vector_load %arg10[%swap3A_575, %swap3A_576] {strides = array<i32>} : memref<64x768xf32, #tpu.memory_space<vmem>>, vector<1x16xf32>,
        %swap3A_578 = vector.shape_cast %swap3A_577 : vector<1x16xf32> to vector<16xf32>
        %swap3A_579 = vector.shape_cast %get3A_142 : vector<16xf32> to vector<1x16xf32>
        tpu.vector_store %arg10[%swap3A_575, %swap3A_576], %swap3A_579 {add = true, strides = array<i32>} : memref<64x768xf32, #tpu.memory_space<vmem>>, vector<1x16xf32>,
        %swap3A_580 = arith.index_cast %scan3A_535 : i32 to index
        %swap3A_581 = arith.constant 144 : index
        %swap3A_582 = tpu.vector_load %arg10[%swap3A_580, %swap3A_581] {strides = array<i32>} : memref<64x768xf32, #tpu.memory_space<vmem>>, vector<1x16xf32>,
        %swap3A_583 = vector.shape_cast %swap3A_582 : vector<1x16xf32> to vector<16xf32>
        %swap3A_584 = vector.shape_cast %get3A_145 : vector<16xf32> to vector<1x16xf32>
        tpu.vector_store %arg10[%swap3A_580, %swap3A_581], %swap3A_584 {add = true, strides = array<i32>} : memref<64x768xf32, #tpu.memory_space<vmem>>, vector<1x16xf32>,
        %swap3A_585 = arith.index_cast %scan3A_535 : i32 to index
        %swap3A_586 = arith.constant 160 : index
        %swap3A_587 = tpu.vector_load %arg10[%swap3A_585, %swap3A_586] {strides = array<i32>} : memref<64x768xf32, #tpu.memory_space<vmem>>, vector<1x16xf32>,
        %swap3A_588 = vector.shape_cast %swap3A_587 : vector<1x16xf32> to vector<16xf32>
        %swap3A_589 = vector.shape_cast %get3A_148 : vector<16xf32> to vector<1x16xf32>
        tpu.vector_store %arg10[%swap3A_585, %swap3A_586], %swap3A_589 {add = true, strides = array<i32>} : memref<64x768xf32, #tpu.memory_space<vmem>>, vector<1x16xf32>,
        %swap3A_590 = arith.index_cast %scan3A_535 : i32 to index
        %swap3A_591 = arith.constant 176 : index
        %swap3A_592 = tpu.vector_load %arg10[%swap3A_590, %swap3A_591] {strides = array<i32>} : memref<64x768xf32, #tpu.memory_space<vmem>>, vector<1x16xf32>,
        %swap3A_593 = vector.shape_cast %swap3A_592 : vector<1x16xf32> to vector<16xf32>
        %swap3A_594 = vector.shape_cast %get3A_151 : vector<16xf32> to vector<1x16xf32>
        tpu.vector_store %arg10[%swap3A_590, %swap3A_591], %swap3A_594 {add = true, strides = array<i32>} : memref<64x768xf32, #tpu.memory_space<vmem>>, vector<1x16xf32>,
        %swap3A_595 = arith.index_cast %scan3A_535 : i32 to index
        %swap3A_596 = arith.constant 192 : index
        %swap3A_597 = tpu.vector_load %arg10[%swap3A_595, %swap3A_596] {strides = array<i32>} : memref<64x768xf32, #tpu.memory_space<vmem>>, vector<1x16xf32>,
        %swap3A_598 = vector.shape_cast %swap3A_597 : vector<1x16xf32> to vector<16xf32>
        %swap3A_599 = vector.shape_cast %get3A_154 : vector<16xf32> to vector<1x16xf32>
        tpu.vector_store %arg10[%swap3A_595, %swap3A_596], %swap3A_599 {add = true, strides = array<i32>} : memref<64x768xf32, #tpu.memory_space<vmem>>, vector<1x16xf32>,
        %swap3A_600 = arith.index_cast %scan3A_535 : i32 to index
        %swap3A_601 = arith.constant 208 : index
        %swap3A_602 = tpu.vector_load %arg10[%swap3A_600, %swap3A_601] {strides = array<i32>} : memref<64x768xf32, #tpu.memory_space<vmem>>, vector<1x16xf32>,
        %swap3A_603 = vector.shape_cast %swap3A_602 : vector<1x16xf32> to vector<16xf32>
        %swap3A_604 = vector.shape_cast %get3A_157 : vector<16xf32> to vector<1x16xf32>
        tpu.vector_store %arg10[%swap3A_600, %swap3A_601], %swap3A_604 {add = true, strides = array<i32>} : memref<64x768xf32, #tpu.memory_space<vmem>>, vector<1x16xf32>,
        %swap3A_605 = arith.index_cast %scan3A_535 : i32 to index
        %swap3A_606 = arith.constant 224 : index
        %swap3A_607 = tpu.vector_load %arg10[%swap3A_605, %swap3A_606] {strides = array<i32>} : memref<64x768xf32, #tpu.memory_space<vmem>>, vector<1x16xf32>,
        %swap3A_608 = vector.shape_cast %swap3A_607 : vector<1x16xf32> to vector<16xf32>
        %swap3A_609 = vector.shape_cast %get3A_160 : vector<16xf32> to vector<1x16xf32>
        tpu.vector_store %arg10[%swap3A_605, %swap3A_606], %swap3A_609 {add = true, strides = array<i32>} : memref<64x768xf32, #tpu.memory_space<vmem>>, vector<1x16xf32>,
        %swap3A_610 = arith.index_cast %scan3A_535 : i32 to index
        %swap3A_611 = arith.constant 240 : index
        %swap3A_612 = tpu.vector_load %arg10[%swap3A_610, %swap3A_611] {strides = array<i32>} : memref<64x768xf32, #tpu.memory_space<vmem>>, vector<1x16xf32>,
        %swap3A_613 = vector.shape_cast %swap3A_612 : vector<1x16xf32> to vector<16xf32>
        %swap3A_614 = vector.shape_cast %get3A_163 : vector<16xf32> to vector<1x16xf32>
        tpu.vector_store %arg10[%swap3A_610, %swap3A_611], %swap3A_614 {add = true, strides = array<i32>} : memref<64x768xf32, #tpu.memory_space<vmem>>, vector<1x16xf32>,
        %swap3A_615 = arith.index_cast %scan3A_535 : i32 to index
        %swap3A_616 = arith.constant 256 : index
        %swap3A_617 = tpu.vector_load %arg10[%swap3A_615, %swap3A_616] {strides = array<i32>} : memref<64x768xf32, #tpu.memory_space<vmem>>, vector<1x16xf32>,
        %swap3A_618 = vector.shape_cast %swap3A_617 : vector<1x16xf32> to vector<16xf32>
        %swap3A_619 = vector.shape_cast %get3A_166 : vector<16xf32> to vector<1x16xf32>
        tpu.vector_store %arg10[%swap3A_615, %swap3A_616], %swap3A_619 {add = true, strides = array<i32>} : memref<64x768xf32, #tpu.memory_space<vmem>>, vector<1x16xf32>,
        %swap3A_620 = arith.index_cast %scan3A_535 : i32 to index
        %swap3A_621 = arith.constant 272 : index
        %swap3A_622 = tpu.vector_load %arg10[%swap3A_620, %swap3A_621] {strides = array<i32>} : memref<64x768xf32, #tpu.memory_space<vmem>>, vector<1x16xf32>,
        %swap3A_623 = vector.shape_cast %swap3A_622 : vector<1x16xf32> to vector<16xf32>
        %swap3A_624 = vector.shape_cast %get3A_169 : vector<16xf32> to vector<1x16xf32>
        tpu.vector_store %arg10[%swap3A_620, %swap3A_621], %swap3A_624 {add = true, strides = array<i32>} : memref<64x768xf32, #tpu.memory_space<vmem>>, vector<1x16xf32>,
        %swap3A_625 = arith.index_cast %scan3A_535 : i32 to index
        %swap3A_626 = arith.constant 288 : index
        %swap3A_627 = tpu.vector_load %arg10[%swap3A_625, %swap3A_626] {strides = array<i32>} : memref<64x768xf32, #tpu.memory_space<vmem>>, vector<1x16xf32>,
        %swap3A_628 = vector.shape_cast %swap3A_627 : vector<1x16xf32> to vector<16xf32>
        %swap3A_629 = vector.shape_cast %get3A_172 : vector<16xf32> to vector<1x16xf32>
        tpu.vector_store %arg10[%swap3A_625, %swap3A_626], %swap3A_629 {add = true, strides = array<i32>} : memref<64x768xf32, #tpu.memory_space<vmem>>, vector<1x16xf32>,
        %swap3A_630 = arith.index_cast %scan3A_535 : i32 to index
        %swap3A_631 = arith.constant 304 : index
        %swap3A_632 = tpu.vector_load %arg10[%swap3A_630, %swap3A_631] {strides = array<i32>} : memref<64x768xf32, #tpu.memory_space<vmem>>, vector<1x16xf32>,
        %swap3A_633 = vector.shape_cast %swap3A_632 : vector<1x16xf32> to vector<16xf32>
        %swap3A_634 = vector.shape_cast %get3A_175 : vector<16xf32> to vector<1x16xf32>
        tpu.vector_store %arg10[%swap3A_630, %swap3A_631], %swap3A_634 {add = true, strides = array<i32>} : memref<64x768xf32, #tpu.memory_space<vmem>>, vector<1x16xf32>,
        %swap3A_635 = arith.index_cast %scan3A_535 : i32 to index
        %swap3A_636 = arith.constant 320 : index
        %swap3A_637 = tpu.vector_load %arg10[%swap3A_635, %swap3A_636] {strides = array<i32>} : memref<64x768xf32, #tpu.memory_space<vmem>>, vector<1x16xf32>,
        %swap3A_638 = vector.shape_cast %swap3A_637 : vector<1x16xf32> to vector<16xf32>
        %swap3A_639 = vector.shape_cast %get3A_178 : vector<16xf32> to vector<1x16xf32>
        tpu.vector_store %arg10[%swap3A_635, %swap3A_636], %swap3A_639 {add = true, strides = array<i32>} : memref<64x768xf32, #tpu.memory_space<vmem>>, vector<1x16xf32>,
        %swap3A_640 = arith.index_cast %scan3A_535 : i32 to index
        %swap3A_641 = arith.constant 336 : index
        %swap3A_642 = tpu.vector_load %arg10[%swap3A_640, %swap3A_641] {strides = array<i32>} : memref<64x768xf32, #tpu.memory_space<vmem>>, vector<1x16xf32>,
        %swap3A_643 = vector.shape_cast %swap3A_642 : vector<1x16xf32> to vector<16xf32>
        %swap3A_644 = vector.shape_cast %get3A_181 : vector<16xf32> to vector<1x16xf32>
        tpu.vector_store %arg10[%swap3A_640, %swap3A_641], %swap3A_644 {add = true, strides = array<i32>} : memref<64x768xf32, #tpu.memory_space<vmem>>, vector<1x16xf32>,
        %swap3A_645 = arith.index_cast %scan3A_535 : i32 to index
        %swap3A_646 = arith.constant 352 : index
        %swap3A_647 = tpu.vector_load %arg10[%swap3A_645, %swap3A_646] {strides = array<i32>} : memref<64x768xf32, #tpu.memory_space<vmem>>, vector<1x16xf32>,
        %swap3A_648 = vector.shape_cast %swap3A_647 : vector<1x16xf32> to vector<16xf32>
        %swap3A_649 = vector.shape_cast %get3A_184 : vector<16xf32> to vector<1x16xf32>
        tpu.vector_store %arg10[%swap3A_645, %swap3A_646], %swap3A_649 {add = true, strides = array<i32>} : memref<64x768xf32, #tpu.memory_space<vmem>>, vector<1x16xf32>,
        %swap3A_650 = arith.index_cast %scan3A_535 : i32 to index
        %swap3A_651 = arith.constant 368 : index
        %swap3A_652 = tpu.vector_load %arg10[%swap3A_650, %swap3A_651] {strides = array<i32>} : memref<64x768xf32, #tpu.memory_space<vmem>>, vector<1x16xf32>,
        %swap3A_653 = vector.shape_cast %swap3A_652 : vector<1x16xf32> to vector<16xf32>
        %swap3A_654 = vector.shape_cast %get3A_187 : vector<16xf32> to vector<1x16xf32>
        tpu.vector_store %arg10[%swap3A_650, %swap3A_651], %swap3A_654 {add = true, strides = array<i32>} : memref<64x768xf32, #tpu.memory_space<vmem>>, vector<1x16xf32>,
        %swap3A_655 = arith.index_cast %scan3A_535 : i32 to index
        %swap3A_656 = arith.constant 384 : index
        %swap3A_657 = tpu.vector_load %arg10[%swap3A_655, %swap3A_656] {strides = array<i32>} : memref<64x768xf32, #tpu.memory_space<vmem>>, vector<1x16xf32>,
        %swap3A_658 = vector.shape_cast %swap3A_657 : vector<1x16xf32> to vector<16xf32>
        %swap3A_659 = vector.shape_cast %get3A_190 : vector<16xf32> to vector<1x16xf32>
        tpu.vector_store %arg10[%swap3A_655, %swap3A_656], %swap3A_659 {add = true, strides = array<i32>} : memref<64x768xf32, #tpu.memory_space<vmem>>, vector<1x16xf32>,
        %swap3A_660 = arith.index_cast %scan3A_535 : i32 to index
        %swap3A_661 = arith.constant 400 : index
        %swap3A_662 = tpu.vector_load %arg10[%swap3A_660, %swap3A_661] {strides = array<i32>} : memref<64x768xf32, #tpu.memory_space<vmem>>, vector<1x16xf32>,
        %swap3A_663 = vector.shape_cast %swap3A_662 : vector<1x16xf32> to vector<16xf32>
        %swap3A_664 = vector.shape_cast %get3A_193 : vector<16xf32> to vector<1x16xf32>
        tpu.vector_store %arg10[%swap3A_660, %swap3A_661], %swap3A_664 {add = true, strides = array<i32>} : memref<64x768xf32, #tpu.memory_space<vmem>>, vector<1x16xf32>,
        %swap3A_665 = arith.index_cast %scan3A_535 : i32 to index
        %swap3A_666 = arith.constant 416 : index
        %swap3A_667 = tpu.vector_load %arg10[%swap3A_665, %swap3A_666] {strides = array<i32>} : memref<64x768xf32, #tpu.memory_space<vmem>>, vector<1x16xf32>,
        %swap3A_668 = vector.shape_cast %swap3A_667 : vector<1x16xf32> to vector<16xf32>
        %swap3A_669 = vector.shape_cast %get3A_196 : vector<16xf32> to vector<1x16xf32>
        tpu.vector_store %arg10[%swap3A_665, %swap3A_666], %swap3A_669 {add = true, strides = array<i32>} : memref<64x768xf32, #tpu.memory_space<vmem>>, vector<1x16xf32>,
        %swap3A_670 = arith.index_cast %scan3A_535 : i32 to index
        %swap3A_671 = arith.constant 432 : index
        %swap3A_672 = tpu.vector_load %arg10[%swap3A_670, %swap3A_671] {strides = array<i32>} : memref<64x768xf32, #tpu.memory_space<vmem>>, vector<1x16xf32>,
        %swap3A_673 = vector.shape_cast %swap3A_672 : vector<1x16xf32> to vector<16xf32>
        %swap3A_674 = vector.shape_cast %get3A_199 : vector<16xf32> to vector<1x16xf32>
        tpu.vector_store %arg10[%swap3A_670, %swap3A_671], %swap3A_674 {add = true, strides = array<i32>} : memref<64x768xf32, #tpu.memory_space<vmem>>, vector<1x16xf32>,
        %swap3A_675 = arith.index_cast %scan3A_535 : i32 to index
        %swap3A_676 = arith.constant 448 : index
        %swap3A_677 = tpu.vector_load %arg10[%swap3A_675, %swap3A_676] {strides = array<i32>} : memref<64x768xf32, #tpu.memory_space<vmem>>, vector<1x16xf32>,
        %swap3A_678 = vector.shape_cast %swap3A_677 : vector<1x16xf32> to vector<16xf32>
        %swap3A_679 = vector.shape_cast %get3A_202 : vector<16xf32> to vector<1x16xf32>
        tpu.vector_store %arg10[%swap3A_675, %swap3A_676], %swap3A_679 {add = true, strides = array<i32>} : memref<64x768xf32, #tpu.memory_space<vmem>>, vector<1x16xf32>,
        %swap3A_680 = arith.index_cast %scan3A_535 : i32 to index
        %swap3A_681 = arith.constant 464 : index
        %swap3A_682 = tpu.vector_load %arg10[%swap3A_680, %swap3A_681] {strides = array<i32>} : memref<64x768xf32, #tpu.memory_space<vmem>>, vector<1x16xf32>,
        %swap3A_683 = vector.shape_cast %swap3A_682 : vector<1x16xf32> to vector<16xf32>
        %swap3A_684 = vector.shape_cast %get3A_205 : vector<16xf32> to vector<1x16xf32>
        tpu.vector_store %arg10[%swap3A_680, %swap3A_681], %swap3A_684 {add = true, strides = array<i32>} : memref<64x768xf32, #tpu.memory_space<vmem>>, vector<1x16xf32>,
        %swap3A_685 = arith.index_cast %scan3A_535 : i32 to index
        %swap3A_686 = arith.constant 480 : index
        %swap3A_687 = tpu.vector_load %arg10[%swap3A_685, %swap3A_686] {strides = array<i32>} : memref<64x768xf32, #tpu.memory_space<vmem>>, vector<1x16xf32>,
        %swap3A_688 = vector.shape_cast %swap3A_687 : vector<1x16xf32> to vector<16xf32>
        %swap3A_689 = vector.shape_cast %get3A_208 : vector<16xf32> to vector<1x16xf32>
        tpu.vector_store %arg10[%swap3A_685, %swap3A_686], %swap3A_689 {add = true, strides = array<i32>} : memref<64x768xf32, #tpu.memory_space<vmem>>, vector<1x16xf32>,
        %swap3A_690 = arith.index_cast %scan3A_535 : i32 to index
        %swap3A_691 = arith.constant 496 : index
        %swap3A_692 = tpu.vector_load %arg10[%swap3A_690, %swap3A_691] {strides = array<i32>} : memref<64x768xf32, #tpu.memory_space<vmem>>, vector<1x16xf32>,
        %swap3A_693 = vector.shape_cast %swap3A_692 : vector<1x16xf32> to vector<16xf32>
        %swap3A_694 = vector.shape_cast %get3A_211 : vector<16xf32> to vector<1x16xf32>
        tpu.vector_store %arg10[%swap3A_690, %swap3A_691], %swap3A_694 {add = true, strides = array<i32>} : memref<64x768xf32, #tpu.memory_space<vmem>>, vector<1x16xf32>,
        %swap3A_695 = arith.index_cast %scan3A_535 : i32 to index
        %swap3A_696 = arith.constant 512 : index
        %swap3A_697 = tpu.vector_load %arg10[%swap3A_695, %swap3A_696] {strides = array<i32>} : memref<64x768xf32, #tpu.memory_space<vmem>>, vector<1x16xf32>,
        %swap3A_698 = vector.shape_cast %swap3A_697 : vector<1x16xf32> to vector<16xf32>
        %swap3A_699 = vector.shape_cast %get3A_214 : vector<16xf32> to vector<1x16xf32>
        tpu.vector_store %arg10[%swap3A_695, %swap3A_696], %swap3A_699 {add = true, strides = array<i32>} : memref<64x768xf32, #tpu.memory_space<vmem>>, vector<1x16xf32>,
        %swap3A_700 = arith.index_cast %scan3A_535 : i32 to index
        %swap3A_701 = arith.constant 528 : index
        %swap3A_702 = tpu.vector_load %arg10[%swap3A_700, %swap3A_701] {strides = array<i32>} : memref<64x768xf32, #tpu.memory_space<vmem>>, vector<1x16xf32>,
        %swap3A_703 = vector.shape_cast %swap3A_702 : vector<1x16xf32> to vector<16xf32>
        %swap3A_704 = vector.shape_cast %get3A_217 : vector<16xf32> to vector<1x16xf32>
        tpu.vector_store %arg10[%swap3A_700, %swap3A_701], %swap3A_704 {add = true, strides = array<i32>} : memref<64x768xf32, #tpu.memory_space<vmem>>, vector<1x16xf32>,
        %swap3A_705 = arith.index_cast %scan3A_535 : i32 to index
        %swap3A_706 = arith.constant 544 : index
        %swap3A_707 = tpu.vector_load %arg10[%swap3A_705, %swap3A_706] {strides = array<i32>} : memref<64x768xf32, #tpu.memory_space<vmem>>, vector<1x16xf32>,
        %swap3A_708 = vector.shape_cast %swap3A_707 : vector<1x16xf32> to vector<16xf32>
        %swap3A_709 = vector.shape_cast %get3A_220 : vector<16xf32> to vector<1x16xf32>
        tpu.vector_store %arg10[%swap3A_705, %swap3A_706], %swap3A_709 {add = true, strides = array<i32>} : memref<64x768xf32, #tpu.memory_space<vmem>>, vector<1x16xf32>,
        %swap3A_710 = arith.index_cast %scan3A_535 : i32 to index
        %swap3A_711 = arith.constant 560 : index
        %swap3A_712 = tpu.vector_load %arg10[%swap3A_710, %swap3A_711] {strides = array<i32>} : memref<64x768xf32, #tpu.memory_space<vmem>>, vector<1x16xf32>,
        %swap3A_713 = vector.shape_cast %swap3A_712 : vector<1x16xf32> to vector<16xf32>
        %swap3A_714 = vector.shape_cast %get3A_223 : vector<16xf32> to vector<1x16xf32>
        tpu.vector_store %arg10[%swap3A_710, %swap3A_711], %swap3A_714 {add = true, strides = array<i32>} : memref<64x768xf32, #tpu.memory_space<vmem>>, vector<1x16xf32>,
        %swap3A_715 = arith.index_cast %scan3A_535 : i32 to index
        %swap3A_716 = arith.constant 576 : index
        %swap3A_717 = tpu.vector_load %arg10[%swap3A_715, %swap3A_716] {strides = array<i32>} : memref<64x768xf32, #tpu.memory_space<vmem>>, vector<1x16xf32>,
        %swap3A_718 = vector.shape_cast %swap3A_717 : vector<1x16xf32> to vector<16xf32>
        %swap3A_719 = vector.shape_cast %get3A_226 : vector<16xf32> to vector<1x16xf32>
        tpu.vector_store %arg10[%swap3A_715, %swap3A_716], %swap3A_719 {add = true, strides = array<i32>} : memref<64x768xf32, #tpu.memory_space<vmem>>, vector<1x16xf32>,
        %swap3A_720 = arith.index_cast %scan3A_535 : i32 to index
        %swap3A_721 = arith.constant 592 : index
        %swap3A_722 = tpu.vector_load %arg10[%swap3A_720, %swap3A_721] {strides = array<i32>} : memref<64x768xf32, #tpu.memory_space<vmem>>, vector<1x16xf32>,
        %swap3A_723 = vector.shape_cast %swap3A_722 : vector<1x16xf32> to vector<16xf32>
        %swap3A_724 = vector.shape_cast %get3A_229 : vector<16xf32> to vector<1x16xf32>
        tpu.vector_store %arg10[%swap3A_720, %swap3A_721], %swap3A_724 {add = true, strides = array<i32>} : memref<64x768xf32, #tpu.memory_space<vmem>>, vector<1x16xf32>,
        %swap3A_725 = arith.index_cast %scan3A_535 : i32 to index
        %swap3A_726 = arith.constant 608 : index
        %swap3A_727 = tpu.vector_load %arg10[%swap3A_725, %swap3A_726] {strides = array<i32>} : memref<64x768xf32, #tpu.memory_space<vmem>>, vector<1x16xf32>,
        %swap3A_728 = vector.shape_cast %swap3A_727 : vector<1x16xf32> to vector<16xf32>
        %swap3A_729 = vector.shape_cast %get3A_232 : vector<16xf32> to vector<1x16xf32>
        tpu.vector_store %arg10[%swap3A_725, %swap3A_726], %swap3A_729 {add = true, strides = array<i32>} : memref<64x768xf32, #tpu.memory_space<vmem>>, vector<1x16xf32>,
        %swap3A_730 = arith.index_cast %scan3A_535 : i32 to index
        %swap3A_731 = arith.constant 624 : index
        %swap3A_732 = tpu.vector_load %arg10[%swap3A_730, %swap3A_731] {strides = array<i32>} : memref<64x768xf32, #tpu.memory_space<vmem>>, vector<1x16xf32>,
        %swap3A_733 = vector.shape_cast %swap3A_732 : vector<1x16xf32> to vector<16xf32>
        %swap3A_734 = vector.shape_cast %get3A_235 : vector<16xf32> to vector<1x16xf32>
        tpu.vector_store %arg10[%swap3A_730, %swap3A_731], %swap3A_734 {add = true, strides = array<i32>} : memref<64x768xf32, #tpu.memory_space<vmem>>, vector<1x16xf32>,
        %swap3A_735 = arith.index_cast %scan3A_535 : i32 to index
        %swap3A_736 = arith.constant 640 : index
        %swap3A_737 = tpu.vector_load %arg10[%swap3A_735, %swap3A_736] {strides = array<i32>} : memref<64x768xf32, #tpu.memory_space<vmem>>, vector<1x16xf32>,
        %swap3A_738 = vector.shape_cast %swap3A_737 : vector<1x16xf32> to vector<16xf32>
        %swap3A_739 = vector.shape_cast %get3A_238 : vector<16xf32> to vector<1x16xf32>
        tpu.vector_store %arg10[%swap3A_735, %swap3A_736], %swap3A_739 {add = true, strides = array<i32>} : memref<64x768xf32, #tpu.memory_space<vmem>>, vector<1x16xf32>,
        %swap3A_740 = arith.index_cast %scan3A_535 : i32 to index
        %swap3A_741 = arith.constant 656 : index
        %swap3A_742 = tpu.vector_load %arg10[%swap3A_740, %swap3A_741] {strides = array<i32>} : memref<64x768xf32, #tpu.memory_space<vmem>>, vector<1x16xf32>,
        %swap3A_743 = vector.shape_cast %swap3A_742 : vector<1x16xf32> to vector<16xf32>
        %swap3A_744 = vector.shape_cast %get3A_241 : vector<16xf32> to vector<1x16xf32>
        tpu.vector_store %arg10[%swap3A_740, %swap3A_741], %swap3A_744 {add = true, strides = array<i32>} : memref<64x768xf32, #tpu.memory_space<vmem>>, vector<1x16xf32>,
        %swap3A_745 = arith.index_cast %scan3A_535 : i32 to index
        %swap3A_746 = arith.constant 672 : index
        %swap3A_747 = tpu.vector_load %arg10[%swap3A_745, %swap3A_746] {strides = array<i32>} : memref<64x768xf32, #tpu.memory_space<vmem>>, vector<1x16xf32>,
        %swap3A_748 = vector.shape_cast %swap3A_747 : vector<1x16xf32> to vector<16xf32>
        %swap3A_749 = vector.shape_cast %get3A_244 : vector<16xf32> to vector<1x16xf32>
        tpu.vector_store %arg10[%swap3A_745, %swap3A_746], %swap3A_749 {add = true, strides = array<i32>} : memref<64x768xf32, #tpu.memory_space<vmem>>, vector<1x16xf32>,
        %swap3A_750 = arith.index_cast %scan3A_535 : i32 to index
        %swap3A_751 = arith.constant 688 : index
        %swap3A_752 = tpu.vector_load %arg10[%swap3A_750, %swap3A_751] {strides = array<i32>} : memref<64x768xf32, #tpu.memory_space<vmem>>, vector<1x16xf32>,
        %swap3A_753 = vector.shape_cast %swap3A_752 : vector<1x16xf32> to vector<16xf32>
        %swap3A_754 = vector.shape_cast %get3A_247 : vector<16xf32> to vector<1x16xf32>
        tpu.vector_store %arg10[%swap3A_750, %swap3A_751], %swap3A_754 {add = true, strides = array<i32>} : memref<64x768xf32, #tpu.memory_space<vmem>>, vector<1x16xf32>,
        %swap3A_755 = arith.index_cast %scan3A_535 : i32 to index
        %swap3A_756 = arith.constant 704 : index
        %swap3A_757 = tpu.vector_load %arg10[%swap3A_755, %swap3A_756] {strides = array<i32>} : memref<64x768xf32, #tpu.memory_space<vmem>>, vector<1x16xf32>,
        %swap3A_758 = vector.shape_cast %swap3A_757 : vector<1x16xf32> to vector<16xf32>
        %swap3A_759 = vector.shape_cast %get3A_250 : vector<16xf32> to vector<1x16xf32>
        tpu.vector_store %arg10[%swap3A_755, %swap3A_756], %swap3A_759 {add = true, strides = array<i32>} : memref<64x768xf32, #tpu.memory_space<vmem>>, vector<1x16xf32>,
        %swap3A_760 = arith.index_cast %scan3A_535 : i32 to index
        %swap3A_761 = arith.constant 720 : index
        %swap3A_762 = tpu.vector_load %arg10[%swap3A_760, %swap3A_761] {strides = array<i32>} : memref<64x768xf32, #tpu.memory_space<vmem>>, vector<1x16xf32>,
        %swap3A_763 = vector.shape_cast %swap3A_762 : vector<1x16xf32> to vector<16xf32>
        %swap3A_764 = vector.shape_cast %get3A_253 : vector<16xf32> to vector<1x16xf32>
        tpu.vector_store %arg10[%swap3A_760, %swap3A_761], %swap3A_764 {add = true, strides = array<i32>} : memref<64x768xf32, #tpu.memory_space<vmem>>, vector<1x16xf32>,
        %swap3A_765 = arith.index_cast %scan3A_535 : i32 to index
        %swap3A_766 = arith.constant 736 : index
        %swap3A_767 = tpu.vector_load %arg10[%swap3A_765, %swap3A_766] {strides = array<i32>} : memref<64x768xf32, #tpu.memory_space<vmem>>, vector<1x16xf32>,
        %swap3A_768 = vector.shape_cast %swap3A_767 : vector<1x16xf32> to vector<16xf32>
        %swap3A_769 = vector.shape_cast %get3A_256 : vector<16xf32> to vector<1x16xf32>
        tpu.vector_store %arg10[%swap3A_765, %swap3A_766], %swap3A_769 {add = true, strides = array<i32>} : memref<64x768xf32, #tpu.memory_space<vmem>>, vector<1x16xf32>,
        %swap3A_770 = arith.index_cast %scan3A_535 : i32 to index
        %swap3A_771 = arith.constant 752 : index
        %swap3A_772 = tpu.vector_load %arg10[%swap3A_770, %swap3A_771] {strides = array<i32>} : memref<64x768xf32, #tpu.memory_space<vmem>>, vector<1x16xf32>,
        %swap3A_773 = vector.shape_cast %swap3A_772 : vector<1x16xf32> to vector<16xf32>
        %swap3A_774 = vector.shape_cast %get3A_259 : vector<16xf32> to vector<1x16xf32>
        tpu.vector_store %arg10[%swap3A_770, %swap3A_771], %swap3A_774 {add = true, strides = array<i32>} : memref<64x768xf32, #tpu.memory_space<vmem>>, vector<1x16xf32>,
        %scan3A_775 = arith.constant 1 : i32
        %scan3A_776 = arith.addi %scan3A_535, %scan3A_775 : i32
        %swap3A_777 = arith.index_cast %scan3A_776 : i32 to index
        %swap3A_778 = arith.constant 0 : index
        %swap3A_779 = tpu.vector_load %arg10[%swap3A_777, %swap3A_778] {strides = array<i32>} : memref<64x768xf32, #tpu.memory_space<vmem>>, vector<1x16xf32>,
        %swap3A_780 = vector.shape_cast %swap3A_779 : vector<1x16xf32> to vector<16xf32>
        %swap3A_781 = vector.shape_cast %get3A_118 : vector<16xf32> to vector<1x16xf32>
        tpu.vector_store %arg10[%swap3A_777, %swap3A_778], %swap3A_781 {add = true, strides = array<i32>} : memref<64x768xf32, #tpu.memory_space<vmem>>, vector<1x16xf32>,
        %swap3A_782 = arith.index_cast %scan3A_776 : i32 to index
        %swap3A_783 = arith.constant 16 : index
        %swap3A_784 = tpu.vector_load %arg10[%swap3A_782, %swap3A_783] {strides = array<i32>} : memref<64x768xf32, #tpu.memory_space<vmem>>, vector<1x16xf32>,
        %swap3A_785 = vector.shape_cast %swap3A_784 : vector<1x16xf32> to vector<16xf32>
        %swap3A_786 = vector.shape_cast %get3A_121 : vector<16xf32> to vector<1x16xf32>
        tpu.vector_store %arg10[%swap3A_782, %swap3A_783], %swap3A_786 {add = true, strides = array<i32>} : memref<64x768xf32, #tpu.memory_space<vmem>>, vector<1x16xf32>,
        %swap3A_787 = arith.index_cast %scan3A_776 : i32 to index
        %swap3A_788 = arith.constant 32 : index
        %swap3A_789 = tpu.vector_load %arg10[%swap3A_787, %swap3A_788] {strides = array<i32>} : memref<64x768xf32, #tpu.memory_space<vmem>>, vector<1x16xf32>,
        %swap3A_790 = vector.shape_cast %swap3A_789 : vector<1x16xf32> to vector<16xf32>
        %swap3A_791 = vector.shape_cast %get3A_124 : vector<16xf32> to vector<1x16xf32>
        tpu.vector_store %arg10[%swap3A_787, %swap3A_788], %swap3A_791 {add = true, strides = array<i32>} : memref<64x768xf32, #tpu.memory_space<vmem>>, vector<1x16xf32>,
        %swap3A_792 = arith.index_cast %scan3A_776 : i32 to index
        %swap3A_793 = arith.constant 48 : index
        %swap3A_794 = tpu.vector_load %arg10[%swap3A_792, %swap3A_793] {strides = array<i32>} : memref<64x768xf32, #tpu.memory_space<vmem>>, vector<1x16xf32>,
        %swap3A_795 = vector.shape_cast %swap3A_794 : vector<1x16xf32> to vector<16xf32>
        %swap3A_796 = vector.shape_cast %get3A_127 : vector<16xf32> to vector<1x16xf32>
        tpu.vector_store %arg10[%swap3A_792, %swap3A_793], %swap3A_796 {add = true, strides = array<i32>} : memref<64x768xf32, #tpu.memory_space<vmem>>, vector<1x16xf32>,
        %swap3A_797 = arith.index_cast %scan3A_776 : i32 to index
        %swap3A_798 = arith.constant 64 : index
        %swap3A_799 = tpu.vector_load %arg10[%swap3A_797, %swap3A_798] {strides = array<i32>} : memref<64x768xf32, #tpu.memory_space<vmem>>, vector<1x16xf32>,
        %swap3A_800 = vector.shape_cast %swap3A_799 : vector<1x16xf32> to vector<16xf32>
        %swap3A_801 = vector.shape_cast %get3A_130 : vector<16xf32> to vector<1x16xf32>
        tpu.vector_store %arg10[%swap3A_797, %swap3A_798], %swap3A_801 {add = true, strides = array<i32>} : memref<64x768xf32, #tpu.memory_space<vmem>>, vector<1x16xf32>,
        %swap3A_802 = arith.index_cast %scan3A_776 : i32 to index
        %swap3A_803 = arith.constant 80 : index
        %swap3A_804 = tpu.vector_load %arg10[%swap3A_802, %swap3A_803] {strides = array<i32>} : memref<64x768xf32, #tpu.memory_space<vmem>>, vector<1x16xf32>,
        %swap3A_805 = vector.shape_cast %swap3A_804 : vector<1x16xf32> to vector<16xf32>
        %swap3A_806 = vector.shape_cast %get3A_133 : vector<16xf32> to vector<1x16xf32>
        tpu.vector_store %arg10[%swap3A_802, %swap3A_803], %swap3A_806 {add = true, strides = array<i32>} : memref<64x768xf32, #tpu.memory_space<vmem>>, vector<1x16xf32>,
        %swap3A_807 = arith.index_cast %scan3A_776 : i32 to index
        %swap3A_808 = arith.constant 96 : index
        %swap3A_809 = tpu.vector_load %arg10[%swap3A_807, %swap3A_808] {strides = array<i32>} : memref<64x768xf32, #tpu.memory_space<vmem>>, vector<1x16xf32>,
        %swap3A_810 = vector.shape_cast %swap3A_809 : vector<1x16xf32> to vector<16xf32>
        %swap3A_811 = vector.shape_cast %get3A_136 : vector<16xf32> to vector<1x16xf32>
        tpu.vector_store %arg10[%swap3A_807, %swap3A_808], %swap3A_811 {add = true, strides = array<i32>} : memref<64x768xf32, #tpu.memory_space<vmem>>, vector<1x16xf32>,
        %swap3A_812 = arith.index_cast %scan3A_776 : i32 to index
        %swap3A_813 = arith.constant 112 : index
        %swap3A_814 = tpu.vector_load %arg10[%swap3A_812, %swap3A_813] {strides = array<i32>} : memref<64x768xf32, #tpu.memory_space<vmem>>, vector<1x16xf32>,
        %swap3A_815 = vector.shape_cast %swap3A_814 : vector<1x16xf32> to vector<16xf32>
        %swap3A_816 = vector.shape_cast %get3A_139 : vector<16xf32> to vector<1x16xf32>
        tpu.vector_store %arg10[%swap3A_812, %swap3A_813], %swap3A_816 {add = true, strides = array<i32>} : memref<64x768xf32, #tpu.memory_space<vmem>>, vector<1x16xf32>,
        %swap3A_817 = arith.index_cast %scan3A_776 : i32 to index
        %swap3A_818 = arith.constant 128 : index
        %swap3A_819 = tpu.vector_load %arg10[%swap3A_817, %swap3A_818] {strides = array<i32>} : memref<64x768xf32, #tpu.memory_space<vmem>>, vector<1x16xf32>,
        %swap3A_820 = vector.shape_cast %swap3A_819 : vector<1x16xf32> to vector<16xf32>
        %swap3A_821 = vector.shape_cast %get3A_142 : vector<16xf32> to vector<1x16xf32>
        tpu.vector_store %arg10[%swap3A_817, %swap3A_818], %swap3A_821 {add = true, strides = array<i32>} : memref<64x768xf32, #tpu.memory_space<vmem>>, vector<1x16xf32>,
        %swap3A_822 = arith.index_cast %scan3A_776 : i32 to index
        %swap3A_823 = arith.constant 144 : index
        %swap3A_824 = tpu.vector_load %arg10[%swap3A_822, %swap3A_823] {strides = array<i32>} : memref<64x768xf32, #tpu.memory_space<vmem>>, vector<1x16xf32>,
        %swap3A_825 = vector.shape_cast %swap3A_824 : vector<1x16xf32> to vector<16xf32>
        %swap3A_826 = vector.shape_cast %get3A_145 : vector<16xf32> to vector<1x16xf32>
        tpu.vector_store %arg10[%swap3A_822, %swap3A_823], %swap3A_826 {add = true, strides = array<i32>} : memref<64x768xf32, #tpu.memory_space<vmem>>, vector<1x16xf32>,
        %swap3A_827 = arith.index_cast %scan3A_776 : i32 to index
        %swap3A_828 = arith.constant 160 : index
        %swap3A_829 = tpu.vector_load %arg10[%swap3A_827, %swap3A_828] {strides = array<i32>} : memref<64x768xf32, #tpu.memory_space<vmem>>, vector<1x16xf32>,
        %swap3A_830 = vector.shape_cast %swap3A_829 : vector<1x16xf32> to vector<16xf32>
        %swap3A_831 = vector.shape_cast %get3A_148 : vector<16xf32> to vector<1x16xf32>
        tpu.vector_store %arg10[%swap3A_827, %swap3A_828], %swap3A_831 {add = true, strides = array<i32>} : memref<64x768xf32, #tpu.memory_space<vmem>>, vector<1x16xf32>,
        %swap3A_832 = arith.index_cast %scan3A_776 : i32 to index
        %swap3A_833 = arith.constant 176 : index
        %swap3A_834 = tpu.vector_load %arg10[%swap3A_832, %swap3A_833] {strides = array<i32>} : memref<64x768xf32, #tpu.memory_space<vmem>>, vector<1x16xf32>,
        %swap3A_835 = vector.shape_cast %swap3A_834 : vector<1x16xf32> to vector<16xf32>
        %swap3A_836 = vector.shape_cast %get3A_151 : vector<16xf32> to vector<1x16xf32>
        tpu.vector_store %arg10[%swap3A_832, %swap3A_833], %swap3A_836 {add = true, strides = array<i32>} : memref<64x768xf32, #tpu.memory_space<vmem>>, vector<1x16xf32>,
        %swap3A_837 = arith.index_cast %scan3A_776 : i32 to index
        %swap3A_838 = arith.constant 192 : index
        %swap3A_839 = tpu.vector_load %arg10[%swap3A_837, %swap3A_838] {strides = array<i32>} : memref<64x768xf32, #tpu.memory_space<vmem>>, vector<1x16xf32>,
        %swap3A_840 = vector.shape_cast %swap3A_839 : vector<1x16xf32> to vector<16xf32>
        %swap3A_841 = vector.shape_cast %get3A_154 : vector<16xf32> to vector<1x16xf32>
        tpu.vector_store %arg10[%swap3A_837, %swap3A_838], %swap3A_841 {add = true, strides = array<i32>} : memref<64x768xf32, #tpu.memory_space<vmem>>, vector<1x16xf32>,
        %swap3A_842 = arith.index_cast %scan3A_776 : i32 to index
        %swap3A_843 = arith.constant 208 : index
        %swap3A_844 = tpu.vector_load %arg10[%swap3A_842, %swap3A_843] {strides = array<i32>} : memref<64x768xf32, #tpu.memory_space<vmem>>, vector<1x16xf32>,
        %swap3A_845 = vector.shape_cast %swap3A_844 : vector<1x16xf32> to vector<16xf32>
        %swap3A_846 = vector.shape_cast %get3A_157 : vector<16xf32> to vector<1x16xf32>
        tpu.vector_store %arg10[%swap3A_842, %swap3A_843], %swap3A_846 {add = true, strides = array<i32>} : memref<64x768xf32, #tpu.memory_space<vmem>>, vector<1x16xf32>,
        %swap3A_847 = arith.index_cast %scan3A_776 : i32 to index
        %swap3A_848 = arith.constant 224 : index
        %swap3A_849 = tpu.vector_load %arg10[%swap3A_847, %swap3A_848] {strides = array<i32>} : memref<64x768xf32, #tpu.memory_space<vmem>>, vector<1x16xf32>,
        %swap3A_850 = vector.shape_cast %swap3A_849 : vector<1x16xf32> to vector<16xf32>
        %swap3A_851 = vector.shape_cast %get3A_160 : vector<16xf32> to vector<1x16xf32>
        tpu.vector_store %arg10[%swap3A_847, %swap3A_848], %swap3A_851 {add = true, strides = array<i32>} : memref<64x768xf32, #tpu.memory_space<vmem>>, vector<1x16xf32>,
        %swap3A_852 = arith.index_cast %scan3A_776 : i32 to index
        %swap3A_853 = arith.constant 240 : index
        %swap3A_854 = tpu.vector_load %arg10[%swap3A_852, %swap3A_853] {strides = array<i32>} : memref<64x768xf32, #tpu.memory_space<vmem>>, vector<1x16xf32>,
        %swap3A_855 = vector.shape_cast %swap3A_854 : vector<1x16xf32> to vector<16xf32>
        %swap3A_856 = vector.shape_cast %get3A_163 : vector<16xf32> to vector<1x16xf32>
        tpu.vector_store %arg10[%swap3A_852, %swap3A_853], %swap3A_856 {add = true, strides = array<i32>} : memref<64x768xf32, #tpu.memory_space<vmem>>, vector<1x16xf32>,
        %swap3A_857 = arith.index_cast %scan3A_776 : i32 to index
        %swap3A_858 = arith.constant 256 : index
        %swap3A_859 = tpu.vector_load %arg10[%swap3A_857, %swap3A_858] {strides = array<i32>} : memref<64x768xf32, #tpu.memory_space<vmem>>, vector<1x16xf32>,
        %swap3A_860 = vector.shape_cast %swap3A_859 : vector<1x16xf32> to vector<16xf32>
        %swap3A_861 = vector.shape_cast %get3A_166 : vector<16xf32> to vector<1x16xf32>
        tpu.vector_store %arg10[%swap3A_857, %swap3A_858], %swap3A_861 {add = true, strides = array<i32>} : memref<64x768xf32, #tpu.memory_space<vmem>>, vector<1x16xf32>,
        %swap3A_862 = arith.index_cast %scan3A_776 : i32 to index
        %swap3A_863 = arith.constant 272 : index
        %swap3A_864 = tpu.vector_load %arg10[%swap3A_862, %swap3A_863] {strides = array<i32>} : memref<64x768xf32, #tpu.memory_space<vmem>>, vector<1x16xf32>,
        %swap3A_865 = vector.shape_cast %swap3A_864 : vector<1x16xf32> to vector<16xf32>
        %swap3A_866 = vector.shape_cast %get3A_169 : vector<16xf32> to vector<1x16xf32>
        tpu.vector_store %arg10[%swap3A_862, %swap3A_863], %swap3A_866 {add = true, strides = array<i32>} : memref<64x768xf32, #tpu.memory_space<vmem>>, vector<1x16xf32>,
        %swap3A_867 = arith.index_cast %scan3A_776 : i32 to index
        %swap3A_868 = arith.constant 288 : index
        %swap3A_869 = tpu.vector_load %arg10[%swap3A_867, %swap3A_868] {strides = array<i32>} : memref<64x768xf32, #tpu.memory_space<vmem>>, vector<1x16xf32>,
        %swap3A_870 = vector.shape_cast %swap3A_869 : vector<1x16xf32> to vector<16xf32>
        %swap3A_871 = vector.shape_cast %get3A_172 : vector<16xf32> to vector<1x16xf32>
        tpu.vector_store %arg10[%swap3A_867, %swap3A_868], %swap3A_871 {add = true, strides = array<i32>} : memref<64x768xf32, #tpu.memory_space<vmem>>, vector<1x16xf32>,
        %swap3A_872 = arith.index_cast %scan3A_776 : i32 to index
        %swap3A_873 = arith.constant 304 : index
        %swap3A_874 = tpu.vector_load %arg10[%swap3A_872, %swap3A_873] {strides = array<i32>} : memref<64x768xf32, #tpu.memory_space<vmem>>, vector<1x16xf32>,
        %swap3A_875 = vector.shape_cast %swap3A_874 : vector<1x16xf32> to vector<16xf32>
        %swap3A_876 = vector.shape_cast %get3A_175 : vector<16xf32> to vector<1x16xf32>
        tpu.vector_store %arg10[%swap3A_872, %swap3A_873], %swap3A_876 {add = true, strides = array<i32>} : memref<64x768xf32, #tpu.memory_space<vmem>>, vector<1x16xf32>,
        %swap3A_877 = arith.index_cast %scan3A_776 : i32 to index
        %swap3A_878 = arith.constant 320 : index
        %swap3A_879 = tpu.vector_load %arg10[%swap3A_877, %swap3A_878] {strides = array<i32>} : memref<64x768xf32, #tpu.memory_space<vmem>>, vector<1x16xf32>,
        %swap3A_880 = vector.shape_cast %swap3A_879 : vector<1x16xf32> to vector<16xf32>
        %swap3A_881 = vector.shape_cast %get3A_178 : vector<16xf32> to vector<1x16xf32>
        tpu.vector_store %arg10[%swap3A_877, %swap3A_878], %swap3A_881 {add = true, strides = array<i32>} : memref<64x768xf32, #tpu.memory_space<vmem>>, vector<1x16xf32>,
        %swap3A_882 = arith.index_cast %scan3A_776 : i32 to index
        %swap3A_883 = arith.constant 336 : index
        %swap3A_884 = tpu.vector_load %arg10[%swap3A_882, %swap3A_883] {strides = array<i32>} : memref<64x768xf32, #tpu.memory_space<vmem>>, vector<1x16xf32>,
        %swap3A_885 = vector.shape_cast %swap3A_884 : vector<1x16xf32> to vector<16xf32>
        %swap3A_886 = vector.shape_cast %get3A_181 : vector<16xf32> to vector<1x16xf32>
        tpu.vector_store %arg10[%swap3A_882, %swap3A_883], %swap3A_886 {add = true, strides = array<i32>} : memref<64x768xf32, #tpu.memory_space<vmem>>, vector<1x16xf32>,
        %swap3A_887 = arith.index_cast %scan3A_776 : i32 to index
        %swap3A_888 = arith.constant 352 : index
        %swap3A_889 = tpu.vector_load %arg10[%swap3A_887, %swap3A_888] {strides = array<i32>} : memref<64x768xf32, #tpu.memory_space<vmem>>, vector<1x16xf32>,
        %swap3A_890 = vector.shape_cast %swap3A_889 : vector<1x16xf32> to vector<16xf32>
        %swap3A_891 = vector.shape_cast %get3A_184 : vector<16xf32> to vector<1x16xf32>
        tpu.vector_store %arg10[%swap3A_887, %swap3A_888], %swap3A_891 {add = true, strides = array<i32>} : memref<64x768xf32, #tpu.memory_space<vmem>>, vector<1x16xf32>,
        %swap3A_892 = arith.index_cast %scan3A_776 : i32 to index
        %swap3A_893 = arith.constant 368 : index
        %swap3A_894 = tpu.vector_load %arg10[%swap3A_892, %swap3A_893] {strides = array<i32>} : memref<64x768xf32, #tpu.memory_space<vmem>>, vector<1x16xf32>,
        %swap3A_895 = vector.shape_cast %swap3A_894 : vector<1x16xf32> to vector<16xf32>
        %swap3A_896 = vector.shape_cast %get3A_187 : vector<16xf32> to vector<1x16xf32>
        tpu.vector_store %arg10[%swap3A_892, %swap3A_893], %swap3A_896 {add = true, strides = array<i32>} : memref<64x768xf32, #tpu.memory_space<vmem>>, vector<1x16xf32>,
        %swap3A_897 = arith.index_cast %scan3A_776 : i32 to index
        %swap3A_898 = arith.constant 384 : index
        %swap3A_899 = tpu.vector_load %arg10[%swap3A_897, %swap3A_898] {strides = array<i32>} : memref<64x768xf32, #tpu.memory_space<vmem>>, vector<1x16xf32>,
        %swap3A_900 = vector.shape_cast %swap3A_899 : vector<1x16xf32> to vector<16xf32>
        %swap3A_901 = vector.shape_cast %get3A_190 : vector<16xf32> to vector<1x16xf32>
        tpu.vector_store %arg10[%swap3A_897, %swap3A_898], %swap3A_901 {add = true, strides = array<i32>} : memref<64x768xf32, #tpu.memory_space<vmem>>, vector<1x16xf32>,
        %swap3A_902 = arith.index_cast %scan3A_776 : i32 to index
        %swap3A_903 = arith.constant 400 : index
        %swap3A_904 = tpu.vector_load %arg10[%swap3A_902, %swap3A_903] {strides = array<i32>} : memref<64x768xf32, #tpu.memory_space<vmem>>, vector<1x16xf32>,
        %swap3A_905 = vector.shape_cast %swap3A_904 : vector<1x16xf32> to vector<16xf32>
        %swap3A_906 = vector.shape_cast %get3A_193 : vector<16xf32> to vector<1x16xf32>
        tpu.vector_store %arg10[%swap3A_902, %swap3A_903], %swap3A_906 {add = true, strides = array<i32>} : memref<64x768xf32, #tpu.memory_space<vmem>>, vector<1x16xf32>,
        %swap3A_907 = arith.index_cast %scan3A_776 : i32 to index
        %swap3A_908 = arith.constant 416 : index
        %swap3A_909 = tpu.vector_load %arg10[%swap3A_907, %swap3A_908] {strides = array<i32>} : memref<64x768xf32, #tpu.memory_space<vmem>>, vector<1x16xf32>,
        %swap3A_910 = vector.shape_cast %swap3A_909 : vector<1x16xf32> to vector<16xf32>
        %swap3A_911 = vector.shape_cast %get3A_196 : vector<16xf32> to vector<1x16xf32>
        tpu.vector_store %arg10[%swap3A_907, %swap3A_908], %swap3A_911 {add = true, strides = array<i32>} : memref<64x768xf32, #tpu.memory_space<vmem>>, vector<1x16xf32>,
        %swap3A_912 = arith.index_cast %scan3A_776 : i32 to index
        %swap3A_913 = arith.constant 432 : index
        %swap3A_914 = tpu.vector_load %arg10[%swap3A_912, %swap3A_913] {strides = array<i32>} : memref<64x768xf32, #tpu.memory_space<vmem>>, vector<1x16xf32>,
        %swap3A_915 = vector.shape_cast %swap3A_914 : vector<1x16xf32> to vector<16xf32>
        %swap3A_916 = vector.shape_cast %get3A_199 : vector<16xf32> to vector<1x16xf32>
        tpu.vector_store %arg10[%swap3A_912, %swap3A_913], %swap3A_916 {add = true, strides = array<i32>} : memref<64x768xf32, #tpu.memory_space<vmem>>, vector<1x16xf32>,
        %swap3A_917 = arith.index_cast %scan3A_776 : i32 to index
        %swap3A_918 = arith.constant 448 : index
        %swap3A_919 = tpu.vector_load %arg10[%swap3A_917, %swap3A_918] {strides = array<i32>} : memref<64x768xf32, #tpu.memory_space<vmem>>, vector<1x16xf32>,
        %swap3A_920 = vector.shape_cast %swap3A_919 : vector<1x16xf32> to vector<16xf32>
        %swap3A_921 = vector.shape_cast %get3A_202 : vector<16xf32> to vector<1x16xf32>
        tpu.vector_store %arg10[%swap3A_917, %swap3A_918], %swap3A_921 {add = true, strides = array<i32>} : memref<64x768xf32, #tpu.memory_space<vmem>>, vector<1x16xf32>,
        %swap3A_922 = arith.index_cast %scan3A_776 : i32 to index
        %swap3A_923 = arith.constant 464 : index
        %swap3A_924 = tpu.vector_load %arg10[%swap3A_922, %swap3A_923] {strides = array<i32>} : memref<64x768xf32, #tpu.memory_space<vmem>>, vector<1x16xf32>,
        %swap3A_925 = vector.shape_cast %swap3A_924 : vector<1x16xf32> to vector<16xf32>
        %swap3A_926 = vector.shape_cast %get3A_205 : vector<16xf32> to vector<1x16xf32>
        tpu.vector_store %arg10[%swap3A_922, %swap3A_923], %swap3A_926 {add = true, strides = array<i32>} : memref<64x768xf32, #tpu.memory_space<vmem>>, vector<1x16xf32>,
        %swap3A_927 = arith.index_cast %scan3A_776 : i32 to index
        %swap3A_928 = arith.constant 480 : index
        %swap3A_929 = tpu.vector_load %arg10[%swap3A_927, %swap3A_928] {strides = array<i32>} : memref<64x768xf32, #tpu.memory_space<vmem>>, vector<1x16xf32>,
        %swap3A_930 = vector.shape_cast %swap3A_929 : vector<1x16xf32> to vector<16xf32>
        %swap3A_931 = vector.shape_cast %get3A_208 : vector<16xf32> to vector<1x16xf32>
        tpu.vector_store %arg10[%swap3A_927, %swap3A_928], %swap3A_931 {add = true, strides = array<i32>} : memref<64x768xf32, #tpu.memory_space<vmem>>, vector<1x16xf32>,
        %swap3A_932 = arith.index_cast %scan3A_776 : i32 to index
        %swap3A_933 = arith.constant 496 : index
        %swap3A_934 = tpu.vector_load %arg10[%swap3A_932, %swap3A_933] {strides = array<i32>} : memref<64x768xf32, #tpu.memory_space<vmem>>, vector<1x16xf32>,
        %swap3A_935 = vector.shape_cast %swap3A_934 : vector<1x16xf32> to vector<16xf32>
        %swap3A_936 = vector.shape_cast %get3A_211 : vector<16xf32> to vector<1x16xf32>
        tpu.vector_store %arg10[%swap3A_932, %swap3A_933], %swap3A_936 {add = true, strides = array<i32>} : memref<64x768xf32, #tpu.memory_space<vmem>>, vector<1x16xf32>,
        %swap3A_937 = arith.index_cast %scan3A_776 : i32 to index
        %swap3A_938 = arith.constant 512 : index
        %swap3A_939 = tpu.vector_load %arg10[%swap3A_937, %swap3A_938] {strides = array<i32>} : memref<64x768xf32, #tpu.memory_space<vmem>>, vector<1x16xf32>,
        %swap3A_940 = vector.shape_cast %swap3A_939 : vector<1x16xf32> to vector<16xf32>
        %swap3A_941 = vector.shape_cast %get3A_214 : vector<16xf32> to vector<1x16xf32>
        tpu.vector_store %arg10[%swap3A_937, %swap3A_938], %swap3A_941 {add = true, strides = array<i32>} : memref<64x768xf32, #tpu.memory_space<vmem>>, vector<1x16xf32>,
        %swap3A_942 = arith.index_cast %scan3A_776 : i32 to index
        %swap3A_943 = arith.constant 528 : index
        %swap3A_944 = tpu.vector_load %arg10[%swap3A_942, %swap3A_943] {strides = array<i32>} : memref<64x768xf32, #tpu.memory_space<vmem>>, vector<1x16xf32>,
        %swap3A_945 = vector.shape_cast %swap3A_944 : vector<1x16xf32> to vector<16xf32>
        %swap3A_946 = vector.shape_cast %get3A_217 : vector<16xf32> to vector<1x16xf32>
        tpu.vector_store %arg10[%swap3A_942, %swap3A_943], %swap3A_946 {add = true, strides = array<i32>} : memref<64x768xf32, #tpu.memory_space<vmem>>, vector<1x16xf32>,
        %swap3A_947 = arith.index_cast %scan3A_776 : i32 to index
        %swap3A_948 = arith.constant 544 : index
        %swap3A_949 = tpu.vector_load %arg10[%swap3A_947, %swap3A_948] {strides = array<i32>} : memref<64x768xf32, #tpu.memory_space<vmem>>, vector<1x16xf32>,
        %swap3A_950 = vector.shape_cast %swap3A_949 : vector<1x16xf32> to vector<16xf32>
        %swap3A_951 = vector.shape_cast %get3A_220 : vector<16xf32> to vector<1x16xf32>
        tpu.vector_store %arg10[%swap3A_947, %swap3A_948], %swap3A_951 {add = true, strides = array<i32>} : memref<64x768xf32, #tpu.memory_space<vmem>>, vector<1x16xf32>,
        %swap3A_952 = arith.index_cast %scan3A_776 : i32 to index
        %swap3A_953 = arith.constant 560 : index
        %swap3A_954 = tpu.vector_load %arg10[%swap3A_952, %swap3A_953] {strides = array<i32>} : memref<64x768xf32, #tpu.memory_space<vmem>>, vector<1x16xf32>,
        %swap3A_955 = vector.shape_cast %swap3A_954 : vector<1x16xf32> to vector<16xf32>
        %swap3A_956 = vector.shape_cast %get3A_223 : vector<16xf32> to vector<1x16xf32>
        tpu.vector_store %arg10[%swap3A_952, %swap3A_953], %swap3A_956 {add = true, strides = array<i32>} : memref<64x768xf32, #tpu.memory_space<vmem>>, vector<1x16xf32>,
        %swap3A_957 = arith.index_cast %scan3A_776 : i32 to index
        %swap3A_958 = arith.constant 576 : index
        %swap3A_959 = tpu.vector_load %arg10[%swap3A_957, %swap3A_958] {strides = array<i32>} : memref<64x768xf32, #tpu.memory_space<vmem>>, vector<1x16xf32>,
        %swap3A_960 = vector.shape_cast %swap3A_959 : vector<1x16xf32> to vector<16xf32>
        %swap3A_961 = vector.shape_cast %get3A_226 : vector<16xf32> to vector<1x16xf32>
        tpu.vector_store %arg10[%swap3A_957, %swap3A_958], %swap3A_961 {add = true, strides = array<i32>} : memref<64x768xf32, #tpu.memory_space<vmem>>, vector<1x16xf32>,
        %swap3A_962 = arith.index_cast %scan3A_776 : i32 to index
        %swap3A_963 = arith.constant 592 : index
        %swap3A_964 = tpu.vector_load %arg10[%swap3A_962, %swap3A_963] {strides = array<i32>} : memref<64x768xf32, #tpu.memory_space<vmem>>, vector<1x16xf32>,
        %swap3A_965 = vector.shape_cast %swap3A_964 : vector<1x16xf32> to vector<16xf32>
        %swap3A_966 = vector.shape_cast %get3A_229 : vector<16xf32> to vector<1x16xf32>
        tpu.vector_store %arg10[%swap3A_962, %swap3A_963], %swap3A_966 {add = true, strides = array<i32>} : memref<64x768xf32, #tpu.memory_space<vmem>>, vector<1x16xf32>,
        %swap3A_967 = arith.index_cast %scan3A_776 : i32 to index
        %swap3A_968 = arith.constant 608 : index
        %swap3A_969 = tpu.vector_load %arg10[%swap3A_967, %swap3A_968] {strides = array<i32>} : memref<64x768xf32, #tpu.memory_space<vmem>>, vector<1x16xf32>,
        %swap3A_970 = vector.shape_cast %swap3A_969 : vector<1x16xf32> to vector<16xf32>
        %swap3A_971 = vector.shape_cast %get3A_232 : vector<16xf32> to vector<1x16xf32>
        tpu.vector_store %arg10[%swap3A_967, %swap3A_968], %swap3A_971 {add = true, strides = array<i32>} : memref<64x768xf32, #tpu.memory_space<vmem>>, vector<1x16xf32>,
        %swap3A_972 = arith.index_cast %scan3A_776 : i32 to index
        %swap3A_973 = arith.constant 624 : index
        %swap3A_974 = tpu.vector_load %arg10[%swap3A_972, %swap3A_973] {strides = array<i32>} : memref<64x768xf32, #tpu.memory_space<vmem>>, vector<1x16xf32>,
        %swap3A_975 = vector.shape_cast %swap3A_974 : vector<1x16xf32> to vector<16xf32>
        %swap3A_976 = vector.shape_cast %get3A_235 : vector<16xf32> to vector<1x16xf32>
        tpu.vector_store %arg10[%swap3A_972, %swap3A_973], %swap3A_976 {add = true, strides = array<i32>} : memref<64x768xf32, #tpu.memory_space<vmem>>, vector<1x16xf32>,
        %swap3A_977 = arith.index_cast %scan3A_776 : i32 to index
        %swap3A_978 = arith.constant 640 : index
        %swap3A_979 = tpu.vector_load %arg10[%swap3A_977, %swap3A_978] {strides = array<i32>} : memref<64x768xf32, #tpu.memory_space<vmem>>, vector<1x16xf32>,
        %swap3A_980 = vector.shape_cast %swap3A_979 : vector<1x16xf32> to vector<16xf32>
        %swap3A_981 = vector.shape_cast %get3A_238 : vector<16xf32> to vector<1x16xf32>
        tpu.vector_store %arg10[%swap3A_977, %swap3A_978], %swap3A_981 {add = true, strides = array<i32>} : memref<64x768xf32, #tpu.memory_space<vmem>>, vector<1x16xf32>,
        %swap3A_982 = arith.index_cast %scan3A_776 : i32 to index
        %swap3A_983 = arith.constant 656 : index
        %swap3A_984 = tpu.vector_load %arg10[%swap3A_982, %swap3A_983] {strides = array<i32>} : memref<64x768xf32, #tpu.memory_space<vmem>>, vector<1x16xf32>,
        %swap3A_985 = vector.shape_cast %swap3A_984 : vector<1x16xf32> to vector<16xf32>
        %swap3A_986 = vector.shape_cast %get3A_241 : vector<16xf32> to vector<1x16xf32>
        tpu.vector_store %arg10[%swap3A_982, %swap3A_983], %swap3A_986 {add = true, strides = array<i32>} : memref<64x768xf32, #tpu.memory_space<vmem>>, vector<1x16xf32>,
        %swap3A_987 = arith.index_cast %scan3A_776 : i32 to index
        %swap3A_988 = arith.constant 672 : index
        %swap3A_989 = tpu.vector_load %arg10[%swap3A_987, %swap3A_988] {strides = array<i32>} : memref<64x768xf32, #tpu.memory_space<vmem>>, vector<1x16xf32>,
        %swap3A_990 = vector.shape_cast %swap3A_989 : vector<1x16xf32> to vector<16xf32>
        %swap3A_991 = vector.shape_cast %get3A_244 : vector<16xf32> to vector<1x16xf32>
        tpu.vector_store %arg10[%swap3A_987, %swap3A_988], %swap3A_991 {add = true, strides = array<i32>} : memref<64x768xf32, #tpu.memory_space<vmem>>, vector<1x16xf32>,
        %swap3A_992 = arith.index_cast %scan3A_776 : i32 to index
        %swap3A_993 = arith.constant 688 : index
        %swap3A_994 = tpu.vector_load %arg10[%swap3A_992, %swap3A_993] {strides = array<i32>} : memref<64x768xf32, #tpu.memory_space<vmem>>, vector<1x16xf32>,
        %swap3A_995 = vector.shape_cast %swap3A_994 : vector<1x16xf32> to vector<16xf32>
        %swap3A_996 = vector.shape_cast %get3A_247 : vector<16xf32> to vector<1x16xf32>
        tpu.vector_store %arg10[%swap3A_992, %swap3A_993], %swap3A_996 {add = true, strides = array<i32>} : memref<64x768xf32, #tpu.memory_space<vmem>>, vector<1x16xf32>,
        %swap3A_997 = arith.index_cast %scan3A_776 : i32 to index
        %swap3A_998 = arith.constant 704 : index
        %swap3A_999 = tpu.vector_load %arg10[%swap3A_997, %swap3A_998] {strides = array<i32>} : memref<64x768xf32, #tpu.memory_space<vmem>>, vector<1x16xf32>,
        %swap3A_1000 = vector.shape_cast %swap3A_999 : vector<1x16xf32> to vector<16xf32>
        %swap3A_1001 = vector.shape_cast %get3A_250 : vector<16xf32> to vector<1x16xf32>
        tpu.vector_store %arg10[%swap3A_997, %swap3A_998], %swap3A_1001 {add = true, strides = array<i32>} : memref<64x768xf32, #tpu.memory_space<vmem>>, vector<1x16xf32>,
        %swap3A_1002 = arith.index_cast %scan3A_776 : i32 to index
        %swap3A_1003 = arith.constant 720 : index
        %swap3A_1004 = tpu.vector_load %arg10[%swap3A_1002, %swap3A_1003] {strides = array<i32>} : memref<64x768xf32, #tpu.memory_space<vmem>>, vector<1x16xf32>,
        %swap3A_1005 = vector.shape_cast %swap3A_1004 : vector<1x16xf32> to vector<16xf32>
        %swap3A_1006 = vector.shape_cast %get3A_253 : vector<16xf32> to vector<1x16xf32>
        tpu.vector_store %arg10[%swap3A_1002, %swap3A_1003], %swap3A_1006 {add = true, strides = array<i32>} : memref<64x768xf32, #tpu.memory_space<vmem>>, vector<1x16xf32>,
        %swap3A_1007 = arith.index_cast %scan3A_776 : i32 to index
        %swap3A_1008 = arith.constant 736 : index
        %swap3A_1009 = tpu.vector_load %arg10[%swap3A_1007, %swap3A_1008] {strides = array<i32>} : memref<64x768xf32, #tpu.memory_space<vmem>>, vector<1x16xf32>,
        %swap3A_1010 = vector.shape_cast %swap3A_1009 : vector<1x16xf32> to vector<16xf32>
        %swap3A_1011 = vector.shape_cast %get3A_256 : vector<16xf32> to vector<1x16xf32>
        tpu.vector_store %arg10[%swap3A_1007, %swap3A_1008], %swap3A_1011 {add = true, strides = array<i32>} : memref<64x768xf32, #tpu.memory_space<vmem>>, vector<1x16xf32>,
        %swap3A_1012 = arith.index_cast %scan3A_776 : i32 to index
        %swap3A_1013 = arith.constant 752 : index
        %swap3A_1014 = tpu.vector_load %arg10[%swap3A_1012, %swap3A_1013] {strides = array<i32>} : memref<64x768xf32, #tpu.memory_space<vmem>>, vector<1x16xf32>,
        %swap3A_1015 = vector.shape_cast %swap3A_1014 : vector<1x16xf32> to vector<16xf32>
        %swap3A_1016 = vector.shape_cast %get3A_259 : vector<16xf32> to vector<1x16xf32>
        tpu.vector_store %arg10[%swap3A_1012, %swap3A_1013], %swap3A_1016 {add = true, strides = array<i32>} : memref<64x768xf32, #tpu.memory_space<vmem>>, vector<1x16xf32>,
      }
      %scan3A_264 = arith.constant 32 : i32
      %mul3A_265 = arith.constant 4096 : i32
      %mul3A_266 = arith.muli %scan3A_106, %mul3A_265 : i32
      %add3A_267 = arith.addi %mul3A_266, %add3A_108 : i32
      %add3A_268 = arith.constant 0 : i32
      %add3A_269 = arith.addi %add3A_267, %add3A_268 : i32
      %dma_start3A_270 = arith.constant 0 : i32
      %dma_start3A_271 = arith.constant 0 : i32
      %dma_start3A_272 = tpu.memref_slice %arg10[%dma_start3A_270, %dma_start3A_271] : memref<64x768xf32, #tpu.memory_space<vmem>> -> memref<32x768xf32, #tpu.memory_space<vmem>>
      %dma_start3A_273 = arith.constant 0 : i32
      %dma_start3A_274 = tpu.memref_slice %arg5[%add3A_269, %dma_start3A_273] : memref<315392x768xf32, #tpu.memory_space<hbm>> -> memref<32x768xf32, #tpu.memory_space<hbm>>
      %dma_start3A_275 = arith.constant 0 : i32
      %dma_start3A_276 = tpu.memref_slice %arg5[%add3A_269, %dma_start3A_275] : memref<315392x768xf32, #tpu.memory_space<hbm>> -> memref<32x768xf32, #tpu.memory_space<hbm>>
      %dma_start3A_277 = arith.constant 0 : i32
      %dma_start3A_278 = arith.constant 0 : i32
      %dma_start3A_279 = tpu.memref_slice %arg10[%dma_start3A_277, %dma_start3A_278] : memref<64x768xf32, #tpu.memory_space<vmem>> -> memref<32x768xf32, #tpu.memory_space<vmem>>
      tpu.enqueue_dma source(%dma_start3A_279 : memref<32x768xf32, #tpu.memory_space<vmem>>) target(%dma_start3A_276 : memref<32x768xf32, #tpu.memory_space<hbm>>) target_semaphore(%arg16 : memref<!tpu.dma_semaphore, #tpu.memory_space<semaphore_mem>>)
      %dma_wait3A_280 = arith.constant 32 : i32
      %dma_wait3A_281 = arith.constant 0 : i32
      %dma_wait3A_282 = tpu.memref_slice %arg10[%dma_wait3A_280, %dma_wait3A_281] : memref<64x768xf32, #tpu.memory_space<vmem>> -> memref<32x768xf32, #tpu.memory_space<vmem>>
      %dma_wait3A_283 = arith.constant 32 : i32
      %dma_wait3A_284 = tpu.memref_slice %arg6[%dma_wait3A_283] : memref<64xi32, #tpu.memory_space<vmem>> -> memref<32xi32, #tpu.memory_space<vmem>>
      %dma_wait3A_285 = arith.constant 0 : i32
      %dma_wait3A_286 = arith.constant 0 : i32
      %dma_wait3A_287 = tpu.memref_slice %arg3[%dma_wait3A_285, %dma_wait3A_286] : memref<49408x768xf32, #tpu.memory_space<hbm>> -> memref<49408x768xf32, #tpu.memory_space<hbm>>
      tpu.wait_indirect_dma semaphore(%arg14 : memref<!tpu.dma_semaphore, #tpu.memory_space<semaphore_mem>>) src(%dma_wait3A_287 : memref<49408x768xf32, #tpu.memory_space<hbm>>) dst(%dma_wait3A_282 : memref<32x768xf32, #tpu.memory_space<vmem>>)
      %add3A_288 = arith.constant 1 : i32
      %add3A_289 = arith.addi %scan3A_106, %add3A_288 : i32
      %lt3A = arith.constant 77 : i32
      %lt3A_290 = arith.cmpi slt, %add3A_289, %lt3A : i32
      %convert_element_type3A = arith.extui %lt3A_290 : i1 to i32
      %cond3A = arith.constant 0 : i32
      %cond3A_291 = arith.cmpi ne, %convert_element_type3A, %cond3A : i32
      scf.if %cond3A_291 {
        %add3A_535 = arith.constant 1 : i32
        %add3A_536 = arith.addi %scan3A_106, %add3A_535 : i32
        %mul3A_537 = arith.constant 4096 : i32
        %mul3A_538 = arith.muli %add3A_536, %mul3A_537 : i32
        %add3A_539 = arith.addi %mul3A_538, %add3A_108 : i32
        %dma_start3A_540 = tpu.memref_slice %arg2[%add3A_539] : memref<315392xi32, #tpu.memory_space<hbm>> -> memref<64xi32, #tpu.memory_space<hbm>>
        %dma_start3A_541 = tpu.memref_slice %arg2[%add3A_539] : memref<315392xi32, #tpu.memory_space<hbm>> -> memref<64xi32, #tpu.memory_space<hbm>>
        tpu.enqueue_dma source(%dma_start3A_541 : memref<64xi32, #tpu.memory_space<hbm>>) target(%arg6 : memref<64xi32, #tpu.memory_space<vmem>>) target_semaphore(%arg18 : memref<!tpu.dma_semaphore, #tpu.memory_space<semaphore_mem>>)
        %add3A_542 = arith.constant 1 : i32
        %add3A_543 = arith.addi %scan3A_106, %add3A_542 : i32
        %mul3A_544 = arith.constant 768 : i32
        %mul3A_545 = arith.muli %add3A_543, %mul3A_544 : i32
        %dma_start3A_546 = tpu.memref_slice %arg4[%mul3A_545] : memref<59136xf32, #tpu.memory_space<hbm>> -> memref<768xf32, #tpu.memory_space<hbm>>
        %dma_start3A_547 = tpu.memref_slice %arg4[%mul3A_545] : memref<59136xf32, #tpu.memory_space<hbm>> -> memref<768xf32, #tpu.memory_space<hbm>>
        tpu.enqueue_dma source(%dma_start3A_547 : memref<768xf32, #tpu.memory_space<hbm>>) target(%arg8 : memref<768xf32, #tpu.memory_space<vmem>>) target_semaphore(%arg18 : memref<!tpu.dma_semaphore, #tpu.memory_space<semaphore_mem>>)
      } else {
      }
      %scan3A_292 = arith.constant 32 : i32
      %scan3A_293 = arith.constant 32 : i32
      %scan3A_294 = arith.addi %scan3A_292, %scan3A_293 : i32
      %scan3A_295 = arith.constant 2 : i32
      scf.for %scan3A_535 = %scan3A_292 to %scan3A_294 step %scan3A_295  : i32 {
        %swap3A = arith.index_cast %scan3A_535 : i32 to index
        %swap3A_536 = arith.constant 0 : index
        %swap3A_537 = tpu.vector_load %arg10[%swap3A, %swap3A_536] {strides = array<i32>} : memref<64x768xf32, #tpu.memory_space<vmem>>, vector<1x16xf32>,
        %swap3A_538 = vector.shape_cast %swap3A_537 : vector<1x16xf32> to vector<16xf32>
        %swap3A_539 = vector.shape_cast %get3A_118 : vector<16xf32> to vector<1x16xf32>
        tpu.vector_store %arg10[%swap3A, %swap3A_536], %swap3A_539 {add = true, strides = array<i32>} : memref<64x768xf32, #tpu.memory_space<vmem>>, vector<1x16xf32>,
        %swap3A_540 = arith.index_cast %scan3A_535 : i32 to index
        %swap3A_541 = arith.constant 16 : index
        %swap3A_542 = tpu.vector_load %arg10[%swap3A_540, %swap3A_541] {strides = array<i32>} : memref<64x768xf32, #tpu.memory_space<vmem>>, vector<1x16xf32>,
        %swap3A_543 = vector.shape_cast %swap3A_542 : vector<1x16xf32> to vector<16xf32>
        %swap3A_544 = vector.shape_cast %get3A_121 : vector<16xf32> to vector<1x16xf32>
        tpu.vector_store %arg10[%swap3A_540, %swap3A_541], %swap3A_544 {add = true, strides = array<i32>} : memref<64x768xf32, #tpu.memory_space<vmem>>, vector<1x16xf32>,
        %swap3A_545 = arith.index_cast %scan3A_535 : i32 to index
        %swap3A_546 = arith.constant 32 : index
        %swap3A_547 = tpu.vector_load %arg10[%swap3A_545, %swap3A_546] {strides = array<i32>} : memref<64x768xf32, #tpu.memory_space<vmem>>, vector<1x16xf32>,
        %swap3A_548 = vector.shape_cast %swap3A_547 : vector<1x16xf32> to vector<16xf32>
        %swap3A_549 = vector.shape_cast %get3A_124 : vector<16xf32> to vector<1x16xf32>
        tpu.vector_store %arg10[%swap3A_545, %swap3A_546], %swap3A_549 {add = true, strides = array<i32>} : memref<64x768xf32, #tpu.memory_space<vmem>>, vector<1x16xf32>,
        %swap3A_550 = arith.index_cast %scan3A_535 : i32 to index
        %swap3A_551 = arith.constant 48 : index
        %swap3A_552 = tpu.vector_load %arg10[%swap3A_550, %swap3A_551] {strides = array<i32>} : memref<64x768xf32, #tpu.memory_space<vmem>>, vector<1x16xf32>,
        %swap3A_553 = vector.shape_cast %swap3A_552 : vector<1x16xf32> to vector<16xf32>
        %swap3A_554 = vector.shape_cast %get3A_127 : vector<16xf32> to vector<1x16xf32>
        tpu.vector_store %arg10[%swap3A_550, %swap3A_551], %swap3A_554 {add = true, strides = array<i32>} : memref<64x768xf32, #tpu.memory_space<vmem>>, vector<1x16xf32>,
        %swap3A_555 = arith.index_cast %scan3A_535 : i32 to index
        %swap3A_556 = arith.constant 64 : index
        %swap3A_557 = tpu.vector_load %arg10[%swap3A_555, %swap3A_556] {strides = array<i32>} : memref<64x768xf32, #tpu.memory_space<vmem>>, vector<1x16xf32>,
        %swap3A_558 = vector.shape_cast %swap3A_557 : vector<1x16xf32> to vector<16xf32>
        %swap3A_559 = vector.shape_cast %get3A_130 : vector<16xf32> to vector<1x16xf32>
        tpu.vector_store %arg10[%swap3A_555, %swap3A_556], %swap3A_559 {add = true, strides = array<i32>} : memref<64x768xf32, #tpu.memory_space<vmem>>, vector<1x16xf32>,
        %swap3A_560 = arith.index_cast %scan3A_535 : i32 to index
        %swap3A_561 = arith.constant 80 : index
        %swap3A_562 = tpu.vector_load %arg10[%swap3A_560, %swap3A_561] {strides = array<i32>} : memref<64x768xf32, #tpu.memory_space<vmem>>, vector<1x16xf32>,
        %swap3A_563 = vector.shape_cast %swap3A_562 : vector<1x16xf32> to vector<16xf32>
        %swap3A_564 = vector.shape_cast %get3A_133 : vector<16xf32> to vector<1x16xf32>
        tpu.vector_store %arg10[%swap3A_560, %swap3A_561], %swap3A_564 {add = true, strides = array<i32>} : memref<64x768xf32, #tpu.memory_space<vmem>>, vector<1x16xf32>,
        %swap3A_565 = arith.index_cast %scan3A_535 : i32 to index
        %swap3A_566 = arith.constant 96 : index
        %swap3A_567 = tpu.vector_load %arg10[%swap3A_565, %swap3A_566] {strides = array<i32>} : memref<64x768xf32, #tpu.memory_space<vmem>>, vector<1x16xf32>,
        %swap3A_568 = vector.shape_cast %swap3A_567 : vector<1x16xf32> to vector<16xf32>
        %swap3A_569 = vector.shape_cast %get3A_136 : vector<16xf32> to vector<1x16xf32>
        tpu.vector_store %arg10[%swap3A_565, %swap3A_566], %swap3A_569 {add = true, strides = array<i32>} : memref<64x768xf32, #tpu.memory_space<vmem>>, vector<1x16xf32>,
        %swap3A_570 = arith.index_cast %scan3A_535 : i32 to index
        %swap3A_571 = arith.constant 112 : index
        %swap3A_572 = tpu.vector_load %arg10[%swap3A_570, %swap3A_571] {strides = array<i32>} : memref<64x768xf32, #tpu.memory_space<vmem>>, vector<1x16xf32>,
        %swap3A_573 = vector.shape_cast %swap3A_572 : vector<1x16xf32> to vector<16xf32>
        %swap3A_574 = vector.shape_cast %get3A_139 : vector<16xf32> to vector<1x16xf32>
        tpu.vector_store %arg10[%swap3A_570, %swap3A_571], %swap3A_574 {add = true, strides = array<i32>} : memref<64x768xf32, #tpu.memory_space<vmem>>, vector<1x16xf32>,
        %swap3A_575 = arith.index_cast %scan3A_535 : i32 to index
        %swap3A_576 = arith.constant 128 : index
        %swap3A_577 = tpu.vector_load %arg10[%swap3A_575, %swap3A_576] {strides = array<i32>} : memref<64x768xf32, #tpu.memory_space<vmem>>, vector<1x16xf32>,
        %swap3A_578 = vector.shape_cast %swap3A_577 : vector<1x16xf32> to vector<16xf32>
        %swap3A_579 = vector.shape_cast %get3A_142 : vector<16xf32> to vector<1x16xf32>
        tpu.vector_store %arg10[%swap3A_575, %swap3A_576], %swap3A_579 {add = true, strides = array<i32>} : memref<64x768xf32, #tpu.memory_space<vmem>>, vector<1x16xf32>,
        %swap3A_580 = arith.index_cast %scan3A_535 : i32 to index
        %swap3A_581 = arith.constant 144 : index
        %swap3A_582 = tpu.vector_load %arg10[%swap3A_580, %swap3A_581] {strides = array<i32>} : memref<64x768xf32, #tpu.memory_space<vmem>>, vector<1x16xf32>,
        %swap3A_583 = vector.shape_cast %swap3A_582 : vector<1x16xf32> to vector<16xf32>
        %swap3A_584 = vector.shape_cast %get3A_145 : vector<16xf32> to vector<1x16xf32>
        tpu.vector_store %arg10[%swap3A_580, %swap3A_581], %swap3A_584 {add = true, strides = array<i32>} : memref<64x768xf32, #tpu.memory_space<vmem>>, vector<1x16xf32>,
        %swap3A_585 = arith.index_cast %scan3A_535 : i32 to index
        %swap3A_586 = arith.constant 160 : index
        %swap3A_587 = tpu.vector_load %arg10[%swap3A_585, %swap3A_586] {strides = array<i32>} : memref<64x768xf32, #tpu.memory_space<vmem>>, vector<1x16xf32>,
        %swap3A_588 = vector.shape_cast %swap3A_587 : vector<1x16xf32> to vector<16xf32>
        %swap3A_589 = vector.shape_cast %get3A_148 : vector<16xf32> to vector<1x16xf32>
        tpu.vector_store %arg10[%swap3A_585, %swap3A_586], %swap3A_589 {add = true, strides = array<i32>} : memref<64x768xf32, #tpu.memory_space<vmem>>, vector<1x16xf32>,
        %swap3A_590 = arith.index_cast %scan3A_535 : i32 to index
        %swap3A_591 = arith.constant 176 : index
        %swap3A_592 = tpu.vector_load %arg10[%swap3A_590, %swap3A_591] {strides = array<i32>} : memref<64x768xf32, #tpu.memory_space<vmem>>, vector<1x16xf32>,
        %swap3A_593 = vector.shape_cast %swap3A_592 : vector<1x16xf32> to vector<16xf32>
        %swap3A_594 = vector.shape_cast %get3A_151 : vector<16xf32> to vector<1x16xf32>
        tpu.vector_store %arg10[%swap3A_590, %swap3A_591], %swap3A_594 {add = true, strides = array<i32>} : memref<64x768xf32, #tpu.memory_space<vmem>>, vector<1x16xf32>,
        %swap3A_595 = arith.index_cast %scan3A_535 : i32 to index
        %swap3A_596 = arith.constant 192 : index
        %swap3A_597 = tpu.vector_load %arg10[%swap3A_595, %swap3A_596] {strides = array<i32>} : memref<64x768xf32, #tpu.memory_space<vmem>>, vector<1x16xf32>,
        %swap3A_598 = vector.shape_cast %swap3A_597 : vector<1x16xf32> to vector<16xf32>
        %swap3A_599 = vector.shape_cast %get3A_154 : vector<16xf32> to vector<1x16xf32>
        tpu.vector_store %arg10[%swap3A_595, %swap3A_596], %swap3A_599 {add = true, strides = array<i32>} : memref<64x768xf32, #tpu.memory_space<vmem>>, vector<1x16xf32>,
        %swap3A_600 = arith.index_cast %scan3A_535 : i32 to index
        %swap3A_601 = arith.constant 208 : index
        %swap3A_602 = tpu.vector_load %arg10[%swap3A_600, %swap3A_601] {strides = array<i32>} : memref<64x768xf32, #tpu.memory_space<vmem>>, vector<1x16xf32>,
        %swap3A_603 = vector.shape_cast %swap3A_602 : vector<1x16xf32> to vector<16xf32>
        %swap3A_604 = vector.shape_cast %get3A_157 : vector<16xf32> to vector<1x16xf32>
        tpu.vector_store %arg10[%swap3A_600, %swap3A_601], %swap3A_604 {add = true, strides = array<i32>} : memref<64x768xf32, #tpu.memory_space<vmem>>, vector<1x16xf32>,
        %swap3A_605 = arith.index_cast %scan3A_535 : i32 to index
        %swap3A_606 = arith.constant 224 : index
        %swap3A_607 = tpu.vector_load %arg10[%swap3A_605, %swap3A_606] {strides = array<i32>} : memref<64x768xf32, #tpu.memory_space<vmem>>, vector<1x16xf32>,
        %swap3A_608 = vector.shape_cast %swap3A_607 : vector<1x16xf32> to vector<16xf32>
        %swap3A_609 = vector.shape_cast %get3A_160 : vector<16xf32> to vector<1x16xf32>
        tpu.vector_store %arg10[%swap3A_605, %swap3A_606], %swap3A_609 {add = true, strides = array<i32>} : memref<64x768xf32, #tpu.memory_space<vmem>>, vector<1x16xf32>,
        %swap3A_610 = arith.index_cast %scan3A_535 : i32 to index
        %swap3A_611 = arith.constant 240 : index
        %swap3A_612 = tpu.vector_load %arg10[%swap3A_610, %swap3A_611] {strides = array<i32>} : memref<64x768xf32, #tpu.memory_space<vmem>>, vector<1x16xf32>,
        %swap3A_613 = vector.shape_cast %swap3A_612 : vector<1x16xf32> to vector<16xf32>
        %swap3A_614 = vector.shape_cast %get3A_163 : vector<16xf32> to vector<1x16xf32>
        tpu.vector_store %arg10[%swap3A_610, %swap3A_611], %swap3A_614 {add = true, strides = array<i32>} : memref<64x768xf32, #tpu.memory_space<vmem>>, vector<1x16xf32>,
        %swap3A_615 = arith.index_cast %scan3A_535 : i32 to index
        %swap3A_616 = arith.constant 256 : index
        %swap3A_617 = tpu.vector_load %arg10[%swap3A_615, %swap3A_616] {strides = array<i32>} : memref<64x768xf32, #tpu.memory_space<vmem>>, vector<1x16xf32>,
        %swap3A_618 = vector.shape_cast %swap3A_617 : vector<1x16xf32> to vector<16xf32>
        %swap3A_619 = vector.shape_cast %get3A_166 : vector<16xf32> to vector<1x16xf32>
        tpu.vector_store %arg10[%swap3A_615, %swap3A_616], %swap3A_619 {add = true, strides = array<i32>} : memref<64x768xf32, #tpu.memory_space<vmem>>, vector<1x16xf32>,
        %swap3A_620 = arith.index_cast %scan3A_535 : i32 to index
        %swap3A_621 = arith.constant 272 : index
        %swap3A_622 = tpu.vector_load %arg10[%swap3A_620, %swap3A_621] {strides = array<i32>} : memref<64x768xf32, #tpu.memory_space<vmem>>, vector<1x16xf32>,
        %swap3A_623 = vector.shape_cast %swap3A_622 : vector<1x16xf32> to vector<16xf32>
        %swap3A_624 = vector.shape_cast %get3A_169 : vector<16xf32> to vector<1x16xf32>
        tpu.vector_store %arg10[%swap3A_620, %swap3A_621], %swap3A_624 {add = true, strides = array<i32>} : memref<64x768xf32, #tpu.memory_space<vmem>>, vector<1x16xf32>,
        %swap3A_625 = arith.index_cast %scan3A_535 : i32 to index
        %swap3A_626 = arith.constant 288 : index
        %swap3A_627 = tpu.vector_load %arg10[%swap3A_625, %swap3A_626] {strides = array<i32>} : memref<64x768xf32, #tpu.memory_space<vmem>>, vector<1x16xf32>,
        %swap3A_628 = vector.shape_cast %swap3A_627 : vector<1x16xf32> to vector<16xf32>
        %swap3A_629 = vector.shape_cast %get3A_172 : vector<16xf32> to vector<1x16xf32>
        tpu.vector_store %arg10[%swap3A_625, %swap3A_626], %swap3A_629 {add = true, strides = array<i32>} : memref<64x768xf32, #tpu.memory_space<vmem>>, vector<1x16xf32>,
        %swap3A_630 = arith.index_cast %scan3A_535 : i32 to index
        %swap3A_631 = arith.constant 304 : index
        %swap3A_632 = tpu.vector_load %arg10[%swap3A_630, %swap3A_631] {strides = array<i32>} : memref<64x768xf32, #tpu.memory_space<vmem>>, vector<1x16xf32>,
        %swap3A_633 = vector.shape_cast %swap3A_632 : vector<1x16xf32> to vector<16xf32>
        %swap3A_634 = vector.shape_cast %get3A_175 : vector<16xf32> to vector<1x16xf32>
        tpu.vector_store %arg10[%swap3A_630, %swap3A_631], %swap3A_634 {add = true, strides = array<i32>} : memref<64x768xf32, #tpu.memory_space<vmem>>, vector<1x16xf32>,
        %swap3A_635 = arith.index_cast %scan3A_535 : i32 to index
        %swap3A_636 = arith.constant 320 : index
        %swap3A_637 = tpu.vector_load %arg10[%swap3A_635, %swap3A_636] {strides = array<i32>} : memref<64x768xf32, #tpu.memory_space<vmem>>, vector<1x16xf32>,
        %swap3A_638 = vector.shape_cast %swap3A_637 : vector<1x16xf32> to vector<16xf32>
        %swap3A_639 = vector.shape_cast %get3A_178 : vector<16xf32> to vector<1x16xf32>
        tpu.vector_store %arg10[%swap3A_635, %swap3A_636], %swap3A_639 {add = true, strides = array<i32>} : memref<64x768xf32, #tpu.memory_space<vmem>>, vector<1x16xf32>,
        %swap3A_640 = arith.index_cast %scan3A_535 : i32 to index
        %swap3A_641 = arith.constant 336 : index
        %swap3A_642 = tpu.vector_load %arg10[%swap3A_640, %swap3A_641] {strides = array<i32>} : memref<64x768xf32, #tpu.memory_space<vmem>>, vector<1x16xf32>,
        %swap3A_643 = vector.shape_cast %swap3A_642 : vector<1x16xf32> to vector<16xf32>
        %swap3A_644 = vector.shape_cast %get3A_181 : vector<16xf32> to vector<1x16xf32>
        tpu.vector_store %arg10[%swap3A_640, %swap3A_641], %swap3A_644 {add = true, strides = array<i32>} : memref<64x768xf32, #tpu.memory_space<vmem>>, vector<1x16xf32>,
        %swap3A_645 = arith.index_cast %scan3A_535 : i32 to index
        %swap3A_646 = arith.constant 352 : index
        %swap3A_647 = tpu.vector_load %arg10[%swap3A_645, %swap3A_646] {strides = array<i32>} : memref<64x768xf32, #tpu.memory_space<vmem>>, vector<1x16xf32>,
        %swap3A_648 = vector.shape_cast %swap3A_647 : vector<1x16xf32> to vector<16xf32>
        %swap3A_649 = vector.shape_cast %get3A_184 : vector<16xf32> to vector<1x16xf32>
        tpu.vector_store %arg10[%swap3A_645, %swap3A_646], %swap3A_649 {add = true, strides = array<i32>} : memref<64x768xf32, #tpu.memory_space<vmem>>, vector<1x16xf32>,
        %swap3A_650 = arith.index_cast %scan3A_535 : i32 to index
        %swap3A_651 = arith.constant 368 : index
        %swap3A_652 = tpu.vector_load %arg10[%swap3A_650, %swap3A_651] {strides = array<i32>} : memref<64x768xf32, #tpu.memory_space<vmem>>, vector<1x16xf32>,
        %swap3A_653 = vector.shape_cast %swap3A_652 : vector<1x16xf32> to vector<16xf32>
        %swap3A_654 = vector.shape_cast %get3A_187 : vector<16xf32> to vector<1x16xf32>
        tpu.vector_store %arg10[%swap3A_650, %swap3A_651], %swap3A_654 {add = true, strides = array<i32>} : memref<64x768xf32, #tpu.memory_space<vmem>>, vector<1x16xf32>,
        %swap3A_655 = arith.index_cast %scan3A_535 : i32 to index
        %swap3A_656 = arith.constant 384 : index
        %swap3A_657 = tpu.vector_load %arg10[%swap3A_655, %swap3A_656] {strides = array<i32>} : memref<64x768xf32, #tpu.memory_space<vmem>>, vector<1x16xf32>,
        %swap3A_658 = vector.shape_cast %swap3A_657 : vector<1x16xf32> to vector<16xf32>
        %swap3A_659 = vector.shape_cast %get3A_190 : vector<16xf32> to vector<1x16xf32>
        tpu.vector_store %arg10[%swap3A_655, %swap3A_656], %swap3A_659 {add = true, strides = array<i32>} : memref<64x768xf32, #tpu.memory_space<vmem>>, vector<1x16xf32>,
        %swap3A_660 = arith.index_cast %scan3A_535 : i32 to index
        %swap3A_661 = arith.constant 400 : index
        %swap3A_662 = tpu.vector_load %arg10[%swap3A_660, %swap3A_661] {strides = array<i32>} : memref<64x768xf32, #tpu.memory_space<vmem>>, vector<1x16xf32>,
        %swap3A_663 = vector.shape_cast %swap3A_662 : vector<1x16xf32> to vector<16xf32>
        %swap3A_664 = vector.shape_cast %get3A_193 : vector<16xf32> to vector<1x16xf32>
        tpu.vector_store %arg10[%swap3A_660, %swap3A_661], %swap3A_664 {add = true, strides = array<i32>} : memref<64x768xf32, #tpu.memory_space<vmem>>, vector<1x16xf32>,
        %swap3A_665 = arith.index_cast %scan3A_535 : i32 to index
        %swap3A_666 = arith.constant 416 : index
        %swap3A_667 = tpu.vector_load %arg10[%swap3A_665, %swap3A_666] {strides = array<i32>} : memref<64x768xf32, #tpu.memory_space<vmem>>, vector<1x16xf32>,
        %swap3A_668 = vector.shape_cast %swap3A_667 : vector<1x16xf32> to vector<16xf32>
        %swap3A_669 = vector.shape_cast %get3A_196 : vector<16xf32> to vector<1x16xf32>
        tpu.vector_store %arg10[%swap3A_665, %swap3A_666], %swap3A_669 {add = true, strides = array<i32>} : memref<64x768xf32, #tpu.memory_space<vmem>>, vector<1x16xf32>,
        %swap3A_670 = arith.index_cast %scan3A_535 : i32 to index
        %swap3A_671 = arith.constant 432 : index
        %swap3A_672 = tpu.vector_load %arg10[%swap3A_670, %swap3A_671] {strides = array<i32>} : memref<64x768xf32, #tpu.memory_space<vmem>>, vector<1x16xf32>,
        %swap3A_673 = vector.shape_cast %swap3A_672 : vector<1x16xf32> to vector<16xf32>
        %swap3A_674 = vector.shape_cast %get3A_199 : vector<16xf32> to vector<1x16xf32>
        tpu.vector_store %arg10[%swap3A_670, %swap3A_671], %swap3A_674 {add = true, strides = array<i32>} : memref<64x768xf32, #tpu.memory_space<vmem>>, vector<1x16xf32>,
        %swap3A_675 = arith.index_cast %scan3A_535 : i32 to index
        %swap3A_676 = arith.constant 448 : index
        %swap3A_677 = tpu.vector_load %arg10[%swap3A_675, %swap3A_676] {strides = array<i32>} : memref<64x768xf32, #tpu.memory_space<vmem>>, vector<1x16xf32>,
        %swap3A_678 = vector.shape_cast %swap3A_677 : vector<1x16xf32> to vector<16xf32>
        %swap3A_679 = vector.shape_cast %get3A_202 : vector<16xf32> to vector<1x16xf32>
        tpu.vector_store %arg10[%swap3A_675, %swap3A_676], %swap3A_679 {add = true, strides = array<i32>} : memref<64x768xf32, #tpu.memory_space<vmem>>, vector<1x16xf32>,
        %swap3A_680 = arith.index_cast %scan3A_535 : i32 to index
        %swap3A_681 = arith.constant 464 : index
        %swap3A_682 = tpu.vector_load %arg10[%swap3A_680, %swap3A_681] {strides = array<i32>} : memref<64x768xf32, #tpu.memory_space<vmem>>, vector<1x16xf32>,
        %swap3A_683 = vector.shape_cast %swap3A_682 : vector<1x16xf32> to vector<16xf32>
        %swap3A_684 = vector.shape_cast %get3A_205 : vector<16xf32> to vector<1x16xf32>
        tpu.vector_store %arg10[%swap3A_680, %swap3A_681], %swap3A_684 {add = true, strides = array<i32>} : memref<64x768xf32, #tpu.memory_space<vmem>>, vector<1x16xf32>,
        %swap3A_685 = arith.index_cast %scan3A_535 : i32 to index
        %swap3A_686 = arith.constant 480 : index
        %swap3A_687 = tpu.vector_load %arg10[%swap3A_685, %swap3A_686] {strides = array<i32>} : memref<64x768xf32, #tpu.memory_space<vmem>>, vector<1x16xf32>,
        %swap3A_688 = vector.shape_cast %swap3A_687 : vector<1x16xf32> to vector<16xf32>
        %swap3A_689 = vector.shape_cast %get3A_208 : vector<16xf32> to vector<1x16xf32>
        tpu.vector_store %arg10[%swap3A_685, %swap3A_686], %swap3A_689 {add = true, strides = array<i32>} : memref<64x768xf32, #tpu.memory_space<vmem>>, vector<1x16xf32>,
        %swap3A_690 = arith.index_cast %scan3A_535 : i32 to index
        %swap3A_691 = arith.constant 496 : index
        %swap3A_692 = tpu.vector_load %arg10[%swap3A_690, %swap3A_691] {strides = array<i32>} : memref<64x768xf32, #tpu.memory_space<vmem>>, vector<1x16xf32>,
        %swap3A_693 = vector.shape_cast %swap3A_692 : vector<1x16xf32> to vector<16xf32>
        %swap3A_694 = vector.shape_cast %get3A_211 : vector<16xf32> to vector<1x16xf32>
        tpu.vector_store %arg10[%swap3A_690, %swap3A_691], %swap3A_694 {add = true, strides = array<i32>} : memref<64x768xf32, #tpu.memory_space<vmem>>, vector<1x16xf32>,
        %swap3A_695 = arith.index_cast %scan3A_535 : i32 to index
        %swap3A_696 = arith.constant 512 : index
        %swap3A_697 = tpu.vector_load %arg10[%swap3A_695, %swap3A_696] {strides = array<i32>} : memref<64x768xf32, #tpu.memory_space<vmem>>, vector<1x16xf32>,
        %swap3A_698 = vector.shape_cast %swap3A_697 : vector<1x16xf32> to vector<16xf32>
        %swap3A_699 = vector.shape_cast %get3A_214 : vector<16xf32> to vector<1x16xf32>
        tpu.vector_store %arg10[%swap3A_695, %swap3A_696], %swap3A_699 {add = true, strides = array<i32>} : memref<64x768xf32, #tpu.memory_space<vmem>>, vector<1x16xf32>,
        %swap3A_700 = arith.index_cast %scan3A_535 : i32 to index
        %swap3A_701 = arith.constant 528 : index
        %swap3A_702 = tpu.vector_load %arg10[%swap3A_700, %swap3A_701] {strides = array<i32>} : memref<64x768xf32, #tpu.memory_space<vmem>>, vector<1x16xf32>,
        %swap3A_703 = vector.shape_cast %swap3A_702 : vector<1x16xf32> to vector<16xf32>
        %swap3A_704 = vector.shape_cast %get3A_217 : vector<16xf32> to vector<1x16xf32>
        tpu.vector_store %arg10[%swap3A_700, %swap3A_701], %swap3A_704 {add = true, strides = array<i32>} : memref<64x768xf32, #tpu.memory_space<vmem>>, vector<1x16xf32>,
        %swap3A_705 = arith.index_cast %scan3A_535 : i32 to index
        %swap3A_706 = arith.constant 544 : index
        %swap3A_707 = tpu.vector_load %arg10[%swap3A_705, %swap3A_706] {strides = array<i32>} : memref<64x768xf32, #tpu.memory_space<vmem>>, vector<1x16xf32>,
        %swap3A_708 = vector.shape_cast %swap3A_707 : vector<1x16xf32> to vector<16xf32>
        %swap3A_709 = vector.shape_cast %get3A_220 : vector<16xf32> to vector<1x16xf32>
        tpu.vector_store %arg10[%swap3A_705, %swap3A_706], %swap3A_709 {add = true, strides = array<i32>} : memref<64x768xf32, #tpu.memory_space<vmem>>, vector<1x16xf32>,
        %swap3A_710 = arith.index_cast %scan3A_535 : i32 to index
        %swap3A_711 = arith.constant 560 : index
        %swap3A_712 = tpu.vector_load %arg10[%swap3A_710, %swap3A_711] {strides = array<i32>} : memref<64x768xf32, #tpu.memory_space<vmem>>, vector<1x16xf32>,
        %swap3A_713 = vector.shape_cast %swap3A_712 : vector<1x16xf32> to vector<16xf32>
        %swap3A_714 = vector.shape_cast %get3A_223 : vector<16xf32> to vector<1x16xf32>
        tpu.vector_store %arg10[%swap3A_710, %swap3A_711], %swap3A_714 {add = true, strides = array<i32>} : memref<64x768xf32, #tpu.memory_space<vmem>>, vector<1x16xf32>,
        %swap3A_715 = arith.index_cast %scan3A_535 : i32 to index
        %swap3A_716 = arith.constant 576 : index
        %swap3A_717 = tpu.vector_load %arg10[%swap3A_715, %swap3A_716] {strides = array<i32>} : memref<64x768xf32, #tpu.memory_space<vmem>>, vector<1x16xf32>,
        %swap3A_718 = vector.shape_cast %swap3A_717 : vector<1x16xf32> to vector<16xf32>
        %swap3A_719 = vector.shape_cast %get3A_226 : vector<16xf32> to vector<1x16xf32>
        tpu.vector_store %arg10[%swap3A_715, %swap3A_716], %swap3A_719 {add = true, strides = array<i32>} : memref<64x768xf32, #tpu.memory_space<vmem>>, vector<1x16xf32>,
        %swap3A_720 = arith.index_cast %scan3A_535 : i32 to index
        %swap3A_721 = arith.constant 592 : index
        %swap3A_722 = tpu.vector_load %arg10[%swap3A_720, %swap3A_721] {strides = array<i32>} : memref<64x768xf32, #tpu.memory_space<vmem>>, vector<1x16xf32>,
        %swap3A_723 = vector.shape_cast %swap3A_722 : vector<1x16xf32> to vector<16xf32>
        %swap3A_724 = vector.shape_cast %get3A_229 : vector<16xf32> to vector<1x16xf32>
        tpu.vector_store %arg10[%swap3A_720, %swap3A_721], %swap3A_724 {add = true, strides = array<i32>} : memref<64x768xf32, #tpu.memory_space<vmem>>, vector<1x16xf32>,
        %swap3A_725 = arith.index_cast %scan3A_535 : i32 to index
        %swap3A_726 = arith.constant 608 : index
        %swap3A_727 = tpu.vector_load %arg10[%swap3A_725, %swap3A_726] {strides = array<i32>} : memref<64x768xf32, #tpu.memory_space<vmem>>, vector<1x16xf32>,
        %swap3A_728 = vector.shape_cast %swap3A_727 : vector<1x16xf32> to vector<16xf32>
        %swap3A_729 = vector.shape_cast %get3A_232 : vector<16xf32> to vector<1x16xf32>
        tpu.vector_store %arg10[%swap3A_725, %swap3A_726], %swap3A_729 {add = true, strides = array<i32>} : memref<64x768xf32, #tpu.memory_space<vmem>>, vector<1x16xf32>,
        %swap3A_730 = arith.index_cast %scan3A_535 : i32 to index
        %swap3A_731 = arith.constant 624 : index
        %swap3A_732 = tpu.vector_load %arg10[%swap3A_730, %swap3A_731] {strides = array<i32>} : memref<64x768xf32, #tpu.memory_space<vmem>>, vector<1x16xf32>,
        %swap3A_733 = vector.shape_cast %swap3A_732 : vector<1x16xf32> to vector<16xf32>
        %swap3A_734 = vector.shape_cast %get3A_235 : vector<16xf32> to vector<1x16xf32>
        tpu.vector_store %arg10[%swap3A_730, %swap3A_731], %swap3A_734 {add = true, strides = array<i32>} : memref<64x768xf32, #tpu.memory_space<vmem>>, vector<1x16xf32>,
        %swap3A_735 = arith.index_cast %scan3A_535 : i32 to index
        %swap3A_736 = arith.constant 640 : index
        %swap3A_737 = tpu.vector_load %arg10[%swap3A_735, %swap3A_736] {strides = array<i32>} : memref<64x768xf32, #tpu.memory_space<vmem>>, vector<1x16xf32>,
        %swap3A_738 = vector.shape_cast %swap3A_737 : vector<1x16xf32> to vector<16xf32>
        %swap3A_739 = vector.shape_cast %get3A_238 : vector<16xf32> to vector<1x16xf32>
        tpu.vector_store %arg10[%swap3A_735, %swap3A_736], %swap3A_739 {add = true, strides = array<i32>} : memref<64x768xf32, #tpu.memory_space<vmem>>, vector<1x16xf32>,
        %swap3A_740 = arith.index_cast %scan3A_535 : i32 to index
        %swap3A_741 = arith.constant 656 : index
        %swap3A_742 = tpu.vector_load %arg10[%swap3A_740, %swap3A_741] {strides = array<i32>} : memref<64x768xf32, #tpu.memory_space<vmem>>, vector<1x16xf32>,
        %swap3A_743 = vector.shape_cast %swap3A_742 : vector<1x16xf32> to vector<16xf32>
        %swap3A_744 = vector.shape_cast %get3A_241 : vector<16xf32> to vector<1x16xf32>
        tpu.vector_store %arg10[%swap3A_740, %swap3A_741], %swap3A_744 {add = true, strides = array<i32>} : memref<64x768xf32, #tpu.memory_space<vmem>>, vector<1x16xf32>,
        %swap3A_745 = arith.index_cast %scan3A_535 : i32 to index
        %swap3A_746 = arith.constant 672 : index
        %swap3A_747 = tpu.vector_load %arg10[%swap3A_745, %swap3A_746] {strides = array<i32>} : memref<64x768xf32, #tpu.memory_space<vmem>>, vector<1x16xf32>,
        %swap3A_748 = vector.shape_cast %swap3A_747 : vector<1x16xf32> to vector<16xf32>
        %swap3A_749 = vector.shape_cast %get3A_244 : vector<16xf32> to vector<1x16xf32>
        tpu.vector_store %arg10[%swap3A_745, %swap3A_746], %swap3A_749 {add = true, strides = array<i32>} : memref<64x768xf32, #tpu.memory_space<vmem>>, vector<1x16xf32>,
        %swap3A_750 = arith.index_cast %scan3A_535 : i32 to index
        %swap3A_751 = arith.constant 688 : index
        %swap3A_752 = tpu.vector_load %arg10[%swap3A_750, %swap3A_751] {strides = array<i32>} : memref<64x768xf32, #tpu.memory_space<vmem>>, vector<1x16xf32>,
        %swap3A_753 = vector.shape_cast %swap3A_752 : vector<1x16xf32> to vector<16xf32>
        %swap3A_754 = vector.shape_cast %get3A_247 : vector<16xf32> to vector<1x16xf32>
        tpu.vector_store %arg10[%swap3A_750, %swap3A_751], %swap3A_754 {add = true, strides = array<i32>} : memref<64x768xf32, #tpu.memory_space<vmem>>, vector<1x16xf32>,
        %swap3A_755 = arith.index_cast %scan3A_535 : i32 to index
        %swap3A_756 = arith.constant 704 : index
        %swap3A_757 = tpu.vector_load %arg10[%swap3A_755, %swap3A_756] {strides = array<i32>} : memref<64x768xf32, #tpu.memory_space<vmem>>, vector<1x16xf32>,
        %swap3A_758 = vector.shape_cast %swap3A_757 : vector<1x16xf32> to vector<16xf32>
        %swap3A_759 = vector.shape_cast %get3A_250 : vector<16xf32> to vector<1x16xf32>
        tpu.vector_store %arg10[%swap3A_755, %swap3A_756], %swap3A_759 {add = true, strides = array<i32>} : memref<64x768xf32, #tpu.memory_space<vmem>>, vector<1x16xf32>,
        %swap3A_760 = arith.index_cast %scan3A_535 : i32 to index
        %swap3A_761 = arith.constant 720 : index
        %swap3A_762 = tpu.vector_load %arg10[%swap3A_760, %swap3A_761] {strides = array<i32>} : memref<64x768xf32, #tpu.memory_space<vmem>>, vector<1x16xf32>,
        %swap3A_763 = vector.shape_cast %swap3A_762 : vector<1x16xf32> to vector<16xf32>
        %swap3A_764 = vector.shape_cast %get3A_253 : vector<16xf32> to vector<1x16xf32>
        tpu.vector_store %arg10[%swap3A_760, %swap3A_761], %swap3A_764 {add = true, strides = array<i32>} : memref<64x768xf32, #tpu.memory_space<vmem>>, vector<1x16xf32>,
        %swap3A_765 = arith.index_cast %scan3A_535 : i32 to index
        %swap3A_766 = arith.constant 736 : index
        %swap3A_767 = tpu.vector_load %arg10[%swap3A_765, %swap3A_766] {strides = array<i32>} : memref<64x768xf32, #tpu.memory_space<vmem>>, vector<1x16xf32>,
        %swap3A_768 = vector.shape_cast %swap3A_767 : vector<1x16xf32> to vector<16xf32>
        %swap3A_769 = vector.shape_cast %get3A_256 : vector<16xf32> to vector<1x16xf32>
        tpu.vector_store %arg10[%swap3A_765, %swap3A_766], %swap3A_769 {add = true, strides = array<i32>} : memref<64x768xf32, #tpu.memory_space<vmem>>, vector<1x16xf32>,
        %swap3A_770 = arith.index_cast %scan3A_535 : i32 to index
        %swap3A_771 = arith.constant 752 : index
        %swap3A_772 = tpu.vector_load %arg10[%swap3A_770, %swap3A_771] {strides = array<i32>} : memref<64x768xf32, #tpu.memory_space<vmem>>, vector<1x16xf32>,
        %swap3A_773 = vector.shape_cast %swap3A_772 : vector<1x16xf32> to vector<16xf32>
        %swap3A_774 = vector.shape_cast %get3A_259 : vector<16xf32> to vector<1x16xf32>
        tpu.vector_store %arg10[%swap3A_770, %swap3A_771], %swap3A_774 {add = true, strides = array<i32>} : memref<64x768xf32, #tpu.memory_space<vmem>>, vector<1x16xf32>,
        %scan3A_775 = arith.constant 1 : i32
        %scan3A_776 = arith.addi %scan3A_535, %scan3A_775 : i32
        %swap3A_777 = arith.index_cast %scan3A_776 : i32 to index
        %swap3A_778 = arith.constant 0 : index
        %swap3A_779 = tpu.vector_load %arg10[%swap3A_777, %swap3A_778] {strides = array<i32>} : memref<64x768xf32, #tpu.memory_space<vmem>>, vector<1x16xf32>,
        %swap3A_780 = vector.shape_cast %swap3A_779 : vector<1x16xf32> to vector<16xf32>
        %swap3A_781 = vector.shape_cast %get3A_118 : vector<16xf32> to vector<1x16xf32>
        tpu.vector_store %arg10[%swap3A_777, %swap3A_778], %swap3A_781 {add = true, strides = array<i32>} : memref<64x768xf32, #tpu.memory_space<vmem>>, vector<1x16xf32>,
        %swap3A_782 = arith.index_cast %scan3A_776 : i32 to index
        %swap3A_783 = arith.constant 16 : index
        %swap3A_784 = tpu.vector_load %arg10[%swap3A_782, %swap3A_783] {strides = array<i32>} : memref<64x768xf32, #tpu.memory_space<vmem>>, vector<1x16xf32>,
        %swap3A_785 = vector.shape_cast %swap3A_784 : vector<1x16xf32> to vector<16xf32>
        %swap3A_786 = vector.shape_cast %get3A_121 : vector<16xf32> to vector<1x16xf32>
        tpu.vector_store %arg10[%swap3A_782, %swap3A_783], %swap3A_786 {add = true, strides = array<i32>} : memref<64x768xf32, #tpu.memory_space<vmem>>, vector<1x16xf32>,
        %swap3A_787 = arith.index_cast %scan3A_776 : i32 to index
        %swap3A_788 = arith.constant 32 : index
        %swap3A_789 = tpu.vector_load %arg10[%swap3A_787, %swap3A_788] {strides = array<i32>} : memref<64x768xf32, #tpu.memory_space<vmem>>, vector<1x16xf32>,
        %swap3A_790 = vector.shape_cast %swap3A_789 : vector<1x16xf32> to vector<16xf32>
        %swap3A_791 = vector.shape_cast %get3A_124 : vector<16xf32> to vector<1x16xf32>
        tpu.vector_store %arg10[%swap3A_787, %swap3A_788], %swap3A_791 {add = true, strides = array<i32>} : memref<64x768xf32, #tpu.memory_space<vmem>>, vector<1x16xf32>,
        %swap3A_792 = arith.index_cast %scan3A_776 : i32 to index
        %swap3A_793 = arith.constant 48 : index
        %swap3A_794 = tpu.vector_load %arg10[%swap3A_792, %swap3A_793] {strides = array<i32>} : memref<64x768xf32, #tpu.memory_space<vmem>>, vector<1x16xf32>,
        %swap3A_795 = vector.shape_cast %swap3A_794 : vector<1x16xf32> to vector<16xf32>
        %swap3A_796 = vector.shape_cast %get3A_127 : vector<16xf32> to vector<1x16xf32>
        tpu.vector_store %arg10[%swap3A_792, %swap3A_793], %swap3A_796 {add = true, strides = array<i32>} : memref<64x768xf32, #tpu.memory_space<vmem>>, vector<1x16xf32>,
        %swap3A_797 = arith.index_cast %scan3A_776 : i32 to index
        %swap3A_798 = arith.constant 64 : index
        %swap3A_799 = tpu.vector_load %arg10[%swap3A_797, %swap3A_798] {strides = array<i32>} : memref<64x768xf32, #tpu.memory_space<vmem>>, vector<1x16xf32>,
        %swap3A_800 = vector.shape_cast %swap3A_799 : vector<1x16xf32> to vector<16xf32>
        %swap3A_801 = vector.shape_cast %get3A_130 : vector<16xf32> to vector<1x16xf32>
        tpu.vector_store %arg10[%swap3A_797, %swap3A_798], %swap3A_801 {add = true, strides = array<i32>} : memref<64x768xf32, #tpu.memory_space<vmem>>, vector<1x16xf32>,
        %swap3A_802 = arith.index_cast %scan3A_776 : i32 to index
        %swap3A_803 = arith.constant 80 : index
        %swap3A_804 = tpu.vector_load %arg10[%swap3A_802, %swap3A_803] {strides = array<i32>} : memref<64x768xf32, #tpu.memory_space<vmem>>, vector<1x16xf32>,
        %swap3A_805 = vector.shape_cast %swap3A_804 : vector<1x16xf32> to vector<16xf32>
        %swap3A_806 = vector.shape_cast %get3A_133 : vector<16xf32> to vector<1x16xf32>
        tpu.vector_store %arg10[%swap3A_802, %swap3A_803], %swap3A_806 {add = true, strides = array<i32>} : memref<64x768xf32, #tpu.memory_space<vmem>>, vector<1x16xf32>,
        %swap3A_807 = arith.index_cast %scan3A_776 : i32 to index
        %swap3A_808 = arith.constant 96 : index
        %swap3A_809 = tpu.vector_load %arg10[%swap3A_807, %swap3A_808] {strides = array<i32>} : memref<64x768xf32, #tpu.memory_space<vmem>>, vector<1x16xf32>,
        %swap3A_810 = vector.shape_cast %swap3A_809 : vector<1x16xf32> to vector<16xf32>
        %swap3A_811 = vector.shape_cast %get3A_136 : vector<16xf32> to vector<1x16xf32>
        tpu.vector_store %arg10[%swap3A_807, %swap3A_808], %swap3A_811 {add = true, strides = array<i32>} : memref<64x768xf32, #tpu.memory_space<vmem>>, vector<1x16xf32>,
        %swap3A_812 = arith.index_cast %scan3A_776 : i32 to index
        %swap3A_813 = arith.constant 112 : index
        %swap3A_814 = tpu.vector_load %arg10[%swap3A_812, %swap3A_813] {strides = array<i32>} : memref<64x768xf32, #tpu.memory_space<vmem>>, vector<1x16xf32>,
        %swap3A_815 = vector.shape_cast %swap3A_814 : vector<1x16xf32> to vector<16xf32>
        %swap3A_816 = vector.shape_cast %get3A_139 : vector<16xf32> to vector<1x16xf32>
        tpu.vector_store %arg10[%swap3A_812, %swap3A_813], %swap3A_816 {add = true, strides = array<i32>} : memref<64x768xf32, #tpu.memory_space<vmem>>, vector<1x16xf32>,
        %swap3A_817 = arith.index_cast %scan3A_776 : i32 to index
        %swap3A_818 = arith.constant 128 : index
        %swap3A_819 = tpu.vector_load %arg10[%swap3A_817, %swap3A_818] {strides = array<i32>} : memref<64x768xf32, #tpu.memory_space<vmem>>, vector<1x16xf32>,
        %swap3A_820 = vector.shape_cast %swap3A_819 : vector<1x16xf32> to vector<16xf32>
        %swap3A_821 = vector.shape_cast %get3A_142 : vector<16xf32> to vector<1x16xf32>
        tpu.vector_store %arg10[%swap3A_817, %swap3A_818], %swap3A_821 {add = true, strides = array<i32>} : memref<64x768xf32, #tpu.memory_space<vmem>>, vector<1x16xf32>,
        %swap3A_822 = arith.index_cast %scan3A_776 : i32 to index
        %swap3A_823 = arith.constant 144 : index
        %swap3A_824 = tpu.vector_load %arg10[%swap3A_822, %swap3A_823] {strides = array<i32>} : memref<64x768xf32, #tpu.memory_space<vmem>>, vector<1x16xf32>,
        %swap3A_825 = vector.shape_cast %swap3A_824 : vector<1x16xf32> to vector<16xf32>
        %swap3A_826 = vector.shape_cast %get3A_145 : vector<16xf32> to vector<1x16xf32>
        tpu.vector_store %arg10[%swap3A_822, %swap3A_823], %swap3A_826 {add = true, strides = array<i32>} : memref<64x768xf32, #tpu.memory_space<vmem>>, vector<1x16xf32>,
        %swap3A_827 = arith.index_cast %scan3A_776 : i32 to index
        %swap3A_828 = arith.constant 160 : index
        %swap3A_829 = tpu.vector_load %arg10[%swap3A_827, %swap3A_828] {strides = array<i32>} : memref<64x768xf32, #tpu.memory_space<vmem>>, vector<1x16xf32>,
        %swap3A_830 = vector.shape_cast %swap3A_829 : vector<1x16xf32> to vector<16xf32>
        %swap3A_831 = vector.shape_cast %get3A_148 : vector<16xf32> to vector<1x16xf32>
        tpu.vector_store %arg10[%swap3A_827, %swap3A_828], %swap3A_831 {add = true, strides = array<i32>} : memref<64x768xf32, #tpu.memory_space<vmem>>, vector<1x16xf32>,
        %swap3A_832 = arith.index_cast %scan3A_776 : i32 to index
        %swap3A_833 = arith.constant 176 : index
        %swap3A_834 = tpu.vector_load %arg10[%swap3A_832, %swap3A_833] {strides = array<i32>} : memref<64x768xf32, #tpu.memory_space<vmem>>, vector<1x16xf32>,
        %swap3A_835 = vector.shape_cast %swap3A_834 : vector<1x16xf32> to vector<16xf32>
        %swap3A_836 = vector.shape_cast %get3A_151 : vector<16xf32> to vector<1x16xf32>
        tpu.vector_store %arg10[%swap3A_832, %swap3A_833], %swap3A_836 {add = true, strides = array<i32>} : memref<64x768xf32, #tpu.memory_space<vmem>>, vector<1x16xf32>,
        %swap3A_837 = arith.index_cast %scan3A_776 : i32 to index
        %swap3A_838 = arith.constant 192 : index
        %swap3A_839 = tpu.vector_load %arg10[%swap3A_837, %swap3A_838] {strides = array<i32>} : memref<64x768xf32, #tpu.memory_space<vmem>>, vector<1x16xf32>,
        %swap3A_840 = vector.shape_cast %swap3A_839 : vector<1x16xf32> to vector<16xf32>
        %swap3A_841 = vector.shape_cast %get3A_154 : vector<16xf32> to vector<1x16xf32>
        tpu.vector_store %arg10[%swap3A_837, %swap3A_838], %swap3A_841 {add = true, strides = array<i32>} : memref<64x768xf32, #tpu.memory_space<vmem>>, vector<1x16xf32>,
        %swap3A_842 = arith.index_cast %scan3A_776 : i32 to index
        %swap3A_843 = arith.constant 208 : index
        %swap3A_844 = tpu.vector_load %arg10[%swap3A_842, %swap3A_843] {strides = array<i32>} : memref<64x768xf32, #tpu.memory_space<vmem>>, vector<1x16xf32>,
        %swap3A_845 = vector.shape_cast %swap3A_844 : vector<1x16xf32> to vector<16xf32>
        %swap3A_846 = vector.shape_cast %get3A_157 : vector<16xf32> to vector<1x16xf32>
        tpu.vector_store %arg10[%swap3A_842, %swap3A_843], %swap3A_846 {add = true, strides = array<i32>} : memref<64x768xf32, #tpu.memory_space<vmem>>, vector<1x16xf32>,
        %swap3A_847 = arith.index_cast %scan3A_776 : i32 to index
        %swap3A_848 = arith.constant 224 : index
        %swap3A_849 = tpu.vector_load %arg10[%swap3A_847, %swap3A_848] {strides = array<i32>} : memref<64x768xf32, #tpu.memory_space<vmem>>, vector<1x16xf32>,
        %swap3A_850 = vector.shape_cast %swap3A_849 : vector<1x16xf32> to vector<16xf32>
        %swap3A_851 = vector.shape_cast %get3A_160 : vector<16xf32> to vector<1x16xf32>
        tpu.vector_store %arg10[%swap3A_847, %swap3A_848], %swap3A_851 {add = true, strides = array<i32>} : memref<64x768xf32, #tpu.memory_space<vmem>>, vector<1x16xf32>,
        %swap3A_852 = arith.index_cast %scan3A_776 : i32 to index
        %swap3A_853 = arith.constant 240 : index
        %swap3A_854 = tpu.vector_load %arg10[%swap3A_852, %swap3A_853] {strides = array<i32>} : memref<64x768xf32, #tpu.memory_space<vmem>>, vector<1x16xf32>,
        %swap3A_855 = vector.shape_cast %swap3A_854 : vector<1x16xf32> to vector<16xf32>
        %swap3A_856 = vector.shape_cast %get3A_163 : vector<16xf32> to vector<1x16xf32>
        tpu.vector_store %arg10[%swap3A_852, %swap3A_853], %swap3A_856 {add = true, strides = array<i32>} : memref<64x768xf32, #tpu.memory_space<vmem>>, vector<1x16xf32>,
        %swap3A_857 = arith.index_cast %scan3A_776 : i32 to index
        %swap3A_858 = arith.constant 256 : index
        %swap3A_859 = tpu.vector_load %arg10[%swap3A_857, %swap3A_858] {strides = array<i32>} : memref<64x768xf32, #tpu.memory_space<vmem>>, vector<1x16xf32>,
        %swap3A_860 = vector.shape_cast %swap3A_859 : vector<1x16xf32> to vector<16xf32>
        %swap3A_861 = vector.shape_cast %get3A_166 : vector<16xf32> to vector<1x16xf32>
        tpu.vector_store %arg10[%swap3A_857, %swap3A_858], %swap3A_861 {add = true, strides = array<i32>} : memref<64x768xf32, #tpu.memory_space<vmem>>, vector<1x16xf32>,
        %swap3A_862 = arith.index_cast %scan3A_776 : i32 to index
        %swap3A_863 = arith.constant 272 : index
        %swap3A_864 = tpu.vector_load %arg10[%swap3A_862, %swap3A_863] {strides = array<i32>} : memref<64x768xf32, #tpu.memory_space<vmem>>, vector<1x16xf32>,
        %swap3A_865 = vector.shape_cast %swap3A_864 : vector<1x16xf32> to vector<16xf32>
        %swap3A_866 = vector.shape_cast %get3A_169 : vector<16xf32> to vector<1x16xf32>
        tpu.vector_store %arg10[%swap3A_862, %swap3A_863], %swap3A_866 {add = true, strides = array<i32>} : memref<64x768xf32, #tpu.memory_space<vmem>>, vector<1x16xf32>,
        %swap3A_867 = arith.index_cast %scan3A_776 : i32 to index
        %swap3A_868 = arith.constant 288 : index
        %swap3A_869 = tpu.vector_load %arg10[%swap3A_867, %swap3A_868] {strides = array<i32>} : memref<64x768xf32, #tpu.memory_space<vmem>>, vector<1x16xf32>,
        %swap3A_870 = vector.shape_cast %swap3A_869 : vector<1x16xf32> to vector<16xf32>
        %swap3A_871 = vector.shape_cast %get3A_172 : vector<16xf32> to vector<1x16xf32>
        tpu.vector_store %arg10[%swap3A_867, %swap3A_868], %swap3A_871 {add = true, strides = array<i32>} : memref<64x768xf32, #tpu.memory_space<vmem>>, vector<1x16xf32>,
        %swap3A_872 = arith.index_cast %scan3A_776 : i32 to index
        %swap3A_873 = arith.constant 304 : index
        %swap3A_874 = tpu.vector_load %arg10[%swap3A_872, %swap3A_873] {strides = array<i32>} : memref<64x768xf32, #tpu.memory_space<vmem>>, vector<1x16xf32>,
        %swap3A_875 = vector.shape_cast %swap3A_874 : vector<1x16xf32> to vector<16xf32>
        %swap3A_876 = vector.shape_cast %get3A_175 : vector<16xf32> to vector<1x16xf32>
        tpu.vector_store %arg10[%swap3A_872, %swap3A_873], %swap3A_876 {add = true, strides = array<i32>} : memref<64x768xf32, #tpu.memory_space<vmem>>, vector<1x16xf32>,
        %swap3A_877 = arith.index_cast %scan3A_776 : i32 to index
        %swap3A_878 = arith.constant 320 : index
        %swap3A_879 = tpu.vector_load %arg10[%swap3A_877, %swap3A_878] {strides = array<i32>} : memref<64x768xf32, #tpu.memory_space<vmem>>, vector<1x16xf32>,
        %swap3A_880 = vector.shape_cast %swap3A_879 : vector<1x16xf32> to vector<16xf32>
        %swap3A_881 = vector.shape_cast %get3A_178 : vector<16xf32> to vector<1x16xf32>
        tpu.vector_store %arg10[%swap3A_877, %swap3A_878], %swap3A_881 {add = true, strides = array<i32>} : memref<64x768xf32, #tpu.memory_space<vmem>>, vector<1x16xf32>,
        %swap3A_882 = arith.index_cast %scan3A_776 : i32 to index
        %swap3A_883 = arith.constant 336 : index
        %swap3A_884 = tpu.vector_load %arg10[%swap3A_882, %swap3A_883] {strides = array<i32>} : memref<64x768xf32, #tpu.memory_space<vmem>>, vector<1x16xf32>,
        %swap3A_885 = vector.shape_cast %swap3A_884 : vector<1x16xf32> to vector<16xf32>
        %swap3A_886 = vector.shape_cast %get3A_181 : vector<16xf32> to vector<1x16xf32>
        tpu.vector_store %arg10[%swap3A_882, %swap3A_883], %swap3A_886 {add = true, strides = array<i32>} : memref<64x768xf32, #tpu.memory_space<vmem>>, vector<1x16xf32>,
        %swap3A_887 = arith.index_cast %scan3A_776 : i32 to index
        %swap3A_888 = arith.constant 352 : index
        %swap3A_889 = tpu.vector_load %arg10[%swap3A_887, %swap3A_888] {strides = array<i32>} : memref<64x768xf32, #tpu.memory_space<vmem>>, vector<1x16xf32>,
        %swap3A_890 = vector.shape_cast %swap3A_889 : vector<1x16xf32> to vector<16xf32>
        %swap3A_891 = vector.shape_cast %get3A_184 : vector<16xf32> to vector<1x16xf32>
        tpu.vector_store %arg10[%swap3A_887, %swap3A_888], %swap3A_891 {add = true, strides = array<i32>} : memref<64x768xf32, #tpu.memory_space<vmem>>, vector<1x16xf32>,
        %swap3A_892 = arith.index_cast %scan3A_776 : i32 to index
        %swap3A_893 = arith.constant 368 : index
        %swap3A_894 = tpu.vector_load %arg10[%swap3A_892, %swap3A_893] {strides = array<i32>} : memref<64x768xf32, #tpu.memory_space<vmem>>, vector<1x16xf32>,
        %swap3A_895 = vector.shape_cast %swap3A_894 : vector<1x16xf32> to vector<16xf32>
        %swap3A_896 = vector.shape_cast %get3A_187 : vector<16xf32> to vector<1x16xf32>
        tpu.vector_store %arg10[%swap3A_892, %swap3A_893], %swap3A_896 {add = true, strides = array<i32>} : memref<64x768xf32, #tpu.memory_space<vmem>>, vector<1x16xf32>,
        %swap3A_897 = arith.index_cast %scan3A_776 : i32 to index
        %swap3A_898 = arith.constant 384 : index
        %swap3A_899 = tpu.vector_load %arg10[%swap3A_897, %swap3A_898] {strides = array<i32>} : memref<64x768xf32, #tpu.memory_space<vmem>>, vector<1x16xf32>,
        %swap3A_900 = vector.shape_cast %swap3A_899 : vector<1x16xf32> to vector<16xf32>
        %swap3A_901 = vector.shape_cast %get3A_190 : vector<16xf32> to vector<1x16xf32>
        tpu.vector_store %arg10[%swap3A_897, %swap3A_898], %swap3A_901 {add = true, strides = array<i32>} : memref<64x768xf32, #tpu.memory_space<vmem>>, vector<1x16xf32>,
        %swap3A_902 = arith.index_cast %scan3A_776 : i32 to index
        %swap3A_903 = arith.constant 400 : index
        %swap3A_904 = tpu.vector_load %arg10[%swap3A_902, %swap3A_903] {strides = array<i32>} : memref<64x768xf32, #tpu.memory_space<vmem>>, vector<1x16xf32>,
        %swap3A_905 = vector.shape_cast %swap3A_904 : vector<1x16xf32> to vector<16xf32>
        %swap3A_906 = vector.shape_cast %get3A_193 : vector<16xf32> to vector<1x16xf32>
        tpu.vector_store %arg10[%swap3A_902, %swap3A_903], %swap3A_906 {add = true, strides = array<i32>} : memref<64x768xf32, #tpu.memory_space<vmem>>, vector<1x16xf32>,
        %swap3A_907 = arith.index_cast %scan3A_776 : i32 to index
        %swap3A_908 = arith.constant 416 : index
        %swap3A_909 = tpu.vector_load %arg10[%swap3A_907, %swap3A_908] {strides = array<i32>} : memref<64x768xf32, #tpu.memory_space<vmem>>, vector<1x16xf32>,
        %swap3A_910 = vector.shape_cast %swap3A_909 : vector<1x16xf32> to vector<16xf32>
        %swap3A_911 = vector.shape_cast %get3A_196 : vector<16xf32> to vector<1x16xf32>
        tpu.vector_store %arg10[%swap3A_907, %swap3A_908], %swap3A_911 {add = true, strides = array<i32>} : memref<64x768xf32, #tpu.memory_space<vmem>>, vector<1x16xf32>,
        %swap3A_912 = arith.index_cast %scan3A_776 : i32 to index
        %swap3A_913 = arith.constant 432 : index
        %swap3A_914 = tpu.vector_load %arg10[%swap3A_912, %swap3A_913] {strides = array<i32>} : memref<64x768xf32, #tpu.memory_space<vmem>>, vector<1x16xf32>,
        %swap3A_915 = vector.shape_cast %swap3A_914 : vector<1x16xf32> to vector<16xf32>
        %swap3A_916 = vector.shape_cast %get3A_199 : vector<16xf32> to vector<1x16xf32>
        tpu.vector_store %arg10[%swap3A_912, %swap3A_913], %swap3A_916 {add = true, strides = array<i32>} : memref<64x768xf32, #tpu.memory_space<vmem>>, vector<1x16xf32>,
        %swap3A_917 = arith.index_cast %scan3A_776 : i32 to index
        %swap3A_918 = arith.constant 448 : index
        %swap3A_919 = tpu.vector_load %arg10[%swap3A_917, %swap3A_918] {strides = array<i32>} : memref<64x768xf32, #tpu.memory_space<vmem>>, vector<1x16xf32>,
        %swap3A_920 = vector.shape_cast %swap3A_919 : vector<1x16xf32> to vector<16xf32>
        %swap3A_921 = vector.shape_cast %get3A_202 : vector<16xf32> to vector<1x16xf32>
        tpu.vector_store %arg10[%swap3A_917, %swap3A_918], %swap3A_921 {add = true, strides = array<i32>} : memref<64x768xf32, #tpu.memory_space<vmem>>, vector<1x16xf32>,
        %swap3A_922 = arith.index_cast %scan3A_776 : i32 to index
        %swap3A_923 = arith.constant 464 : index
        %swap3A_924 = tpu.vector_load %arg10[%swap3A_922, %swap3A_923] {strides = array<i32>} : memref<64x768xf32, #tpu.memory_space<vmem>>, vector<1x16xf32>,
        %swap3A_925 = vector.shape_cast %swap3A_924 : vector<1x16xf32> to vector<16xf32>
        %swap3A_926 = vector.shape_cast %get3A_205 : vector<16xf32> to vector<1x16xf32>
        tpu.vector_store %arg10[%swap3A_922, %swap3A_923], %swap3A_926 {add = true, strides = array<i32>} : memref<64x768xf32, #tpu.memory_space<vmem>>, vector<1x16xf32>,
        %swap3A_927 = arith.index_cast %scan3A_776 : i32 to index
        %swap3A_928 = arith.constant 480 : index
        %swap3A_929 = tpu.vector_load %arg10[%swap3A_927, %swap3A_928] {strides = array<i32>} : memref<64x768xf32, #tpu.memory_space<vmem>>, vector<1x16xf32>,
        %swap3A_930 = vector.shape_cast %swap3A_929 : vector<1x16xf32> to vector<16xf32>
        %swap3A_931 = vector.shape_cast %get3A_208 : vector<16xf32> to vector<1x16xf32>
        tpu.vector_store %arg10[%swap3A_927, %swap3A_928], %swap3A_931 {add = true, strides = array<i32>} : memref<64x768xf32, #tpu.memory_space<vmem>>, vector<1x16xf32>,
        %swap3A_932 = arith.index_cast %scan3A_776 : i32 to index
        %swap3A_933 = arith.constant 496 : index
        %swap3A_934 = tpu.vector_load %arg10[%swap3A_932, %swap3A_933] {strides = array<i32>} : memref<64x768xf32, #tpu.memory_space<vmem>>, vector<1x16xf32>,
        %swap3A_935 = vector.shape_cast %swap3A_934 : vector<1x16xf32> to vector<16xf32>
        %swap3A_936 = vector.shape_cast %get3A_211 : vector<16xf32> to vector<1x16xf32>
        tpu.vector_store %arg10[%swap3A_932, %swap3A_933], %swap3A_936 {add = true, strides = array<i32>} : memref<64x768xf32, #tpu.memory_space<vmem>>, vector<1x16xf32>,
        %swap3A_937 = arith.index_cast %scan3A_776 : i32 to index
        %swap3A_938 = arith.constant 512 : index
        %swap3A_939 = tpu.vector_load %arg10[%swap3A_937, %swap3A_938] {strides = array<i32>} : memref<64x768xf32, #tpu.memory_space<vmem>>, vector<1x16xf32>,
        %swap3A_940 = vector.shape_cast %swap3A_939 : vector<1x16xf32> to vector<16xf32>
        %swap3A_941 = vector.shape_cast %get3A_214 : vector<16xf32> to vector<1x16xf32>
        tpu.vector_store %arg10[%swap3A_937, %swap3A_938], %swap3A_941 {add = true, strides = array<i32>} : memref<64x768xf32, #tpu.memory_space<vmem>>, vector<1x16xf32>,
        %swap3A_942 = arith.index_cast %scan3A_776 : i32 to index
        %swap3A_943 = arith.constant 528 : index
        %swap3A_944 = tpu.vector_load %arg10[%swap3A_942, %swap3A_943] {strides = array<i32>} : memref<64x768xf32, #tpu.memory_space<vmem>>, vector<1x16xf32>,
        %swap3A_945 = vector.shape_cast %swap3A_944 : vector<1x16xf32> to vector<16xf32>
        %swap3A_946 = vector.shape_cast %get3A_217 : vector<16xf32> to vector<1x16xf32>
        tpu.vector_store %arg10[%swap3A_942, %swap3A_943], %swap3A_946 {add = true, strides = array<i32>} : memref<64x768xf32, #tpu.memory_space<vmem>>, vector<1x16xf32>,
        %swap3A_947 = arith.index_cast %scan3A_776 : i32 to index
        %swap3A_948 = arith.constant 544 : index
        %swap3A_949 = tpu.vector_load %arg10[%swap3A_947, %swap3A_948] {strides = array<i32>} : memref<64x768xf32, #tpu.memory_space<vmem>>, vector<1x16xf32>,
        %swap3A_950 = vector.shape_cast %swap3A_949 : vector<1x16xf32> to vector<16xf32>
        %swap3A_951 = vector.shape_cast %get3A_220 : vector<16xf32> to vector<1x16xf32>
        tpu.vector_store %arg10[%swap3A_947, %swap3A_948], %swap3A_951 {add = true, strides = array<i32>} : memref<64x768xf32, #tpu.memory_space<vmem>>, vector<1x16xf32>,
        %swap3A_952 = arith.index_cast %scan3A_776 : i32 to index
        %swap3A_953 = arith.constant 560 : index
        %swap3A_954 = tpu.vector_load %arg10[%swap3A_952, %swap3A_953] {strides = array<i32>} : memref<64x768xf32, #tpu.memory_space<vmem>>, vector<1x16xf32>,
        %swap3A_955 = vector.shape_cast %swap3A_954 : vector<1x16xf32> to vector<16xf32>
        %swap3A_956 = vector.shape_cast %get3A_223 : vector<16xf32> to vector<1x16xf32>
        tpu.vector_store %arg10[%swap3A_952, %swap3A_953], %swap3A_956 {add = true, strides = array<i32>} : memref<64x768xf32, #tpu.memory_space<vmem>>, vector<1x16xf32>,
        %swap3A_957 = arith.index_cast %scan3A_776 : i32 to index
        %swap3A_958 = arith.constant 576 : index
        %swap3A_959 = tpu.vector_load %arg10[%swap3A_957, %swap3A_958] {strides = array<i32>} : memref<64x768xf32, #tpu.memory_space<vmem>>, vector<1x16xf32>,
        %swap3A_960 = vector.shape_cast %swap3A_959 : vector<1x16xf32> to vector<16xf32>
        %swap3A_961 = vector.shape_cast %get3A_226 : vector<16xf32> to vector<1x16xf32>
        tpu.vector_store %arg10[%swap3A_957, %swap3A_958], %swap3A_961 {add = true, strides = array<i32>} : memref<64x768xf32, #tpu.memory_space<vmem>>, vector<1x16xf32>,
        %swap3A_962 = arith.index_cast %scan3A_776 : i32 to index
        %swap3A_963 = arith.constant 592 : index
        %swap3A_964 = tpu.vector_load %arg10[%swap3A_962, %swap3A_963] {strides = array<i32>} : memref<64x768xf32, #tpu.memory_space<vmem>>, vector<1x16xf32>,
        %swap3A_965 = vector.shape_cast %swap3A_964 : vector<1x16xf32> to vector<16xf32>
        %swap3A_966 = vector.shape_cast %get3A_229 : vector<16xf32> to vector<1x16xf32>
        tpu.vector_store %arg10[%swap3A_962, %swap3A_963], %swap3A_966 {add = true, strides = array<i32>} : memref<64x768xf32, #tpu.memory_space<vmem>>, vector<1x16xf32>,
        %swap3A_967 = arith.index_cast %scan3A_776 : i32 to index
        %swap3A_968 = arith.constant 608 : index
        %swap3A_969 = tpu.vector_load %arg10[%swap3A_967, %swap3A_968] {strides = array<i32>} : memref<64x768xf32, #tpu.memory_space<vmem>>, vector<1x16xf32>,
        %swap3A_970 = vector.shape_cast %swap3A_969 : vector<1x16xf32> to vector<16xf32>
        %swap3A_971 = vector.shape_cast %get3A_232 : vector<16xf32> to vector<1x16xf32>
        tpu.vector_store %arg10[%swap3A_967, %swap3A_968], %swap3A_971 {add = true, strides = array<i32>} : memref<64x768xf32, #tpu.memory_space<vmem>>, vector<1x16xf32>,
        %swap3A_972 = arith.index_cast %scan3A_776 : i32 to index
        %swap3A_973 = arith.constant 624 : index
        %swap3A_974 = tpu.vector_load %arg10[%swap3A_972, %swap3A_973] {strides = array<i32>} : memref<64x768xf32, #tpu.memory_space<vmem>>, vector<1x16xf32>,
        %swap3A_975 = vector.shape_cast %swap3A_974 : vector<1x16xf32> to vector<16xf32>
        %swap3A_976 = vector.shape_cast %get3A_235 : vector<16xf32> to vector<1x16xf32>
        tpu.vector_store %arg10[%swap3A_972, %swap3A_973], %swap3A_976 {add = true, strides = array<i32>} : memref<64x768xf32, #tpu.memory_space<vmem>>, vector<1x16xf32>,
        %swap3A_977 = arith.index_cast %scan3A_776 : i32 to index
        %swap3A_978 = arith.constant 640 : index
        %swap3A_979 = tpu.vector_load %arg10[%swap3A_977, %swap3A_978] {strides = array<i32>} : memref<64x768xf32, #tpu.memory_space<vmem>>, vector<1x16xf32>,
        %swap3A_980 = vector.shape_cast %swap3A_979 : vector<1x16xf32> to vector<16xf32>
        %swap3A_981 = vector.shape_cast %get3A_238 : vector<16xf32> to vector<1x16xf32>
        tpu.vector_store %arg10[%swap3A_977, %swap3A_978], %swap3A_981 {add = true, strides = array<i32>} : memref<64x768xf32, #tpu.memory_space<vmem>>, vector<1x16xf32>,
        %swap3A_982 = arith.index_cast %scan3A_776 : i32 to index
        %swap3A_983 = arith.constant 656 : index
        %swap3A_984 = tpu.vector_load %arg10[%swap3A_982, %swap3A_983] {strides = array<i32>} : memref<64x768xf32, #tpu.memory_space<vmem>>, vector<1x16xf32>,
        %swap3A_985 = vector.shape_cast %swap3A_984 : vector<1x16xf32> to vector<16xf32>
        %swap3A_986 = vector.shape_cast %get3A_241 : vector<16xf32> to vector<1x16xf32>
        tpu.vector_store %arg10[%swap3A_982, %swap3A_983], %swap3A_986 {add = true, strides = array<i32>} : memref<64x768xf32, #tpu.memory_space<vmem>>, vector<1x16xf32>,
        %swap3A_987 = arith.index_cast %scan3A_776 : i32 to index
        %swap3A_988 = arith.constant 672 : index
        %swap3A_989 = tpu.vector_load %arg10[%swap3A_987, %swap3A_988] {strides = array<i32>} : memref<64x768xf32, #tpu.memory_space<vmem>>, vector<1x16xf32>,
        %swap3A_990 = vector.shape_cast %swap3A_989 : vector<1x16xf32> to vector<16xf32>
        %swap3A_991 = vector.shape_cast %get3A_244 : vector<16xf32> to vector<1x16xf32>
        tpu.vector_store %arg10[%swap3A_987, %swap3A_988], %swap3A_991 {add = true, strides = array<i32>} : memref<64x768xf32, #tpu.memory_space<vmem>>, vector<1x16xf32>,
        %swap3A_992 = arith.index_cast %scan3A_776 : i32 to index
        %swap3A_993 = arith.constant 688 : index
        %swap3A_994 = tpu.vector_load %arg10[%swap3A_992, %swap3A_993] {strides = array<i32>} : memref<64x768xf32, #tpu.memory_space<vmem>>, vector<1x16xf32>,
        %swap3A_995 = vector.shape_cast %swap3A_994 : vector<1x16xf32> to vector<16xf32>
        %swap3A_996 = vector.shape_cast %get3A_247 : vector<16xf32> to vector<1x16xf32>
        tpu.vector_store %arg10[%swap3A_992, %swap3A_993], %swap3A_996 {add = true, strides = array<i32>} : memref<64x768xf32, #tpu.memory_space<vmem>>, vector<1x16xf32>,
        %swap3A_997 = arith.index_cast %scan3A_776 : i32 to index
        %swap3A_998 = arith.constant 704 : index
        %swap3A_999 = tpu.vector_load %arg10[%swap3A_997, %swap3A_998] {strides = array<i32>} : memref<64x768xf32, #tpu.memory_space<vmem>>, vector<1x16xf32>,
        %swap3A_1000 = vector.shape_cast %swap3A_999 : vector<1x16xf32> to vector<16xf32>
        %swap3A_1001 = vector.shape_cast %get3A_250 : vector<16xf32> to vector<1x16xf32>
        tpu.vector_store %arg10[%swap3A_997, %swap3A_998], %swap3A_1001 {add = true, strides = array<i32>} : memref<64x768xf32, #tpu.memory_space<vmem>>, vector<1x16xf32>,
        %swap3A_1002 = arith.index_cast %scan3A_776 : i32 to index
        %swap3A_1003 = arith.constant 720 : index
        %swap3A_1004 = tpu.vector_load %arg10[%swap3A_1002, %swap3A_1003] {strides = array<i32>} : memref<64x768xf32, #tpu.memory_space<vmem>>, vector<1x16xf32>,
        %swap3A_1005 = vector.shape_cast %swap3A_1004 : vector<1x16xf32> to vector<16xf32>
        %swap3A_1006 = vector.shape_cast %get3A_253 : vector<16xf32> to vector<1x16xf32>
        tpu.vector_store %arg10[%swap3A_1002, %swap3A_1003], %swap3A_1006 {add = true, strides = array<i32>} : memref<64x768xf32, #tpu.memory_space<vmem>>, vector<1x16xf32>,
        %swap3A_1007 = arith.index_cast %scan3A_776 : i32 to index
        %swap3A_1008 = arith.constant 736 : index
        %swap3A_1009 = tpu.vector_load %arg10[%swap3A_1007, %swap3A_1008] {strides = array<i32>} : memref<64x768xf32, #tpu.memory_space<vmem>>, vector<1x16xf32>,
        %swap3A_1010 = vector.shape_cast %swap3A_1009 : vector<1x16xf32> to vector<16xf32>
        %swap3A_1011 = vector.shape_cast %get3A_256 : vector<16xf32> to vector<1x16xf32>
        tpu.vector_store %arg10[%swap3A_1007, %swap3A_1008], %swap3A_1011 {add = true, strides = array<i32>} : memref<64x768xf32, #tpu.memory_space<vmem>>, vector<1x16xf32>,
        %swap3A_1012 = arith.index_cast %scan3A_776 : i32 to index
        %swap3A_1013 = arith.constant 752 : index
        %swap3A_1014 = tpu.vector_load %arg10[%swap3A_1012, %swap3A_1013] {strides = array<i32>} : memref<64x768xf32, #tpu.memory_space<vmem>>, vector<1x16xf32>,
        %swap3A_1015 = vector.shape_cast %swap3A_1014 : vector<1x16xf32> to vector<16xf32>
        %swap3A_1016 = vector.shape_cast %get3A_259 : vector<16xf32> to vector<1x16xf32>
        tpu.vector_store %arg10[%swap3A_1012, %swap3A_1013], %swap3A_1016 {add = true, strides = array<i32>} : memref<64x768xf32, #tpu.memory_space<vmem>>, vector<1x16xf32>,
      }
      %scan3A_296 = arith.constant 32 : i32
      %mul3A_297 = arith.constant 4096 : i32
      %mul3A_298 = arith.muli %scan3A_106, %mul3A_297 : i32
      %add3A_299 = arith.addi %mul3A_298, %add3A_108 : i32
      %add3A_300 = arith.constant 32 : i32
      %add3A_301 = arith.addi %add3A_299, %add3A_300 : i32
      %dma_start3A_302 = arith.constant 32 : i32
      %dma_start3A_303 = arith.constant 0 : i32
      %dma_start3A_304 = tpu.memref_slice %arg10[%dma_start3A_302, %dma_start3A_303] : memref<64x768xf32, #tpu.memory_space<vmem>> -> memref<32x768xf32, #tpu.memory_space<vmem>>
      %dma_start3A_305 = arith.constant 0 : i32
      %dma_start3A_306 = tpu.memref_slice %arg5[%add3A_301, %dma_start3A_305] : memref<315392x768xf32, #tpu.memory_space<hbm>> -> memref<32x768xf32, #tpu.memory_space<hbm>>
      %dma_start3A_307 = arith.constant 0 : i32
      %dma_start3A_308 = tpu.memref_slice %arg5[%add3A_301, %dma_start3A_307] : memref<315392x768xf32, #tpu.memory_space<hbm>> -> memref<32x768xf32, #tpu.memory_space<hbm>>
      %dma_start3A_309 = arith.constant 32 : i32
      %dma_start3A_310 = arith.constant 0 : i32
      %dma_start3A_311 = tpu.memref_slice %arg10[%dma_start3A_309, %dma_start3A_310] : memref<64x768xf32, #tpu.memory_space<vmem>> -> memref<32x768xf32, #tpu.memory_space<vmem>>
      tpu.enqueue_dma source(%dma_start3A_311 : memref<32x768xf32, #tpu.memory_space<vmem>>) target(%dma_start3A_308 : memref<32x768xf32, #tpu.memory_space<hbm>>) target_semaphore(%arg16 : memref<!tpu.dma_semaphore, #tpu.memory_space<semaphore_mem>>)
      %add3A_312 = arith.constant 1 : i32
      %add3A_313 = arith.addi %scan3A_106, %add3A_312 : i32
      %lt3A_314 = arith.constant 77 : i32
      %lt3A_315 = arith.cmpi slt, %add3A_313, %lt3A_314 : i32
      %convert_element_type3A_316 = arith.extui %lt3A_315 : i1 to i32
      %cond3A_317 = arith.constant 0 : i32
      %cond3A_318 = arith.cmpi ne, %convert_element_type3A_316, %cond3A_317 : i32
      scf.if %cond3A_318 {
        %add3A_535 = arith.constant 1 : i32
        %add3A_536 = arith.addi %scan3A_106, %add3A_535 : i32
        %mul3A_537 = arith.constant 4096 : i32
        %mul3A_538 = arith.muli %add3A_536, %mul3A_537 : i32
        %add3A_539 = arith.addi %mul3A_538, %add3A_108 : i32
        %dma_wait3A_540 = tpu.memref_slice %arg2[%add3A_539] : memref<315392xi32, #tpu.memory_space<hbm>> -> memref<64xi32, #tpu.memory_space<hbm>>
        %dma_wait3A_541 = tpu.memref_slice %arg2[%add3A_539] : memref<315392xi32, #tpu.memory_space<hbm>> -> memref<64xi32, #tpu.memory_space<hbm>>
        tpu.wait_dma2 semaphore(%arg18 : memref<!tpu.dma_semaphore, #tpu.memory_space<semaphore_mem>>) src(%dma_wait3A_541 : memref<64xi32, #tpu.memory_space<hbm>>) dst(%arg6 : memref<64xi32, #tpu.memory_space<vmem>>)
        %add3A_542 = arith.constant 1 : i32
        %add3A_543 = arith.addi %scan3A_106, %add3A_542 : i32
        %mul3A_544 = arith.constant 768 : i32
        %mul3A_545 = arith.muli %add3A_543, %mul3A_544 : i32
        %dma_wait3A_546 = tpu.memref_slice %arg4[%mul3A_545] : memref<59136xf32, #tpu.memory_space<hbm>> -> memref<768xf32, #tpu.memory_space<hbm>>
        %dma_wait3A_547 = tpu.memref_slice %arg4[%mul3A_545] : memref<59136xf32, #tpu.memory_space<hbm>> -> memref<768xf32, #tpu.memory_space<hbm>>
        tpu.wait_dma2 semaphore(%arg18 : memref<!tpu.dma_semaphore, #tpu.memory_space<semaphore_mem>>) src(%dma_wait3A_547 : memref<768xf32, #tpu.memory_space<hbm>>) dst(%arg8 : memref<768xf32, #tpu.memory_space<vmem>>)
        %mul3A_548 = arith.constant 4096 : i32
        %mul3A_549 = arith.muli %scan3A_106, %mul3A_548 : i32
        %add3A_550 = arith.addi %mul3A_549, %add3A_108 : i32
        %add3A_551 = arith.constant 0 : i32
        %add3A_552 = arith.addi %add3A_550, %add3A_551 : i32
        %dma_wait3A_553 = arith.constant 0 : i32
        %dma_wait3A_554 = arith.constant 0 : i32
        %dma_wait3A_555 = tpu.memref_slice %arg10[%dma_wait3A_553, %dma_wait3A_554] : memref<64x768xf32, #tpu.memory_space<vmem>> -> memref<32x768xf32, #tpu.memory_space<vmem>>
        %dma_wait3A_556 = arith.constant 0 : i32
        %dma_wait3A_557 = tpu.memref_slice %arg5[%add3A_552, %dma_wait3A_556] : memref<315392x768xf32, #tpu.memory_space<hbm>> -> memref<32x768xf32, #tpu.memory_space<hbm>>
        %dma_wait3A_558 = arith.constant 0 : i32
        %dma_wait3A_559 = tpu.memref_slice %arg5[%add3A_552, %dma_wait3A_558] : memref<315392x768xf32, #tpu.memory_space<hbm>> -> memref<32x768xf32, #tpu.memory_space<hbm>>
        %dma_wait3A_560 = arith.constant 0 : i32
        %dma_wait3A_561 = arith.constant 0 : i32
        %dma_wait3A_562 = tpu.memref_slice %arg10[%dma_wait3A_560, %dma_wait3A_561] : memref<64x768xf32, #tpu.memory_space<vmem>> -> memref<32x768xf32, #tpu.memory_space<vmem>>
        tpu.wait_dma2 semaphore(%arg16 : memref<!tpu.dma_semaphore, #tpu.memory_space<semaphore_mem>>) src(%dma_wait3A_562 : memref<32x768xf32, #tpu.memory_space<vmem>>) dst(%dma_wait3A_559 : memref<32x768xf32, #tpu.memory_space<hbm>>)
        %mul3A_563 = arith.constant 4096 : i32
        %mul3A_564 = arith.muli %scan3A_106, %mul3A_563 : i32
        %add3A_565 = arith.addi %mul3A_564, %add3A_108 : i32
        %add3A_566 = arith.constant 32 : i32
        %add3A_567 = arith.addi %add3A_565, %add3A_566 : i32
        %dma_wait3A_568 = arith.constant 32 : i32
        %dma_wait3A_569 = arith.constant 0 : i32
        %dma_wait3A_570 = tpu.memref_slice %arg10[%dma_wait3A_568, %dma_wait3A_569] : memref<64x768xf32, #tpu.memory_space<vmem>> -> memref<32x768xf32, #tpu.memory_space<vmem>>
        %dma_wait3A_571 = arith.constant 0 : i32
        %dma_wait3A_572 = tpu.memref_slice %arg5[%add3A_567, %dma_wait3A_571] : memref<315392x768xf32, #tpu.memory_space<hbm>> -> memref<32x768xf32, #tpu.memory_space<hbm>>
        %dma_wait3A_573 = arith.constant 0 : i32
        %dma_wait3A_574 = tpu.memref_slice %arg5[%add3A_567, %dma_wait3A_573] : memref<315392x768xf32, #tpu.memory_space<hbm>> -> memref<32x768xf32, #tpu.memory_space<hbm>>
        %dma_wait3A_575 = arith.constant 32 : i32
        %dma_wait3A_576 = arith.constant 0 : i32
        %dma_wait3A_577 = tpu.memref_slice %arg10[%dma_wait3A_575, %dma_wait3A_576] : memref<64x768xf32, #tpu.memory_space<vmem>> -> memref<32x768xf32, #tpu.memory_space<vmem>>
        tpu.wait_dma2 semaphore(%arg16 : memref<!tpu.dma_semaphore, #tpu.memory_space<semaphore_mem>>) src(%dma_wait3A_577 : memref<32x768xf32, #tpu.memory_space<vmem>>) dst(%dma_wait3A_574 : memref<32x768xf32, #tpu.memory_space<hbm>>)
        %add3A_578 = arith.constant 1 : i32
        %add3A_579 = arith.addi %scan3A_106, %add3A_578 : i32
        %dma_start3A_580 = arith.constant 0 : i32
        %dma_start3A_581 = arith.constant 0 : i32
        %dma_start3A_582 = tpu.memref_slice %arg10[%dma_start3A_580, %dma_start3A_581] : memref<64x768xf32, #tpu.memory_space<vmem>> -> memref<32x768xf32, #tpu.memory_space<vmem>>
        %dma_start3A_583 = arith.constant 0 : i32
        %dma_start3A_584 = tpu.memref_slice %arg6[%dma_start3A_583] : memref<64xi32, #tpu.memory_space<vmem>> -> memref<32xi32, #tpu.memory_space<vmem>>
        %dma_start3A_585 = arith.constant 0 : i32
        %dma_start3A_586 = arith.constant 0 : i32
        %dma_start3A_587 = tpu.memref_slice %arg3[%dma_start3A_585, %dma_start3A_586] : memref<49408x768xf32, #tpu.memory_space<hbm>> -> memref<49408x768xf32, #tpu.memory_space<hbm>>
        tpu.enqueue_indirect_dma source(%dma_start3A_587 : memref<49408x768xf32, #tpu.memory_space<hbm>>) target(%dma_start3A_582 : memref<32x768xf32, #tpu.memory_space<vmem>>) offsets(%dma_start3A_584 : memref<32xi32, #tpu.memory_space<vmem>>) semaphore(%arg12 : memref<!tpu.dma_semaphore, #tpu.memory_space<semaphore_mem>>)
        %dma_start3A_588 = arith.constant 32 : i32
        %dma_start3A_589 = arith.constant 0 : i32
        %dma_start3A_590 = tpu.memref_slice %arg10[%dma_start3A_588, %dma_start3A_589] : memref<64x768xf32, #tpu.memory_space<vmem>> -> memref<32x768xf32, #tpu.memory_space<vmem>>
        %dma_start3A_591 = arith.constant 32 : i32
        %dma_start3A_592 = tpu.memref_slice %arg6[%dma_start3A_591] : memref<64xi32, #tpu.memory_space<vmem>> -> memref<32xi32, #tpu.memory_space<vmem>>
        %dma_start3A_593 = arith.constant 0 : i32
        %dma_start3A_594 = arith.constant 0 : i32
        %dma_start3A_595 = tpu.memref_slice %arg3[%dma_start3A_593, %dma_start3A_594] : memref<49408x768xf32, #tpu.memory_space<hbm>> -> memref<49408x768xf32, #tpu.memory_space<hbm>>
        tpu.enqueue_indirect_dma source(%dma_start3A_595 : memref<49408x768xf32, #tpu.memory_space<hbm>>) target(%dma_start3A_590 : memref<32x768xf32, #tpu.memory_space<vmem>>) offsets(%dma_start3A_592 : memref<32xi32, #tpu.memory_space<vmem>>) semaphore(%arg14 : memref<!tpu.dma_semaphore, #tpu.memory_space<semaphore_mem>>)
      } else {
      }
      %add3A_319 = arith.constant 64 : i32
      %add3A_320 = arith.addi %mul3A_2, %add3A_319 : i32
      %dma_wait3A_321 = arith.constant 0 : i32
      %dma_wait3A_322 = arith.constant 0 : i32
      %dma_wait3A_323 = tpu.memref_slice %arg11[%dma_wait3A_321, %dma_wait3A_322] : memref<64x768xf32, #tpu.memory_space<vmem>> -> memref<32x768xf32, #tpu.memory_space<vmem>>
      %dma_wait3A_324 = arith.constant 0 : i32
      %dma_wait3A_325 = tpu.memref_slice %arg7[%dma_wait3A_324] : memref<64xi32, #tpu.memory_space<vmem>> -> memref<32xi32, #tpu.memory_space<vmem>>
      %dma_wait3A_326 = arith.constant 0 : i32
      %dma_wait3A_327 = arith.constant 0 : i32
      %dma_wait3A_328 = tpu.memref_slice %arg3[%dma_wait3A_326, %dma_wait3A_327] : memref<49408x768xf32, #tpu.memory_space<hbm>> -> memref<49408x768xf32, #tpu.memory_space<hbm>>
      tpu.wait_indirect_dma semaphore(%arg13 : memref<!tpu.dma_semaphore, #tpu.memory_space<semaphore_mem>>) src(%dma_wait3A_328 : memref<49408x768xf32, #tpu.memory_space<hbm>>) dst(%dma_wait3A_323 : memref<32x768xf32, #tpu.memory_space<vmem>>)
      %get3A_329 = arith.constant 0 : index
      %get3A_330 = tpu.vector_load %arg9[%get3A_329] {strides = array<i32>} : memref<768xf32, #tpu.memory_space<vmem>>, vector<16xf32>,
      %get3A_331 = vector.shape_cast %get3A_330 : vector<16xf32> to vector<16xf32>
      %get3A_332 = arith.constant 16 : index
      %get3A_333 = tpu.vector_load %arg9[%get3A_332] {strides = array<i32>} : memref<768xf32, #tpu.memory_space<vmem>>, vector<16xf32>,
      %get3A_334 = vector.shape_cast %get3A_333 : vector<16xf32> to vector<16xf32>
      %get3A_335 = arith.constant 32 : index
      %get3A_336 = tpu.vector_load %arg9[%get3A_335] {strides = array<i32>} : memref<768xf32, #tpu.memory_space<vmem>>, vector<16xf32>,
      %get3A_337 = vector.shape_cast %get3A_336 : vector<16xf32> to vector<16xf32>
      %get3A_338 = arith.constant 48 : index
      %get3A_339 = tpu.vector_load %arg9[%get3A_338] {strides = array<i32>} : memref<768xf32, #tpu.memory_space<vmem>>, vector<16xf32>,
      %get3A_340 = vector.shape_cast %get3A_339 : vector<16xf32> to vector<16xf32>
      %get3A_341 = arith.constant 64 : index
      %get3A_342 = tpu.vector_load %arg9[%get3A_341] {strides = array<i32>} : memref<768xf32, #tpu.memory_space<vmem>>, vector<16xf32>,
      %get3A_343 = vector.shape_cast %get3A_342 : vector<16xf32> to vector<16xf32>
      %get3A_344 = arith.constant 80 : index
      %get3A_345 = tpu.vector_load %arg9[%get3A_344] {strides = array<i32>} : memref<768xf32, #tpu.memory_space<vmem>>, vector<16xf32>,
      %get3A_346 = vector.shape_cast %get3A_345 : vector<16xf32> to vector<16xf32>
      %get3A_347 = arith.constant 96 : index
      %get3A_348 = tpu.vector_load %arg9[%get3A_347] {strides = array<i32>} : memref<768xf32, #tpu.memory_space<vmem>>, vector<16xf32>,
      %get3A_349 = vector.shape_cast %get3A_348 : vector<16xf32> to vector<16xf32>
      %get3A_350 = arith.constant 112 : index
      %get3A_351 = tpu.vector_load %arg9[%get3A_350] {strides = array<i32>} : memref<768xf32, #tpu.memory_space<vmem>>, vector<16xf32>,
      %get3A_352 = vector.shape_cast %get3A_351 : vector<16xf32> to vector<16xf32>
      %get3A_353 = arith.constant 128 : index
      %get3A_354 = tpu.vector_load %arg9[%get3A_353] {strides = array<i32>} : memref<768xf32, #tpu.memory_space<vmem>>, vector<16xf32>,
      %get3A_355 = vector.shape_cast %get3A_354 : vector<16xf32> to vector<16xf32>
      %get3A_356 = arith.constant 144 : index
      %get3A_357 = tpu.vector_load %arg9[%get3A_356] {strides = array<i32>} : memref<768xf32, #tpu.memory_space<vmem>>, vector<16xf32>,
      %get3A_358 = vector.shape_cast %get3A_357 : vector<16xf32> to vector<16xf32>
      %get3A_359 = arith.constant 160 : index
      %get3A_360 = tpu.vector_load %arg9[%get3A_359] {strides = array<i32>} : memref<768xf32, #tpu.memory_space<vmem>>, vector<16xf32>,
      %get3A_361 = vector.shape_cast %get3A_360 : vector<16xf32> to vector<16xf32>
      %get3A_362 = arith.constant 176 : index
      %get3A_363 = tpu.vector_load %arg9[%get3A_362] {strides = array<i32>} : memref<768xf32, #tpu.memory_space<vmem>>, vector<16xf32>,
      %get3A_364 = vector.shape_cast %get3A_363 : vector<16xf32> to vector<16xf32>
      %get3A_365 = arith.constant 192 : index
      %get3A_366 = tpu.vector_load %arg9[%get3A_365] {strides = array<i32>} : memref<768xf32, #tpu.memory_space<vmem>>, vector<16xf32>,
      %get3A_367 = vector.shape_cast %get3A_366 : vector<16xf32> to vector<16xf32>
      %get3A_368 = arith.constant 208 : index
      %get3A_369 = tpu.vector_load %arg9[%get3A_368] {strides = array<i32>} : memref<768xf32, #tpu.memory_space<vmem>>, vector<16xf32>,
      %get3A_370 = vector.shape_cast %get3A_369 : vector<16xf32> to vector<16xf32>
      %get3A_371 = arith.constant 224 : index
      %get3A_372 = tpu.vector_load %arg9[%get3A_371] {strides = array<i32>} : memref<768xf32, #tpu.memory_space<vmem>>, vector<16xf32>,
      %get3A_373 = vector.shape_cast %get3A_372 : vector<16xf32> to vector<16xf32>
      %get3A_374 = arith.constant 240 : index
      %get3A_375 = tpu.vector_load %arg9[%get3A_374] {strides = array<i32>} : memref<768xf32, #tpu.memory_space<vmem>>, vector<16xf32>,
      %get3A_376 = vector.shape_cast %get3A_375 : vector<16xf32> to vector<16xf32>
      %get3A_377 = arith.constant 256 : index
      %get3A_378 = tpu.vector_load %arg9[%get3A_377] {strides = array<i32>} : memref<768xf32, #tpu.memory_space<vmem>>, vector<16xf32>,
      %get3A_379 = vector.shape_cast %get3A_378 : vector<16xf32> to vector<16xf32>
      %get3A_380 = arith.constant 272 : index
      %get3A_381 = tpu.vector_load %arg9[%get3A_380] {strides = array<i32>} : memref<768xf32, #tpu.memory_space<vmem>>, vector<16xf32>,
      %get3A_382 = vector.shape_cast %get3A_381 : vector<16xf32> to vector<16xf32>
      %get3A_383 = arith.constant 288 : index
      %get3A_384 = tpu.vector_load %arg9[%get3A_383] {strides = array<i32>} : memref<768xf32, #tpu.memory_space<vmem>>, vector<16xf32>,
      %get3A_385 = vector.shape_cast %get3A_384 : vector<16xf32> to vector<16xf32>
      %get3A_386 = arith.constant 304 : index
      %get3A_387 = tpu.vector_load %arg9[%get3A_386] {strides = array<i32>} : memref<768xf32, #tpu.memory_space<vmem>>, vector<16xf32>,
      %get3A_388 = vector.shape_cast %get3A_387 : vector<16xf32> to vector<16xf32>
      %get3A_389 = arith.constant 320 : index
      %get3A_390 = tpu.vector_load %arg9[%get3A_389] {strides = array<i32>} : memref<768xf32, #tpu.memory_space<vmem>>, vector<16xf32>,
      %get3A_391 = vector.shape_cast %get3A_390 : vector<16xf32> to vector<16xf32>
      %get3A_392 = arith.constant 336 : index
      %get3A_393 = tpu.vector_load %arg9[%get3A_392] {strides = array<i32>} : memref<768xf32, #tpu.memory_space<vmem>>, vector<16xf32>,
      %get3A_394 = vector.shape_cast %get3A_393 : vector<16xf32> to vector<16xf32>
      %get3A_395 = arith.constant 352 : index
      %get3A_396 = tpu.vector_load %arg9[%get3A_395] {strides = array<i32>} : memref<768xf32, #tpu.memory_space<vmem>>, vector<16xf32>,
      %get3A_397 = vector.shape_cast %get3A_396 : vector<16xf32> to vector<16xf32>
      %get3A_398 = arith.constant 368 : index
      %get3A_399 = tpu.vector_load %arg9[%get3A_398] {strides = array<i32>} : memref<768xf32, #tpu.memory_space<vmem>>, vector<16xf32>,
      %get3A_400 = vector.shape_cast %get3A_399 : vector<16xf32> to vector<16xf32>
      %get3A_401 = arith.constant 384 : index
      %get3A_402 = tpu.vector_load %arg9[%get3A_401] {strides = array<i32>} : memref<768xf32, #tpu.memory_space<vmem>>, vector<16xf32>,
      %get3A_403 = vector.shape_cast %get3A_402 : vector<16xf32> to vector<16xf32>
      %get3A_404 = arith.constant 400 : index
      %get3A_405 = tpu.vector_load %arg9[%get3A_404] {strides = array<i32>} : memref<768xf32, #tpu.memory_space<vmem>>, vector<16xf32>,
      %get3A_406 = vector.shape_cast %get3A_405 : vector<16xf32> to vector<16xf32>
      %get3A_407 = arith.constant 416 : index
      %get3A_408 = tpu.vector_load %arg9[%get3A_407] {strides = array<i32>} : memref<768xf32, #tpu.memory_space<vmem>>, vector<16xf32>,
      %get3A_409 = vector.shape_cast %get3A_408 : vector<16xf32> to vector<16xf32>
      %get3A_410 = arith.constant 432 : index
      %get3A_411 = tpu.vector_load %arg9[%get3A_410] {strides = array<i32>} : memref<768xf32, #tpu.memory_space<vmem>>, vector<16xf32>,
      %get3A_412 = vector.shape_cast %get3A_411 : vector<16xf32> to vector<16xf32>
      %get3A_413 = arith.constant 448 : index
      %get3A_414 = tpu.vector_load %arg9[%get3A_413] {strides = array<i32>} : memref<768xf32, #tpu.memory_space<vmem>>, vector<16xf32>,
      %get3A_415 = vector.shape_cast %get3A_414 : vector<16xf32> to vector<16xf32>
      %get3A_416 = arith.constant 464 : index
      %get3A_417 = tpu.vector_load %arg9[%get3A_416] {strides = array<i32>} : memref<768xf32, #tpu.memory_space<vmem>>, vector<16xf32>,
      %get3A_418 = vector.shape_cast %get3A_417 : vector<16xf32> to vector<16xf32>
      %get3A_419 = arith.constant 480 : index
      %get3A_420 = tpu.vector_load %arg9[%get3A_419] {strides = array<i32>} : memref<768xf32, #tpu.memory_space<vmem>>, vector<16xf32>,
      %get3A_421 = vector.shape_cast %get3A_420 : vector<16xf32> to vector<16xf32>
      %get3A_422 = arith.constant 496 : index
      %get3A_423 = tpu.vector_load %arg9[%get3A_422] {strides = array<i32>} : memref<768xf32, #tpu.memory_space<vmem>>, vector<16xf32>,
      %get3A_424 = vector.shape_cast %get3A_423 : vector<16xf32> to vector<16xf32>
      %get3A_425 = arith.constant 512 : index
      %get3A_426 = tpu.vector_load %arg9[%get3A_425] {strides = array<i32>} : memref<768xf32, #tpu.memory_space<vmem>>, vector<16xf32>,
      %get3A_427 = vector.shape_cast %get3A_426 : vector<16xf32> to vector<16xf32>
      %get3A_428 = arith.constant 528 : index
      %get3A_429 = tpu.vector_load %arg9[%get3A_428] {strides = array<i32>} : memref<768xf32, #tpu.memory_space<vmem>>, vector<16xf32>,
      %get3A_430 = vector.shape_cast %get3A_429 : vector<16xf32> to vector<16xf32>
      %get3A_431 = arith.constant 544 : index
      %get3A_432 = tpu.vector_load %arg9[%get3A_431] {strides = array<i32>} : memref<768xf32, #tpu.memory_space<vmem>>, vector<16xf32>,
      %get3A_433 = vector.shape_cast %get3A_432 : vector<16xf32> to vector<16xf32>
      %get3A_434 = arith.constant 560 : index
      %get3A_435 = tpu.vector_load %arg9[%get3A_434] {strides = array<i32>} : memref<768xf32, #tpu.memory_space<vmem>>, vector<16xf32>,
      %get3A_436 = vector.shape_cast %get3A_435 : vector<16xf32> to vector<16xf32>
      %get3A_437 = arith.constant 576 : index
      %get3A_438 = tpu.vector_load %arg9[%get3A_437] {strides = array<i32>} : memref<768xf32, #tpu.memory_space<vmem>>, vector<16xf32>,
      %get3A_439 = vector.shape_cast %get3A_438 : vector<16xf32> to vector<16xf32>
      %get3A_440 = arith.constant 592 : index
      %get3A_441 = tpu.vector_load %arg9[%get3A_440] {strides = array<i32>} : memref<768xf32, #tpu.memory_space<vmem>>, vector<16xf32>,
      %get3A_442 = vector.shape_cast %get3A_441 : vector<16xf32> to vector<16xf32>
      %get3A_443 = arith.constant 608 : index
      %get3A_444 = tpu.vector_load %arg9[%get3A_443] {strides = array<i32>} : memref<768xf32, #tpu.memory_space<vmem>>, vector<16xf32>,
      %get3A_445 = vector.shape_cast %get3A_444 : vector<16xf32> to vector<16xf32>
      %get3A_446 = arith.constant 624 : index
      %get3A_447 = tpu.vector_load %arg9[%get3A_446] {strides = array<i32>} : memref<768xf32, #tpu.memory_space<vmem>>, vector<16xf32>,
      %get3A_448 = vector.shape_cast %get3A_447 : vector<16xf32> to vector<16xf32>
      %get3A_449 = arith.constant 640 : index
      %get3A_450 = tpu.vector_load %arg9[%get3A_449] {strides = array<i32>} : memref<768xf32, #tpu.memory_space<vmem>>, vector<16xf32>,
      %get3A_451 = vector.shape_cast %get3A_450 : vector<16xf32> to vector<16xf32>
      %get3A_452 = arith.constant 656 : index
      %get3A_453 = tpu.vector_load %arg9[%get3A_452] {strides = array<i32>} : memref<768xf32, #tpu.memory_space<vmem>>, vector<16xf32>,
      %get3A_454 = vector.shape_cast %get3A_453 : vector<16xf32> to vector<16xf32>
      %get3A_455 = arith.constant 672 : index
      %get3A_456 = tpu.vector_load %arg9[%get3A_455] {strides = array<i32>} : memref<768xf32, #tpu.memory_space<vmem>>, vector<16xf32>,
      %get3A_457 = vector.shape_cast %get3A_456 : vector<16xf32> to vector<16xf32>
      %get3A_458 = arith.constant 688 : index
      %get3A_459 = tpu.vector_load %arg9[%get3A_458] {strides = array<i32>} : memref<768xf32, #tpu.memory_space<vmem>>, vector<16xf32>,
      %get3A_460 = vector.shape_cast %get3A_459 : vector<16xf32> to vector<16xf32>
      %get3A_461 = arith.constant 704 : index
      %get3A_462 = tpu.vector_load %arg9[%get3A_461] {strides = array<i32>} : memref<768xf32, #tpu.memory_space<vmem>>, vector<16xf32>,
      %get3A_463 = vector.shape_cast %get3A_462 : vector<16xf32> to vector<16xf32>
      %get3A_464 = arith.constant 720 : index
      %get3A_465 = tpu.vector_load %arg9[%get3A_464] {strides = array<i32>} : memref<768xf32, #tpu.memory_space<vmem>>, vector<16xf32>,
      %get3A_466 = vector.shape_cast %get3A_465 : vector<16xf32> to vector<16xf32>
      %get3A_467 = arith.constant 736 : index
      %get3A_468 = tpu.vector_load %arg9[%get3A_467] {strides = array<i32>} : memref<768xf32, #tpu.memory_space<vmem>>, vector<16xf32>,
      %get3A_469 = vector.shape_cast %get3A_468 : vector<16xf32> to vector<16xf32>
      %get3A_470 = arith.constant 752 : index
      %get3A_471 = tpu.vector_load %arg9[%get3A_470] {strides = array<i32>} : memref<768xf32, #tpu.memory_space<vmem>>, vector<16xf32>,
      %get3A_472 = vector.shape_cast %get3A_471 : vector<16xf32> to vector<16xf32>
      %scan3A_473 = arith.constant 0 : i32
      %scan3A_474 = arith.constant 32 : i32
      %scan3A_475 = arith.addi %scan3A_473, %scan3A_474 : i32
      %scan3A_476 = arith.constant 2 : i32
      scf.for %scan3A_535 = %scan3A_473 to %scan3A_475 step %scan3A_476  : i32 {
        %swap3A = arith.index_cast %scan3A_535 : i32 to index
        %swap3A_536 = arith.constant 0 : index
        %swap3A_537 = tpu.vector_load %arg11[%swap3A, %swap3A_536] {strides = array<i32>} : memref<64x768xf32, #tpu.memory_space<vmem>>, vector<1x16xf32>,
        %swap3A_538 = vector.shape_cast %swap3A_537 : vector<1x16xf32> to vector<16xf32>
        %swap3A_539 = vector.shape_cast %get3A_331 : vector<16xf32> to vector<1x16xf32>
        tpu.vector_store %arg11[%swap3A, %swap3A_536], %swap3A_539 {add = true, strides = array<i32>} : memref<64x768xf32, #tpu.memory_space<vmem>>, vector<1x16xf32>,
        %swap3A_540 = arith.index_cast %scan3A_535 : i32 to index
        %swap3A_541 = arith.constant 16 : index
        %swap3A_542 = tpu.vector_load %arg11[%swap3A_540, %swap3A_541] {strides = array<i32>} : memref<64x768xf32, #tpu.memory_space<vmem>>, vector<1x16xf32>,
        %swap3A_543 = vector.shape_cast %swap3A_542 : vector<1x16xf32> to vector<16xf32>
        %swap3A_544 = vector.shape_cast %get3A_334 : vector<16xf32> to vector<1x16xf32>
        tpu.vector_store %arg11[%swap3A_540, %swap3A_541], %swap3A_544 {add = true, strides = array<i32>} : memref<64x768xf32, #tpu.memory_space<vmem>>, vector<1x16xf32>,
        %swap3A_545 = arith.index_cast %scan3A_535 : i32 to index
        %swap3A_546 = arith.constant 32 : index
        %swap3A_547 = tpu.vector_load %arg11[%swap3A_545, %swap3A_546] {strides = array<i32>} : memref<64x768xf32, #tpu.memory_space<vmem>>, vector<1x16xf32>,
        %swap3A_548 = vector.shape_cast %swap3A_547 : vector<1x16xf32> to vector<16xf32>
        %swap3A_549 = vector.shape_cast %get3A_337 : vector<16xf32> to vector<1x16xf32>
        tpu.vector_store %arg11[%swap3A_545, %swap3A_546], %swap3A_549 {add = true, strides = array<i32>} : memref<64x768xf32, #tpu.memory_space<vmem>>, vector<1x16xf32>,
        %swap3A_550 = arith.index_cast %scan3A_535 : i32 to index
        %swap3A_551 = arith.constant 48 : index
        %swap3A_552 = tpu.vector_load %arg11[%swap3A_550, %swap3A_551] {strides = array<i32>} : memref<64x768xf32, #tpu.memory_space<vmem>>, vector<1x16xf32>,
        %swap3A_553 = vector.shape_cast %swap3A_552 : vector<1x16xf32> to vector<16xf32>
        %swap3A_554 = vector.shape_cast %get3A_340 : vector<16xf32> to vector<1x16xf32>
        tpu.vector_store %arg11[%swap3A_550, %swap3A_551], %swap3A_554 {add = true, strides = array<i32>} : memref<64x768xf32, #tpu.memory_space<vmem>>, vector<1x16xf32>,
        %swap3A_555 = arith.index_cast %scan3A_535 : i32 to index
        %swap3A_556 = arith.constant 64 : index
        %swap3A_557 = tpu.vector_load %arg11[%swap3A_555, %swap3A_556] {strides = array<i32>} : memref<64x768xf32, #tpu.memory_space<vmem>>, vector<1x16xf32>,
        %swap3A_558 = vector.shape_cast %swap3A_557 : vector<1x16xf32> to vector<16xf32>
        %swap3A_559 = vector.shape_cast %get3A_343 : vector<16xf32> to vector<1x16xf32>
        tpu.vector_store %arg11[%swap3A_555, %swap3A_556], %swap3A_559 {add = true, strides = array<i32>} : memref<64x768xf32, #tpu.memory_space<vmem>>, vector<1x16xf32>,
        %swap3A_560 = arith.index_cast %scan3A_535 : i32 to index
        %swap3A_561 = arith.constant 80 : index
        %swap3A_562 = tpu.vector_load %arg11[%swap3A_560, %swap3A_561] {strides = array<i32>} : memref<64x768xf32, #tpu.memory_space<vmem>>, vector<1x16xf32>,
        %swap3A_563 = vector.shape_cast %swap3A_562 : vector<1x16xf32> to vector<16xf32>
        %swap3A_564 = vector.shape_cast %get3A_346 : vector<16xf32> to vector<1x16xf32>
        tpu.vector_store %arg11[%swap3A_560, %swap3A_561], %swap3A_564 {add = true, strides = array<i32>} : memref<64x768xf32, #tpu.memory_space<vmem>>, vector<1x16xf32>,
        %swap3A_565 = arith.index_cast %scan3A_535 : i32 to index
        %swap3A_566 = arith.constant 96 : index
        %swap3A_567 = tpu.vector_load %arg11[%swap3A_565, %swap3A_566] {strides = array<i32>} : memref<64x768xf32, #tpu.memory_space<vmem>>, vector<1x16xf32>,
        %swap3A_568 = vector.shape_cast %swap3A_567 : vector<1x16xf32> to vector<16xf32>
        %swap3A_569 = vector.shape_cast %get3A_349 : vector<16xf32> to vector<1x16xf32>
        tpu.vector_store %arg11[%swap3A_565, %swap3A_566], %swap3A_569 {add = true, strides = array<i32>} : memref<64x768xf32, #tpu.memory_space<vmem>>, vector<1x16xf32>,
        %swap3A_570 = arith.index_cast %scan3A_535 : i32 to index
        %swap3A_571 = arith.constant 112 : index
        %swap3A_572 = tpu.vector_load %arg11[%swap3A_570, %swap3A_571] {strides = array<i32>} : memref<64x768xf32, #tpu.memory_space<vmem>>, vector<1x16xf32>,
        %swap3A_573 = vector.shape_cast %swap3A_572 : vector<1x16xf32> to vector<16xf32>
        %swap3A_574 = vector.shape_cast %get3A_352 : vector<16xf32> to vector<1x16xf32>
        tpu.vector_store %arg11[%swap3A_570, %swap3A_571], %swap3A_574 {add = true, strides = array<i32>} : memref<64x768xf32, #tpu.memory_space<vmem>>, vector<1x16xf32>,
        %swap3A_575 = arith.index_cast %scan3A_535 : i32 to index
        %swap3A_576 = arith.constant 128 : index
        %swap3A_577 = tpu.vector_load %arg11[%swap3A_575, %swap3A_576] {strides = array<i32>} : memref<64x768xf32, #tpu.memory_space<vmem>>, vector<1x16xf32>,
        %swap3A_578 = vector.shape_cast %swap3A_577 : vector<1x16xf32> to vector<16xf32>
        %swap3A_579 = vector.shape_cast %get3A_355 : vector<16xf32> to vector<1x16xf32>
        tpu.vector_store %arg11[%swap3A_575, %swap3A_576], %swap3A_579 {add = true, strides = array<i32>} : memref<64x768xf32, #tpu.memory_space<vmem>>, vector<1x16xf32>,
        %swap3A_580 = arith.index_cast %scan3A_535 : i32 to index
        %swap3A_581 = arith.constant 144 : index
        %swap3A_582 = tpu.vector_load %arg11[%swap3A_580, %swap3A_581] {strides = array<i32>} : memref<64x768xf32, #tpu.memory_space<vmem>>, vector<1x16xf32>,
        %swap3A_583 = vector.shape_cast %swap3A_582 : vector<1x16xf32> to vector<16xf32>
        %swap3A_584 = vector.shape_cast %get3A_358 : vector<16xf32> to vector<1x16xf32>
        tpu.vector_store %arg11[%swap3A_580, %swap3A_581], %swap3A_584 {add = true, strides = array<i32>} : memref<64x768xf32, #tpu.memory_space<vmem>>, vector<1x16xf32>,
        %swap3A_585 = arith.index_cast %scan3A_535 : i32 to index
        %swap3A_586 = arith.constant 160 : index
        %swap3A_587 = tpu.vector_load %arg11[%swap3A_585, %swap3A_586] {strides = array<i32>} : memref<64x768xf32, #tpu.memory_space<vmem>>, vector<1x16xf32>,
        %swap3A_588 = vector.shape_cast %swap3A_587 : vector<1x16xf32> to vector<16xf32>
        %swap3A_589 = vector.shape_cast %get3A_361 : vector<16xf32> to vector<1x16xf32>
        tpu.vector_store %arg11[%swap3A_585, %swap3A_586], %swap3A_589 {add = true, strides = array<i32>} : memref<64x768xf32, #tpu.memory_space<vmem>>, vector<1x16xf32>,
        %swap3A_590 = arith.index_cast %scan3A_535 : i32 to index
        %swap3A_591 = arith.constant 176 : index
        %swap3A_592 = tpu.vector_load %arg11[%swap3A_590, %swap3A_591] {strides = array<i32>} : memref<64x768xf32, #tpu.memory_space<vmem>>, vector<1x16xf32>,
        %swap3A_593 = vector.shape_cast %swap3A_592 : vector<1x16xf32> to vector<16xf32>
        %swap3A_594 = vector.shape_cast %get3A_364 : vector<16xf32> to vector<1x16xf32>
        tpu.vector_store %arg11[%swap3A_590, %swap3A_591], %swap3A_594 {add = true, strides = array<i32>} : memref<64x768xf32, #tpu.memory_space<vmem>>, vector<1x16xf32>,
        %swap3A_595 = arith.index_cast %scan3A_535 : i32 to index
        %swap3A_596 = arith.constant 192 : index
        %swap3A_597 = tpu.vector_load %arg11[%swap3A_595, %swap3A_596] {strides = array<i32>} : memref<64x768xf32, #tpu.memory_space<vmem>>, vector<1x16xf32>,
        %swap3A_598 = vector.shape_cast %swap3A_597 : vector<1x16xf32> to vector<16xf32>
        %swap3A_599 = vector.shape_cast %get3A_367 : vector<16xf32> to vector<1x16xf32>
        tpu.vector_store %arg11[%swap3A_595, %swap3A_596], %swap3A_599 {add = true, strides = array<i32>} : memref<64x768xf32, #tpu.memory_space<vmem>>, vector<1x16xf32>,
        %swap3A_600 = arith.index_cast %scan3A_535 : i32 to index
        %swap3A_601 = arith.constant 208 : index
        %swap3A_602 = tpu.vector_load %arg11[%swap3A_600, %swap3A_601] {strides = array<i32>} : memref<64x768xf32, #tpu.memory_space<vmem>>, vector<1x16xf32>,
        %swap3A_603 = vector.shape_cast %swap3A_602 : vector<1x16xf32> to vector<16xf32>
        %swap3A_604 = vector.shape_cast %get3A_370 : vector<16xf32> to vector<1x16xf32>
        tpu.vector_store %arg11[%swap3A_600, %swap3A_601], %swap3A_604 {add = true, strides = array<i32>} : memref<64x768xf32, #tpu.memory_space<vmem>>, vector<1x16xf32>,
        %swap3A_605 = arith.index_cast %scan3A_535 : i32 to index
        %swap3A_606 = arith.constant 224 : index
        %swap3A_607 = tpu.vector_load %arg11[%swap3A_605, %swap3A_606] {strides = array<i32>} : memref<64x768xf32, #tpu.memory_space<vmem>>, vector<1x16xf32>,
        %swap3A_608 = vector.shape_cast %swap3A_607 : vector<1x16xf32> to vector<16xf32>
        %swap3A_609 = vector.shape_cast %get3A_373 : vector<16xf32> to vector<1x16xf32>
        tpu.vector_store %arg11[%swap3A_605, %swap3A_606], %swap3A_609 {add = true, strides = array<i32>} : memref<64x768xf32, #tpu.memory_space<vmem>>, vector<1x16xf32>,
        %swap3A_610 = arith.index_cast %scan3A_535 : i32 to index
        %swap3A_611 = arith.constant 240 : index
        %swap3A_612 = tpu.vector_load %arg11[%swap3A_610, %swap3A_611] {strides = array<i32>} : memref<64x768xf32, #tpu.memory_space<vmem>>, vector<1x16xf32>,
        %swap3A_613 = vector.shape_cast %swap3A_612 : vector<1x16xf32> to vector<16xf32>
        %swap3A_614 = vector.shape_cast %get3A_376 : vector<16xf32> to vector<1x16xf32>
        tpu.vector_store %arg11[%swap3A_610, %swap3A_611], %swap3A_614 {add = true, strides = array<i32>} : memref<64x768xf32, #tpu.memory_space<vmem>>, vector<1x16xf32>,
        %swap3A_615 = arith.index_cast %scan3A_535 : i32 to index
        %swap3A_616 = arith.constant 256 : index
        %swap3A_617 = tpu.vector_load %arg11[%swap3A_615, %swap3A_616] {strides = array<i32>} : memref<64x768xf32, #tpu.memory_space<vmem>>, vector<1x16xf32>,
        %swap3A_618 = vector.shape_cast %swap3A_617 : vector<1x16xf32> to vector<16xf32>
        %swap3A_619 = vector.shape_cast %get3A_379 : vector<16xf32> to vector<1x16xf32>
        tpu.vector_store %arg11[%swap3A_615, %swap3A_616], %swap3A_619 {add = true, strides = array<i32>} : memref<64x768xf32, #tpu.memory_space<vmem>>, vector<1x16xf32>,
        %swap3A_620 = arith.index_cast %scan3A_535 : i32 to index
        %swap3A_621 = arith.constant 272 : index
        %swap3A_622 = tpu.vector_load %arg11[%swap3A_620, %swap3A_621] {strides = array<i32>} : memref<64x768xf32, #tpu.memory_space<vmem>>, vector<1x16xf32>,
        %swap3A_623 = vector.shape_cast %swap3A_622 : vector<1x16xf32> to vector<16xf32>
        %swap3A_624 = vector.shape_cast %get3A_382 : vector<16xf32> to vector<1x16xf32>
        tpu.vector_store %arg11[%swap3A_620, %swap3A_621], %swap3A_624 {add = true, strides = array<i32>} : memref<64x768xf32, #tpu.memory_space<vmem>>, vector<1x16xf32>,
        %swap3A_625 = arith.index_cast %scan3A_535 : i32 to index
        %swap3A_626 = arith.constant 288 : index
        %swap3A_627 = tpu.vector_load %arg11[%swap3A_625, %swap3A_626] {strides = array<i32>} : memref<64x768xf32, #tpu.memory_space<vmem>>, vector<1x16xf32>,
        %swap3A_628 = vector.shape_cast %swap3A_627 : vector<1x16xf32> to vector<16xf32>
        %swap3A_629 = vector.shape_cast %get3A_385 : vector<16xf32> to vector<1x16xf32>
        tpu.vector_store %arg11[%swap3A_625, %swap3A_626], %swap3A_629 {add = true, strides = array<i32>} : memref<64x768xf32, #tpu.memory_space<vmem>>, vector<1x16xf32>,
        %swap3A_630 = arith.index_cast %scan3A_535 : i32 to index
        %swap3A_631 = arith.constant 304 : index
        %swap3A_632 = tpu.vector_load %arg11[%swap3A_630, %swap3A_631] {strides = array<i32>} : memref<64x768xf32, #tpu.memory_space<vmem>>, vector<1x16xf32>,
        %swap3A_633 = vector.shape_cast %swap3A_632 : vector<1x16xf32> to vector<16xf32>
        %swap3A_634 = vector.shape_cast %get3A_388 : vector<16xf32> to vector<1x16xf32>
        tpu.vector_store %arg11[%swap3A_630, %swap3A_631], %swap3A_634 {add = true, strides = array<i32>} : memref<64x768xf32, #tpu.memory_space<vmem>>, vector<1x16xf32>,
        %swap3A_635 = arith.index_cast %scan3A_535 : i32 to index
        %swap3A_636 = arith.constant 320 : index
        %swap3A_637 = tpu.vector_load %arg11[%swap3A_635, %swap3A_636] {strides = array<i32>} : memref<64x768xf32, #tpu.memory_space<vmem>>, vector<1x16xf32>,
        %swap3A_638 = vector.shape_cast %swap3A_637 : vector<1x16xf32> to vector<16xf32>
        %swap3A_639 = vector.shape_cast %get3A_391 : vector<16xf32> to vector<1x16xf32>
        tpu.vector_store %arg11[%swap3A_635, %swap3A_636], %swap3A_639 {add = true, strides = array<i32>} : memref<64x768xf32, #tpu.memory_space<vmem>>, vector<1x16xf32>,
        %swap3A_640 = arith.index_cast %scan3A_535 : i32 to index
        %swap3A_641 = arith.constant 336 : index
        %swap3A_642 = tpu.vector_load %arg11[%swap3A_640, %swap3A_641] {strides = array<i32>} : memref<64x768xf32, #tpu.memory_space<vmem>>, vector<1x16xf32>,
        %swap3A_643 = vector.shape_cast %swap3A_642 : vector<1x16xf32> to vector<16xf32>
        %swap3A_644 = vector.shape_cast %get3A_394 : vector<16xf32> to vector<1x16xf32>
        tpu.vector_store %arg11[%swap3A_640, %swap3A_641], %swap3A_644 {add = true, strides = array<i32>} : memref<64x768xf32, #tpu.memory_space<vmem>>, vector<1x16xf32>,
        %swap3A_645 = arith.index_cast %scan3A_535 : i32 to index
        %swap3A_646 = arith.constant 352 : index
        %swap3A_647 = tpu.vector_load %arg11[%swap3A_645, %swap3A_646] {strides = array<i32>} : memref<64x768xf32, #tpu.memory_space<vmem>>, vector<1x16xf32>,
        %swap3A_648 = vector.shape_cast %swap3A_647 : vector<1x16xf32> to vector<16xf32>
        %swap3A_649 = vector.shape_cast %get3A_397 : vector<16xf32> to vector<1x16xf32>
        tpu.vector_store %arg11[%swap3A_645, %swap3A_646], %swap3A_649 {add = true, strides = array<i32>} : memref<64x768xf32, #tpu.memory_space<vmem>>, vector<1x16xf32>,
        %swap3A_650 = arith.index_cast %scan3A_535 : i32 to index
        %swap3A_651 = arith.constant 368 : index
        %swap3A_652 = tpu.vector_load %arg11[%swap3A_650, %swap3A_651] {strides = array<i32>} : memref<64x768xf32, #tpu.memory_space<vmem>>, vector<1x16xf32>,
        %swap3A_653 = vector.shape_cast %swap3A_652 : vector<1x16xf32> to vector<16xf32>
        %swap3A_654 = vector.shape_cast %get3A_400 : vector<16xf32> to vector<1x16xf32>
        tpu.vector_store %arg11[%swap3A_650, %swap3A_651], %swap3A_654 {add = true, strides = array<i32>} : memref<64x768xf32, #tpu.memory_space<vmem>>, vector<1x16xf32>,
        %swap3A_655 = arith.index_cast %scan3A_535 : i32 to index
        %swap3A_656 = arith.constant 384 : index
        %swap3A_657 = tpu.vector_load %arg11[%swap3A_655, %swap3A_656] {strides = array<i32>} : memref<64x768xf32, #tpu.memory_space<vmem>>, vector<1x16xf32>,
        %swap3A_658 = vector.shape_cast %swap3A_657 : vector<1x16xf32> to vector<16xf32>
        %swap3A_659 = vector.shape_cast %get3A_403 : vector<16xf32> to vector<1x16xf32>
        tpu.vector_store %arg11[%swap3A_655, %swap3A_656], %swap3A_659 {add = true, strides = array<i32>} : memref<64x768xf32, #tpu.memory_space<vmem>>, vector<1x16xf32>,
        %swap3A_660 = arith.index_cast %scan3A_535 : i32 to index
        %swap3A_661 = arith.constant 400 : index
        %swap3A_662 = tpu.vector_load %arg11[%swap3A_660, %swap3A_661] {strides = array<i32>} : memref<64x768xf32, #tpu.memory_space<vmem>>, vector<1x16xf32>,
        %swap3A_663 = vector.shape_cast %swap3A_662 : vector<1x16xf32> to vector<16xf32>
        %swap3A_664 = vector.shape_cast %get3A_406 : vector<16xf32> to vector<1x16xf32>
        tpu.vector_store %arg11[%swap3A_660, %swap3A_661], %swap3A_664 {add = true, strides = array<i32>} : memref<64x768xf32, #tpu.memory_space<vmem>>, vector<1x16xf32>,
        %swap3A_665 = arith.index_cast %scan3A_535 : i32 to index
        %swap3A_666 = arith.constant 416 : index
        %swap3A_667 = tpu.vector_load %arg11[%swap3A_665, %swap3A_666] {strides = array<i32>} : memref<64x768xf32, #tpu.memory_space<vmem>>, vector<1x16xf32>,
        %swap3A_668 = vector.shape_cast %swap3A_667 : vector<1x16xf32> to vector<16xf32>
        %swap3A_669 = vector.shape_cast %get3A_409 : vector<16xf32> to vector<1x16xf32>
        tpu.vector_store %arg11[%swap3A_665, %swap3A_666], %swap3A_669 {add = true, strides = array<i32>} : memref<64x768xf32, #tpu.memory_space<vmem>>, vector<1x16xf32>,
        %swap3A_670 = arith.index_cast %scan3A_535 : i32 to index
        %swap3A_671 = arith.constant 432 : index
        %swap3A_672 = tpu.vector_load %arg11[%swap3A_670, %swap3A_671] {strides = array<i32>} : memref<64x768xf32, #tpu.memory_space<vmem>>, vector<1x16xf32>,
        %swap3A_673 = vector.shape_cast %swap3A_672 : vector<1x16xf32> to vector<16xf32>
        %swap3A_674 = vector.shape_cast %get3A_412 : vector<16xf32> to vector<1x16xf32>
        tpu.vector_store %arg11[%swap3A_670, %swap3A_671], %swap3A_674 {add = true, strides = array<i32>} : memref<64x768xf32, #tpu.memory_space<vmem>>, vector<1x16xf32>,
        %swap3A_675 = arith.index_cast %scan3A_535 : i32 to index
        %swap3A_676 = arith.constant 448 : index
        %swap3A_677 = tpu.vector_load %arg11[%swap3A_675, %swap3A_676] {strides = array<i32>} : memref<64x768xf32, #tpu.memory_space<vmem>>, vector<1x16xf32>,
        %swap3A_678 = vector.shape_cast %swap3A_677 : vector<1x16xf32> to vector<16xf32>
        %swap3A_679 = vector.shape_cast %get3A_415 : vector<16xf32> to vector<1x16xf32>
        tpu.vector_store %arg11[%swap3A_675, %swap3A_676], %swap3A_679 {add = true, strides = array<i32>} : memref<64x768xf32, #tpu.memory_space<vmem>>, vector<1x16xf32>,
        %swap3A_680 = arith.index_cast %scan3A_535 : i32 to index
        %swap3A_681 = arith.constant 464 : index
        %swap3A_682 = tpu.vector_load %arg11[%swap3A_680, %swap3A_681] {strides = array<i32>} : memref<64x768xf32, #tpu.memory_space<vmem>>, vector<1x16xf32>,
        %swap3A_683 = vector.shape_cast %swap3A_682 : vector<1x16xf32> to vector<16xf32>
        %swap3A_684 = vector.shape_cast %get3A_418 : vector<16xf32> to vector<1x16xf32>
        tpu.vector_store %arg11[%swap3A_680, %swap3A_681], %swap3A_684 {add = true, strides = array<i32>} : memref<64x768xf32, #tpu.memory_space<vmem>>, vector<1x16xf32>,
        %swap3A_685 = arith.index_cast %scan3A_535 : i32 to index
        %swap3A_686 = arith.constant 480 : index
        %swap3A_687 = tpu.vector_load %arg11[%swap3A_685, %swap3A_686] {strides = array<i32>} : memref<64x768xf32, #tpu.memory_space<vmem>>, vector<1x16xf32>,
        %swap3A_688 = vector.shape_cast %swap3A_687 : vector<1x16xf32> to vector<16xf32>
        %swap3A_689 = vector.shape_cast %get3A_421 : vector<16xf32> to vector<1x16xf32>
        tpu.vector_store %arg11[%swap3A_685, %swap3A_686], %swap3A_689 {add = true, strides = array<i32>} : memref<64x768xf32, #tpu.memory_space<vmem>>, vector<1x16xf32>,
        %swap3A_690 = arith.index_cast %scan3A_535 : i32 to index
        %swap3A_691 = arith.constant 496 : index
        %swap3A_692 = tpu.vector_load %arg11[%swap3A_690, %swap3A_691] {strides = array<i32>} : memref<64x768xf32, #tpu.memory_space<vmem>>, vector<1x16xf32>,
        %swap3A_693 = vector.shape_cast %swap3A_692 : vector<1x16xf32> to vector<16xf32>
        %swap3A_694 = vector.shape_cast %get3A_424 : vector<16xf32> to vector<1x16xf32>
        tpu.vector_store %arg11[%swap3A_690, %swap3A_691], %swap3A_694 {add = true, strides = array<i32>} : memref<64x768xf32, #tpu.memory_space<vmem>>, vector<1x16xf32>,
        %swap3A_695 = arith.index_cast %scan3A_535 : i32 to index
        %swap3A_696 = arith.constant 512 : index
        %swap3A_697 = tpu.vector_load %arg11[%swap3A_695, %swap3A_696] {strides = array<i32>} : memref<64x768xf32, #tpu.memory_space<vmem>>, vector<1x16xf32>,
        %swap3A_698 = vector.shape_cast %swap3A_697 : vector<1x16xf32> to vector<16xf32>
        %swap3A_699 = vector.shape_cast %get3A_427 : vector<16xf32> to vector<1x16xf32>
        tpu.vector_store %arg11[%swap3A_695, %swap3A_696], %swap3A_699 {add = true, strides = array<i32>} : memref<64x768xf32, #tpu.memory_space<vmem>>, vector<1x16xf32>,
        %swap3A_700 = arith.index_cast %scan3A_535 : i32 to index
        %swap3A_701 = arith.constant 528 : index
        %swap3A_702 = tpu.vector_load %arg11[%swap3A_700, %swap3A_701] {strides = array<i32>} : memref<64x768xf32, #tpu.memory_space<vmem>>, vector<1x16xf32>,
        %swap3A_703 = vector.shape_cast %swap3A_702 : vector<1x16xf32> to vector<16xf32>
        %swap3A_704 = vector.shape_cast %get3A_430 : vector<16xf32> to vector<1x16xf32>
        tpu.vector_store %arg11[%swap3A_700, %swap3A_701], %swap3A_704 {add = true, strides = array<i32>} : memref<64x768xf32, #tpu.memory_space<vmem>>, vector<1x16xf32>,
        %swap3A_705 = arith.index_cast %scan3A_535 : i32 to index
        %swap3A_706 = arith.constant 544 : index
        %swap3A_707 = tpu.vector_load %arg11[%swap3A_705, %swap3A_706] {strides = array<i32>} : memref<64x768xf32, #tpu.memory_space<vmem>>, vector<1x16xf32>,
        %swap3A_708 = vector.shape_cast %swap3A_707 : vector<1x16xf32> to vector<16xf32>
        %swap3A_709 = vector.shape_cast %get3A_433 : vector<16xf32> to vector<1x16xf32>
        tpu.vector_store %arg11[%swap3A_705, %swap3A_706], %swap3A_709 {add = true, strides = array<i32>} : memref<64x768xf32, #tpu.memory_space<vmem>>, vector<1x16xf32>,
        %swap3A_710 = arith.index_cast %scan3A_535 : i32 to index
        %swap3A_711 = arith.constant 560 : index
        %swap3A_712 = tpu.vector_load %arg11[%swap3A_710, %swap3A_711] {strides = array<i32>} : memref<64x768xf32, #tpu.memory_space<vmem>>, vector<1x16xf32>,
        %swap3A_713 = vector.shape_cast %swap3A_712 : vector<1x16xf32> to vector<16xf32>
        %swap3A_714 = vector.shape_cast %get3A_436 : vector<16xf32> to vector<1x16xf32>
        tpu.vector_store %arg11[%swap3A_710, %swap3A_711], %swap3A_714 {add = true, strides = array<i32>} : memref<64x768xf32, #tpu.memory_space<vmem>>, vector<1x16xf32>,
        %swap3A_715 = arith.index_cast %scan3A_535 : i32 to index
        %swap3A_716 = arith.constant 576 : index
        %swap3A_717 = tpu.vector_load %arg11[%swap3A_715, %swap3A_716] {strides = array<i32>} : memref<64x768xf32, #tpu.memory_space<vmem>>, vector<1x16xf32>,
        %swap3A_718 = vector.shape_cast %swap3A_717 : vector<1x16xf32> to vector<16xf32>
        %swap3A_719 = vector.shape_cast %get3A_439 : vector<16xf32> to vector<1x16xf32>
        tpu.vector_store %arg11[%swap3A_715, %swap3A_716], %swap3A_719 {add = true, strides = array<i32>} : memref<64x768xf32, #tpu.memory_space<vmem>>, vector<1x16xf32>,
        %swap3A_720 = arith.index_cast %scan3A_535 : i32 to index
        %swap3A_721 = arith.constant 592 : index
        %swap3A_722 = tpu.vector_load %arg11[%swap3A_720, %swap3A_721] {strides = array<i32>} : memref<64x768xf32, #tpu.memory_space<vmem>>, vector<1x16xf32>,
        %swap3A_723 = vector.shape_cast %swap3A_722 : vector<1x16xf32> to vector<16xf32>
        %swap3A_724 = vector.shape_cast %get3A_442 : vector<16xf32> to vector<1x16xf32>
        tpu.vector_store %arg11[%swap3A_720, %swap3A_721], %swap3A_724 {add = true, strides = array<i32>} : memref<64x768xf32, #tpu.memory_space<vmem>>, vector<1x16xf32>,
        %swap3A_725 = arith.index_cast %scan3A_535 : i32 to index
        %swap3A_726 = arith.constant 608 : index
        %swap3A_727 = tpu.vector_load %arg11[%swap3A_725, %swap3A_726] {strides = array<i32>} : memref<64x768xf32, #tpu.memory_space<vmem>>, vector<1x16xf32>,
        %swap3A_728 = vector.shape_cast %swap3A_727 : vector<1x16xf32> to vector<16xf32>
        %swap3A_729 = vector.shape_cast %get3A_445 : vector<16xf32> to vector<1x16xf32>
        tpu.vector_store %arg11[%swap3A_725, %swap3A_726], %swap3A_729 {add = true, strides = array<i32>} : memref<64x768xf32, #tpu.memory_space<vmem>>, vector<1x16xf32>,
        %swap3A_730 = arith.index_cast %scan3A_535 : i32 to index
        %swap3A_731 = arith.constant 624 : index
        %swap3A_732 = tpu.vector_load %arg11[%swap3A_730, %swap3A_731] {strides = array<i32>} : memref<64x768xf32, #tpu.memory_space<vmem>>, vector<1x16xf32>,
        %swap3A_733 = vector.shape_cast %swap3A_732 : vector<1x16xf32> to vector<16xf32>
        %swap3A_734 = vector.shape_cast %get3A_448 : vector<16xf32> to vector<1x16xf32>
        tpu.vector_store %arg11[%swap3A_730, %swap3A_731], %swap3A_734 {add = true, strides = array<i32>} : memref<64x768xf32, #tpu.memory_space<vmem>>, vector<1x16xf32>,
        %swap3A_735 = arith.index_cast %scan3A_535 : i32 to index
        %swap3A_736 = arith.constant 640 : index
        %swap3A_737 = tpu.vector_load %arg11[%swap3A_735, %swap3A_736] {strides = array<i32>} : memref<64x768xf32, #tpu.memory_space<vmem>>, vector<1x16xf32>,
        %swap3A_738 = vector.shape_cast %swap3A_737 : vector<1x16xf32> to vector<16xf32>
        %swap3A_739 = vector.shape_cast %get3A_451 : vector<16xf32> to vector<1x16xf32>
        tpu.vector_store %arg11[%swap3A_735, %swap3A_736], %swap3A_739 {add = true, strides = array<i32>} : memref<64x768xf32, #tpu.memory_space<vmem>>, vector<1x16xf32>,
        %swap3A_740 = arith.index_cast %scan3A_535 : i32 to index
        %swap3A_741 = arith.constant 656 : index
        %swap3A_742 = tpu.vector_load %arg11[%swap3A_740, %swap3A_741] {strides = array<i32>} : memref<64x768xf32, #tpu.memory_space<vmem>>, vector<1x16xf32>,
        %swap3A_743 = vector.shape_cast %swap3A_742 : vector<1x16xf32> to vector<16xf32>
        %swap3A_744 = vector.shape_cast %get3A_454 : vector<16xf32> to vector<1x16xf32>
        tpu.vector_store %arg11[%swap3A_740, %swap3A_741], %swap3A_744 {add = true, strides = array<i32>} : memref<64x768xf32, #tpu.memory_space<vmem>>, vector<1x16xf32>,
        %swap3A_745 = arith.index_cast %scan3A_535 : i32 to index
        %swap3A_746 = arith.constant 672 : index
        %swap3A_747 = tpu.vector_load %arg11[%swap3A_745, %swap3A_746] {strides = array<i32>} : memref<64x768xf32, #tpu.memory_space<vmem>>, vector<1x16xf32>,
        %swap3A_748 = vector.shape_cast %swap3A_747 : vector<1x16xf32> to vector<16xf32>
        %swap3A_749 = vector.shape_cast %get3A_457 : vector<16xf32> to vector<1x16xf32>
        tpu.vector_store %arg11[%swap3A_745, %swap3A_746], %swap3A_749 {add = true, strides = array<i32>} : memref<64x768xf32, #tpu.memory_space<vmem>>, vector<1x16xf32>,
        %swap3A_750 = arith.index_cast %scan3A_535 : i32 to index
        %swap3A_751 = arith.constant 688 : index
        %swap3A_752 = tpu.vector_load %arg11[%swap3A_750, %swap3A_751] {strides = array<i32>} : memref<64x768xf32, #tpu.memory_space<vmem>>, vector<1x16xf32>,
        %swap3A_753 = vector.shape_cast %swap3A_752 : vector<1x16xf32> to vector<16xf32>
        %swap3A_754 = vector.shape_cast %get3A_460 : vector<16xf32> to vector<1x16xf32>
        tpu.vector_store %arg11[%swap3A_750, %swap3A_751], %swap3A_754 {add = true, strides = array<i32>} : memref<64x768xf32, #tpu.memory_space<vmem>>, vector<1x16xf32>,
        %swap3A_755 = arith.index_cast %scan3A_535 : i32 to index
        %swap3A_756 = arith.constant 704 : index
        %swap3A_757 = tpu.vector_load %arg11[%swap3A_755, %swap3A_756] {strides = array<i32>} : memref<64x768xf32, #tpu.memory_space<vmem>>, vector<1x16xf32>,
        %swap3A_758 = vector.shape_cast %swap3A_757 : vector<1x16xf32> to vector<16xf32>
        %swap3A_759 = vector.shape_cast %get3A_463 : vector<16xf32> to vector<1x16xf32>
        tpu.vector_store %arg11[%swap3A_755, %swap3A_756], %swap3A_759 {add = true, strides = array<i32>} : memref<64x768xf32, #tpu.memory_space<vmem>>, vector<1x16xf32>,
        %swap3A_760 = arith.index_cast %scan3A_535 : i32 to index
        %swap3A_761 = arith.constant 720 : index
        %swap3A_762 = tpu.vector_load %arg11[%swap3A_760, %swap3A_761] {strides = array<i32>} : memref<64x768xf32, #tpu.memory_space<vmem>>, vector<1x16xf32>,
        %swap3A_763 = vector.shape_cast %swap3A_762 : vector<1x16xf32> to vector<16xf32>
        %swap3A_764 = vector.shape_cast %get3A_466 : vector<16xf32> to vector<1x16xf32>
        tpu.vector_store %arg11[%swap3A_760, %swap3A_761], %swap3A_764 {add = true, strides = array<i32>} : memref<64x768xf32, #tpu.memory_space<vmem>>, vector<1x16xf32>,
        %swap3A_765 = arith.index_cast %scan3A_535 : i32 to index
        %swap3A_766 = arith.constant 736 : index
        %swap3A_767 = tpu.vector_load %arg11[%swap3A_765, %swap3A_766] {strides = array<i32>} : memref<64x768xf32, #tpu.memory_space<vmem>>, vector<1x16xf32>,
        %swap3A_768 = vector.shape_cast %swap3A_767 : vector<1x16xf32> to vector<16xf32>
        %swap3A_769 = vector.shape_cast %get3A_469 : vector<16xf32> to vector<1x16xf32>
        tpu.vector_store %arg11[%swap3A_765, %swap3A_766], %swap3A_769 {add = true, strides = array<i32>} : memref<64x768xf32, #tpu.memory_space<vmem>>, vector<1x16xf32>,
        %swap3A_770 = arith.index_cast %scan3A_535 : i32 to index
        %swap3A_771 = arith.constant 752 : index
        %swap3A_772 = tpu.vector_load %arg11[%swap3A_770, %swap3A_771] {strides = array<i32>} : memref<64x768xf32, #tpu.memory_space<vmem>>, vector<1x16xf32>,
        %swap3A_773 = vector.shape_cast %swap3A_772 : vector<1x16xf32> to vector<16xf32>
        %swap3A_774 = vector.shape_cast %get3A_472 : vector<16xf32> to vector<1x16xf32>
        tpu.vector_store %arg11[%swap3A_770, %swap3A_771], %swap3A_774 {add = true, strides = array<i32>} : memref<64x768xf32, #tpu.memory_space<vmem>>, vector<1x16xf32>,
        %scan3A_775 = arith.constant 1 : i32
        %scan3A_776 = arith.addi %scan3A_535, %scan3A_775 : i32
        %swap3A_777 = arith.index_cast %scan3A_776 : i32 to index
        %swap3A_778 = arith.constant 0 : index
        %swap3A_779 = tpu.vector_load %arg11[%swap3A_777, %swap3A_778] {strides = array<i32>} : memref<64x768xf32, #tpu.memory_space<vmem>>, vector<1x16xf32>,
        %swap3A_780 = vector.shape_cast %swap3A_779 : vector<1x16xf32> to vector<16xf32>
        %swap3A_781 = vector.shape_cast %get3A_331 : vector<16xf32> to vector<1x16xf32>
        tpu.vector_store %arg11[%swap3A_777, %swap3A_778], %swap3A_781 {add = true, strides = array<i32>} : memref<64x768xf32, #tpu.memory_space<vmem>>, vector<1x16xf32>,
        %swap3A_782 = arith.index_cast %scan3A_776 : i32 to index
        %swap3A_783 = arith.constant 16 : index
        %swap3A_784 = tpu.vector_load %arg11[%swap3A_782, %swap3A_783] {strides = array<i32>} : memref<64x768xf32, #tpu.memory_space<vmem>>, vector<1x16xf32>,
        %swap3A_785 = vector.shape_cast %swap3A_784 : vector<1x16xf32> to vector<16xf32>
        %swap3A_786 = vector.shape_cast %get3A_334 : vector<16xf32> to vector<1x16xf32>
        tpu.vector_store %arg11[%swap3A_782, %swap3A_783], %swap3A_786 {add = true, strides = array<i32>} : memref<64x768xf32, #tpu.memory_space<vmem>>, vector<1x16xf32>,
        %swap3A_787 = arith.index_cast %scan3A_776 : i32 to index
        %swap3A_788 = arith.constant 32 : index
        %swap3A_789 = tpu.vector_load %arg11[%swap3A_787, %swap3A_788] {strides = array<i32>} : memref<64x768xf32, #tpu.memory_space<vmem>>, vector<1x16xf32>,
        %swap3A_790 = vector.shape_cast %swap3A_789 : vector<1x16xf32> to vector<16xf32>
        %swap3A_791 = vector.shape_cast %get3A_337 : vector<16xf32> to vector<1x16xf32>
        tpu.vector_store %arg11[%swap3A_787, %swap3A_788], %swap3A_791 {add = true, strides = array<i32>} : memref<64x768xf32, #tpu.memory_space<vmem>>, vector<1x16xf32>,
        %swap3A_792 = arith.index_cast %scan3A_776 : i32 to index
        %swap3A_793 = arith.constant 48 : index
        %swap3A_794 = tpu.vector_load %arg11[%swap3A_792, %swap3A_793] {strides = array<i32>} : memref<64x768xf32, #tpu.memory_space<vmem>>, vector<1x16xf32>,
        %swap3A_795 = vector.shape_cast %swap3A_794 : vector<1x16xf32> to vector<16xf32>
        %swap3A_796 = vector.shape_cast %get3A_340 : vector<16xf32> to vector<1x16xf32>
        tpu.vector_store %arg11[%swap3A_792, %swap3A_793], %swap3A_796 {add = true, strides = array<i32>} : memref<64x768xf32, #tpu.memory_space<vmem>>, vector<1x16xf32>,
        %swap3A_797 = arith.index_cast %scan3A_776 : i32 to index
        %swap3A_798 = arith.constant 64 : index
        %swap3A_799 = tpu.vector_load %arg11[%swap3A_797, %swap3A_798] {strides = array<i32>} : memref<64x768xf32, #tpu.memory_space<vmem>>, vector<1x16xf32>,
        %swap3A_800 = vector.shape_cast %swap3A_799 : vector<1x16xf32> to vector<16xf32>
        %swap3A_801 = vector.shape_cast %get3A_343 : vector<16xf32> to vector<1x16xf32>
        tpu.vector_store %arg11[%swap3A_797, %swap3A_798], %swap3A_801 {add = true, strides = array<i32>} : memref<64x768xf32, #tpu.memory_space<vmem>>, vector<1x16xf32>,
        %swap3A_802 = arith.index_cast %scan3A_776 : i32 to index
        %swap3A_803 = arith.constant 80 : index
        %swap3A_804 = tpu.vector_load %arg11[%swap3A_802, %swap3A_803] {strides = array<i32>} : memref<64x768xf32, #tpu.memory_space<vmem>>, vector<1x16xf32>,
        %swap3A_805 = vector.shape_cast %swap3A_804 : vector<1x16xf32> to vector<16xf32>
        %swap3A_806 = vector.shape_cast %get3A_346 : vector<16xf32> to vector<1x16xf32>
        tpu.vector_store %arg11[%swap3A_802, %swap3A_803], %swap3A_806 {add = true, strides = array<i32>} : memref<64x768xf32, #tpu.memory_space<vmem>>, vector<1x16xf32>,
        %swap3A_807 = arith.index_cast %scan3A_776 : i32 to index
        %swap3A_808 = arith.constant 96 : index
        %swap3A_809 = tpu.vector_load %arg11[%swap3A_807, %swap3A_808] {strides = array<i32>} : memref<64x768xf32, #tpu.memory_space<vmem>>, vector<1x16xf32>,
        %swap3A_810 = vector.shape_cast %swap3A_809 : vector<1x16xf32> to vector<16xf32>
        %swap3A_811 = vector.shape_cast %get3A_349 : vector<16xf32> to vector<1x16xf32>
        tpu.vector_store %arg11[%swap3A_807, %swap3A_808], %swap3A_811 {add = true, strides = array<i32>} : memref<64x768xf32, #tpu.memory_space<vmem>>, vector<1x16xf32>,
        %swap3A_812 = arith.index_cast %scan3A_776 : i32 to index
        %swap3A_813 = arith.constant 112 : index
        %swap3A_814 = tpu.vector_load %arg11[%swap3A_812, %swap3A_813] {strides = array<i32>} : memref<64x768xf32, #tpu.memory_space<vmem>>, vector<1x16xf32>,
        %swap3A_815 = vector.shape_cast %swap3A_814 : vector<1x16xf32> to vector<16xf32>
        %swap3A_816 = vector.shape_cast %get3A_352 : vector<16xf32> to vector<1x16xf32>
        tpu.vector_store %arg11[%swap3A_812, %swap3A_813], %swap3A_816 {add = true, strides = array<i32>} : memref<64x768xf32, #tpu.memory_space<vmem>>, vector<1x16xf32>,
        %swap3A_817 = arith.index_cast %scan3A_776 : i32 to index
        %swap3A_818 = arith.constant 128 : index
        %swap3A_819 = tpu.vector_load %arg11[%swap3A_817, %swap3A_818] {strides = array<i32>} : memref<64x768xf32, #tpu.memory_space<vmem>>, vector<1x16xf32>,
        %swap3A_820 = vector.shape_cast %swap3A_819 : vector<1x16xf32> to vector<16xf32>
        %swap3A_821 = vector.shape_cast %get3A_355 : vector<16xf32> to vector<1x16xf32>
        tpu.vector_store %arg11[%swap3A_817, %swap3A_818], %swap3A_821 {add = true, strides = array<i32>} : memref<64x768xf32, #tpu.memory_space<vmem>>, vector<1x16xf32>,
        %swap3A_822 = arith.index_cast %scan3A_776 : i32 to index
        %swap3A_823 = arith.constant 144 : index
        %swap3A_824 = tpu.vector_load %arg11[%swap3A_822, %swap3A_823] {strides = array<i32>} : memref<64x768xf32, #tpu.memory_space<vmem>>, vector<1x16xf32>,
        %swap3A_825 = vector.shape_cast %swap3A_824 : vector<1x16xf32> to vector<16xf32>
        %swap3A_826 = vector.shape_cast %get3A_358 : vector<16xf32> to vector<1x16xf32>
        tpu.vector_store %arg11[%swap3A_822, %swap3A_823], %swap3A_826 {add = true, strides = array<i32>} : memref<64x768xf32, #tpu.memory_space<vmem>>, vector<1x16xf32>,
        %swap3A_827 = arith.index_cast %scan3A_776 : i32 to index
        %swap3A_828 = arith.constant 160 : index
        %swap3A_829 = tpu.vector_load %arg11[%swap3A_827, %swap3A_828] {strides = array<i32>} : memref<64x768xf32, #tpu.memory_space<vmem>>, vector<1x16xf32>,
        %swap3A_830 = vector.shape_cast %swap3A_829 : vector<1x16xf32> to vector<16xf32>
        %swap3A_831 = vector.shape_cast %get3A_361 : vector<16xf32> to vector<1x16xf32>
        tpu.vector_store %arg11[%swap3A_827, %swap3A_828], %swap3A_831 {add = true, strides = array<i32>} : memref<64x768xf32, #tpu.memory_space<vmem>>, vector<1x16xf32>,
        %swap3A_832 = arith.index_cast %scan3A_776 : i32 to index
        %swap3A_833 = arith.constant 176 : index
        %swap3A_834 = tpu.vector_load %arg11[%swap3A_832, %swap3A_833] {strides = array<i32>} : memref<64x768xf32, #tpu.memory_space<vmem>>, vector<1x16xf32>,
        %swap3A_835 = vector.shape_cast %swap3A_834 : vector<1x16xf32> to vector<16xf32>
        %swap3A_836 = vector.shape_cast %get3A_364 : vector<16xf32> to vector<1x16xf32>
        tpu.vector_store %arg11[%swap3A_832, %swap3A_833], %swap3A_836 {add = true, strides = array<i32>} : memref<64x768xf32, #tpu.memory_space<vmem>>, vector<1x16xf32>,
        %swap3A_837 = arith.index_cast %scan3A_776 : i32 to index
        %swap3A_838 = arith.constant 192 : index
        %swap3A_839 = tpu.vector_load %arg11[%swap3A_837, %swap3A_838] {strides = array<i32>} : memref<64x768xf32, #tpu.memory_space<vmem>>, vector<1x16xf32>,
        %swap3A_840 = vector.shape_cast %swap3A_839 : vector<1x16xf32> to vector<16xf32>
        %swap3A_841 = vector.shape_cast %get3A_367 : vector<16xf32> to vector<1x16xf32>
        tpu.vector_store %arg11[%swap3A_837, %swap3A_838], %swap3A_841 {add = true, strides = array<i32>} : memref<64x768xf32, #tpu.memory_space<vmem>>, vector<1x16xf32>,
        %swap3A_842 = arith.index_cast %scan3A_776 : i32 to index
        %swap3A_843 = arith.constant 208 : index
        %swap3A_844 = tpu.vector_load %arg11[%swap3A_842, %swap3A_843] {strides = array<i32>} : memref<64x768xf32, #tpu.memory_space<vmem>>, vector<1x16xf32>,
        %swap3A_845 = vector.shape_cast %swap3A_844 : vector<1x16xf32> to vector<16xf32>
        %swap3A_846 = vector.shape_cast %get3A_370 : vector<16xf32> to vector<1x16xf32>
        tpu.vector_store %arg11[%swap3A_842, %swap3A_843], %swap3A_846 {add = true, strides = array<i32>} : memref<64x768xf32, #tpu.memory_space<vmem>>, vector<1x16xf32>,
        %swap3A_847 = arith.index_cast %scan3A_776 : i32 to index
        %swap3A_848 = arith.constant 224 : index
        %swap3A_849 = tpu.vector_load %arg11[%swap3A_847, %swap3A_848] {strides = array<i32>} : memref<64x768xf32, #tpu.memory_space<vmem>>, vector<1x16xf32>,
        %swap3A_850 = vector.shape_cast %swap3A_849 : vector<1x16xf32> to vector<16xf32>
        %swap3A_851 = vector.shape_cast %get3A_373 : vector<16xf32> to vector<1x16xf32>
        tpu.vector_store %arg11[%swap3A_847, %swap3A_848], %swap3A_851 {add = true, strides = array<i32>} : memref<64x768xf32, #tpu.memory_space<vmem>>, vector<1x16xf32>,
        %swap3A_852 = arith.index_cast %scan3A_776 : i32 to index
        %swap3A_853 = arith.constant 240 : index
        %swap3A_854 = tpu.vector_load %arg11[%swap3A_852, %swap3A_853] {strides = array<i32>} : memref<64x768xf32, #tpu.memory_space<vmem>>, vector<1x16xf32>,
        %swap3A_855 = vector.shape_cast %swap3A_854 : vector<1x16xf32> to vector<16xf32>
        %swap3A_856 = vector.shape_cast %get3A_376 : vector<16xf32> to vector<1x16xf32>
        tpu.vector_store %arg11[%swap3A_852, %swap3A_853], %swap3A_856 {add = true, strides = array<i32>} : memref<64x768xf32, #tpu.memory_space<vmem>>, vector<1x16xf32>,
        %swap3A_857 = arith.index_cast %scan3A_776 : i32 to index
        %swap3A_858 = arith.constant 256 : index
        %swap3A_859 = tpu.vector_load %arg11[%swap3A_857, %swap3A_858] {strides = array<i32>} : memref<64x768xf32, #tpu.memory_space<vmem>>, vector<1x16xf32>,
        %swap3A_860 = vector.shape_cast %swap3A_859 : vector<1x16xf32> to vector<16xf32>
        %swap3A_861 = vector.shape_cast %get3A_379 : vector<16xf32> to vector<1x16xf32>
        tpu.vector_store %arg11[%swap3A_857, %swap3A_858], %swap3A_861 {add = true, strides = array<i32>} : memref<64x768xf32, #tpu.memory_space<vmem>>, vector<1x16xf32>,
        %swap3A_862 = arith.index_cast %scan3A_776 : i32 to index
        %swap3A_863 = arith.constant 272 : index
        %swap3A_864 = tpu.vector_load %arg11[%swap3A_862, %swap3A_863] {strides = array<i32>} : memref<64x768xf32, #tpu.memory_space<vmem>>, vector<1x16xf32>,
        %swap3A_865 = vector.shape_cast %swap3A_864 : vector<1x16xf32> to vector<16xf32>
        %swap3A_866 = vector.shape_cast %get3A_382 : vector<16xf32> to vector<1x16xf32>
        tpu.vector_store %arg11[%swap3A_862, %swap3A_863], %swap3A_866 {add = true, strides = array<i32>} : memref<64x768xf32, #tpu.memory_space<vmem>>, vector<1x16xf32>,
        %swap3A_867 = arith.index_cast %scan3A_776 : i32 to index
        %swap3A_868 = arith.constant 288 : index
        %swap3A_869 = tpu.vector_load %arg11[%swap3A_867, %swap3A_868] {strides = array<i32>} : memref<64x768xf32, #tpu.memory_space<vmem>>, vector<1x16xf32>,
        %swap3A_870 = vector.shape_cast %swap3A_869 : vector<1x16xf32> to vector<16xf32>
        %swap3A_871 = vector.shape_cast %get3A_385 : vector<16xf32> to vector<1x16xf32>
        tpu.vector_store %arg11[%swap3A_867, %swap3A_868], %swap3A_871 {add = true, strides = array<i32>} : memref<64x768xf32, #tpu.memory_space<vmem>>, vector<1x16xf32>,
        %swap3A_872 = arith.index_cast %scan3A_776 : i32 to index
        %swap3A_873 = arith.constant 304 : index
        %swap3A_874 = tpu.vector_load %arg11[%swap3A_872, %swap3A_873] {strides = array<i32>} : memref<64x768xf32, #tpu.memory_space<vmem>>, vector<1x16xf32>,
        %swap3A_875 = vector.shape_cast %swap3A_874 : vector<1x16xf32> to vector<16xf32>
        %swap3A_876 = vector.shape_cast %get3A_388 : vector<16xf32> to vector<1x16xf32>
        tpu.vector_store %arg11[%swap3A_872, %swap3A_873], %swap3A_876 {add = true, strides = array<i32>} : memref<64x768xf32, #tpu.memory_space<vmem>>, vector<1x16xf32>,
        %swap3A_877 = arith.index_cast %scan3A_776 : i32 to index
        %swap3A_878 = arith.constant 320 : index
        %swap3A_879 = tpu.vector_load %arg11[%swap3A_877, %swap3A_878] {strides = array<i32>} : memref<64x768xf32, #tpu.memory_space<vmem>>, vector<1x16xf32>,
        %swap3A_880 = vector.shape_cast %swap3A_879 : vector<1x16xf32> to vector<16xf32>
        %swap3A_881 = vector.shape_cast %get3A_391 : vector<16xf32> to vector<1x16xf32>
        tpu.vector_store %arg11[%swap3A_877, %swap3A_878], %swap3A_881 {add = true, strides = array<i32>} : memref<64x768xf32, #tpu.memory_space<vmem>>, vector<1x16xf32>,
        %swap3A_882 = arith.index_cast %scan3A_776 : i32 to index
        %swap3A_883 = arith.constant 336 : index
        %swap3A_884 = tpu.vector_load %arg11[%swap3A_882, %swap3A_883] {strides = array<i32>} : memref<64x768xf32, #tpu.memory_space<vmem>>, vector<1x16xf32>,
        %swap3A_885 = vector.shape_cast %swap3A_884 : vector<1x16xf32> to vector<16xf32>
        %swap3A_886 = vector.shape_cast %get3A_394 : vector<16xf32> to vector<1x16xf32>
        tpu.vector_store %arg11[%swap3A_882, %swap3A_883], %swap3A_886 {add = true, strides = array<i32>} : memref<64x768xf32, #tpu.memory_space<vmem>>, vector<1x16xf32>,
        %swap3A_887 = arith.index_cast %scan3A_776 : i32 to index
        %swap3A_888 = arith.constant 352 : index
        %swap3A_889 = tpu.vector_load %arg11[%swap3A_887, %swap3A_888] {strides = array<i32>} : memref<64x768xf32, #tpu.memory_space<vmem>>, vector<1x16xf32>,
        %swap3A_890 = vector.shape_cast %swap3A_889 : vector<1x16xf32> to vector<16xf32>
        %swap3A_891 = vector.shape_cast %get3A_397 : vector<16xf32> to vector<1x16xf32>
        tpu.vector_store %arg11[%swap3A_887, %swap3A_888], %swap3A_891 {add = true, strides = array<i32>} : memref<64x768xf32, #tpu.memory_space<vmem>>, vector<1x16xf32>,
        %swap3A_892 = arith.index_cast %scan3A_776 : i32 to index
        %swap3A_893 = arith.constant 368 : index
        %swap3A_894 = tpu.vector_load %arg11[%swap3A_892, %swap3A_893] {strides = array<i32>} : memref<64x768xf32, #tpu.memory_space<vmem>>, vector<1x16xf32>,
        %swap3A_895 = vector.shape_cast %swap3A_894 : vector<1x16xf32> to vector<16xf32>
        %swap3A_896 = vector.shape_cast %get3A_400 : vector<16xf32> to vector<1x16xf32>
        tpu.vector_store %arg11[%swap3A_892, %swap3A_893], %swap3A_896 {add = true, strides = array<i32>} : memref<64x768xf32, #tpu.memory_space<vmem>>, vector<1x16xf32>,
        %swap3A_897 = arith.index_cast %scan3A_776 : i32 to index
        %swap3A_898 = arith.constant 384 : index
        %swap3A_899 = tpu.vector_load %arg11[%swap3A_897, %swap3A_898] {strides = array<i32>} : memref<64x768xf32, #tpu.memory_space<vmem>>, vector<1x16xf32>,
        %swap3A_900 = vector.shape_cast %swap3A_899 : vector<1x16xf32> to vector<16xf32>
        %swap3A_901 = vector.shape_cast %get3A_403 : vector<16xf32> to vector<1x16xf32>
        tpu.vector_store %arg11[%swap3A_897, %swap3A_898], %swap3A_901 {add = true, strides = array<i32>} : memref<64x768xf32, #tpu.memory_space<vmem>>, vector<1x16xf32>,
        %swap3A_902 = arith.index_cast %scan3A_776 : i32 to index
        %swap3A_903 = arith.constant 400 : index
        %swap3A_904 = tpu.vector_load %arg11[%swap3A_902, %swap3A_903] {strides = array<i32>} : memref<64x768xf32, #tpu.memory_space<vmem>>, vector<1x16xf32>,
        %swap3A_905 = vector.shape_cast %swap3A_904 : vector<1x16xf32> to vector<16xf32>
        %swap3A_906 = vector.shape_cast %get3A_406 : vector<16xf32> to vector<1x16xf32>
        tpu.vector_store %arg11[%swap3A_902, %swap3A_903], %swap3A_906 {add = true, strides = array<i32>} : memref<64x768xf32, #tpu.memory_space<vmem>>, vector<1x16xf32>,
        %swap3A_907 = arith.index_cast %scan3A_776 : i32 to index
        %swap3A_908 = arith.constant 416 : index
        %swap3A_909 = tpu.vector_load %arg11[%swap3A_907, %swap3A_908] {strides = array<i32>} : memref<64x768xf32, #tpu.memory_space<vmem>>, vector<1x16xf32>,
        %swap3A_910 = vector.shape_cast %swap3A_909 : vector<1x16xf32> to vector<16xf32>
        %swap3A_911 = vector.shape_cast %get3A_409 : vector<16xf32> to vector<1x16xf32>
        tpu.vector_store %arg11[%swap3A_907, %swap3A_908], %swap3A_911 {add = true, strides = array<i32>} : memref<64x768xf32, #tpu.memory_space<vmem>>, vector<1x16xf32>,
        %swap3A_912 = arith.index_cast %scan3A_776 : i32 to index
        %swap3A_913 = arith.constant 432 : index
        %swap3A_914 = tpu.vector_load %arg11[%swap3A_912, %swap3A_913] {strides = array<i32>} : memref<64x768xf32, #tpu.memory_space<vmem>>, vector<1x16xf32>,
        %swap3A_915 = vector.shape_cast %swap3A_914 : vector<1x16xf32> to vector<16xf32>
        %swap3A_916 = vector.shape_cast %get3A_412 : vector<16xf32> to vector<1x16xf32>
        tpu.vector_store %arg11[%swap3A_912, %swap3A_913], %swap3A_916 {add = true, strides = array<i32>} : memref<64x768xf32, #tpu.memory_space<vmem>>, vector<1x16xf32>,
        %swap3A_917 = arith.index_cast %scan3A_776 : i32 to index
        %swap3A_918 = arith.constant 448 : index
        %swap3A_919 = tpu.vector_load %arg11[%swap3A_917, %swap3A_918] {strides = array<i32>} : memref<64x768xf32, #tpu.memory_space<vmem>>, vector<1x16xf32>,
        %swap3A_920 = vector.shape_cast %swap3A_919 : vector<1x16xf32> to vector<16xf32>
        %swap3A_921 = vector.shape_cast %get3A_415 : vector<16xf32> to vector<1x16xf32>
        tpu.vector_store %arg11[%swap3A_917, %swap3A_918], %swap3A_921 {add = true, strides = array<i32>} : memref<64x768xf32, #tpu.memory_space<vmem>>, vector<1x16xf32>,
        %swap3A_922 = arith.index_cast %scan3A_776 : i32 to index
        %swap3A_923 = arith.constant 464 : index
        %swap3A_924 = tpu.vector_load %arg11[%swap3A_922, %swap3A_923] {strides = array<i32>} : memref<64x768xf32, #tpu.memory_space<vmem>>, vector<1x16xf32>,
        %swap3A_925 = vector.shape_cast %swap3A_924 : vector<1x16xf32> to vector<16xf32>
        %swap3A_926 = vector.shape_cast %get3A_418 : vector<16xf32> to vector<1x16xf32>
        tpu.vector_store %arg11[%swap3A_922, %swap3A_923], %swap3A_926 {add = true, strides = array<i32>} : memref<64x768xf32, #tpu.memory_space<vmem>>, vector<1x16xf32>,
        %swap3A_927 = arith.index_cast %scan3A_776 : i32 to index
        %swap3A_928 = arith.constant 480 : index
        %swap3A_929 = tpu.vector_load %arg11[%swap3A_927, %swap3A_928] {strides = array<i32>} : memref<64x768xf32, #tpu.memory_space<vmem>>, vector<1x16xf32>,
        %swap3A_930 = vector.shape_cast %swap3A_929 : vector<1x16xf32> to vector<16xf32>
        %swap3A_931 = vector.shape_cast %get3A_421 : vector<16xf32> to vector<1x16xf32>
        tpu.vector_store %arg11[%swap3A_927, %swap3A_928], %swap3A_931 {add = true, strides = array<i32>} : memref<64x768xf32, #tpu.memory_space<vmem>>, vector<1x16xf32>,
        %swap3A_932 = arith.index_cast %scan3A_776 : i32 to index
        %swap3A_933 = arith.constant 496 : index
        %swap3A_934 = tpu.vector_load %arg11[%swap3A_932, %swap3A_933] {strides = array<i32>} : memref<64x768xf32, #tpu.memory_space<vmem>>, vector<1x16xf32>,
        %swap3A_935 = vector.shape_cast %swap3A_934 : vector<1x16xf32> to vector<16xf32>
        %swap3A_936 = vector.shape_cast %get3A_424 : vector<16xf32> to vector<1x16xf32>
        tpu.vector_store %arg11[%swap3A_932, %swap3A_933], %swap3A_936 {add = true, strides = array<i32>} : memref<64x768xf32, #tpu.memory_space<vmem>>, vector<1x16xf32>,
        %swap3A_937 = arith.index_cast %scan3A_776 : i32 to index
        %swap3A_938 = arith.constant 512 : index
        %swap3A_939 = tpu.vector_load %arg11[%swap3A_937, %swap3A_938] {strides = array<i32>} : memref<64x768xf32, #tpu.memory_space<vmem>>, vector<1x16xf32>,
        %swap3A_940 = vector.shape_cast %swap3A_939 : vector<1x16xf32> to vector<16xf32>
        %swap3A_941 = vector.shape_cast %get3A_427 : vector<16xf32> to vector<1x16xf32>
        tpu.vector_store %arg11[%swap3A_937, %swap3A_938], %swap3A_941 {add = true, strides = array<i32>} : memref<64x768xf32, #tpu.memory_space<vmem>>, vector<1x16xf32>,
        %swap3A_942 = arith.index_cast %scan3A_776 : i32 to index
        %swap3A_943 = arith.constant 528 : index
        %swap3A_944 = tpu.vector_load %arg11[%swap3A_942, %swap3A_943] {strides = array<i32>} : memref<64x768xf32, #tpu.memory_space<vmem>>, vector<1x16xf32>,
        %swap3A_945 = vector.shape_cast %swap3A_944 : vector<1x16xf32> to vector<16xf32>
        %swap3A_946 = vector.shape_cast %get3A_430 : vector<16xf32> to vector<1x16xf32>
        tpu.vector_store %arg11[%swap3A_942, %swap3A_943], %swap3A_946 {add = true, strides = array<i32>} : memref<64x768xf32, #tpu.memory_space<vmem>>, vector<1x16xf32>,
        %swap3A_947 = arith.index_cast %scan3A_776 : i32 to index
        %swap3A_948 = arith.constant 544 : index
        %swap3A_949 = tpu.vector_load %arg11[%swap3A_947, %swap3A_948] {strides = array<i32>} : memref<64x768xf32, #tpu.memory_space<vmem>>, vector<1x16xf32>,
        %swap3A_950 = vector.shape_cast %swap3A_949 : vector<1x16xf32> to vector<16xf32>
        %swap3A_951 = vector.shape_cast %get3A_433 : vector<16xf32> to vector<1x16xf32>
        tpu.vector_store %arg11[%swap3A_947, %swap3A_948], %swap3A_951 {add = true, strides = array<i32>} : memref<64x768xf32, #tpu.memory_space<vmem>>, vector<1x16xf32>,
        %swap3A_952 = arith.index_cast %scan3A_776 : i32 to index
        %swap3A_953 = arith.constant 560 : index
        %swap3A_954 = tpu.vector_load %arg11[%swap3A_952, %swap3A_953] {strides = array<i32>} : memref<64x768xf32, #tpu.memory_space<vmem>>, vector<1x16xf32>,
        %swap3A_955 = vector.shape_cast %swap3A_954 : vector<1x16xf32> to vector<16xf32>
        %swap3A_956 = vector.shape_cast %get3A_436 : vector<16xf32> to vector<1x16xf32>
        tpu.vector_store %arg11[%swap3A_952, %swap3A_953], %swap3A_956 {add = true, strides = array<i32>} : memref<64x768xf32, #tpu.memory_space<vmem>>, vector<1x16xf32>,
        %swap3A_957 = arith.index_cast %scan3A_776 : i32 to index
        %swap3A_958 = arith.constant 576 : index
        %swap3A_959 = tpu.vector_load %arg11[%swap3A_957, %swap3A_958] {strides = array<i32>} : memref<64x768xf32, #tpu.memory_space<vmem>>, vector<1x16xf32>,
        %swap3A_960 = vector.shape_cast %swap3A_959 : vector<1x16xf32> to vector<16xf32>
        %swap3A_961 = vector.shape_cast %get3A_439 : vector<16xf32> to vector<1x16xf32>
        tpu.vector_store %arg11[%swap3A_957, %swap3A_958], %swap3A_961 {add = true, strides = array<i32>} : memref<64x768xf32, #tpu.memory_space<vmem>>, vector<1x16xf32>,
        %swap3A_962 = arith.index_cast %scan3A_776 : i32 to index
        %swap3A_963 = arith.constant 592 : index
        %swap3A_964 = tpu.vector_load %arg11[%swap3A_962, %swap3A_963] {strides = array<i32>} : memref<64x768xf32, #tpu.memory_space<vmem>>, vector<1x16xf32>,
        %swap3A_965 = vector.shape_cast %swap3A_964 : vector<1x16xf32> to vector<16xf32>
        %swap3A_966 = vector.shape_cast %get3A_442 : vector<16xf32> to vector<1x16xf32>
        tpu.vector_store %arg11[%swap3A_962, %swap3A_963], %swap3A_966 {add = true, strides = array<i32>} : memref<64x768xf32, #tpu.memory_space<vmem>>, vector<1x16xf32>,
        %swap3A_967 = arith.index_cast %scan3A_776 : i32 to index
        %swap3A_968 = arith.constant 608 : index
        %swap3A_969 = tpu.vector_load %arg11[%swap3A_967, %swap3A_968] {strides = array<i32>} : memref<64x768xf32, #tpu.memory_space<vmem>>, vector<1x16xf32>,
        %swap3A_970 = vector.shape_cast %swap3A_969 : vector<1x16xf32> to vector<16xf32>
        %swap3A_971 = vector.shape_cast %get3A_445 : vector<16xf32> to vector<1x16xf32>
        tpu.vector_store %arg11[%swap3A_967, %swap3A_968], %swap3A_971 {add = true, strides = array<i32>} : memref<64x768xf32, #tpu.memory_space<vmem>>, vector<1x16xf32>,
        %swap3A_972 = arith.index_cast %scan3A_776 : i32 to index
        %swap3A_973 = arith.constant 624 : index
        %swap3A_974 = tpu.vector_load %arg11[%swap3A_972, %swap3A_973] {strides = array<i32>} : memref<64x768xf32, #tpu.memory_space<vmem>>, vector<1x16xf32>,
        %swap3A_975 = vector.shape_cast %swap3A_974 : vector<1x16xf32> to vector<16xf32>
        %swap3A_976 = vector.shape_cast %get3A_448 : vector<16xf32> to vector<1x16xf32>
        tpu.vector_store %arg11[%swap3A_972, %swap3A_973], %swap3A_976 {add = true, strides = array<i32>} : memref<64x768xf32, #tpu.memory_space<vmem>>, vector<1x16xf32>,
        %swap3A_977 = arith.index_cast %scan3A_776 : i32 to index
        %swap3A_978 = arith.constant 640 : index
        %swap3A_979 = tpu.vector_load %arg11[%swap3A_977, %swap3A_978] {strides = array<i32>} : memref<64x768xf32, #tpu.memory_space<vmem>>, vector<1x16xf32>,
        %swap3A_980 = vector.shape_cast %swap3A_979 : vector<1x16xf32> to vector<16xf32>
        %swap3A_981 = vector.shape_cast %get3A_451 : vector<16xf32> to vector<1x16xf32>
        tpu.vector_store %arg11[%swap3A_977, %swap3A_978], %swap3A_981 {add = true, strides = array<i32>} : memref<64x768xf32, #tpu.memory_space<vmem>>, vector<1x16xf32>,
        %swap3A_982 = arith.index_cast %scan3A_776 : i32 to index
        %swap3A_983 = arith.constant 656 : index
        %swap3A_984 = tpu.vector_load %arg11[%swap3A_982, %swap3A_983] {strides = array<i32>} : memref<64x768xf32, #tpu.memory_space<vmem>>, vector<1x16xf32>,
        %swap3A_985 = vector.shape_cast %swap3A_984 : vector<1x16xf32> to vector<16xf32>
        %swap3A_986 = vector.shape_cast %get3A_454 : vector<16xf32> to vector<1x16xf32>
        tpu.vector_store %arg11[%swap3A_982, %swap3A_983], %swap3A_986 {add = true, strides = array<i32>} : memref<64x768xf32, #tpu.memory_space<vmem>>, vector<1x16xf32>,
        %swap3A_987 = arith.index_cast %scan3A_776 : i32 to index
        %swap3A_988 = arith.constant 672 : index
        %swap3A_989 = tpu.vector_load %arg11[%swap3A_987, %swap3A_988] {strides = array<i32>} : memref<64x768xf32, #tpu.memory_space<vmem>>, vector<1x16xf32>,
        %swap3A_990 = vector.shape_cast %swap3A_989 : vector<1x16xf32> to vector<16xf32>
        %swap3A_991 = vector.shape_cast %get3A_457 : vector<16xf32> to vector<1x16xf32>
        tpu.vector_store %arg11[%swap3A_987, %swap3A_988], %swap3A_991 {add = true, strides = array<i32>} : memref<64x768xf32, #tpu.memory_space<vmem>>, vector<1x16xf32>,
        %swap3A_992 = arith.index_cast %scan3A_776 : i32 to index
        %swap3A_993 = arith.constant 688 : index
        %swap3A_994 = tpu.vector_load %arg11[%swap3A_992, %swap3A_993] {strides = array<i32>} : memref<64x768xf32, #tpu.memory_space<vmem>>, vector<1x16xf32>,
        %swap3A_995 = vector.shape_cast %swap3A_994 : vector<1x16xf32> to vector<16xf32>
        %swap3A_996 = vector.shape_cast %get3A_460 : vector<16xf32> to vector<1x16xf32>
        tpu.vector_store %arg11[%swap3A_992, %swap3A_993], %swap3A_996 {add = true, strides = array<i32>} : memref<64x768xf32, #tpu.memory_space<vmem>>, vector<1x16xf32>,
        %swap3A_997 = arith.index_cast %scan3A_776 : i32 to index
        %swap3A_998 = arith.constant 704 : index
        %swap3A_999 = tpu.vector_load %arg11[%swap3A_997, %swap3A_998] {strides = array<i32>} : memref<64x768xf32, #tpu.memory_space<vmem>>, vector<1x16xf32>,
        %swap3A_1000 = vector.shape_cast %swap3A_999 : vector<1x16xf32> to vector<16xf32>
        %swap3A_1001 = vector.shape_cast %get3A_463 : vector<16xf32> to vector<1x16xf32>
        tpu.vector_store %arg11[%swap3A_997, %swap3A_998], %swap3A_1001 {add = true, strides = array<i32>} : memref<64x768xf32, #tpu.memory_space<vmem>>, vector<1x16xf32>,
        %swap3A_1002 = arith.index_cast %scan3A_776 : i32 to index
        %swap3A_1003 = arith.constant 720 : index
        %swap3A_1004 = tpu.vector_load %arg11[%swap3A_1002, %swap3A_1003] {strides = array<i32>} : memref<64x768xf32, #tpu.memory_space<vmem>>, vector<1x16xf32>,
        %swap3A_1005 = vector.shape_cast %swap3A_1004 : vector<1x16xf32> to vector<16xf32>
        %swap3A_1006 = vector.shape_cast %get3A_466 : vector<16xf32> to vector<1x16xf32>
        tpu.vector_store %arg11[%swap3A_1002, %swap3A_1003], %swap3A_1006 {add = true, strides = array<i32>} : memref<64x768xf32, #tpu.memory_space<vmem>>, vector<1x16xf32>,
        %swap3A_1007 = arith.index_cast %scan3A_776 : i32 to index
        %swap3A_1008 = arith.constant 736 : index
        %swap3A_1009 = tpu.vector_load %arg11[%swap3A_1007, %swap3A_1008] {strides = array<i32>} : memref<64x768xf32, #tpu.memory_space<vmem>>, vector<1x16xf32>,
        %swap3A_1010 = vector.shape_cast %swap3A_1009 : vector<1x16xf32> to vector<16xf32>
        %swap3A_1011 = vector.shape_cast %get3A_469 : vector<16xf32> to vector<1x16xf32>
        tpu.vector_store %arg11[%swap3A_1007, %swap3A_1008], %swap3A_1011 {add = true, strides = array<i32>} : memref<64x768xf32, #tpu.memory_space<vmem>>, vector<1x16xf32>,
        %swap3A_1012 = arith.index_cast %scan3A_776 : i32 to index
        %swap3A_1013 = arith.constant 752 : index
        %swap3A_1014 = tpu.vector_load %arg11[%swap3A_1012, %swap3A_1013] {strides = array<i32>} : memref<64x768xf32, #tpu.memory_space<vmem>>, vector<1x16xf32>,
        %swap3A_1015 = vector.shape_cast %swap3A_1014 : vector<1x16xf32> to vector<16xf32>
        %swap3A_1016 = vector.shape_cast %get3A_472 : vector<16xf32> to vector<1x16xf32>
        tpu.vector_store %arg11[%swap3A_1012, %swap3A_1013], %swap3A_1016 {add = true, strides = array<i32>} : memref<64x768xf32, #tpu.memory_space<vmem>>, vector<1x16xf32>,
      }
      %scan3A_477 = arith.constant 32 : i32
      %mul3A_478 = arith.constant 4096 : i32
      %mul3A_479 = arith.muli %scan3A_106, %mul3A_478 : i32
      %add3A_480 = arith.addi %mul3A_479, %add3A_320 : i32
      %add3A_481 = arith.constant 0 : i32
      %add3A_482 = arith.addi %add3A_480, %add3A_481 : i32
      %dma_start3A_483 = arith.constant 0 : i32
      %dma_start3A_484 = arith.constant 0 : i32
      %dma_start3A_485 = tpu.memref_slice %arg11[%dma_start3A_483, %dma_start3A_484] : memref<64x768xf32, #tpu.memory_space<vmem>> -> memref<32x768xf32, #tpu.memory_space<vmem>>
      %dma_start3A_486 = arith.constant 0 : i32
      %dma_start3A_487 = tpu.memref_slice %arg5[%add3A_482, %dma_start3A_486] : memref<315392x768xf32, #tpu.memory_space<hbm>> -> memref<32x768xf32, #tpu.memory_space<hbm>>
      %dma_start3A_488 = arith.constant 0 : i32
      %dma_start3A_489 = tpu.memref_slice %arg5[%add3A_482, %dma_start3A_488] : memref<315392x768xf32, #tpu.memory_space<hbm>> -> memref<32x768xf32, #tpu.memory_space<hbm>>
      %dma_start3A_490 = arith.constant 0 : i32
      %dma_start3A_491 = arith.constant 0 : i32
      %dma_start3A_492 = tpu.memref_slice %arg11[%dma_start3A_490, %dma_start3A_491] : memref<64x768xf32, #tpu.memory_space<vmem>> -> memref<32x768xf32, #tpu.memory_space<vmem>>
      tpu.enqueue_dma source(%dma_start3A_492 : memref<32x768xf32, #tpu.memory_space<vmem>>) target(%dma_start3A_489 : memref<32x768xf32, #tpu.memory_space<hbm>>) target_semaphore(%arg17 : memref<!tpu.dma_semaphore, #tpu.memory_space<semaphore_mem>>)
      %dma_wait3A_493 = arith.constant 32 : i32
      %dma_wait3A_494 = arith.constant 0 : i32
      %dma_wait3A_495 = tpu.memref_slice %arg11[%dma_wait3A_493, %dma_wait3A_494] : memref<64x768xf32, #tpu.memory_space<vmem>> -> memref<32x768xf32, #tpu.memory_space<vmem>>
      %dma_wait3A_496 = arith.constant 32 : i32
      %dma_wait3A_497 = tpu.memref_slice %arg7[%dma_wait3A_496] : memref<64xi32, #tpu.memory_space<vmem>> -> memref<32xi32, #tpu.memory_space<vmem>>
      %dma_wait3A_498 = arith.constant 0 : i32
      %dma_wait3A_499 = arith.constant 0 : i32
      %dma_wait3A_500 = tpu.memref_slice %arg3[%dma_wait3A_498, %dma_wait3A_499] : memref<49408x768xf32, #tpu.memory_space<hbm>> -> memref<49408x768xf32, #tpu.memory_space<hbm>>
      tpu.wait_indirect_dma semaphore(%arg15 : memref<!tpu.dma_semaphore, #tpu.memory_space<semaphore_mem>>) src(%dma_wait3A_500 : memref<49408x768xf32, #tpu.memory_space<hbm>>) dst(%dma_wait3A_495 : memref<32x768xf32, #tpu.memory_space<vmem>>)
      %add3A_501 = arith.constant 1 : i32
      %add3A_502 = arith.addi %scan3A_106, %add3A_501 : i32
      %lt3A_503 = arith.constant 77 : i32
      %lt3A_504 = arith.cmpi slt, %add3A_502, %lt3A_503 : i32
      %convert_element_type3A_505 = arith.extui %lt3A_504 : i1 to i32
      %cond3A_506 = arith.constant 0 : i32
      %cond3A_507 = arith.cmpi ne, %convert_element_type3A_505, %cond3A_506 : i32
      scf.if %cond3A_507 {
        %add3A_535 = arith.constant 1 : i32
        %add3A_536 = arith.addi %scan3A_106, %add3A_535 : i32
        %mul3A_537 = arith.constant 4096 : i32
        %mul3A_538 = arith.muli %add3A_536, %mul3A_537 : i32
        %add3A_539 = arith.addi %mul3A_538, %add3A_320 : i32
        %dma_start3A_540 = tpu.memref_slice %arg2[%add3A_539] : memref<315392xi32, #tpu.memory_space<hbm>> -> memref<64xi32, #tpu.memory_space<hbm>>
        %dma_start3A_541 = tpu.memref_slice %arg2[%add3A_539] : memref<315392xi32, #tpu.memory_space<hbm>> -> memref<64xi32, #tpu.memory_space<hbm>>
        tpu.enqueue_dma source(%dma_start3A_541 : memref<64xi32, #tpu.memory_space<hbm>>) target(%arg7 : memref<64xi32, #tpu.memory_space<vmem>>) target_semaphore(%arg19 : memref<!tpu.dma_semaphore, #tpu.memory_space<semaphore_mem>>)
        %add3A_542 = arith.constant 1 : i32
        %add3A_543 = arith.addi %scan3A_106, %add3A_542 : i32
        %mul3A_544 = arith.constant 768 : i32
        %mul3A_545 = arith.muli %add3A_543, %mul3A_544 : i32
        %dma_start3A_546 = tpu.memref_slice %arg4[%mul3A_545] : memref<59136xf32, #tpu.memory_space<hbm>> -> memref<768xf32, #tpu.memory_space<hbm>>
        %dma_start3A_547 = tpu.memref_slice %arg4[%mul3A_545] : memref<59136xf32, #tpu.memory_space<hbm>> -> memref<768xf32, #tpu.memory_space<hbm>>
        tpu.enqueue_dma source(%dma_start3A_547 : memref<768xf32, #tpu.memory_space<hbm>>) target(%arg9 : memref<768xf32, #tpu.memory_space<vmem>>) target_semaphore(%arg19 : memref<!tpu.dma_semaphore, #tpu.memory_space<semaphore_mem>>)
      } else {
      }
      %scan3A_508 = arith.constant 32 : i32
      %scan3A_509 = arith.constant 32 : i32
      %scan3A_510 = arith.addi %scan3A_508, %scan3A_509 : i32
      %scan3A_511 = arith.constant 2 : i32
      scf.for %scan3A_535 = %scan3A_508 to %scan3A_510 step %scan3A_511  : i32 {
        %swap3A = arith.index_cast %scan3A_535 : i32 to index
        %swap3A_536 = arith.constant 0 : index
        %swap3A_537 = tpu.vector_load %arg11[%swap3A, %swap3A_536] {strides = array<i32>} : memref<64x768xf32, #tpu.memory_space<vmem>>, vector<1x16xf32>,
        %swap3A_538 = vector.shape_cast %swap3A_537 : vector<1x16xf32> to vector<16xf32>
        %swap3A_539 = vector.shape_cast %get3A_331 : vector<16xf32> to vector<1x16xf32>
        tpu.vector_store %arg11[%swap3A, %swap3A_536], %swap3A_539 {add = true, strides = array<i32>} : memref<64x768xf32, #tpu.memory_space<vmem>>, vector<1x16xf32>,
        %swap3A_540 = arith.index_cast %scan3A_535 : i32 to index
        %swap3A_541 = arith.constant 16 : index
        %swap3A_542 = tpu.vector_load %arg11[%swap3A_540, %swap3A_541] {strides = array<i32>} : memref<64x768xf32, #tpu.memory_space<vmem>>, vector<1x16xf32>,
        %swap3A_543 = vector.shape_cast %swap3A_542 : vector<1x16xf32> to vector<16xf32>
        %swap3A_544 = vector.shape_cast %get3A_334 : vector<16xf32> to vector<1x16xf32>
        tpu.vector_store %arg11[%swap3A_540, %swap3A_541], %swap3A_544 {add = true, strides = array<i32>} : memref<64x768xf32, #tpu.memory_space<vmem>>, vector<1x16xf32>,
        %swap3A_545 = arith.index_cast %scan3A_535 : i32 to index
        %swap3A_546 = arith.constant 32 : index
        %swap3A_547 = tpu.vector_load %arg11[%swap3A_545, %swap3A_546] {strides = array<i32>} : memref<64x768xf32, #tpu.memory_space<vmem>>, vector<1x16xf32>,
        %swap3A_548 = vector.shape_cast %swap3A_547 : vector<1x16xf32> to vector<16xf32>
        %swap3A_549 = vector.shape_cast %get3A_337 : vector<16xf32> to vector<1x16xf32>
        tpu.vector_store %arg11[%swap3A_545, %swap3A_546], %swap3A_549 {add = true, strides = array<i32>} : memref<64x768xf32, #tpu.memory_space<vmem>>, vector<1x16xf32>,
        %swap3A_550 = arith.index_cast %scan3A_535 : i32 to index
        %swap3A_551 = arith.constant 48 : index
        %swap3A_552 = tpu.vector_load %arg11[%swap3A_550, %swap3A_551] {strides = array<i32>} : memref<64x768xf32, #tpu.memory_space<vmem>>, vector<1x16xf32>,
        %swap3A_553 = vector.shape_cast %swap3A_552 : vector<1x16xf32> to vector<16xf32>
        %swap3A_554 = vector.shape_cast %get3A_340 : vector<16xf32> to vector<1x16xf32>
        tpu.vector_store %arg11[%swap3A_550, %swap3A_551], %swap3A_554 {add = true, strides = array<i32>} : memref<64x768xf32, #tpu.memory_space<vmem>>, vector<1x16xf32>,
        %swap3A_555 = arith.index_cast %scan3A_535 : i32 to index
        %swap3A_556 = arith.constant 64 : index
        %swap3A_557 = tpu.vector_load %arg11[%swap3A_555, %swap3A_556] {strides = array<i32>} : memref<64x768xf32, #tpu.memory_space<vmem>>, vector<1x16xf32>,
        %swap3A_558 = vector.shape_cast %swap3A_557 : vector<1x16xf32> to vector<16xf32>
        %swap3A_559 = vector.shape_cast %get3A_343 : vector<16xf32> to vector<1x16xf32>
        tpu.vector_store %arg11[%swap3A_555, %swap3A_556], %swap3A_559 {add = true, strides = array<i32>} : memref<64x768xf32, #tpu.memory_space<vmem>>, vector<1x16xf32>,
        %swap3A_560 = arith.index_cast %scan3A_535 : i32 to index
        %swap3A_561 = arith.constant 80 : index
        %swap3A_562 = tpu.vector_load %arg11[%swap3A_560, %swap3A_561] {strides = array<i32>} : memref<64x768xf32, #tpu.memory_space<vmem>>, vector<1x16xf32>,
        %swap3A_563 = vector.shape_cast %swap3A_562 : vector<1x16xf32> to vector<16xf32>
        %swap3A_564 = vector.shape_cast %get3A_346 : vector<16xf32> to vector<1x16xf32>
        tpu.vector_store %arg11[%swap3A_560, %swap3A_561], %swap3A_564 {add = true, strides = array<i32>} : memref<64x768xf32, #tpu.memory_space<vmem>>, vector<1x16xf32>,
        %swap3A_565 = arith.index_cast %scan3A_535 : i32 to index
        %swap3A_566 = arith.constant 96 : index
        %swap3A_567 = tpu.vector_load %arg11[%swap3A_565, %swap3A_566] {strides = array<i32>} : memref<64x768xf32, #tpu.memory_space<vmem>>, vector<1x16xf32>,
        %swap3A_568 = vector.shape_cast %swap3A_567 : vector<1x16xf32> to vector<16xf32>
        %swap3A_569 = vector.shape_cast %get3A_349 : vector<16xf32> to vector<1x16xf32>
        tpu.vector_store %arg11[%swap3A_565, %swap3A_566], %swap3A_569 {add = true, strides = array<i32>} : memref<64x768xf32, #tpu.memory_space<vmem>>, vector<1x16xf32>,
        %swap3A_570 = arith.index_cast %scan3A_535 : i32 to index
        %swap3A_571 = arith.constant 112 : index
        %swap3A_572 = tpu.vector_load %arg11[%swap3A_570, %swap3A_571] {strides = array<i32>} : memref<64x768xf32, #tpu.memory_space<vmem>>, vector<1x16xf32>,
        %swap3A_573 = vector.shape_cast %swap3A_572 : vector<1x16xf32> to vector<16xf32>
        %swap3A_574 = vector.shape_cast %get3A_352 : vector<16xf32> to vector<1x16xf32>
        tpu.vector_store %arg11[%swap3A_570, %swap3A_571], %swap3A_574 {add = true, strides = array<i32>} : memref<64x768xf32, #tpu.memory_space<vmem>>, vector<1x16xf32>,
        %swap3A_575 = arith.index_cast %scan3A_535 : i32 to index
        %swap3A_576 = arith.constant 128 : index
        %swap3A_577 = tpu.vector_load %arg11[%swap3A_575, %swap3A_576] {strides = array<i32>} : memref<64x768xf32, #tpu.memory_space<vmem>>, vector<1x16xf32>,
        %swap3A_578 = vector.shape_cast %swap3A_577 : vector<1x16xf32> to vector<16xf32>
        %swap3A_579 = vector.shape_cast %get3A_355 : vector<16xf32> to vector<1x16xf32>
        tpu.vector_store %arg11[%swap3A_575, %swap3A_576], %swap3A_579 {add = true, strides = array<i32>} : memref<64x768xf32, #tpu.memory_space<vmem>>, vector<1x16xf32>,
        %swap3A_580 = arith.index_cast %scan3A_535 : i32 to index
        %swap3A_581 = arith.constant 144 : index
        %swap3A_582 = tpu.vector_load %arg11[%swap3A_580, %swap3A_581] {strides = array<i32>} : memref<64x768xf32, #tpu.memory_space<vmem>>, vector<1x16xf32>,
        %swap3A_583 = vector.shape_cast %swap3A_582 : vector<1x16xf32> to vector<16xf32>
        %swap3A_584 = vector.shape_cast %get3A_358 : vector<16xf32> to vector<1x16xf32>
        tpu.vector_store %arg11[%swap3A_580, %swap3A_581], %swap3A_584 {add = true, strides = array<i32>} : memref<64x768xf32, #tpu.memory_space<vmem>>, vector<1x16xf32>,
        %swap3A_585 = arith.index_cast %scan3A_535 : i32 to index
        %swap3A_586 = arith.constant 160 : index
        %swap3A_587 = tpu.vector_load %arg11[%swap3A_585, %swap3A_586] {strides = array<i32>} : memref<64x768xf32, #tpu.memory_space<vmem>>, vector<1x16xf32>,
        %swap3A_588 = vector.shape_cast %swap3A_587 : vector<1x16xf32> to vector<16xf32>
        %swap3A_589 = vector.shape_cast %get3A_361 : vector<16xf32> to vector<1x16xf32>
        tpu.vector_store %arg11[%swap3A_585, %swap3A_586], %swap3A_589 {add = true, strides = array<i32>} : memref<64x768xf32, #tpu.memory_space<vmem>>, vector<1x16xf32>,
        %swap3A_590 = arith.index_cast %scan3A_535 : i32 to index
        %swap3A_591 = arith.constant 176 : index
        %swap3A_592 = tpu.vector_load %arg11[%swap3A_590, %swap3A_591] {strides = array<i32>} : memref<64x768xf32, #tpu.memory_space<vmem>>, vector<1x16xf32>,
        %swap3A_593 = vector.shape_cast %swap3A_592 : vector<1x16xf32> to vector<16xf32>
        %swap3A_594 = vector.shape_cast %get3A_364 : vector<16xf32> to vector<1x16xf32>
        tpu.vector_store %arg11[%swap3A_590, %swap3A_591], %swap3A_594 {add = true, strides = array<i32>} : memref<64x768xf32, #tpu.memory_space<vmem>>, vector<1x16xf32>,
        %swap3A_595 = arith.index_cast %scan3A_535 : i32 to index
        %swap3A_596 = arith.constant 192 : index
        %swap3A_597 = tpu.vector_load %arg11[%swap3A_595, %swap3A_596] {strides = array<i32>} : memref<64x768xf32, #tpu.memory_space<vmem>>, vector<1x16xf32>,
        %swap3A_598 = vector.shape_cast %swap3A_597 : vector<1x16xf32> to vector<16xf32>
        %swap3A_599 = vector.shape_cast %get3A_367 : vector<16xf32> to vector<1x16xf32>
        tpu.vector_store %arg11[%swap3A_595, %swap3A_596], %swap3A_599 {add = true, strides = array<i32>} : memref<64x768xf32, #tpu.memory_space<vmem>>, vector<1x16xf32>,
        %swap3A_600 = arith.index_cast %scan3A_535 : i32 to index
        %swap3A_601 = arith.constant 208 : index
        %swap3A_602 = tpu.vector_load %arg11[%swap3A_600, %swap3A_601] {strides = array<i32>} : memref<64x768xf32, #tpu.memory_space<vmem>>, vector<1x16xf32>,
        %swap3A_603 = vector.shape_cast %swap3A_602 : vector<1x16xf32> to vector<16xf32>
        %swap3A_604 = vector.shape_cast %get3A_370 : vector<16xf32> to vector<1x16xf32>
        tpu.vector_store %arg11[%swap3A_600, %swap3A_601], %swap3A_604 {add = true, strides = array<i32>} : memref<64x768xf32, #tpu.memory_space<vmem>>, vector<1x16xf32>,
        %swap3A_605 = arith.index_cast %scan3A_535 : i32 to index
        %swap3A_606 = arith.constant 224 : index
        %swap3A_607 = tpu.vector_load %arg11[%swap3A_605, %swap3A_606] {strides = array<i32>} : memref<64x768xf32, #tpu.memory_space<vmem>>, vector<1x16xf32>,
        %swap3A_608 = vector.shape_cast %swap3A_607 : vector<1x16xf32> to vector<16xf32>
        %swap3A_609 = vector.shape_cast %get3A_373 : vector<16xf32> to vector<1x16xf32>
        tpu.vector_store %arg11[%swap3A_605, %swap3A_606], %swap3A_609 {add = true, strides = array<i32>} : memref<64x768xf32, #tpu.memory_space<vmem>>, vector<1x16xf32>,
        %swap3A_610 = arith.index_cast %scan3A_535 : i32 to index
        %swap3A_611 = arith.constant 240 : index
        %swap3A_612 = tpu.vector_load %arg11[%swap3A_610, %swap3A_611] {strides = array<i32>} : memref<64x768xf32, #tpu.memory_space<vmem>>, vector<1x16xf32>,
        %swap3A_613 = vector.shape_cast %swap3A_612 : vector<1x16xf32> to vector<16xf32>
        %swap3A_614 = vector.shape_cast %get3A_376 : vector<16xf32> to vector<1x16xf32>
        tpu.vector_store %arg11[%swap3A_610, %swap3A_611], %swap3A_614 {add = true, strides = array<i32>} : memref<64x768xf32, #tpu.memory_space<vmem>>, vector<1x16xf32>,
        %swap3A_615 = arith.index_cast %scan3A_535 : i32 to index
        %swap3A_616 = arith.constant 256 : index
        %swap3A_617 = tpu.vector_load %arg11[%swap3A_615, %swap3A_616] {strides = array<i32>} : memref<64x768xf32, #tpu.memory_space<vmem>>, vector<1x16xf32>,
        %swap3A_618 = vector.shape_cast %swap3A_617 : vector<1x16xf32> to vector<16xf32>
        %swap3A_619 = vector.shape_cast %get3A_379 : vector<16xf32> to vector<1x16xf32>
        tpu.vector_store %arg11[%swap3A_615, %swap3A_616], %swap3A_619 {add = true, strides = array<i32>} : memref<64x768xf32, #tpu.memory_space<vmem>>, vector<1x16xf32>,
        %swap3A_620 = arith.index_cast %scan3A_535 : i32 to index
        %swap3A_621 = arith.constant 272 : index
        %swap3A_622 = tpu.vector_load %arg11[%swap3A_620, %swap3A_621] {strides = array<i32>} : memref<64x768xf32, #tpu.memory_space<vmem>>, vector<1x16xf32>,
        %swap3A_623 = vector.shape_cast %swap3A_622 : vector<1x16xf32> to vector<16xf32>
        %swap3A_624 = vector.shape_cast %get3A_382 : vector<16xf32> to vector<1x16xf32>
        tpu.vector_store %arg11[%swap3A_620, %swap3A_621], %swap3A_624 {add = true, strides = array<i32>} : memref<64x768xf32, #tpu.memory_space<vmem>>, vector<1x16xf32>,
        %swap3A_625 = arith.index_cast %scan3A_535 : i32 to index
        %swap3A_626 = arith.constant 288 : index
        %swap3A_627 = tpu.vector_load %arg11[%swap3A_625, %swap3A_626] {strides = array<i32>} : memref<64x768xf32, #tpu.memory_space<vmem>>, vector<1x16xf32>,
        %swap3A_628 = vector.shape_cast %swap3A_627 : vector<1x16xf32> to vector<16xf32>
        %swap3A_629 = vector.shape_cast %get3A_385 : vector<16xf32> to vector<1x16xf32>
        tpu.vector_store %arg11[%swap3A_625, %swap3A_626], %swap3A_629 {add = true, strides = array<i32>} : memref<64x768xf32, #tpu.memory_space<vmem>>, vector<1x16xf32>,
        %swap3A_630 = arith.index_cast %scan3A_535 : i32 to index
        %swap3A_631 = arith.constant 304 : index
        %swap3A_632 = tpu.vector_load %arg11[%swap3A_630, %swap3A_631] {strides = array<i32>} : memref<64x768xf32, #tpu.memory_space<vmem>>, vector<1x16xf32>,
        %swap3A_633 = vector.shape_cast %swap3A_632 : vector<1x16xf32> to vector<16xf32>
        %swap3A_634 = vector.shape_cast %get3A_388 : vector<16xf32> to vector<1x16xf32>
        tpu.vector_store %arg11[%swap3A_630, %swap3A_631], %swap3A_634 {add = true, strides = array<i32>} : memref<64x768xf32, #tpu.memory_space<vmem>>, vector<1x16xf32>,
        %swap3A_635 = arith.index_cast %scan3A_535 : i32 to index
        %swap3A_636 = arith.constant 320 : index
        %swap3A_637 = tpu.vector_load %arg11[%swap3A_635, %swap3A_636] {strides = array<i32>} : memref<64x768xf32, #tpu.memory_space<vmem>>, vector<1x16xf32>,
        %swap3A_638 = vector.shape_cast %swap3A_637 : vector<1x16xf32> to vector<16xf32>
        %swap3A_639 = vector.shape_cast %get3A_391 : vector<16xf32> to vector<1x16xf32>
        tpu.vector_store %arg11[%swap3A_635, %swap3A_636], %swap3A_639 {add = true, strides = array<i32>} : memref<64x768xf32, #tpu.memory_space<vmem>>, vector<1x16xf32>,
        %swap3A_640 = arith.index_cast %scan3A_535 : i32 to index
        %swap3A_641 = arith.constant 336 : index
        %swap3A_642 = tpu.vector_load %arg11[%swap3A_640, %swap3A_641] {strides = array<i32>} : memref<64x768xf32, #tpu.memory_space<vmem>>, vector<1x16xf32>,
        %swap3A_643 = vector.shape_cast %swap3A_642 : vector<1x16xf32> to vector<16xf32>
        %swap3A_644 = vector.shape_cast %get3A_394 : vector<16xf32> to vector<1x16xf32>
        tpu.vector_store %arg11[%swap3A_640, %swap3A_641], %swap3A_644 {add = true, strides = array<i32>} : memref<64x768xf32, #tpu.memory_space<vmem>>, vector<1x16xf32>,
        %swap3A_645 = arith.index_cast %scan3A_535 : i32 to index
        %swap3A_646 = arith.constant 352 : index
        %swap3A_647 = tpu.vector_load %arg11[%swap3A_645, %swap3A_646] {strides = array<i32>} : memref<64x768xf32, #tpu.memory_space<vmem>>, vector<1x16xf32>,
        %swap3A_648 = vector.shape_cast %swap3A_647 : vector<1x16xf32> to vector<16xf32>
        %swap3A_649 = vector.shape_cast %get3A_397 : vector<16xf32> to vector<1x16xf32>
        tpu.vector_store %arg11[%swap3A_645, %swap3A_646], %swap3A_649 {add = true, strides = array<i32>} : memref<64x768xf32, #tpu.memory_space<vmem>>, vector<1x16xf32>,
        %swap3A_650 = arith.index_cast %scan3A_535 : i32 to index
        %swap3A_651 = arith.constant 368 : index
        %swap3A_652 = tpu.vector_load %arg11[%swap3A_650, %swap3A_651] {strides = array<i32>} : memref<64x768xf32, #tpu.memory_space<vmem>>, vector<1x16xf32>,
        %swap3A_653 = vector.shape_cast %swap3A_652 : vector<1x16xf32> to vector<16xf32>
        %swap3A_654 = vector.shape_cast %get3A_400 : vector<16xf32> to vector<1x16xf32>
        tpu.vector_store %arg11[%swap3A_650, %swap3A_651], %swap3A_654 {add = true, strides = array<i32>} : memref<64x768xf32, #tpu.memory_space<vmem>>, vector<1x16xf32>,
        %swap3A_655 = arith.index_cast %scan3A_535 : i32 to index
        %swap3A_656 = arith.constant 384 : index
        %swap3A_657 = tpu.vector_load %arg11[%swap3A_655, %swap3A_656] {strides = array<i32>} : memref<64x768xf32, #tpu.memory_space<vmem>>, vector<1x16xf32>,
        %swap3A_658 = vector.shape_cast %swap3A_657 : vector<1x16xf32> to vector<16xf32>
        %swap3A_659 = vector.shape_cast %get3A_403 : vector<16xf32> to vector<1x16xf32>
        tpu.vector_store %arg11[%swap3A_655, %swap3A_656], %swap3A_659 {add = true, strides = array<i32>} : memref<64x768xf32, #tpu.memory_space<vmem>>, vector<1x16xf32>,
        %swap3A_660 = arith.index_cast %scan3A_535 : i32 to index
        %swap3A_661 = arith.constant 400 : index
        %swap3A_662 = tpu.vector_load %arg11[%swap3A_660, %swap3A_661] {strides = array<i32>} : memref<64x768xf32, #tpu.memory_space<vmem>>, vector<1x16xf32>,
        %swap3A_663 = vector.shape_cast %swap3A_662 : vector<1x16xf32> to vector<16xf32>
        %swap3A_664 = vector.shape_cast %get3A_406 : vector<16xf32> to vector<1x16xf32>
        tpu.vector_store %arg11[%swap3A_660, %swap3A_661], %swap3A_664 {add = true, strides = array<i32>} : memref<64x768xf32, #tpu.memory_space<vmem>>, vector<1x16xf32>,
        %swap3A_665 = arith.index_cast %scan3A_535 : i32 to index
        %swap3A_666 = arith.constant 416 : index
        %swap3A_667 = tpu.vector_load %arg11[%swap3A_665, %swap3A_666] {strides = array<i32>} : memref<64x768xf32, #tpu.memory_space<vmem>>, vector<1x16xf32>,
        %swap3A_668 = vector.shape_cast %swap3A_667 : vector<1x16xf32> to vector<16xf32>
        %swap3A_669 = vector.shape_cast %get3A_409 : vector<16xf32> to vector<1x16xf32>
        tpu.vector_store %arg11[%swap3A_665, %swap3A_666], %swap3A_669 {add = true, strides = array<i32>} : memref<64x768xf32, #tpu.memory_space<vmem>>, vector<1x16xf32>,
        %swap3A_670 = arith.index_cast %scan3A_535 : i32 to index
        %swap3A_671 = arith.constant 432 : index
        %swap3A_672 = tpu.vector_load %arg11[%swap3A_670, %swap3A_671] {strides = array<i32>} : memref<64x768xf32, #tpu.memory_space<vmem>>, vector<1x16xf32>,
        %swap3A_673 = vector.shape_cast %swap3A_672 : vector<1x16xf32> to vector<16xf32>
        %swap3A_674 = vector.shape_cast %get3A_412 : vector<16xf32> to vector<1x16xf32>
        tpu.vector_store %arg11[%swap3A_670, %swap3A_671], %swap3A_674 {add = true, strides = array<i32>} : memref<64x768xf32, #tpu.memory_space<vmem>>, vector<1x16xf32>,
        %swap3A_675 = arith.index_cast %scan3A_535 : i32 to index
        %swap3A_676 = arith.constant 448 : index
        %swap3A_677 = tpu.vector_load %arg11[%swap3A_675, %swap3A_676] {strides = array<i32>} : memref<64x768xf32, #tpu.memory_space<vmem>>, vector<1x16xf32>,
        %swap3A_678 = vector.shape_cast %swap3A_677 : vector<1x16xf32> to vector<16xf32>
        %swap3A_679 = vector.shape_cast %get3A_415 : vector<16xf32> to vector<1x16xf32>
        tpu.vector_store %arg11[%swap3A_675, %swap3A_676], %swap3A_679 {add = true, strides = array<i32>} : memref<64x768xf32, #tpu.memory_space<vmem>>, vector<1x16xf32>,
        %swap3A_680 = arith.index_cast %scan3A_535 : i32 to index
        %swap3A_681 = arith.constant 464 : index
        %swap3A_682 = tpu.vector_load %arg11[%swap3A_680, %swap3A_681] {strides = array<i32>} : memref<64x768xf32, #tpu.memory_space<vmem>>, vector<1x16xf32>,
        %swap3A_683 = vector.shape_cast %swap3A_682 : vector<1x16xf32> to vector<16xf32>
        %swap3A_684 = vector.shape_cast %get3A_418 : vector<16xf32> to vector<1x16xf32>
        tpu.vector_store %arg11[%swap3A_680, %swap3A_681], %swap3A_684 {add = true, strides = array<i32>} : memref<64x768xf32, #tpu.memory_space<vmem>>, vector<1x16xf32>,
        %swap3A_685 = arith.index_cast %scan3A_535 : i32 to index
        %swap3A_686 = arith.constant 480 : index
        %swap3A_687 = tpu.vector_load %arg11[%swap3A_685, %swap3A_686] {strides = array<i32>} : memref<64x768xf32, #tpu.memory_space<vmem>>, vector<1x16xf32>,
        %swap3A_688 = vector.shape_cast %swap3A_687 : vector<1x16xf32> to vector<16xf32>
        %swap3A_689 = vector.shape_cast %get3A_421 : vector<16xf32> to vector<1x16xf32>
        tpu.vector_store %arg11[%swap3A_685, %swap3A_686], %swap3A_689 {add = true, strides = array<i32>} : memref<64x768xf32, #tpu.memory_space<vmem>>, vector<1x16xf32>,
        %swap3A_690 = arith.index_cast %scan3A_535 : i32 to index
        %swap3A_691 = arith.constant 496 : index
        %swap3A_692 = tpu.vector_load %arg11[%swap3A_690, %swap3A_691] {strides = array<i32>} : memref<64x768xf32, #tpu.memory_space<vmem>>, vector<1x16xf32>,
        %swap3A_693 = vector.shape_cast %swap3A_692 : vector<1x16xf32> to vector<16xf32>
        %swap3A_694 = vector.shape_cast %get3A_424 : vector<16xf32> to vector<1x16xf32>
        tpu.vector_store %arg11[%swap3A_690, %swap3A_691], %swap3A_694 {add = true, strides = array<i32>} : memref<64x768xf32, #tpu.memory_space<vmem>>, vector<1x16xf32>,
        %swap3A_695 = arith.index_cast %scan3A_535 : i32 to index
        %swap3A_696 = arith.constant 512 : index
        %swap3A_697 = tpu.vector_load %arg11[%swap3A_695, %swap3A_696] {strides = array<i32>} : memref<64x768xf32, #tpu.memory_space<vmem>>, vector<1x16xf32>,
        %swap3A_698 = vector.shape_cast %swap3A_697 : vector<1x16xf32> to vector<16xf32>
        %swap3A_699 = vector.shape_cast %get3A_427 : vector<16xf32> to vector<1x16xf32>
        tpu.vector_store %arg11[%swap3A_695, %swap3A_696], %swap3A_699 {add = true, strides = array<i32>} : memref<64x768xf32, #tpu.memory_space<vmem>>, vector<1x16xf32>,
        %swap3A_700 = arith.index_cast %scan3A_535 : i32 to index
        %swap3A_701 = arith.constant 528 : index
        %swap3A_702 = tpu.vector_load %arg11[%swap3A_700, %swap3A_701] {strides = array<i32>} : memref<64x768xf32, #tpu.memory_space<vmem>>, vector<1x16xf32>,
        %swap3A_703 = vector.shape_cast %swap3A_702 : vector<1x16xf32> to vector<16xf32>
        %swap3A_704 = vector.shape_cast %get3A_430 : vector<16xf32> to vector<1x16xf32>
        tpu.vector_store %arg11[%swap3A_700, %swap3A_701], %swap3A_704 {add = true, strides = array<i32>} : memref<64x768xf32, #tpu.memory_space<vmem>>, vector<1x16xf32>,
        %swap3A_705 = arith.index_cast %scan3A_535 : i32 to index
        %swap3A_706 = arith.constant 544 : index
        %swap3A_707 = tpu.vector_load %arg11[%swap3A_705, %swap3A_706] {strides = array<i32>} : memref<64x768xf32, #tpu.memory_space<vmem>>, vector<1x16xf32>,
        %swap3A_708 = vector.shape_cast %swap3A_707 : vector<1x16xf32> to vector<16xf32>
        %swap3A_709 = vector.shape_cast %get3A_433 : vector<16xf32> to vector<1x16xf32>
        tpu.vector_store %arg11[%swap3A_705, %swap3A_706], %swap3A_709 {add = true, strides = array<i32>} : memref<64x768xf32, #tpu.memory_space<vmem>>, vector<1x16xf32>,
        %swap3A_710 = arith.index_cast %scan3A_535 : i32 to index
        %swap3A_711 = arith.constant 560 : index
        %swap3A_712 = tpu.vector_load %arg11[%swap3A_710, %swap3A_711] {strides = array<i32>} : memref<64x768xf32, #tpu.memory_space<vmem>>, vector<1x16xf32>,
        %swap3A_713 = vector.shape_cast %swap3A_712 : vector<1x16xf32> to vector<16xf32>
        %swap3A_714 = vector.shape_cast %get3A_436 : vector<16xf32> to vector<1x16xf32>
        tpu.vector_store %arg11[%swap3A_710, %swap3A_711], %swap3A_714 {add = true, strides = array<i32>} : memref<64x768xf32, #tpu.memory_space<vmem>>, vector<1x16xf32>,
        %swap3A_715 = arith.index_cast %scan3A_535 : i32 to index
        %swap3A_716 = arith.constant 576 : index
        %swap3A_717 = tpu.vector_load %arg11[%swap3A_715, %swap3A_716] {strides = array<i32>} : memref<64x768xf32, #tpu.memory_space<vmem>>, vector<1x16xf32>,
        %swap3A_718 = vector.shape_cast %swap3A_717 : vector<1x16xf32> to vector<16xf32>
        %swap3A_719 = vector.shape_cast %get3A_439 : vector<16xf32> to vector<1x16xf32>
        tpu.vector_store %arg11[%swap3A_715, %swap3A_716], %swap3A_719 {add = true, strides = array<i32>} : memref<64x768xf32, #tpu.memory_space<vmem>>, vector<1x16xf32>,
        %swap3A_720 = arith.index_cast %scan3A_535 : i32 to index
        %swap3A_721 = arith.constant 592 : index
        %swap3A_722 = tpu.vector_load %arg11[%swap3A_720, %swap3A_721] {strides = array<i32>} : memref<64x768xf32, #tpu.memory_space<vmem>>, vector<1x16xf32>,
        %swap3A_723 = vector.shape_cast %swap3A_722 : vector<1x16xf32> to vector<16xf32>
        %swap3A_724 = vector.shape_cast %get3A_442 : vector<16xf32> to vector<1x16xf32>
        tpu.vector_store %arg11[%swap3A_720, %swap3A_721], %swap3A_724 {add = true, strides = array<i32>} : memref<64x768xf32, #tpu.memory_space<vmem>>, vector<1x16xf32>,
        %swap3A_725 = arith.index_cast %scan3A_535 : i32 to index
        %swap3A_726 = arith.constant 608 : index
        %swap3A_727 = tpu.vector_load %arg11[%swap3A_725, %swap3A_726] {strides = array<i32>} : memref<64x768xf32, #tpu.memory_space<vmem>>, vector<1x16xf32>,
        %swap3A_728 = vector.shape_cast %swap3A_727 : vector<1x16xf32> to vector<16xf32>
        %swap3A_729 = vector.shape_cast %get3A_445 : vector<16xf32> to vector<1x16xf32>
        tpu.vector_store %arg11[%swap3A_725, %swap3A_726], %swap3A_729 {add = true, strides = array<i32>} : memref<64x768xf32, #tpu.memory_space<vmem>>, vector<1x16xf32>,
        %swap3A_730 = arith.index_cast %scan3A_535 : i32 to index
        %swap3A_731 = arith.constant 624 : index
        %swap3A_732 = tpu.vector_load %arg11[%swap3A_730, %swap3A_731] {strides = array<i32>} : memref<64x768xf32, #tpu.memory_space<vmem>>, vector<1x16xf32>,
        %swap3A_733 = vector.shape_cast %swap3A_732 : vector<1x16xf32> to vector<16xf32>
        %swap3A_734 = vector.shape_cast %get3A_448 : vector<16xf32> to vector<1x16xf32>
        tpu.vector_store %arg11[%swap3A_730, %swap3A_731], %swap3A_734 {add = true, strides = array<i32>} : memref<64x768xf32, #tpu.memory_space<vmem>>, vector<1x16xf32>,
        %swap3A_735 = arith.index_cast %scan3A_535 : i32 to index
        %swap3A_736 = arith.constant 640 : index
        %swap3A_737 = tpu.vector_load %arg11[%swap3A_735, %swap3A_736] {strides = array<i32>} : memref<64x768xf32, #tpu.memory_space<vmem>>, vector<1x16xf32>,
        %swap3A_738 = vector.shape_cast %swap3A_737 : vector<1x16xf32> to vector<16xf32>
        %swap3A_739 = vector.shape_cast %get3A_451 : vector<16xf32> to vector<1x16xf32>
        tpu.vector_store %arg11[%swap3A_735, %swap3A_736], %swap3A_739 {add = true, strides = array<i32>} : memref<64x768xf32, #tpu.memory_space<vmem>>, vector<1x16xf32>,
        %swap3A_740 = arith.index_cast %scan3A_535 : i32 to index
        %swap3A_741 = arith.constant 656 : index
        %swap3A_742 = tpu.vector_load %arg11[%swap3A_740, %swap3A_741] {strides = array<i32>} : memref<64x768xf32, #tpu.memory_space<vmem>>, vector<1x16xf32>,
        %swap3A_743 = vector.shape_cast %swap3A_742 : vector<1x16xf32> to vector<16xf32>
        %swap3A_744 = vector.shape_cast %get3A_454 : vector<16xf32> to vector<1x16xf32>
        tpu.vector_store %arg11[%swap3A_740, %swap3A_741], %swap3A_744 {add = true, strides = array<i32>} : memref<64x768xf32, #tpu.memory_space<vmem>>, vector<1x16xf32>,
        %swap3A_745 = arith.index_cast %scan3A_535 : i32 to index
        %swap3A_746 = arith.constant 672 : index
        %swap3A_747 = tpu.vector_load %arg11[%swap3A_745, %swap3A_746] {strides = array<i32>} : memref<64x768xf32, #tpu.memory_space<vmem>>, vector<1x16xf32>,
        %swap3A_748 = vector.shape_cast %swap3A_747 : vector<1x16xf32> to vector<16xf32>
        %swap3A_749 = vector.shape_cast %get3A_457 : vector<16xf32> to vector<1x16xf32>
        tpu.vector_store %arg11[%swap3A_745, %swap3A_746], %swap3A_749 {add = true, strides = array<i32>} : memref<64x768xf32, #tpu.memory_space<vmem>>, vector<1x16xf32>,
        %swap3A_750 = arith.index_cast %scan3A_535 : i32 to index
        %swap3A_751 = arith.constant 688 : index
        %swap3A_752 = tpu.vector_load %arg11[%swap3A_750, %swap3A_751] {strides = array<i32>} : memref<64x768xf32, #tpu.memory_space<vmem>>, vector<1x16xf32>,
        %swap3A_753 = vector.shape_cast %swap3A_752 : vector<1x16xf32> to vector<16xf32>
        %swap3A_754 = vector.shape_cast %get3A_460 : vector<16xf32> to vector<1x16xf32>
        tpu.vector_store %arg11[%swap3A_750, %swap3A_751], %swap3A_754 {add = true, strides = array<i32>} : memref<64x768xf32, #tpu.memory_space<vmem>>, vector<1x16xf32>,
        %swap3A_755 = arith.index_cast %scan3A_535 : i32 to index
        %swap3A_756 = arith.constant 704 : index
        %swap3A_757 = tpu.vector_load %arg11[%swap3A_755, %swap3A_756] {strides = array<i32>} : memref<64x768xf32, #tpu.memory_space<vmem>>, vector<1x16xf32>,
        %swap3A_758 = vector.shape_cast %swap3A_757 : vector<1x16xf32> to vector<16xf32>
        %swap3A_759 = vector.shape_cast %get3A_463 : vector<16xf32> to vector<1x16xf32>
        tpu.vector_store %arg11[%swap3A_755, %swap3A_756], %swap3A_759 {add = true, strides = array<i32>} : memref<64x768xf32, #tpu.memory_space<vmem>>, vector<1x16xf32>,
        %swap3A_760 = arith.index_cast %scan3A_535 : i32 to index
        %swap3A_761 = arith.constant 720 : index
        %swap3A_762 = tpu.vector_load %arg11[%swap3A_760, %swap3A_761] {strides = array<i32>} : memref<64x768xf32, #tpu.memory_space<vmem>>, vector<1x16xf32>,
        %swap3A_763 = vector.shape_cast %swap3A_762 : vector<1x16xf32> to vector<16xf32>
        %swap3A_764 = vector.shape_cast %get3A_466 : vector<16xf32> to vector<1x16xf32>
        tpu.vector_store %arg11[%swap3A_760, %swap3A_761], %swap3A_764 {add = true, strides = array<i32>} : memref<64x768xf32, #tpu.memory_space<vmem>>, vector<1x16xf32>,
        %swap3A_765 = arith.index_cast %scan3A_535 : i32 to index
        %swap3A_766 = arith.constant 736 : index
        %swap3A_767 = tpu.vector_load %arg11[%swap3A_765, %swap3A_766] {strides = array<i32>} : memref<64x768xf32, #tpu.memory_space<vmem>>, vector<1x16xf32>,
        %swap3A_768 = vector.shape_cast %swap3A_767 : vector<1x16xf32> to vector<16xf32>
        %swap3A_769 = vector.shape_cast %get3A_469 : vector<16xf32> to vector<1x16xf32>
        tpu.vector_store %arg11[%swap3A_765, %swap3A_766], %swap3A_769 {add = true, strides = array<i32>} : memref<64x768xf32, #tpu.memory_space<vmem>>, vector<1x16xf32>,
        %swap3A_770 = arith.index_cast %scan3A_535 : i32 to index
        %swap3A_771 = arith.constant 752 : index
        %swap3A_772 = tpu.vector_load %arg11[%swap3A_770, %swap3A_771] {strides = array<i32>} : memref<64x768xf32, #tpu.memory_space<vmem>>, vector<1x16xf32>,
        %swap3A_773 = vector.shape_cast %swap3A_772 : vector<1x16xf32> to vector<16xf32>
        %swap3A_774 = vector.shape_cast %get3A_472 : vector<16xf32> to vector<1x16xf32>
        tpu.vector_store %arg11[%swap3A_770, %swap3A_771], %swap3A_774 {add = true, strides = array<i32>} : memref<64x768xf32, #tpu.memory_space<vmem>>, vector<1x16xf32>,
        %scan3A_775 = arith.constant 1 : i32
        %scan3A_776 = arith.addi %scan3A_535, %scan3A_775 : i32
        %swap3A_777 = arith.index_cast %scan3A_776 : i32 to index
        %swap3A_778 = arith.constant 0 : index
        %swap3A_779 = tpu.vector_load %arg11[%swap3A_777, %swap3A_778] {strides = array<i32>} : memref<64x768xf32, #tpu.memory_space<vmem>>, vector<1x16xf32>,
        %swap3A_780 = vector.shape_cast %swap3A_779 : vector<1x16xf32> to vector<16xf32>
        %swap3A_781 = vector.shape_cast %get3A_331 : vector<16xf32> to vector<1x16xf32>
        tpu.vector_store %arg11[%swap3A_777, %swap3A_778], %swap3A_781 {add = true, strides = array<i32>} : memref<64x768xf32, #tpu.memory_space<vmem>>, vector<1x16xf32>,
        %swap3A_782 = arith.index_cast %scan3A_776 : i32 to index
        %swap3A_783 = arith.constant 16 : index
        %swap3A_784 = tpu.vector_load %arg11[%swap3A_782, %swap3A_783] {strides = array<i32>} : memref<64x768xf32, #tpu.memory_space<vmem>>, vector<1x16xf32>,
        %swap3A_785 = vector.shape_cast %swap3A_784 : vector<1x16xf32> to vector<16xf32>
        %swap3A_786 = vector.shape_cast %get3A_334 : vector<16xf32> to vector<1x16xf32>
        tpu.vector_store %arg11[%swap3A_782, %swap3A_783], %swap3A_786 {add = true, strides = array<i32>} : memref<64x768xf32, #tpu.memory_space<vmem>>, vector<1x16xf32>,
        %swap3A_787 = arith.index_cast %scan3A_776 : i32 to index
        %swap3A_788 = arith.constant 32 : index
        %swap3A_789 = tpu.vector_load %arg11[%swap3A_787, %swap3A_788] {strides = array<i32>} : memref<64x768xf32, #tpu.memory_space<vmem>>, vector<1x16xf32>,
        %swap3A_790 = vector.shape_cast %swap3A_789 : vector<1x16xf32> to vector<16xf32>
        %swap3A_791 = vector.shape_cast %get3A_337 : vector<16xf32> to vector<1x16xf32>
        tpu.vector_store %arg11[%swap3A_787, %swap3A_788], %swap3A_791 {add = true, strides = array<i32>} : memref<64x768xf32, #tpu.memory_space<vmem>>, vector<1x16xf32>,
        %swap3A_792 = arith.index_cast %scan3A_776 : i32 to index
        %swap3A_793 = arith.constant 48 : index
        %swap3A_794 = tpu.vector_load %arg11[%swap3A_792, %swap3A_793] {strides = array<i32>} : memref<64x768xf32, #tpu.memory_space<vmem>>, vector<1x16xf32>,
        %swap3A_795 = vector.shape_cast %swap3A_794 : vector<1x16xf32> to vector<16xf32>
        %swap3A_796 = vector.shape_cast %get3A_340 : vector<16xf32> to vector<1x16xf32>
        tpu.vector_store %arg11[%swap3A_792, %swap3A_793], %swap3A_796 {add = true, strides = array<i32>} : memref<64x768xf32, #tpu.memory_space<vmem>>, vector<1x16xf32>,
        %swap3A_797 = arith.index_cast %scan3A_776 : i32 to index
        %swap3A_798 = arith.constant 64 : index
        %swap3A_799 = tpu.vector_load %arg11[%swap3A_797, %swap3A_798] {strides = array<i32>} : memref<64x768xf32, #tpu.memory_space<vmem>>, vector<1x16xf32>,
        %swap3A_800 = vector.shape_cast %swap3A_799 : vector<1x16xf32> to vector<16xf32>
        %swap3A_801 = vector.shape_cast %get3A_343 : vector<16xf32> to vector<1x16xf32>
        tpu.vector_store %arg11[%swap3A_797, %swap3A_798], %swap3A_801 {add = true, strides = array<i32>} : memref<64x768xf32, #tpu.memory_space<vmem>>, vector<1x16xf32>,
        %swap3A_802 = arith.index_cast %scan3A_776 : i32 to index
        %swap3A_803 = arith.constant 80 : index
        %swap3A_804 = tpu.vector_load %arg11[%swap3A_802, %swap3A_803] {strides = array<i32>} : memref<64x768xf32, #tpu.memory_space<vmem>>, vector<1x16xf32>,
        %swap3A_805 = vector.shape_cast %swap3A_804 : vector<1x16xf32> to vector<16xf32>
        %swap3A_806 = vector.shape_cast %get3A_346 : vector<16xf32> to vector<1x16xf32>
        tpu.vector_store %arg11[%swap3A_802, %swap3A_803], %swap3A_806 {add = true, strides = array<i32>} : memref<64x768xf32, #tpu.memory_space<vmem>>, vector<1x16xf32>,
        %swap3A_807 = arith.index_cast %scan3A_776 : i32 to index
        %swap3A_808 = arith.constant 96 : index
        %swap3A_809 = tpu.vector_load %arg11[%swap3A_807, %swap3A_808] {strides = array<i32>} : memref<64x768xf32, #tpu.memory_space<vmem>>, vector<1x16xf32>,
        %swap3A_810 = vector.shape_cast %swap3A_809 : vector<1x16xf32> to vector<16xf32>
        %swap3A_811 = vector.shape_cast %get3A_349 : vector<16xf32> to vector<1x16xf32>
        tpu.vector_store %arg11[%swap3A_807, %swap3A_808], %swap3A_811 {add = true, strides = array<i32>} : memref<64x768xf32, #tpu.memory_space<vmem>>, vector<1x16xf32>,
        %swap3A_812 = arith.index_cast %scan3A_776 : i32 to index
        %swap3A_813 = arith.constant 112 : index
        %swap3A_814 = tpu.vector_load %arg11[%swap3A_812, %swap3A_813] {strides = array<i32>} : memref<64x768xf32, #tpu.memory_space<vmem>>, vector<1x16xf32>,
        %swap3A_815 = vector.shape_cast %swap3A_814 : vector<1x16xf32> to vector<16xf32>
        %swap3A_816 = vector.shape_cast %get3A_352 : vector<16xf32> to vector<1x16xf32>
        tpu.vector_store %arg11[%swap3A_812, %swap3A_813], %swap3A_816 {add = true, strides = array<i32>} : memref<64x768xf32, #tpu.memory_space<vmem>>, vector<1x16xf32>,
        %swap3A_817 = arith.index_cast %scan3A_776 : i32 to index
        %swap3A_818 = arith.constant 128 : index
        %swap3A_819 = tpu.vector_load %arg11[%swap3A_817, %swap3A_818] {strides = array<i32>} : memref<64x768xf32, #tpu.memory_space<vmem>>, vector<1x16xf32>,
        %swap3A_820 = vector.shape_cast %swap3A_819 : vector<1x16xf32> to vector<16xf32>
        %swap3A_821 = vector.shape_cast %get3A_355 : vector<16xf32> to vector<1x16xf32>
        tpu.vector_store %arg11[%swap3A_817, %swap3A_818], %swap3A_821 {add = true, strides = array<i32>} : memref<64x768xf32, #tpu.memory_space<vmem>>, vector<1x16xf32>,
        %swap3A_822 = arith.index_cast %scan3A_776 : i32 to index
        %swap3A_823 = arith.constant 144 : index
        %swap3A_824 = tpu.vector_load %arg11[%swap3A_822, %swap3A_823] {strides = array<i32>} : memref<64x768xf32, #tpu.memory_space<vmem>>, vector<1x16xf32>,
        %swap3A_825 = vector.shape_cast %swap3A_824 : vector<1x16xf32> to vector<16xf32>
        %swap3A_826 = vector.shape_cast %get3A_358 : vector<16xf32> to vector<1x16xf32>
        tpu.vector_store %arg11[%swap3A_822, %swap3A_823], %swap3A_826 {add = true, strides = array<i32>} : memref<64x768xf32, #tpu.memory_space<vmem>>, vector<1x16xf32>,
        %swap3A_827 = arith.index_cast %scan3A_776 : i32 to index
        %swap3A_828 = arith.constant 160 : index
        %swap3A_829 = tpu.vector_load %arg11[%swap3A_827, %swap3A_828] {strides = array<i32>} : memref<64x768xf32, #tpu.memory_space<vmem>>, vector<1x16xf32>,
        %swap3A_830 = vector.shape_cast %swap3A_829 : vector<1x16xf32> to vector<16xf32>
        %swap3A_831 = vector.shape_cast %get3A_361 : vector<16xf32> to vector<1x16xf32>
        tpu.vector_store %arg11[%swap3A_827, %swap3A_828], %swap3A_831 {add = true, strides = array<i32>} : memref<64x768xf32, #tpu.memory_space<vmem>>, vector<1x16xf32>,
        %swap3A_832 = arith.index_cast %scan3A_776 : i32 to index
        %swap3A_833 = arith.constant 176 : index
        %swap3A_834 = tpu.vector_load %arg11[%swap3A_832, %swap3A_833] {strides = array<i32>} : memref<64x768xf32, #tpu.memory_space<vmem>>, vector<1x16xf32>,
        %swap3A_835 = vector.shape_cast %swap3A_834 : vector<1x16xf32> to vector<16xf32>
        %swap3A_836 = vector.shape_cast %get3A_364 : vector<16xf32> to vector<1x16xf32>
        tpu.vector_store %arg11[%swap3A_832, %swap3A_833], %swap3A_836 {add = true, strides = array<i32>} : memref<64x768xf32, #tpu.memory_space<vmem>>, vector<1x16xf32>,
        %swap3A_837 = arith.index_cast %scan3A_776 : i32 to index
        %swap3A_838 = arith.constant 192 : index
        %swap3A_839 = tpu.vector_load %arg11[%swap3A_837, %swap3A_838] {strides = array<i32>} : memref<64x768xf32, #tpu.memory_space<vmem>>, vector<1x16xf32>,
        %swap3A_840 = vector.shape_cast %swap3A_839 : vector<1x16xf32> to vector<16xf32>
        %swap3A_841 = vector.shape_cast %get3A_367 : vector<16xf32> to vector<1x16xf32>
        tpu.vector_store %arg11[%swap3A_837, %swap3A_838], %swap3A_841 {add = true, strides = array<i32>} : memref<64x768xf32, #tpu.memory_space<vmem>>, vector<1x16xf32>,
        %swap3A_842 = arith.index_cast %scan3A_776 : i32 to index
        %swap3A_843 = arith.constant 208 : index
        %swap3A_844 = tpu.vector_load %arg11[%swap3A_842, %swap3A_843] {strides = array<i32>} : memref<64x768xf32, #tpu.memory_space<vmem>>, vector<1x16xf32>,
        %swap3A_845 = vector.shape_cast %swap3A_844 : vector<1x16xf32> to vector<16xf32>
        %swap3A_846 = vector.shape_cast %get3A_370 : vector<16xf32> to vector<1x16xf32>
        tpu.vector_store %arg11[%swap3A_842, %swap3A_843], %swap3A_846 {add = true, strides = array<i32>} : memref<64x768xf32, #tpu.memory_space<vmem>>, vector<1x16xf32>,
        %swap3A_847 = arith.index_cast %scan3A_776 : i32 to index
        %swap3A_848 = arith.constant 224 : index
        %swap3A_849 = tpu.vector_load %arg11[%swap3A_847, %swap3A_848] {strides = array<i32>} : memref<64x768xf32, #tpu.memory_space<vmem>>, vector<1x16xf32>,
        %swap3A_850 = vector.shape_cast %swap3A_849 : vector<1x16xf32> to vector<16xf32>
        %swap3A_851 = vector.shape_cast %get3A_373 : vector<16xf32> to vector<1x16xf32>
        tpu.vector_store %arg11[%swap3A_847, %swap3A_848], %swap3A_851 {add = true, strides = array<i32>} : memref<64x768xf32, #tpu.memory_space<vmem>>, vector<1x16xf32>,
        %swap3A_852 = arith.index_cast %scan3A_776 : i32 to index
        %swap3A_853 = arith.constant 240 : index
        %swap3A_854 = tpu.vector_load %arg11[%swap3A_852, %swap3A_853] {strides = array<i32>} : memref<64x768xf32, #tpu.memory_space<vmem>>, vector<1x16xf32>,
        %swap3A_855 = vector.shape_cast %swap3A_854 : vector<1x16xf32> to vector<16xf32>
        %swap3A_856 = vector.shape_cast %get3A_376 : vector<16xf32> to vector<1x16xf32>
        tpu.vector_store %arg11[%swap3A_852, %swap3A_853], %swap3A_856 {add = true, strides = array<i32>} : memref<64x768xf32, #tpu.memory_space<vmem>>, vector<1x16xf32>,
        %swap3A_857 = arith.index_cast %scan3A_776 : i32 to index
        %swap3A_858 = arith.constant 256 : index
        %swap3A_859 = tpu.vector_load %arg11[%swap3A_857, %swap3A_858] {strides = array<i32>} : memref<64x768xf32, #tpu.memory_space<vmem>>, vector<1x16xf32>,
        %swap3A_860 = vector.shape_cast %swap3A_859 : vector<1x16xf32> to vector<16xf32>
        %swap3A_861 = vector.shape_cast %get3A_379 : vector<16xf32> to vector<1x16xf32>
        tpu.vector_store %arg11[%swap3A_857, %swap3A_858], %swap3A_861 {add = true, strides = array<i32>} : memref<64x768xf32, #tpu.memory_space<vmem>>, vector<1x16xf32>,
        %swap3A_862 = arith.index_cast %scan3A_776 : i32 to index
        %swap3A_863 = arith.constant 272 : index
        %swap3A_864 = tpu.vector_load %arg11[%swap3A_862, %swap3A_863] {strides = array<i32>} : memref<64x768xf32, #tpu.memory_space<vmem>>, vector<1x16xf32>,
        %swap3A_865 = vector.shape_cast %swap3A_864 : vector<1x16xf32> to vector<16xf32>
        %swap3A_866 = vector.shape_cast %get3A_382 : vector<16xf32> to vector<1x16xf32>
        tpu.vector_store %arg11[%swap3A_862, %swap3A_863], %swap3A_866 {add = true, strides = array<i32>} : memref<64x768xf32, #tpu.memory_space<vmem>>, vector<1x16xf32>,
        %swap3A_867 = arith.index_cast %scan3A_776 : i32 to index
        %swap3A_868 = arith.constant 288 : index
        %swap3A_869 = tpu.vector_load %arg11[%swap3A_867, %swap3A_868] {strides = array<i32>} : memref<64x768xf32, #tpu.memory_space<vmem>>, vector<1x16xf32>,
        %swap3A_870 = vector.shape_cast %swap3A_869 : vector<1x16xf32> to vector<16xf32>
        %swap3A_871 = vector.shape_cast %get3A_385 : vector<16xf32> to vector<1x16xf32>
        tpu.vector_store %arg11[%swap3A_867, %swap3A_868], %swap3A_871 {add = true, strides = array<i32>} : memref<64x768xf32, #tpu.memory_space<vmem>>, vector<1x16xf32>,
        %swap3A_872 = arith.index_cast %scan3A_776 : i32 to index
        %swap3A_873 = arith.constant 304 : index
        %swap3A_874 = tpu.vector_load %arg11[%swap3A_872, %swap3A_873] {strides = array<i32>} : memref<64x768xf32, #tpu.memory_space<vmem>>, vector<1x16xf32>,
        %swap3A_875 = vector.shape_cast %swap3A_874 : vector<1x16xf32> to vector<16xf32>
        %swap3A_876 = vector.shape_cast %get3A_388 : vector<16xf32> to vector<1x16xf32>
        tpu.vector_store %arg11[%swap3A_872, %swap3A_873], %swap3A_876 {add = true, strides = array<i32>} : memref<64x768xf32, #tpu.memory_space<vmem>>, vector<1x16xf32>,
        %swap3A_877 = arith.index_cast %scan3A_776 : i32 to index
        %swap3A_878 = arith.constant 320 : index
        %swap3A_879 = tpu.vector_load %arg11[%swap3A_877, %swap3A_878] {strides = array<i32>} : memref<64x768xf32, #tpu.memory_space<vmem>>, vector<1x16xf32>,
        %swap3A_880 = vector.shape_cast %swap3A_879 : vector<1x16xf32> to vector<16xf32>
        %swap3A_881 = vector.shape_cast %get3A_391 : vector<16xf32> to vector<1x16xf32>
        tpu.vector_store %arg11[%swap3A_877, %swap3A_878], %swap3A_881 {add = true, strides = array<i32>} : memref<64x768xf32, #tpu.memory_space<vmem>>, vector<1x16xf32>,
        %swap3A_882 = arith.index_cast %scan3A_776 : i32 to index
        %swap3A_883 = arith.constant 336 : index
        %swap3A_884 = tpu.vector_load %arg11[%swap3A_882, %swap3A_883] {strides = array<i32>} : memref<64x768xf32, #tpu.memory_space<vmem>>, vector<1x16xf32>,
        %swap3A_885 = vector.shape_cast %swap3A_884 : vector<1x16xf32> to vector<16xf32>
        %swap3A_886 = vector.shape_cast %get3A_394 : vector<16xf32> to vector<1x16xf32>
        tpu.vector_store %arg11[%swap3A_882, %swap3A_883], %swap3A_886 {add = true, strides = array<i32>} : memref<64x768xf32, #tpu.memory_space<vmem>>, vector<1x16xf32>,
        %swap3A_887 = arith.index_cast %scan3A_776 : i32 to index
        %swap3A_888 = arith.constant 352 : index
        %swap3A_889 = tpu.vector_load %arg11[%swap3A_887, %swap3A_888] {strides = array<i32>} : memref<64x768xf32, #tpu.memory_space<vmem>>, vector<1x16xf32>,
        %swap3A_890 = vector.shape_cast %swap3A_889 : vector<1x16xf32> to vector<16xf32>
        %swap3A_891 = vector.shape_cast %get3A_397 : vector<16xf32> to vector<1x16xf32>
        tpu.vector_store %arg11[%swap3A_887, %swap3A_888], %swap3A_891 {add = true, strides = array<i32>} : memref<64x768xf32, #tpu.memory_space<vmem>>, vector<1x16xf32>,
        %swap3A_892 = arith.index_cast %scan3A_776 : i32 to index
        %swap3A_893 = arith.constant 368 : index
        %swap3A_894 = tpu.vector_load %arg11[%swap3A_892, %swap3A_893] {strides = array<i32>} : memref<64x768xf32, #tpu.memory_space<vmem>>, vector<1x16xf32>,
        %swap3A_895 = vector.shape_cast %swap3A_894 : vector<1x16xf32> to vector<16xf32>
        %swap3A_896 = vector.shape_cast %get3A_400 : vector<16xf32> to vector<1x16xf32>
        tpu.vector_store %arg11[%swap3A_892, %swap3A_893], %swap3A_896 {add = true, strides = array<i32>} : memref<64x768xf32, #tpu.memory_space<vmem>>, vector<1x16xf32>,
        %swap3A_897 = arith.index_cast %scan3A_776 : i32 to index
        %swap3A_898 = arith.constant 384 : index
        %swap3A_899 = tpu.vector_load %arg11[%swap3A_897, %swap3A_898] {strides = array<i32>} : memref<64x768xf32, #tpu.memory_space<vmem>>, vector<1x16xf32>,
        %swap3A_900 = vector.shape_cast %swap3A_899 : vector<1x16xf32> to vector<16xf32>
        %swap3A_901 = vector.shape_cast %get3A_403 : vector<16xf32> to vector<1x16xf32>
        tpu.vector_store %arg11[%swap3A_897, %swap3A_898], %swap3A_901 {add = true, strides = array<i32>} : memref<64x768xf32, #tpu.memory_space<vmem>>, vector<1x16xf32>,
        %swap3A_902 = arith.index_cast %scan3A_776 : i32 to index
        %swap3A_903 = arith.constant 400 : index
        %swap3A_904 = tpu.vector_load %arg11[%swap3A_902, %swap3A_903] {strides = array<i32>} : memref<64x768xf32, #tpu.memory_space<vmem>>, vector<1x16xf32>,
        %swap3A_905 = vector.shape_cast %swap3A_904 : vector<1x16xf32> to vector<16xf32>
        %swap3A_906 = vector.shape_cast %get3A_406 : vector<16xf32> to vector<1x16xf32>
        tpu.vector_store %arg11[%swap3A_902, %swap3A_903], %swap3A_906 {add = true, strides = array<i32>} : memref<64x768xf32, #tpu.memory_space<vmem>>, vector<1x16xf32>,
        %swap3A_907 = arith.index_cast %scan3A_776 : i32 to index
        %swap3A_908 = arith.constant 416 : index
        %swap3A_909 = tpu.vector_load %arg11[%swap3A_907, %swap3A_908] {strides = array<i32>} : memref<64x768xf32, #tpu.memory_space<vmem>>, vector<1x16xf32>,
        %swap3A_910 = vector.shape_cast %swap3A_909 : vector<1x16xf32> to vector<16xf32>
        %swap3A_911 = vector.shape_cast %get3A_409 : vector<16xf32> to vector<1x16xf32>
        tpu.vector_store %arg11[%swap3A_907, %swap3A_908], %swap3A_911 {add = true, strides = array<i32>} : memref<64x768xf32, #tpu.memory_space<vmem>>, vector<1x16xf32>,
        %swap3A_912 = arith.index_cast %scan3A_776 : i32 to index
        %swap3A_913 = arith.constant 432 : index
        %swap3A_914 = tpu.vector_load %arg11[%swap3A_912, %swap3A_913] {strides = array<i32>} : memref<64x768xf32, #tpu.memory_space<vmem>>, vector<1x16xf32>,
        %swap3A_915 = vector.shape_cast %swap3A_914 : vector<1x16xf32> to vector<16xf32>
        %swap3A_916 = vector.shape_cast %get3A_412 : vector<16xf32> to vector<1x16xf32>
        tpu.vector_store %arg11[%swap3A_912, %swap3A_913], %swap3A_916 {add = true, strides = array<i32>} : memref<64x768xf32, #tpu.memory_space<vmem>>, vector<1x16xf32>,
        %swap3A_917 = arith.index_cast %scan3A_776 : i32 to index
        %swap3A_918 = arith.constant 448 : index
        %swap3A_919 = tpu.vector_load %arg11[%swap3A_917, %swap3A_918] {strides = array<i32>} : memref<64x768xf32, #tpu.memory_space<vmem>>, vector<1x16xf32>,
        %swap3A_920 = vector.shape_cast %swap3A_919 : vector<1x16xf32> to vector<16xf32>
        %swap3A_921 = vector.shape_cast %get3A_415 : vector<16xf32> to vector<1x16xf32>
        tpu.vector_store %arg11[%swap3A_917, %swap3A_918], %swap3A_921 {add = true, strides = array<i32>} : memref<64x768xf32, #tpu.memory_space<vmem>>, vector<1x16xf32>,
        %swap3A_922 = arith.index_cast %scan3A_776 : i32 to index
        %swap3A_923 = arith.constant 464 : index
        %swap3A_924 = tpu.vector_load %arg11[%swap3A_922, %swap3A_923] {strides = array<i32>} : memref<64x768xf32, #tpu.memory_space<vmem>>, vector<1x16xf32>,
        %swap3A_925 = vector.shape_cast %swap3A_924 : vector<1x16xf32> to vector<16xf32>
        %swap3A_926 = vector.shape_cast %get3A_418 : vector<16xf32> to vector<1x16xf32>
        tpu.vector_store %arg11[%swap3A_922, %swap3A_923], %swap3A_926 {add = true, strides = array<i32>} : memref<64x768xf32, #tpu.memory_space<vmem>>, vector<1x16xf32>,
        %swap3A_927 = arith.index_cast %scan3A_776 : i32 to index
        %swap3A_928 = arith.constant 480 : index
        %swap3A_929 = tpu.vector_load %arg11[%swap3A_927, %swap3A_928] {strides = array<i32>} : memref<64x768xf32, #tpu.memory_space<vmem>>, vector<1x16xf32>,
        %swap3A_930 = vector.shape_cast %swap3A_929 : vector<1x16xf32> to vector<16xf32>
        %swap3A_931 = vector.shape_cast %get3A_421 : vector<16xf32> to vector<1x16xf32>
        tpu.vector_store %arg11[%swap3A_927, %swap3A_928], %swap3A_931 {add = true, strides = array<i32>} : memref<64x768xf32, #tpu.memory_space<vmem>>, vector<1x16xf32>,
        %swap3A_932 = arith.index_cast %scan3A_776 : i32 to index
        %swap3A_933 = arith.constant 496 : index
        %swap3A_934 = tpu.vector_load %arg11[%swap3A_932, %swap3A_933] {strides = array<i32>} : memref<64x768xf32, #tpu.memory_space<vmem>>, vector<1x16xf32>,
        %swap3A_935 = vector.shape_cast %swap3A_934 : vector<1x16xf32> to vector<16xf32>
        %swap3A_936 = vector.shape_cast %get3A_424 : vector<16xf32> to vector<1x16xf32>
        tpu.vector_store %arg11[%swap3A_932, %swap3A_933], %swap3A_936 {add = true, strides = array<i32>} : memref<64x768xf32, #tpu.memory_space<vmem>>, vector<1x16xf32>,
        %swap3A_937 = arith.index_cast %scan3A_776 : i32 to index
        %swap3A_938 = arith.constant 512 : index
        %swap3A_939 = tpu.vector_load %arg11[%swap3A_937, %swap3A_938] {strides = array<i32>} : memref<64x768xf32, #tpu.memory_space<vmem>>, vector<1x16xf32>,
        %swap3A_940 = vector.shape_cast %swap3A_939 : vector<1x16xf32> to vector<16xf32>
        %swap3A_941 = vector.shape_cast %get3A_427 : vector<16xf32> to vector<1x16xf32>
        tpu.vector_store %arg11[%swap3A_937, %swap3A_938], %swap3A_941 {add = true, strides = array<i32>} : memref<64x768xf32, #tpu.memory_space<vmem>>, vector<1x16xf32>,
        %swap3A_942 = arith.index_cast %scan3A_776 : i32 to index
        %swap3A_943 = arith.constant 528 : index
        %swap3A_944 = tpu.vector_load %arg11[%swap3A_942, %swap3A_943] {strides = array<i32>} : memref<64x768xf32, #tpu.memory_space<vmem>>, vector<1x16xf32>,
        %swap3A_945 = vector.shape_cast %swap3A_944 : vector<1x16xf32> to vector<16xf32>
        %swap3A_946 = vector.shape_cast %get3A_430 : vector<16xf32> to vector<1x16xf32>
        tpu.vector_store %arg11[%swap3A_942, %swap3A_943], %swap3A_946 {add = true, strides = array<i32>} : memref<64x768xf32, #tpu.memory_space<vmem>>, vector<1x16xf32>,
        %swap3A_947 = arith.index_cast %scan3A_776 : i32 to index
        %swap3A_948 = arith.constant 544 : index
        %swap3A_949 = tpu.vector_load %arg11[%swap3A_947, %swap3A_948] {strides = array<i32>} : memref<64x768xf32, #tpu.memory_space<vmem>>, vector<1x16xf32>,
        %swap3A_950 = vector.shape_cast %swap3A_949 : vector<1x16xf32> to vector<16xf32>
        %swap3A_951 = vector.shape_cast %get3A_433 : vector<16xf32> to vector<1x16xf32>
        tpu.vector_store %arg11[%swap3A_947, %swap3A_948], %swap3A_951 {add = true, strides = array<i32>} : memref<64x768xf32, #tpu.memory_space<vmem>>, vector<1x16xf32>,
        %swap3A_952 = arith.index_cast %scan3A_776 : i32 to index
        %swap3A_953 = arith.constant 560 : index
        %swap3A_954 = tpu.vector_load %arg11[%swap3A_952, %swap3A_953] {strides = array<i32>} : memref<64x768xf32, #tpu.memory_space<vmem>>, vector<1x16xf32>,
        %swap3A_955 = vector.shape_cast %swap3A_954 : vector<1x16xf32> to vector<16xf32>
        %swap3A_956 = vector.shape_cast %get3A_436 : vector<16xf32> to vector<1x16xf32>
        tpu.vector_store %arg11[%swap3A_952, %swap3A_953], %swap3A_956 {add = true, strides = array<i32>} : memref<64x768xf32, #tpu.memory_space<vmem>>, vector<1x16xf32>,
        %swap3A_957 = arith.index_cast %scan3A_776 : i32 to index
        %swap3A_958 = arith.constant 576 : index
        %swap3A_959 = tpu.vector_load %arg11[%swap3A_957, %swap3A_958] {strides = array<i32>} : memref<64x768xf32, #tpu.memory_space<vmem>>, vector<1x16xf32>,
        %swap3A_960 = vector.shape_cast %swap3A_959 : vector<1x16xf32> to vector<16xf32>
        %swap3A_961 = vector.shape_cast %get3A_439 : vector<16xf32> to vector<1x16xf32>
        tpu.vector_store %arg11[%swap3A_957, %swap3A_958], %swap3A_961 {add = true, strides = array<i32>} : memref<64x768xf32, #tpu.memory_space<vmem>>, vector<1x16xf32>,
        %swap3A_962 = arith.index_cast %scan3A_776 : i32 to index
        %swap3A_963 = arith.constant 592 : index
        %swap3A_964 = tpu.vector_load %arg11[%swap3A_962, %swap3A_963] {strides = array<i32>} : memref<64x768xf32, #tpu.memory_space<vmem>>, vector<1x16xf32>,
        %swap3A_965 = vector.shape_cast %swap3A_964 : vector<1x16xf32> to vector<16xf32>
        %swap3A_966 = vector.shape_cast %get3A_442 : vector<16xf32> to vector<1x16xf32>
        tpu.vector_store %arg11[%swap3A_962, %swap3A_963], %swap3A_966 {add = true, strides = array<i32>} : memref<64x768xf32, #tpu.memory_space<vmem>>, vector<1x16xf32>,
        %swap3A_967 = arith.index_cast %scan3A_776 : i32 to index
        %swap3A_968 = arith.constant 608 : index
        %swap3A_969 = tpu.vector_load %arg11[%swap3A_967, %swap3A_968] {strides = array<i32>} : memref<64x768xf32, #tpu.memory_space<vmem>>, vector<1x16xf32>,
        %swap3A_970 = vector.shape_cast %swap3A_969 : vector<1x16xf32> to vector<16xf32>
        %swap3A_971 = vector.shape_cast %get3A_445 : vector<16xf32> to vector<1x16xf32>
        tpu.vector_store %arg11[%swap3A_967, %swap3A_968], %swap3A_971 {add = true, strides = array<i32>} : memref<64x768xf32, #tpu.memory_space<vmem>>, vector<1x16xf32>,
        %swap3A_972 = arith.index_cast %scan3A_776 : i32 to index
        %swap3A_973 = arith.constant 624 : index
        %swap3A_974 = tpu.vector_load %arg11[%swap3A_972, %swap3A_973] {strides = array<i32>} : memref<64x768xf32, #tpu.memory_space<vmem>>, vector<1x16xf32>,
        %swap3A_975 = vector.shape_cast %swap3A_974 : vector<1x16xf32> to vector<16xf32>
        %swap3A_976 = vector.shape_cast %get3A_448 : vector<16xf32> to vector<1x16xf32>
        tpu.vector_store %arg11[%swap3A_972, %swap3A_973], %swap3A_976 {add = true, strides = array<i32>} : memref<64x768xf32, #tpu.memory_space<vmem>>, vector<1x16xf32>,
        %swap3A_977 = arith.index_cast %scan3A_776 : i32 to index
        %swap3A_978 = arith.constant 640 : index
        %swap3A_979 = tpu.vector_load %arg11[%swap3A_977, %swap3A_978] {strides = array<i32>} : memref<64x768xf32, #tpu.memory_space<vmem>>, vector<1x16xf32>,
        %swap3A_980 = vector.shape_cast %swap3A_979 : vector<1x16xf32> to vector<16xf32>
        %swap3A_981 = vector.shape_cast %get3A_451 : vector<16xf32> to vector<1x16xf32>
        tpu.vector_store %arg11[%swap3A_977, %swap3A_978], %swap3A_981 {add = true, strides = array<i32>} : memref<64x768xf32, #tpu.memory_space<vmem>>, vector<1x16xf32>,
        %swap3A_982 = arith.index_cast %scan3A_776 : i32 to index
        %swap3A_983 = arith.constant 656 : index
        %swap3A_984 = tpu.vector_load %arg11[%swap3A_982, %swap3A_983] {strides = array<i32>} : memref<64x768xf32, #tpu.memory_space<vmem>>, vector<1x16xf32>,
        %swap3A_985 = vector.shape_cast %swap3A_984 : vector<1x16xf32> to vector<16xf32>
        %swap3A_986 = vector.shape_cast %get3A_454 : vector<16xf32> to vector<1x16xf32>
        tpu.vector_store %arg11[%swap3A_982, %swap3A_983], %swap3A_986 {add = true, strides = array<i32>} : memref<64x768xf32, #tpu.memory_space<vmem>>, vector<1x16xf32>,
        %swap3A_987 = arith.index_cast %scan3A_776 : i32 to index
        %swap3A_988 = arith.constant 672 : index
        %swap3A_989 = tpu.vector_load %arg11[%swap3A_987, %swap3A_988] {strides = array<i32>} : memref<64x768xf32, #tpu.memory_space<vmem>>, vector<1x16xf32>,
        %swap3A_990 = vector.shape_cast %swap3A_989 : vector<1x16xf32> to vector<16xf32>
        %swap3A_991 = vector.shape_cast %get3A_457 : vector<16xf32> to vector<1x16xf32>
        tpu.vector_store %arg11[%swap3A_987, %swap3A_988], %swap3A_991 {add = true, strides = array<i32>} : memref<64x768xf32, #tpu.memory_space<vmem>>, vector<1x16xf32>,
        %swap3A_992 = arith.index_cast %scan3A_776 : i32 to index
        %swap3A_993 = arith.constant 688 : index
        %swap3A_994 = tpu.vector_load %arg11[%swap3A_992, %swap3A_993] {strides = array<i32>} : memref<64x768xf32, #tpu.memory_space<vmem>>, vector<1x16xf32>,
        %swap3A_995 = vector.shape_cast %swap3A_994 : vector<1x16xf32> to vector<16xf32>
        %swap3A_996 = vector.shape_cast %get3A_460 : vector<16xf32> to vector<1x16xf32>
        tpu.vector_store %arg11[%swap3A_992, %swap3A_993], %swap3A_996 {add = true, strides = array<i32>} : memref<64x768xf32, #tpu.memory_space<vmem>>, vector<1x16xf32>,
        %swap3A_997 = arith.index_cast %scan3A_776 : i32 to index
        %swap3A_998 = arith.constant 704 : index
        %swap3A_999 = tpu.vector_load %arg11[%swap3A_997, %swap3A_998] {strides = array<i32>} : memref<64x768xf32, #tpu.memory_space<vmem>>, vector<1x16xf32>,
        %swap3A_1000 = vector.shape_cast %swap3A_999 : vector<1x16xf32> to vector<16xf32>
        %swap3A_1001 = vector.shape_cast %get3A_463 : vector<16xf32> to vector<1x16xf32>
        tpu.vector_store %arg11[%swap3A_997, %swap3A_998], %swap3A_1001 {add = true, strides = array<i32>} : memref<64x768xf32, #tpu.memory_space<vmem>>, vector<1x16xf32>,
        %swap3A_1002 = arith.index_cast %scan3A_776 : i32 to index
        %swap3A_1003 = arith.constant 720 : index
        %swap3A_1004 = tpu.vector_load %arg11[%swap3A_1002, %swap3A_1003] {strides = array<i32>} : memref<64x768xf32, #tpu.memory_space<vmem>>, vector<1x16xf32>,
        %swap3A_1005 = vector.shape_cast %swap3A_1004 : vector<1x16xf32> to vector<16xf32>
        %swap3A_1006 = vector.shape_cast %get3A_466 : vector<16xf32> to vector<1x16xf32>
        tpu.vector_store %arg11[%swap3A_1002, %swap3A_1003], %swap3A_1006 {add = true, strides = array<i32>} : memref<64x768xf32, #tpu.memory_space<vmem>>, vector<1x16xf32>,
        %swap3A_1007 = arith.index_cast %scan3A_776 : i32 to index
        %swap3A_1008 = arith.constant 736 : index
        %swap3A_1009 = tpu.vector_load %arg11[%swap3A_1007, %swap3A_1008] {strides = array<i32>} : memref<64x768xf32, #tpu.memory_space<vmem>>, vector<1x16xf32>,
        %swap3A_1010 = vector.shape_cast %swap3A_1009 : vector<1x16xf32> to vector<16xf32>
        %swap3A_1011 = vector.shape_cast %get3A_469 : vector<16xf32> to vector<1x16xf32>
        tpu.vector_store %arg11[%swap3A_1007, %swap3A_1008], %swap3A_1011 {add = true, strides = array<i32>} : memref<64x768xf32, #tpu.memory_space<vmem>>, vector<1x16xf32>,
        %swap3A_1012 = arith.index_cast %scan3A_776 : i32 to index
        %swap3A_1013 = arith.constant 752 : index
        %swap3A_1014 = tpu.vector_load %arg11[%swap3A_1012, %swap3A_1013] {strides = array<i32>} : memref<64x768xf32, #tpu.memory_space<vmem>>, vector<1x16xf32>,
        %swap3A_1015 = vector.shape_cast %swap3A_1014 : vector<1x16xf32> to vector<16xf32>
        %swap3A_1016 = vector.shape_cast %get3A_472 : vector<16xf32> to vector<1x16xf32>
        tpu.vector_store %arg11[%swap3A_1012, %swap3A_1013], %swap3A_1016 {add = true, strides = array<i32>} : memref<64x768xf32, #tpu.memory_space<vmem>>, vector<1x16xf32>,
      }
      %scan3A_512 = arith.constant 32 : i32
      %mul3A_513 = arith.constant 4096 : i32
      %mul3A_514 = arith.muli %scan3A_106, %mul3A_513 : i32
      %add3A_515 = arith.addi %mul3A_514, %add3A_320 : i32
      %add3A_516 = arith.constant 32 : i32
      %add3A_517 = arith.addi %add3A_515, %add3A_516 : i32
      %dma_start3A_518 = arith.constant 32 : i32
      %dma_start3A_519 = arith.constant 0 : i32
      %dma_start3A_520 = tpu.memref_slice %arg11[%dma_start3A_518, %dma_start3A_519] : memref<64x768xf32, #tpu.memory_space<vmem>> -> memref<32x768xf32, #tpu.memory_space<vmem>>
      %dma_start3A_521 = arith.constant 0 : i32
      %dma_start3A_522 = tpu.memref_slice %arg5[%add3A_517, %dma_start3A_521] : memref<315392x768xf32, #tpu.memory_space<hbm>> -> memref<32x768xf32, #tpu.memory_space<hbm>>
      %dma_start3A_523 = arith.constant 0 : i32
      %dma_start3A_524 = tpu.memref_slice %arg5[%add3A_517, %dma_start3A_523] : memref<315392x768xf32, #tpu.memory_space<hbm>> -> memref<32x768xf32, #tpu.memory_space<hbm>>
      %dma_start3A_525 = arith.constant 32 : i32
      %dma_start3A_526 = arith.constant 0 : i32
      %dma_start3A_527 = tpu.memref_slice %arg11[%dma_start3A_525, %dma_start3A_526] : memref<64x768xf32, #tpu.memory_space<vmem>> -> memref<32x768xf32, #tpu.memory_space<vmem>>
      tpu.enqueue_dma source(%dma_start3A_527 : memref<32x768xf32, #tpu.memory_space<vmem>>) target(%dma_start3A_524 : memref<32x768xf32, #tpu.memory_space<hbm>>) target_semaphore(%arg17 : memref<!tpu.dma_semaphore, #tpu.memory_space<semaphore_mem>>)
      %add3A_528 = arith.constant 1 : i32
      %add3A_529 = arith.addi %scan3A_106, %add3A_528 : i32
      %lt3A_530 = arith.constant 77 : i32
      %lt3A_531 = arith.cmpi slt, %add3A_529, %lt3A_530 : i32
      %convert_element_type3A_532 = arith.extui %lt3A_531 : i1 to i32
      %cond3A_533 = arith.constant 0 : i32
      %cond3A_534 = arith.cmpi ne, %convert_element_type3A_532, %cond3A_533 : i32
      scf.if %cond3A_534 {
        %add3A_535 = arith.constant 1 : i32
        %add3A_536 = arith.addi %scan3A_106, %add3A_535 : i32
        %mul3A_537 = arith.constant 4096 : i32
        %mul3A_538 = arith.muli %add3A_536, %mul3A_537 : i32
        %add3A_539 = arith.addi %mul3A_538, %add3A_320 : i32
        %dma_wait3A_540 = tpu.memref_slice %arg2[%add3A_539] : memref<315392xi32, #tpu.memory_space<hbm>> -> memref<64xi32, #tpu.memory_space<hbm>>
        %dma_wait3A_541 = tpu.memref_slice %arg2[%add3A_539] : memref<315392xi32, #tpu.memory_space<hbm>> -> memref<64xi32, #tpu.memory_space<hbm>>
        tpu.wait_dma2 semaphore(%arg19 : memref<!tpu.dma_semaphore, #tpu.memory_space<semaphore_mem>>) src(%dma_wait3A_541 : memref<64xi32, #tpu.memory_space<hbm>>) dst(%arg7 : memref<64xi32, #tpu.memory_space<vmem>>)
        %add3A_542 = arith.constant 1 : i32
        %add3A_543 = arith.addi %scan3A_106, %add3A_542 : i32
        %mul3A_544 = arith.constant 768 : i32
        %mul3A_545 = arith.muli %add3A_543, %mul3A_544 : i32
        %dma_wait3A_546 = tpu.memref_slice %arg4[%mul3A_545] : memref<59136xf32, #tpu.memory_space<hbm>> -> memref<768xf32, #tpu.memory_space<hbm>>
        %dma_wait3A_547 = tpu.memref_slice %arg4[%mul3A_545] : memref<59136xf32, #tpu.memory_space<hbm>> -> memref<768xf32, #tpu.memory_space<hbm>>
        tpu.wait_dma2 semaphore(%arg19 : memref<!tpu.dma_semaphore, #tpu.memory_space<semaphore_mem>>) src(%dma_wait3A_547 : memref<768xf32, #tpu.memory_space<hbm>>) dst(%arg9 : memref<768xf32, #tpu.memory_space<vmem>>)
        %mul3A_548 = arith.constant 4096 : i32
        %mul3A_549 = arith.muli %scan3A_106, %mul3A_548 : i32
        %add3A_550 = arith.addi %mul3A_549, %add3A_320 : i32
        %add3A_551 = arith.constant 0 : i32
        %add3A_552 = arith.addi %add3A_550, %add3A_551 : i32
        %dma_wait3A_553 = arith.constant 0 : i32
        %dma_wait3A_554 = arith.constant 0 : i32
        %dma_wait3A_555 = tpu.memref_slice %arg11[%dma_wait3A_553, %dma_wait3A_554] : memref<64x768xf32, #tpu.memory_space<vmem>> -> memref<32x768xf32, #tpu.memory_space<vmem>>
        %dma_wait3A_556 = arith.constant 0 : i32
        %dma_wait3A_557 = tpu.memref_slice %arg5[%add3A_552, %dma_wait3A_556] : memref<315392x768xf32, #tpu.memory_space<hbm>> -> memref<32x768xf32, #tpu.memory_space<hbm>>
        %dma_wait3A_558 = arith.constant 0 : i32
        %dma_wait3A_559 = tpu.memref_slice %arg5[%add3A_552, %dma_wait3A_558] : memref<315392x768xf32, #tpu.memory_space<hbm>> -> memref<32x768xf32, #tpu.memory_space<hbm>>
        %dma_wait3A_560 = arith.constant 0 : i32
        %dma_wait3A_561 = arith.constant 0 : i32
        %dma_wait3A_562 = tpu.memref_slice %arg11[%dma_wait3A_560, %dma_wait3A_561] : memref<64x768xf32, #tpu.memory_space<vmem>> -> memref<32x768xf32, #tpu.memory_space<vmem>>
        tpu.wait_dma2 semaphore(%arg17 : memref<!tpu.dma_semaphore, #tpu.memory_space<semaphore_mem>>) src(%dma_wait3A_562 : memref<32x768xf32, #tpu.memory_space<vmem>>) dst(%dma_wait3A_559 : memref<32x768xf32, #tpu.memory_space<hbm>>)
        %mul3A_563 = arith.constant 4096 : i32
        %mul3A_564 = arith.muli %scan3A_106, %mul3A_563 : i32
        %add3A_565 = arith.addi %mul3A_564, %add3A_320 : i32
        %add3A_566 = arith.constant 32 : i32
        %add3A_567 = arith.addi %add3A_565, %add3A_566 : i32
        %dma_wait3A_568 = arith.constant 32 : i32
        %dma_wait3A_569 = arith.constant 0 : i32
        %dma_wait3A_570 = tpu.memref_slice %arg11[%dma_wait3A_568, %dma_wait3A_569] : memref<64x768xf32, #tpu.memory_space<vmem>> -> memref<32x768xf32, #tpu.memory_space<vmem>>
        %dma_wait3A_571 = arith.constant 0 : i32
        %dma_wait3A_572 = tpu.memref_slice %arg5[%add3A_567, %dma_wait3A_571] : memref<315392x768xf32, #tpu.memory_space<hbm>> -> memref<32x768xf32, #tpu.memory_space<hbm>>
        %dma_wait3A_573 = arith.constant 0 : i32
        %dma_wait3A_574 = tpu.memref_slice %arg5[%add3A_567, %dma_wait3A_573] : memref<315392x768xf32, #tpu.memory_space<hbm>> -> memref<32x768xf32, #tpu.memory_space<hbm>>
        %dma_wait3A_575 = arith.constant 32 : i32
        %dma_wait3A_576 = arith.constant 0 : i32
        %dma_wait3A_577 = tpu.memref_slice %arg11[%dma_wait3A_575, %dma_wait3A_576] : memref<64x768xf32, #tpu.memory_space<vmem>> -> memref<32x768xf32, #tpu.memory_space<vmem>>
        tpu.wait_dma2 semaphore(%arg17 : memref<!tpu.dma_semaphore, #tpu.memory_space<semaphore_mem>>) src(%dma_wait3A_577 : memref<32x768xf32, #tpu.memory_space<vmem>>) dst(%dma_wait3A_574 : memref<32x768xf32, #tpu.memory_space<hbm>>)
        %add3A_578 = arith.constant 1 : i32
        %add3A_579 = arith.addi %scan3A_106, %add3A_578 : i32
        %dma_start3A_580 = arith.constant 0 : i32
        %dma_start3A_581 = arith.constant 0 : i32
        %dma_start3A_582 = tpu.memref_slice %arg11[%dma_start3A_580, %dma_start3A_581] : memref<64x768xf32, #tpu.memory_space<vmem>> -> memref<32x768xf32, #tpu.memory_space<vmem>>
        %dma_start3A_583 = arith.constant 0 : i32
        %dma_start3A_584 = tpu.memref_slice %arg7[%dma_start3A_583] : memref<64xi32, #tpu.memory_space<vmem>> -> memref<32xi32, #tpu.memory_space<vmem>>
        %dma_start3A_585 = arith.constant 0 : i32
        %dma_start3A_586 = arith.constant 0 : i32
        %dma_start3A_587 = tpu.memref_slice %arg3[%dma_start3A_585, %dma_start3A_586] : memref<49408x768xf32, #tpu.memory_space<hbm>> -> memref<49408x768xf32, #tpu.memory_space<hbm>>
        tpu.enqueue_indirect_dma source(%dma_start3A_587 : memref<49408x768xf32, #tpu.memory_space<hbm>>) target(%dma_start3A_582 : memref<32x768xf32, #tpu.memory_space<vmem>>) offsets(%dma_start3A_584 : memref<32xi32, #tpu.memory_space<vmem>>) semaphore(%arg13 : memref<!tpu.dma_semaphore, #tpu.memory_space<semaphore_mem>>)
        %dma_start3A_588 = arith.constant 32 : i32
        %dma_start3A_589 = arith.constant 0 : i32
        %dma_start3A_590 = tpu.memref_slice %arg11[%dma_start3A_588, %dma_start3A_589] : memref<64x768xf32, #tpu.memory_space<vmem>> -> memref<32x768xf32, #tpu.memory_space<vmem>>
        %dma_start3A_591 = arith.constant 32 : i32
        %dma_start3A_592 = tpu.memref_slice %arg7[%dma_start3A_591] : memref<64xi32, #tpu.memory_space<vmem>> -> memref<32xi32, #tpu.memory_space<vmem>>
        %dma_start3A_593 = arith.constant 0 : i32
        %dma_start3A_594 = arith.constant 0 : i32
        %dma_start3A_595 = tpu.memref_slice %arg3[%dma_start3A_593, %dma_start3A_594] : memref<49408x768xf32, #tpu.memory_space<hbm>> -> memref<49408x768xf32, #tpu.memory_space<hbm>>
        tpu.enqueue_indirect_dma source(%dma_start3A_595 : memref<49408x768xf32, #tpu.memory_space<hbm>>) target(%dma_start3A_590 : memref<32x768xf32, #tpu.memory_space<vmem>>) offsets(%dma_start3A_592 : memref<32xi32, #tpu.memory_space<vmem>>) semaphore(%arg15 : memref<!tpu.dma_semaphore, #tpu.memory_space<semaphore_mem>>)
      } else {
      }
    }
    %scan3A_46 = arith.constant 77 : i32
    %add3A_47 = arith.constant 0 : i32
    %add3A_48 = arith.addi %mul3A_2, %add3A_47 : i32
    %add3A_49 = arith.constant 311296 : i32
    %add3A_50 = arith.addi %add3A_49, %add3A_48 : i32
    %add3A_51 = arith.constant 0 : i32
    %add3A_52 = arith.addi %add3A_50, %add3A_51 : i32
    %dma_wait3A = arith.constant 0 : i32
    %dma_wait3A_53 = arith.constant 0 : i32
    %dma_wait3A_54 = tpu.memref_slice %arg10[%dma_wait3A, %dma_wait3A_53] : memref<64x768xf32, #tpu.memory_space<vmem>> -> memref<32x768xf32, #tpu.memory_space<vmem>>
    %dma_wait3A_55 = arith.constant 0 : i32
    %dma_wait3A_56 = tpu.memref_slice %arg5[%add3A_52, %dma_wait3A_55] : memref<315392x768xf32, #tpu.memory_space<hbm>> -> memref<32x768xf32, #tpu.memory_space<hbm>>
    %dma_wait3A_57 = arith.constant 0 : i32
    %dma_wait3A_58 = tpu.memref_slice %arg5[%add3A_52, %dma_wait3A_57] : memref<315392x768xf32, #tpu.memory_space<hbm>> -> memref<32x768xf32, #tpu.memory_space<hbm>>
    %dma_wait3A_59 = arith.constant 0 : i32
    %dma_wait3A_60 = arith.constant 0 : i32
    %dma_wait3A_61 = tpu.memref_slice %arg10[%dma_wait3A_59, %dma_wait3A_60] : memref<64x768xf32, #tpu.memory_space<vmem>> -> memref<32x768xf32, #tpu.memory_space<vmem>>
    tpu.wait_dma2 semaphore(%arg16 : memref<!tpu.dma_semaphore, #tpu.memory_space<semaphore_mem>>) src(%dma_wait3A_61 : memref<32x768xf32, #tpu.memory_space<vmem>>) dst(%dma_wait3A_58 : memref<32x768xf32, #tpu.memory_space<hbm>>)
    %add3A_62 = arith.constant 311296 : i32
    %add3A_63 = arith.addi %add3A_62, %add3A_48 : i32
    %add3A_64 = arith.constant 32 : i32
    %add3A_65 = arith.addi %add3A_63, %add3A_64 : i32
    %dma_wait3A_66 = arith.constant 32 : i32
    %dma_wait3A_67 = arith.constant 0 : i32
    %dma_wait3A_68 = tpu.memref_slice %arg10[%dma_wait3A_66, %dma_wait3A_67] : memref<64x768xf32, #tpu.memory_space<vmem>> -> memref<32x768xf32, #tpu.memory_space<vmem>>
    %dma_wait3A_69 = arith.constant 0 : i32
    %dma_wait3A_70 = tpu.memref_slice %arg5[%add3A_65, %dma_wait3A_69] : memref<315392x768xf32, #tpu.memory_space<hbm>> -> memref<32x768xf32, #tpu.memory_space<hbm>>
    %dma_wait3A_71 = arith.constant 0 : i32
    %dma_wait3A_72 = tpu.memref_slice %arg5[%add3A_65, %dma_wait3A_71] : memref<315392x768xf32, #tpu.memory_space<hbm>> -> memref<32x768xf32, #tpu.memory_space<hbm>>
    %dma_wait3A_73 = arith.constant 32 : i32
    %dma_wait3A_74 = arith.constant 0 : i32
    %dma_wait3A_75 = tpu.memref_slice %arg10[%dma_wait3A_73, %dma_wait3A_74] : memref<64x768xf32, #tpu.memory_space<vmem>> -> memref<32x768xf32, #tpu.memory_space<vmem>>
    tpu.wait_dma2 semaphore(%arg16 : memref<!tpu.dma_semaphore, #tpu.memory_space<semaphore_mem>>) src(%dma_wait3A_75 : memref<32x768xf32, #tpu.memory_space<vmem>>) dst(%dma_wait3A_72 : memref<32x768xf32, #tpu.memory_space<hbm>>)
    %add3A_76 = arith.constant 64 : i32
    %add3A_77 = arith.addi %mul3A_2, %add3A_76 : i32
    %add3A_78 = arith.constant 311296 : i32
    %add3A_79 = arith.addi %add3A_78, %add3A_77 : i32
    %add3A_80 = arith.constant 0 : i32
    %add3A_81 = arith.addi %add3A_79, %add3A_80 : i32
    %dma_wait3A_82 = arith.constant 0 : i32
    %dma_wait3A_83 = arith.constant 0 : i32
    %dma_wait3A_84 = tpu.memref_slice %arg11[%dma_wait3A_82, %dma_wait3A_83] : memref<64x768xf32, #tpu.memory_space<vmem>> -> memref<32x768xf32, #tpu.memory_space<vmem>>
    %dma_wait3A_85 = arith.constant 0 : i32
    %dma_wait3A_86 = tpu.memref_slice %arg5[%add3A_81, %dma_wait3A_85] : memref<315392x768xf32, #tpu.memory_space<hbm>> -> memref<32x768xf32, #tpu.memory_space<hbm>>
    %dma_wait3A_87 = arith.constant 0 : i32
    %dma_wait3A_88 = tpu.memref_slice %arg5[%add3A_81, %dma_wait3A_87] : memref<315392x768xf32, #tpu.memory_space<hbm>> -> memref<32x768xf32, #tpu.memory_space<hbm>>
    %dma_wait3A_89 = arith.constant 0 : i32
    %dma_wait3A_90 = arith.constant 0 : i32
    %dma_wait3A_91 = tpu.memref_slice %arg11[%dma_wait3A_89, %dma_wait3A_90] : memref<64x768xf32, #tpu.memory_space<vmem>> -> memref<32x768xf32, #tpu.memory_space<vmem>>
    tpu.wait_dma2 semaphore(%arg17 : memref<!tpu.dma_semaphore, #tpu.memory_space<semaphore_mem>>) src(%dma_wait3A_91 : memref<32x768xf32, #tpu.memory_space<vmem>>) dst(%dma_wait3A_88 : memref<32x768xf32, #tpu.memory_space<hbm>>)
    %add3A_92 = arith.constant 311296 : i32
    %add3A_93 = arith.addi %add3A_92, %add3A_77 : i32
    %add3A_94 = arith.constant 32 : i32
    %add3A_95 = arith.addi %add3A_93, %add3A_94 : i32
    %dma_wait3A_96 = arith.constant 32 : i32
    %dma_wait3A_97 = arith.constant 0 : i32
    %dma_wait3A_98 = tpu.memref_slice %arg11[%dma_wait3A_96, %dma_wait3A_97] : memref<64x768xf32, #tpu.memory_space<vmem>> -> memref<32x768xf32, #tpu.memory_space<vmem>>
    %dma_wait3A_99 = arith.constant 0 : i32
    %dma_wait3A_100 = tpu.memref_slice %arg5[%add3A_95, %dma_wait3A_99] : memref<315392x768xf32, #tpu.memory_space<hbm>> -> memref<32x768xf32, #tpu.memory_space<hbm>>
    %dma_wait3A_101 = arith.constant 0 : i32
    %dma_wait3A_102 = tpu.memref_slice %arg5[%add3A_95, %dma_wait3A_101] : memref<315392x768xf32, #tpu.memory_space<hbm>> -> memref<32x768xf32, #tpu.memory_space<hbm>>
    %dma_wait3A_103 = arith.constant 32 : i32
    %dma_wait3A_104 = arith.constant 0 : i32
    %dma_wait3A_105 = tpu.memref_slice %arg11[%dma_wait3A_103, %dma_wait3A_104] : memref<64x768xf32, #tpu.memory_space<vmem>> -> memref<32x768xf32, #tpu.memory_space<vmem>>
    tpu.wait_dma2 semaphore(%arg17 : memref<!tpu.dma_semaphore, #tpu.memory_space<semaphore_mem>>) src(%dma_wait3A_105 : memref<32x768xf32, #tpu.memory_space<vmem>>) dst(%dma_wait3A_102 : memref<32x768xf32, #tpu.memory_space<hbm>>)
    return
  }
}

</mosaic_0001>

<sc_bundles>
// kernel: kernel.3.cloned.1.call-start
scs
__scs_entry_jumppad:
0x0: {  	(pc) =	sbr.rel $0x88, $3  }
0x1: {  	(tag) =	ssettag $0x0;
	lr =	simm.s32 $0x1  }
0x2: {  	[smem:$0x3F9E] =	sst lr;
	_ =	strace $0xD0000000  }
0x3: {  	_ = 	snop  }
0x4: {  	_ = 	snop  }
0x5: {  	_ = 	snop  }
0x6: {  	_ = 	snop  }
0x7: {  	_ = 	snop  }
__scs_overlays_trampoline_lowered:
0x8: {  	[smem:$0x3FAD] =	sst s0  }
0x9: {  	[smem:$0x3FAE] =	sst s1  }
0xa: {  	[smem:$0x3FAF] =	sst s2  }
0xb: {  	[smem:$0x3FB0] =	sst s3  }
0xc: {  	[smem:$0x3FB1] =	sst s4  }
0xd: {  	[smem:$0x3FB2] =	sst s5  }
0xe: {  	[smem:$0x3FB3] =	sst s6  }
0xf: {  	[smem:$0x3FB4] =	sst s7  }
0x10: {  	[smem:$0x3FB5] =	sst s8  }
0x11: {  	[smem:$0x3FB6] =	sst s9;
	s0 =	simm.s32 @!p0 $0x0  }
0x12: {  	s1 =	sld [smem:$0x3F9C];
	s0 =	simm.s32 @p0 $0x1  }
0x13: {  	[smem:$0x3FB7] =	sst s0;
	s0 =	simm.s32 @!p1 $0x0  }
0x14: {  	s2 =	sld [smem:$0x3F9B];
	s0 =	simm.s32 @p1 $0x1  }
0x15: {  	[smem:$0x3FB8] =	sst s0;
	s0 =	simm.s32 @!p2 $0x0  }
0x16: {  	s3 =	sld [smem:$0x3FDB];
	s0 =	simm.s32 @p2 $0x1  }
0x17: {  	s4 =	simm.s32 $0x1BF5;
	[smem:$0x3FBA] =	sst s0  }
0x18: {  	s0 =	sld [smem:$0x3F9D];
	_ =	swait.ge [sflag:s4], $0x0  }
0x19: {  	s7 =	sld [smem:$0x3F9E]  }
0x1a: {  	s8 =	sadd.s32 $0xFFFFE003, lr  }
0x1b: {  	s9 =	sadd.s32 $0xFFFFFEF7, lr;
	s5 =	simm.s32 $0xFFFFFFFF;
	p2 =	slt.u32 s8, $0xFFFFF086  }
0x1c: {  	p1 =	slt.u32 s9, $0xF7A;
	s5 =	simm.s32 @!p2 $0x0  }
0x1d: {  	s5 =	simm.s32 @p1 $0x1;
	p0 =	seq.s32 s7, s2  }
0x1e: {  	s7 =	smul.u32 @!p0 $0xF7A, s2;
	p2 =	seq.s32 @!p0 s5, $0x0  }
0x1f: {  	s9 =	smul.u32 $0xF7A, s1;
	s8 =	simm.s32 @!p0 $0x1BF5;
	p2 =	por !p2, p0  }
0x20: {  	[sflag:s8] =	ssyncset.s32 @!p0 $0xFFFFF086;
	s6 =	sadd.s32 @!p0 s3, s7;
	s7 =	simm.s32 @!p0 $0x108  }
0x21: {  	s3 =	sadd.s32 s3, s9;
	s6 =	sadd.s32 @!p0 $0x88, s6;
	s7 =	simm.s32 @p2 $0x1082  }
0x22: {  	[simem:s7], [sflag:s8] =	dma.local @!p0 [hbm:s6], $0xF7A  }
0x23: {  	s9 =	sor.u32 $0xD0000000, s2;
	s6 =	simm.s32 $0x108;
	_ =	swait.ge @!p0 [sflag:s8], $0x0  }
0x24: {  	s3 =	sadd.s32 $0x88, s3;
	s6 =	simm.s32 @!p1 $0x1082;
	[sflag:s4] =	ssyncset.s32 $0xFFFFF086  }
0x25: {  	[simem:s6], [sflag:s4] =	dma.local [hbm:s3], $0xF7A  }
0x26: {  	[smem:$0x3F9E] =	sst s1;
	(tag) =	ssettag s2;
	_ =	strace s9  }
0x27: {  	s1 =	sld [smem:$0x3FAE]  }
0x28: {  	s2 =	sld [smem:$0x3FAF]  }
0x29: {  	s4 =	sld [smem:$0x3FB1]  }
0x2a: {  	p0 =	seq.s32 s5, $0x0;
	s5 =	sld [smem:$0x3FB2]  }
0x2b: {  	s6 =	sld [smem:$0x3FB3]  }
0x2c: {  	s7 =	sld [smem:$0x3FB4]  }
0x2d: {  	s3 =	simm.s32 $0x108;
	s8 =	sld [smem:$0x3FB5]  }
0x2e: {  	s3 =	simm.s32 @!p0 $0x1082;
	s9 =	sld [smem:$0x3FB6]  }
0x2f: {  	lr =	sadd.s32 s0, s3;
	s0 =	sld [smem:$0x3FAD]  }
0x30: {  	s3 =	sld [smem:$0x3FB0]  }
0x31: {  	[smem:$0x3FB9] =	sst s10  }
0x32: {  	s10 =	sld [smem:$0x3FB7];
	_ =	sdelay $0x3  }
0x33: {  	p0 =	seq.s32 s10, $0x1;
	s10 =	sld [smem:$0x3FB9];
	_ =	sdelay $0x3  }
0x34: {  	[smem:$0x3FB9] =	sst s10  }
0x35: {  	s10 =	sld [smem:$0x3FB8];
	_ =	sdelay $0x3  }
0x36: {  	p1 =	seq.s32 s10, $0x1;
	s10 =	sld [smem:$0x3FB9];
	_ =	sdelay $0x3  }
0x37: {  	[smem:$0x3FB9] =	sst s10  }
0x38: {  	s10 =	sld [smem:$0x3FBA]  }
0x39: {  	_ = 	snop;
	(pc) =	sbr.ind lr, $3  }
0x3a: {  	_ = 	snop  }
0x3b: {  	_ = 	snop  }
0x3c: {  	p2 =	seq.s32 s10, $0x1;
	s10 =	sld [smem:$0x3FB9]  }
0x3d: {  	_ =	shalt  }
0x3e: {  	_ =	shalt  }
0x3f: {  	_ =	shalt  }
0x40: {  	_ =	shalt  }
0x41: {  	_ =	shalt  }
0x42: {  	_ =	shalt  }
0x43: {  	_ =	shalt  }
0x44: {  	_ =	shalt  }
0x45: {  	_ =	shalt  }
0x46: {  	_ =	shalt  }
0x47: {  	_ =	shalt  }
0x48: {  	_ =	shalt  }
0x49: {  	_ =	shalt  }
0x4a: {  	_ =	shalt  }
0x4b: {  	_ =	shalt  }
0x4c: {  	_ =	shalt  }
0x4d: {  	_ =	shalt  }
0x4e: {  	_ =	shalt  }
0x4f: {  	_ =	shalt  }
0x50: {  	_ =	shalt  }
0x51: {  	_ =	shalt  }
0x52: {  	_ =	shalt  }
0x53: {  	_ =	shalt  }
0x54: {  	_ =	shalt  }
0x55: {  	_ =	shalt  }
0x56: {  	_ =	shalt  }
0x57: {  	_ =	shalt  }
0x58: {  	_ =	shalt  }
0x59: {  	_ =	shalt  }
0x5a: {  	_ =	shalt  }
0x5b: {  	_ =	shalt  }
0x5c: {  	_ =	shalt  }
0x5d: {  	_ =	shalt  }
0x5e: {  	_ =	shalt  }
0x5f: {  	_ =	shalt  }
0x60: {  	_ =	shalt  }
0x61: {  	_ =	shalt  }
0x62: {  	_ =	shalt  }
0x63: {  	_ =	shalt  }
0x64: {  	_ =	shalt  }
0x65: {  	_ =	shalt  }
0x66: {  	_ =	shalt  }
0x67: {  	_ =	shalt  }
0x68: {  	_ =	shalt  }
0x69: {  	_ =	shalt  }
0x6a: {  	_ =	shalt  }
0x6b: {  	_ =	shalt  }
0x6c: {  	_ =	shalt  }
0x6d: {  	_ =	shalt  }
0x6e: {  	_ =	shalt  }
0x6f: {  	_ =	shalt  }
0x70: {  	_ =	shalt  }
0x71: {  	_ =	shalt  }
0x72: {  	_ =	shalt  }
0x73: {  	_ =	shalt  }
0x74: {  	_ =	shalt  }
0x75: {  	_ =	shalt  }
0x76: {  	_ =	shalt  }
0x77: {  	_ =	shalt  }
0x78: {  	_ =	shalt  }
0x79: {  	_ =	shalt  }
0x7a: {  	_ =	shalt  }
0x7b: {  	_ =	shalt  }
0x7c: {  	_ =	shalt  }
0x7d: {  	_ =	shalt  }
0x7e: {  	_ =	shalt  }
0x7f: {  	_ =	shalt  }
0x80: {  	_ =	shalt  }
0x81: {  	_ =	shalt  }
0x82: {  	_ =	shalt  }
0x83: {  	_ =	shalt  }
0x84: {  	_ =	shalt  }
0x85: {  	_ =	shalt  }
0x86: {  	_ =	shalt  }
0x87: {  	_ =	shalt  }
.Lfunc_end0:
.L_simem_size_0:
called_computation_lowered:
.L_overlay_start_0:
0x88: {  	s2 =	sld [smem:$0x3FD9]  }
0x89: {  	s3 =	sld [smem:$0x3FFE];
	_ =	sdelay $0x1  }
0x8a: {  	s1 =	srdreg.scid  }
0x8b: {  	s0 =	sand.u32 $0x1, s1  }
0x8c: {  	s17 =	sshll.u32 s0, $0xA;
	s2 =	sadd.s32 s3, s2  }
0x8d: {  	s2 =	sadd.s32 s2, s17  }
0x8e: {  	[smem:$0x3FC5] =	sst s2  }
0x8f: {  	_ = 	snop  }
0x90: {  	s2 =	sld [smem:$0x3FC8]  }
0x91: {  	s18 =	sld [smem:$0x3FD0];
	(tm) =	ssettm $0x1  }
0x92: {  	s4 =	sld [smem:$0x3FFB];
	_ =	sdelay $0x3  }
0x93: {  	_ =	strace s4  }
0x94: {  	s4 =	sld [smem:$0x3FFC];
	_ =	sdelay $0x3  }
0x95: {  	_ =	strace s4  }
0x96: {  	s4 =	sld [smem:$0x3FFD];
	_ =	sdelay $0x3  }
0x97: {  	_ =	strace s4  }
0x98: {  	_ =	strace $0x8FFFFFFF  }
0x99: {  	s19 =	sld [smem:$0x3FDB];
	_ =	sdelay $0x1  }
0x9a: {  	s5 =	simm.s32 $_scs_section_size  }
0x9b: {  	s6 =	simm.s32 $_size__tile_overlayer_lowered;
	s7 =	simm.s32 $_tile_overlayer_lowered  }
0x9c: {  	s22 =	simm.s32 $0x1BFF;
	s21 =	sshll.u32 s7, $0x1;
	s4 =	sadd.s32 s5, s19  }
0x9d: {  	s8 =	simm.s32 $0x0;
	s20 =	sshll.u32 s6, $0x1;
	s6 =	sadd.s32 s21, s4  }
0x9e: {  	[timem:s8], [sflag:s22] =	dma.local [hbm:s6], s20  }
0x9f: {  	_ =	swait.ge [sflag:s22], s20  }
0xa0: {  	s5 =	ssub.s32 $0x0, s20;
	[sflag:s22] =	ssyncset.done $0x0  }
0xa1: {  	[sflag:s22] =	ssyncadd.s32 s5;
	_ =	sdelay $0x1  }
0xa2: {  	s23 =	simm.s32 $0x1B8B  }
0xa3: {  	_ =	swait.ge [sflag:s23], $0x1  }
0xa4: {  	[sflag:s23] =	ssyncset.done $0x0  }
0xa5: {  	s25 =	simm.s32 $0x1B8E;
	s24 =	sld [smem:$0x3FFE];
	[sflag:s23] =	ssyncadd.s32 $0xFFFFFFFF  }
0xa6: {  	s26 =	simm.s32 $execute0_lowered;
	[smem:$0x3FD2] =	sst s25  }
0xa7: {  	s6 =	sshll.u32 s26, $0x1;
	_ =	strace $0x80000046;
	[dreg:$0x1] =	wrdreg $0xFFFFFFFF  }
0xa8: {  	s28 =	simm.s32 $_size_execute0_lowered;
	s4 =	sadd.s32 s4, s6;
	[dreg:$0x0] =	wrdreg $0x0  }
0xa9: {  	s6 =	sshll.u32 s28, $0x1;
	[dreg:$0x2] =	wrdreg s4  }
0xaa: {  	[dreg:$0x3] =	wrdreg s6  }
0xab: {  	[dreg:$0x4] =	wrdreg $0xC0  }
0xac: {  	_ =	task [dreg:s8], $0x5FFFF  }
0xad: {  	[dreg:$0x1] =	wrdreg $0xFFFFFFFF  }
0xae: {  	[dreg:$0x0] =	wrdreg $0x60  }
0xaf: {  	[dreg:$0x2] =	wrdreg s24  }
0xb0: {  	[dreg:$0x3] =	wrdreg s2  }
0xb1: {  	[dreg:$0x4] =	wrdreg s18  }
0xb2: {  	[dreg:$0x5] =	wrdreg $0x9  }
0xb3: {  	_ =	task.clear_ibuf [dreg:s8], $0x6FFFF;
	_ =	strace $0x90000046  }
0xb4: {  	s29 =	simm.s32 $0x9;
	_ =	strace $0x80000048  }
0xb5: {  	_ =	swait.ge [sflag:s29], $0x1  }
0xb6: {  	[sflag:s29] =	ssyncadd.s32 $0xFFFFFFFF  }
0xb7: {  	_ =	strace $0x90000048  }
0xb8: {  	_ =	sfence  }
0xb9: {  	s30 =	sld [smem:$0x0];
	_ =	sdelay $0x2  }
0xba: {  	s31 =	sshll.u32 s1, $0xD;
	s1 =	sshrl.u32 s1, $0x2  }
0xbb: {  	s3 =	sand.u32 $0x4000, s31;
	s1 =	sadd.s32 s1, s30  }
0xbc: {  	s0 =	sor.u32 s3, s0;
	s1 =	sshll.u32 s1, $0x11  }
0xbd: {  	s0 =	sor.u32 s1, s0  }
0xbe: {  	s0 =	sadd.s32 $0x8F2B, s0  }
0xbf: {  	[sflag:s0] =	ssyncadd.remote.s32 $0x1  }
0xc0: {  	_ =	sfence.sel $0xFFFF  }
0xc1: {  	[dreg:$0x0] =	wrdreg $0xFFFFFFFF;
	(pc) =	sbr.abs _section_cstart, $3  }
0xc2: {  	[dreg:$0x1] =	wrdreg $0xFFFFFFFF  }
0xc3: {  	_ =	task.clear_ibuf [dreg:s8], $0x2FFFF;
	_ =	strace $0x9FFFFFFF  }
0xc4: {  	(tm) =	ssettm $0x7FFFFFFF  }
0xc5: {  	_ =	shalt  }
tec
execute0_lowered:
.L_overlay_start_1:
0x0: {  	(tag) =	ssettag $0x1  }
0x1: {  	s0 =	rddreg [dreg:$0x0]  }
0x2: {  	s1 =	rddreg [dreg:$0x1]  }
0x3: {  	s24 =	rddreg [dreg:$0x2];
	s4 =	simm.s32 $0x0  }
0x4: {  	s2 =	srdreg.scid;
	s3 =	stileid.u32;
	s28 =	simm.s32 $0x5  }
0x5: {  	s29 =	simm.s32 $0x7;
	[smem:$0x7FF] =	sst s4;
	s2 =	sand.u32 $0x1, s2  }
0x6: {  	s3 =	sshll.u32 s3, $0x8;
	s5 =	sadd.s32 $0x2200, s0;
	s0 =	sadd.s32 $0x400, s0  }
0x7: {  	s31 =	sadd.s32 $0xC00, s24;
	_ =	strace $0x80000047;
	s6 =	sshll.u32 s2, $0x7  }
0x8: {  	s2 =	ssub.s32 $0x2, s2;
	[dreg:$0x4] =	wrdreg s0;
	s6 =	sor.u32 s6, s3  }
0x9: {  	[dreg:$0x7] =	wrdreg s31;
	s25 =	sshrl.u32 s2, $0x1;
	s3 =	sshrl.u32 s6, $0x3  }
0xa: {  	s0 =	ssub.s32 s2, s25;
	s9 =	sor.u32 $0x40, s6;
	s26 =	sadd.s32 s5, s3  }
0xb: {  	v2 =	vlaneseq.u32;
	s30 =	sshrl.u32 s9, $0x3;
	s0 =	smax.u32 s0, $0x1;
	[dreg:$0x5] =	wrdreg s26  }
0xc: {  	vm0 =	vmmov $0xffff;
	s10 =	sadd.s32 $0x100, s1;
	v1 =	vshrl.u32 v2, $0x3;
	s2 =	sadd.s32 s5, s30;
	[dreg:$0x8] =	wrdreg s0  }
0xd: {  	s11 =	sadd.s32 $0x200, s1;
	v0 =	vand.u32 $0x7, v2;
	v2 =	vor.u32 $0x8, v2;
	v1 =	vmul.u32 $0x8, v1;
	s3 =	simm.s32 $0x0;
	[dreg:$0x6] =	wrdreg s2  }
.LBB2_1:
0xe: {  	[dreg:$0x9] =	wrdreg s3  }
0xf: {  	s0 =	rddreg [dreg:$0x5];
	s3 =	simm.s32 $0x9  }
0x10: {  	[tilespmem:s4], [sflag:$0x9] =	stream.linear.gather [hbm4b:s0+s4], $0x40, $0x38;
	[tilespmem:$0x18700] =	vst v63  }
0x11: {  	_ =	swait.ge [sflag:s3], $0x40  }
0x12: {  	[sflag:s3] =	ssyncset.done $0x0  }
0x13: {  	s2 =	simm.s32 $0x100;
	s0 =	rddreg [dreg:$0x4];
	[sflag:s3] =	ssyncadd.s32 $0xFFFFFFC0  }
0x14: {  	[tilespmem:s2], [sflag:$0x9] =	stream.linear.gather [hbm4b:s0+s4], $0x300, $0x38;
	[tilespmem:$0x18700] =	vst v63  }
0x15: {  	_ =	swait.ge [sflag:s3], $0x300  }
0x16: {  	[sflag:s3] =	ssyncset.done $0x0  }
0x17: {  	[sflag:s3] =	ssyncadd.s32 $0xFFFFFD00  }
0x18: {  	v3 =	vld [tilespmem:$0x0];
	_ =	sdelay $0x4  }
0x19: {  	v4 =	vshrl.u32 v3, $0x3  }
0x1a: {  	v4 =	vmul.u32 $0x30, v4  }
0x1b: {  	v3 =	vand.u32 $0x7, v3  }
0x1c: {  	v3 =	vor.u32 v3, v4  }
0x1d: {  	v4 =	vperm.xlane v3, v0;
	_ =	sdelay $0x1  }
0x1e: {  	v4 =	vadd.s32 v1, v4;
	_ =	sdelay $0x3  }
0x1f: {  	s16 =	simm.s32 $0x700;
	v3 =	vperm.xlane v3, v2  }
0x20: {  	[tilespmem:s16], [sflag:$0x1] =	stream.indirect_vreg.gather [hbm4b:s1+s4], $0x80, v4, vm0, $0xb8;
	[tilespmem:$0x18700] =	vst v63  }
0x21: {  	s17 =	simm.s32 $0xF00;
	v3 =	vadd.s32 v1, v3  }
0x22: {  	[tilespmem:s17], [sflag:$0x1] =	stream.indirect_vreg.gather [hbm4b:s10+s4], $0x80, v4, vm0, $0xb8;
	[tilespmem:$0x18700] =	vst v63  }
0x23: {  	s18 =	simm.s32 $0x1700  }
0x24: {  	[tilespmem:s18], [sflag:$0x1] =	stream.indirect_vreg.gather [hbm4b:s11+s4], $0x80, v4, vm0, $0xb8;
	[tilespmem:$0x18700] =	vst v63  }
0x25: {  	s19 =	simm.s32 $0x1F00  }
0x26: {  	[tilespmem:s19], [sflag:$0x1] =	stream.indirect_vreg.gather [hbm4b:s1+s4], $0x80, v3, vm0, $0xb8;
	[tilespmem:$0x18700] =	vst v63  }
0x27: {  	s20 =	simm.s32 $0x2700  }
0x28: {  	[tilespmem:s20], [sflag:$0x1] =	stream.indirect_vreg.gather [hbm4b:s10+s4], $0x80, v3, vm0, $0xb8;
	[tilespmem:$0x18700] =	vst v63  }
0x29: {  	s21 =	simm.s32 $0x2F00  }
0x2a: {  	[tilespmem:s21], [sflag:$0x1] =	stream.indirect_vreg.gather [hbm4b:s11+s4], $0x80, v3, vm0, $0xb8;
	[tilespmem:$0x18700] =	vst v63  }
0x2b: {  	v3 =	vld [tilespmem:$0x10];
	_ =	sdelay $0x4  }
0x2c: {  	v57 =	vshrl.u32 v3, $0x3  }
0x2d: {  	v4 =	vmul.u32 $0x30, v57  }
0x2e: {  	v3 =	vand.u32 $0x7, v3  }
0x2f: {  	v3 =	vor.u32 v3, v4  }
0x30: {  	v4 =	vperm.xlane v3, v0;
	_ =	sdelay $0x1  }
0x31: {  	v4 =	vadd.s32 v1, v4;
	_ =	sdelay $0x3  }
0x32: {  	s22 =	simm.s32 $0x3700;
	v3 =	vperm.xlane v3, v2  }
0x33: {  	[tilespmem:s22], [sflag:$0x1] =	stream.indirect_vreg.gather [hbm4b:s1+s4], $0x80, v4, vm0, $0xb8;
	[tilespmem:$0x18700] =	vst v63  }
0x34: {  	s23 =	simm.s32 $0x3F00;
	v3 =	vadd.s32 v1, v3  }
0x35: {  	[tilespmem:s23], [sflag:$0x1] =	stream.indirect_vreg.gather [hbm4b:s10+s4], $0x80, v4, vm0, $0xb8;
	[tilespmem:$0x18700] =	vst v63  }
0x36: {  	s25 =	simm.s32 $0x4700  }
0x37: {  	[tilespmem:s25], [sflag:$0x1] =	stream.indirect_vreg.gather [hbm4b:s11+s4], $0x80, v4, vm0, $0xb8;
	[tilespmem:$0x18700] =	vst v63  }
0x38: {  	s26 =	simm.s32 $0x4F00  }
0x39: {  	[tilespmem:s26], [sflag:$0x1] =	stream.indirect_vreg.gather [hbm4b:s1+s4], $0x80, v3, vm0, $0xb8;
	[tilespmem:$0x18700] =	vst v63  }
0x3a: {  	s30 =	simm.s32 $0x5700  }
0x3b: {  	[tilespmem:s30], [sflag:$0x1] =	stream.indirect_vreg.gather [hbm4b:s10+s4], $0x80, v3, vm0, $0xb8;
	[tilespmem:$0x18700] =	vst v63  }
0x3c: {  	s31 =	simm.s32 $0x5F00  }
0x3d: {  	[tilespmem:s31], [sflag:$0x1] =	stream.indirect_vreg.gather [hbm4b:s11+s4], $0x80, v3, vm0, $0xb8;
	[tilespmem:$0x18700] =	vst v63  }
0x3e: {  	v3 =	vld [tilespmem:$0x20];
	_ =	sdelay $0x4  }
0x3f: {  	v58 =	vshrl.u32 v3, $0x3  }
0x40: {  	v4 =	vmul.u32 $0x30, v58  }
0x41: {  	v3 =	vand.u32 $0x7, v3  }
0x42: {  	v3 =	vor.u32 v3, v4  }
0x43: {  	v4 =	vperm.xlane v3, v0;
	_ =	sdelay $0x1  }
0x44: {  	v4 =	vadd.s32 v1, v4;
	_ =	sdelay $0x3  }
0x45: {  	s7 =	simm.s32 $0x6700;
	v3 =	vperm.xlane v3, v2  }
0x46: {  	[tilespmem:s7], [sflag:$0x3] =	stream.indirect_vreg.gather [hbm4b:s1+s4], $0x80, v4, vm0, $0xb8;
	[tilespmem:$0x18700] =	vst v63  }
0x47: {  	s8 =	simm.s32 $0x6F00;
	v3 =	vadd.s32 v1, v3  }
0x48: {  	[tilespmem:s8], [sflag:$0x3] =	stream.indirect_vreg.gather [hbm4b:s10+s4], $0x80, v4, vm0, $0xb8;
	[tilespmem:$0x18700] =	vst v63  }
0x49: {  	s12 =	simm.s32 $0x7700  }
0x4a: {  	[tilespmem:s12], [sflag:$0x3] =	stream.indirect_vreg.gather [hbm4b:s11+s4], $0x80, v4, vm0, $0xb8;
	[tilespmem:$0x18700] =	vst v63  }
0x4b: {  	s13 =	simm.s32 $0x7F00  }
0x4c: {  	[tilespmem:s13], [sflag:$0x3] =	stream.indirect_vreg.gather [hbm4b:s1+s4], $0x80, v3, vm0, $0xb8;
	[tilespmem:$0x18700] =	vst v63  }
0x4d: {  	s14 =	simm.s32 $0x8700  }
0x4e: {  	[tilespmem:s14], [sflag:$0x3] =	stream.indirect_vreg.gather [hbm4b:s10+s4], $0x80, v3, vm0, $0xb8;
	[tilespmem:$0x18700] =	vst v63  }
0x4f: {  	s15 =	simm.s32 $0x8F00  }
0x50: {  	[tilespmem:s15], [sflag:$0x3] =	stream.indirect_vreg.gather [hbm4b:s11+s4], $0x80, v3, vm0, $0xb8;
	[tilespmem:$0x18700] =	vst v63  }
0x51: {  	v3 =	vld [tilespmem:$0x30];
	_ =	sdelay $0x4  }
0x52: {  	v59 =	vshrl.u32 v3, $0x3  }
0x53: {  	v4 =	vmul.u32 $0x30, v59  }
0x54: {  	v3 =	vand.u32 $0x7, v3  }
0x55: {  	v3 =	vor.u32 v3, v4  }
0x56: {  	v4 =	vperm.xlane v3, v0;
	_ =	sdelay $0x1  }
0x57: {  	v4 =	vadd.s32 v1, v4;
	_ =	sdelay $0x3  }
0x58: {  	s16 =	simm.s32 $0x9700;
	v3 =	vperm.xlane v3, v2  }
0x59: {  	[tilespmem:s16], [sflag:$0x3] =	stream.indirect_vreg.gather [hbm4b:s1+s4], $0x80, v4, vm0, $0xb8;
	[tilespmem:$0x18700] =	vst v63  }
0x5a: {  	s17 =	simm.s32 $0x9F00;
	v3 =	vadd.s32 v1, v3  }
0x5b: {  	[tilespmem:s17], [sflag:$0x3] =	stream.indirect_vreg.gather [hbm4b:s10+s4], $0x80, v4, vm0, $0xb8;
	[tilespmem:$0x18700] =	vst v63  }
0x5c: {  	s18 =	simm.s32 $0xA700  }
0x5d: {  	[tilespmem:s18], [sflag:$0x3] =	stream.indirect_vreg.gather [hbm4b:s11+s4], $0x80, v4, vm0, $0xb8;
	[tilespmem:$0x18700] =	vst v63  }
0x5e: {  	s19 =	simm.s32 $0xAF00  }
0x5f: {  	[tilespmem:s19], [sflag:$0x3] =	stream.indirect_vreg.gather [hbm4b:s1+s4], $0x80, v3, vm0, $0xb8;
	[tilespmem:$0x18700] =	vst v63  }
0x60: {  	s20 =	simm.s32 $0xB700  }
0x61: {  	[tilespmem:s20], [sflag:$0x3] =	stream.indirect_vreg.gather [hbm4b:s10+s4], $0x80, v3, vm0, $0xb8;
	[tilespmem:$0x18700] =	vst v63  }
0x62: {  	s21 =	simm.s32 $0xBF00  }
0x63: {  	[tilespmem:s21], [sflag:$0x3] =	stream.indirect_vreg.gather [hbm4b:s11+s4], $0x80, v3, vm0, $0xb8;
	[tilespmem:$0x18700] =	vst v63  }
0x64: {  	s22 =	rddreg [dreg:$0x6];
	s7 =	simm.s32 $0x80  }
0x65: {  	[tilespmem:s7], [sflag:$0x9] =	stream.linear.gather [hbm4b:s22+s4], $0x40, $0x38;
	[tilespmem:$0x18700] =	vst v63  }
0x66: {  	_ =	swait.ge [sflag:s3], $0x40  }
0x67: {  	[sflag:s3] =	ssyncset.done $0x0  }
0x68: {  	s23 =	simm.s32 $0x400;
	[sflag:s3] =	ssyncadd.s32 $0xFFFFFFC0  }
0x69: {  	[tilespmem:s23], [sflag:$0x9] =	stream.linear.gather [hbm4b:s0+s4], $0x300, $0x38;
	[tilespmem:$0x18700] =	vst v63  }
0x6a: {  	_ =	swait.ge [sflag:s3], $0x300  }
0x6b: {  	[sflag:s3] =	ssyncset.done $0x0  }
0x6c: {  	[sflag:s3] =	ssyncadd.s32 $0xFFFFFD00  }
0x6d: {  	v3 =	vld [tilespmem:$0x80];
	_ =	sdelay $0x4  }
0x6e: {  	v60 =	vshrl.u32 v3, $0x3  }
0x6f: {  	v4 =	vmul.u32 $0x30, v60  }
0x70: {  	v3 =	vand.u32 $0x7, v3  }
0x71: {  	v3 =	vor.u32 v3, v4  }
0x72: {  	v4 =	vperm.xlane v3, v0;
	_ =	sdelay $0x1  }
0x73: {  	v4 =	vadd.s32 v1, v4;
	_ =	sdelay $0x3  }
0x74: {  	s25 =	simm.s32 $0xC700;
	v3 =	vperm.xlane v3, v2  }
0x75: {  	[tilespmem:s25], [sflag:$0x2] =	stream.indirect_vreg.gather [hbm4b:s1+s4], $0x80, v4, vm0, $0xb8;
	[tilespmem:$0x18700] =	vst v63  }
0x76: {  	s26 =	simm.s32 $0xCF00;
	v3 =	vadd.s32 v1, v3  }
0x77: {  	[tilespmem:s26], [sflag:$0x2] =	stream.indirect_vreg.gather [hbm4b:s10+s4], $0x80, v4, vm0, $0xb8;
	[tilespmem:$0x18700] =	vst v63  }
0x78: {  	s30 =	simm.s32 $0xD700  }
0x79: {  	[tilespmem:s30], [sflag:$0x2] =	stream.indirect_vreg.gather [hbm4b:s11+s4], $0x80, v4, vm0, $0xb8;
	[tilespmem:$0x18700] =	vst v63  }
0x7a: {  	s31 =	simm.s32 $0xDF00  }
0x7b: {  	[tilespmem:s31], [sflag:$0x2] =	stream.indirect_vreg.gather [hbm4b:s1+s4], $0x80, v3, vm0, $0xb8;
	[tilespmem:$0x18700] =	vst v63  }
0x7c: {  	s2 =	simm.s32 $0xE700  }
0x7d: {  	[tilespmem:s2], [sflag:$0x2] =	stream.indirect_vreg.gather [hbm4b:s10+s4], $0x80, v3, vm0, $0xb8;
	[tilespmem:$0x18700] =	vst v63  }
0x7e: {  	s3 =	simm.s32 $0xEF00  }
0x7f: {  	[tilespmem:s3], [sflag:$0x2] =	stream.indirect_vreg.gather [hbm4b:s11+s4], $0x80, v3, vm0, $0xb8;
	[tilespmem:$0x18700] =	vst v63  }
0x80: {  	v3 =	vld [tilespmem:$0x90];
	_ =	sdelay $0x4  }
0x81: {  	v61 =	vshrl.u32 v3, $0x3  }
0x82: {  	v4 =	vmul.u32 $0x30, v61  }
0x83: {  	v3 =	vand.u32 $0x7, v3  }
0x84: {  	v3 =	vor.u32 v3, v4  }
0x85: {  	v4 =	vperm.xlane v3, v0;
	_ =	sdelay $0x1  }
0x86: {  	v4 =	vadd.s32 v1, v4;
	_ =	sdelay $0x3  }
0x87: {  	s7 =	simm.s32 $0xF700;
	v3 =	vperm.xlane v3, v2  }
0x88: {  	[tilespmem:s7], [sflag:$0x2] =	stream.indirect_vreg.gather [hbm4b:s1+s4], $0x80, v4, vm0, $0xb8;
	[tilespmem:$0x18700] =	vst v63  }
0x89: {  	s8 =	simm.s32 $0xFF00;
	v3 =	vadd.s32 v1, v3  }
0x8a: {  	[tilespmem:s8], [sflag:$0x2] =	stream.indirect_vreg.gather [hbm4b:s10+s4], $0x80, v4, vm0, $0xb8;
	[tilespmem:$0x18700] =	vst v63  }
0x8b: {  	s12 =	simm.s32 $0x10700  }
0x8c: {  	[tilespmem:s12], [sflag:$0x2] =	stream.indirect_vreg.gather [hbm4b:s11+s4], $0x80, v4, vm0, $0xb8;
	[tilespmem:$0x18700] =	vst v63  }
0x8d: {  	s13 =	simm.s32 $0x10F00  }
0x8e: {  	[tilespmem:s13], [sflag:$0x2] =	stream.indirect_vreg.gather [hbm4b:s1+s4], $0x80, v3, vm0, $0xb8;
	[tilespmem:$0x18700] =	vst v63  }
0x8f: {  	s14 =	simm.s32 $0x11700  }
0x90: {  	[tilespmem:s14], [sflag:$0x2] =	stream.indirect_vreg.gather [hbm4b:s10+s4], $0x80, v3, vm0, $0xb8;
	[tilespmem:$0x18700] =	vst v63  }
0x91: {  	s15 =	simm.s32 $0x11F00  }
0x92: {  	[tilespmem:s15], [sflag:$0x2] =	stream.indirect_vreg.gather [hbm4b:s11+s4], $0x80, v3, vm0, $0xb8;
	[tilespmem:$0x18700] =	vst v63  }
0x93: {  	v3 =	vld [tilespmem:$0xA0];
	_ =	sdelay $0x4  }
0x94: {  	v62 =	vshrl.u32 v3, $0x3  }
0x95: {  	v4 =	vmul.u32 $0x30, v62  }
0x96: {  	v3 =	vand.u32 $0x7, v3  }
0x97: {  	v3 =	vor.u32 v3, v4  }
0x98: {  	v4 =	vperm.xlane v3, v0;
	_ =	sdelay $0x1  }
0x99: {  	v4 =	vadd.s32 v1, v4;
	_ =	sdelay $0x3  }
0x9a: {  	s16 =	simm.s32 $0x12700;
	v3 =	vperm.xlane v3, v2  }
0x9b: {  	[tilespmem:s16], [sflag:$0x4] =	stream.indirect_vreg.gather [hbm4b:s1+s4], $0x80, v4, vm0, $0xb8;
	[tilespmem:$0x18700] =	vst v63  }
0x9c: {  	s17 =	simm.s32 $0x12F00;
	v3 =	vadd.s32 v1, v3  }
0x9d: {  	[tilespmem:s17], [sflag:$0x4] =	stream.indirect_vreg.gather [hbm4b:s10+s4], $0x80, v4, vm0, $0xb8;
	[tilespmem:$0x18700] =	vst v63  }
0x9e: {  	s18 =	simm.s32 $0x13700  }
0x9f: {  	[tilespmem:s18], [sflag:$0x4] =	stream.indirect_vreg.gather [hbm4b:s11+s4], $0x80, v4, vm0, $0xb8;
	[tilespmem:$0x18700] =	vst v63  }
0xa0: {  	s19 =	simm.s32 $0x13F00  }
0xa1: {  	[tilespmem:s19], [sflag:$0x4] =	stream.indirect_vreg.gather [hbm4b:s1+s4], $0x80, v3, vm0, $0xb8;
	[tilespmem:$0x18700] =	vst v63  }
0xa2: {  	s20 =	simm.s32 $0x14700  }
0xa3: {  	[tilespmem:s20], [sflag:$0x4] =	stream.indirect_vreg.gather [hbm4b:s10+s4], $0x80, v3, vm0, $0xb8;
	[tilespmem:$0x18700] =	vst v63  }
0xa4: {  	s21 =	simm.s32 $0x14F00  }
0xa5: {  	[tilespmem:s21], [sflag:$0x4] =	stream.indirect_vreg.gather [hbm4b:s11+s4], $0x80, v3, vm0, $0xb8;
	[tilespmem:$0x18700] =	vst v63  }
0xa6: {  	v3 =	vld [tilespmem:$0xB0];
	_ =	sdelay $0x4  }
0xa7: {  	v63 =	vshrl.u32 v3, $0x3  }
0xa8: {  	v4 =	vmul.u32 $0x30, v63  }
0xa9: {  	v3 =	vand.u32 $0x7, v3  }
0xaa: {  	v3 =	vor.u32 v3, v4  }
0xab: {  	v4 =	vperm.xlane v3, v0;
	_ =	sdelay $0x1  }
0xac: {  	v4 =	vadd.s32 v1, v4;
	_ =	sdelay $0x3  }
0xad: {  	s22 =	simm.s32 $0x15700;
	v3 =	vperm.xlane v3, v2  }
0xae: {  	[tilespmem:s22], [sflag:$0x4] =	stream.indirect_vreg.gather [hbm4b:s1+s4], $0x80, v4, vm0, $0xb8;
	[tilespmem:$0x18700] =	vst v63  }
0xaf: {  	s23 =	simm.s32 $0x15F00;
	v3 =	vadd.s32 v1, v3  }
0xb0: {  	[tilespmem:s23], [sflag:$0x4] =	stream.indirect_vreg.gather [hbm4b:s10+s4], $0x80, v4, vm0, $0xb8;
	[tilespmem:$0x18700] =	vst v63  }
0xb1: {  	s25 =	simm.s32 $0x16700  }
0xb2: {  	[tilespmem:s25], [sflag:$0x4] =	stream.indirect_vreg.gather [hbm4b:s11+s4], $0x80, v4, vm0, $0xb8;
	[tilespmem:$0x18700] =	vst v63  }
0xb3: {  	s26 =	simm.s32 $0x16F00  }
0xb4: {  	[tilespmem:s26], [sflag:$0x4] =	stream.indirect_vreg.gather [hbm4b:s1+s4], $0x80, v3, vm0, $0xb8;
	[tilespmem:$0x18700] =	vst v63  }
0xb5: {  	s30 =	simm.s32 $0x17700  }
0xb6: {  	[tilespmem:s30], [sflag:$0x4] =	stream.indirect_vreg.gather [hbm4b:s10+s4], $0x80, v3, vm0, $0xb8;
	[tilespmem:$0x18700] =	vst v63  }
0xb7: {  	s31 =	simm.s32 $0x17F00;
	s3 =	simm.s32 $0x0  }
0xb8: {  	[tilespmem:s31], [sflag:$0x4] =	stream.indirect_vreg.gather [hbm4b:s11+s4], $0x80, v3, vm0, $0xb8;
	[tilespmem:$0x18700] =	vst v63  }
.LBB2_2:
0xb9: {  	s0 =	simm.s32 $0x1  }
0xba: {  	_ =	swait.ge [sflag:s0], $0x6000  }
0xbb: {  	[sflag:s0] =	ssyncset.done $0x0  }
0xbc: {  	[sflag:s0] =	ssyncadd.s32 $0xFFFFA000  }
0xbd: {  	v3 =	vld [tilespmem:$0x100]  }
0xbe: {  	v4 =	vld [tilespmem:$0x110]  }
0xbf: {  	v5 =	vld [tilespmem:$0x120]  }
0xc0: {  	v6 =	vld [tilespmem:$0x130]  }
0xc1: {  	v7 =	vld [tilespmem:$0x140]  }
0xc2: {  	v8 =	vld [tilespmem:$0x150]  }
0xc3: {  	v9 =	vld [tilespmem:$0x160]  }
0xc4: {  	v10 =	vld [tilespmem:$0x170]  }
0xc5: {  	v11 =	vld [tilespmem:$0x180]  }
0xc6: {  	v12 =	vld [tilespmem:$0x190]  }
0xc7: {  	v13 =	vld [tilespmem:$0x1A0]  }
0xc8: {  	v14 =	vld [tilespmem:$0x1B0]  }
0xc9: {  	v15 =	vld [tilespmem:$0x1C0]  }
0xca: {  	v16 =	vld [tilespmem:$0x1D0]  }
0xcb: {  	v17 =	vld [tilespmem:$0x1E0]  }
0xcc: {  	v18 =	vld [tilespmem:$0x1F0]  }
0xcd: {  	v19 =	vld [tilespmem:$0x200]  }
0xce: {  	v20 =	vld [tilespmem:$0x210]  }
0xcf: {  	v21 =	vld [tilespmem:$0x220]  }
0xd0: {  	v22 =	vld [tilespmem:$0x230]  }
0xd1: {  	v23 =	vld [tilespmem:$0x240]  }
0xd2: {  	v24 =	vld [tilespmem:$0x250]  }
0xd3: {  	v25 =	vld [tilespmem:$0x260]  }
0xd4: {  	v26 =	vld [tilespmem:$0x270]  }
0xd5: {  	v27 =	vld [tilespmem:$0x280]  }
0xd6: {  	v28 =	vld [tilespmem:$0x290]  }
0xd7: {  	v29 =	vld [tilespmem:$0x2A0]  }
0xd8: {  	v30 =	vld [tilespmem:$0x2B0]  }
0xd9: {  	v31 =	vld [tilespmem:$0x2C0]  }
0xda: {  	v32 =	vld [tilespmem:$0x2D0]  }
0xdb: {  	v33 =	vld [tilespmem:$0x2E0]  }
0xdc: {  	v34 =	vld [tilespmem:$0x2F0]  }
0xdd: {  	v35 =	vld [tilespmem:$0x300]  }
0xde: {  	v36 =	vld [tilespmem:$0x310]  }
0xdf: {  	v37 =	vld [tilespmem:$0x320]  }
0xe0: {  	v38 =	vld [tilespmem:$0x330]  }
0xe1: {  	v39 =	vld [tilespmem:$0x340]  }
0xe2: {  	v40 =	vld [tilespmem:$0x350]  }
0xe3: {  	v41 =	vld [tilespmem:$0x360]  }
0xe4: {  	v43 =	vld [tilespmem:$0x370]  }
0xe5: {  	v49 =	vld [tilespmem:$0x380]  }
0xe6: {  	v44 =	vld [tilespmem:$0x390]  }
0xe7: {  	s23 =	simm.s32 $0x0;
	v45 =	vld [tilespmem:$0x3A0]  }
0xe8: {  	s2 =	smul.u32 $0x6000, s23;
	v46 =	vld [tilespmem:$0x3B0]  }
0xe9: {  	v47 =	vld [tilespmem:$0x3C0]  }
0xea: {  	s0 =	simm.s32 $0x0;
	s7 =	sshra.s32 s2, $0x2;
	v42 =	vld [tilespmem:$0x3D0]  }
0xeb: {  	v48 =	vld [tilespmem:$0x3E0];
	s16 =	sand.u32 $0x300, s0;
	s8 =	sor.u32 $0x700, s7  }
0xec: {  	v50 =	vld [tilespmem:$0x3F0];
	s25 =	sadd.s32 s16, s8  }
0xed: {  	s12 =	sor.u32 $0x10, s25;
	[tilespmem:s25+$0x0] =	vst.add.f32.msk $0xffff, v3  }
0xee: {  	s26 =	sor.u32 $0x20, s25;
	[tilespmem:s12+$0x0] =	vst.add.f32.msk $0xffff, v4  }
0xef: {  	s30 =	sor.u32 $0x30, s25;
	[tilespmem:s26+$0x0] =	vst.add.f32.msk $0xffff, v5  }
0xf0: {  	s31 =	sor.u32 $0x40, s25;
	[tilespmem:s30+$0x0] =	vst.add.f32.msk $0xffff, v6  }
0xf1: {  	s13 =	sor.u32 $0x50, s25;
	[tilespmem:s31+$0x0] =	vst.add.f32.msk $0xffff, v7  }
0xf2: {  	s14 =	sor.u32 $0x60, s25;
	[tilespmem:s13+$0x0] =	vst.add.f32.msk $0xffff, v8  }
0xf3: {  	s15 =	sor.u32 $0x70, s25;
	[tilespmem:s14+$0x0] =	vst.add.f32.msk $0xffff, v9  }
0xf4: {  	[tilespmem:s15+$0x0] =	vst.add.f32.msk $0xffff, v10  }
0xf5: {  	[tilespmem:s25+$0x450] =	vst.add.f32.msk $0xffff, v16  }
0xf6: {  	[tilespmem:s25+$0x470] =	vst.add.f32.msk $0xffff, v18  }
0xf7: {  	[tilespmem:s25+$0x460] =	vst.add.f32.msk $0xffff, v17  }
0xf8: {  	[tilespmem:s25+$0x440] =	vst.add.f32.msk $0xffff, v15  }
0xf9: {  	[tilespmem:s25+$0x430] =	vst.add.f32.msk $0xffff, v14  }
0xfa: {  	[tilespmem:s25+$0x410] =	vst.add.f32.msk $0xffff, v12  }
0xfb: {  	s12 =	sadd.s32 $0xF00, s7;
	[tilespmem:s25+$0x400] =	vst.add.f32.msk $0xffff, v11  }
0xfc: {  	s14 =	sadd.s32 s16, s12;
	[tilespmem:s25+$0x420] =	vst.add.f32.msk $0xffff, v13  }
0xfd: {  	s17 =	sor.u32 $0x10, s14;
	[tilespmem:s14+$0x0] =	vst.add.f32.msk $0xffff, v19  }
0xfe: {  	s18 =	sor.u32 $0x20, s14;
	[tilespmem:s17+$0x0] =	vst.add.f32.msk $0xffff, v20  }
0xff: {  	s19 =	sor.u32 $0x30, s14;
	[tilespmem:s18+$0x0] =	vst.add.f32.msk $0xffff, v21  }
0x100: {  	s20 =	sor.u32 $0x40, s14;
	[tilespmem:s19+$0x0] =	vst.add.f32.msk $0xffff, v22  }
0x101: {  	s21 =	sor.u32 $0x50, s14;
	[tilespmem:s20+$0x0] =	vst.add.f32.msk $0xffff, v23  }
0x102: {  	s22 =	sor.u32 $0x60, s14;
	[tilespmem:s21+$0x0] =	vst.add.f32.msk $0xffff, v24  }
0x103: {  	s13 =	sadd.s32 $0x1300, s7;
	s23 =	sor.u32 $0x70, s14;
	[tilespmem:s22+$0x0] =	vst.add.f32.msk $0xffff, v25  }
0x104: {  	s15 =	sadd.s32 s16, s13;
	[tilespmem:s23+$0x0] =	vst.add.f32.msk $0xffff, v26  }
0x105: {  	s25 =	sor.u32 $0x10, s15;
	[tilespmem:s15+$0x0] =	vst.add.f32.msk $0xffff, v27  }
0x106: {  	s26 =	sor.u32 $0x20, s15;
	[tilespmem:s25+$0x0] =	vst.add.f32.msk $0xffff, v28  }
0x107: {  	s30 =	sor.u32 $0x30, s15;
	[tilespmem:s26+$0x0] =	vst.add.f32.msk $0xffff, v29  }
0x108: {  	s31 =	sor.u32 $0x40, s15;
	[tilespmem:s30+$0x0] =	vst.add.f32.msk $0xffff, v30  }
0x109: {  	s14 =	sor.u32 $0x50, s15;
	[tilespmem:s31+$0x0] =	vst.add.f32.msk $0xffff, v31  }
0x10a: {  	s17 =	sor.u32 $0x60, s15;
	[tilespmem:s14+$0x0] =	vst.add.f32.msk $0xffff, v32  }
0x10b: {  	s18 =	sor.u32 $0x70, s15;
	s14 =	sadd.s32 $0x1700, s7;
	[tilespmem:s17+$0x0] =	vst.add.f32.msk $0xffff, v33  }
0x10c: {  	s17 =	sadd.s32 s16, s14;
	[tilespmem:s18+$0x0] =	vst.add.f32.msk $0xffff, v34  }
0x10d: {  	s19 =	sor.u32 $0x10, s17;
	[tilespmem:s17+$0x0] =	vst.add.f32.msk $0xffff, v35  }
0x10e: {  	s20 =	sor.u32 $0x20, s17;
	[tilespmem:s19+$0x0] =	vst.add.f32.msk $0xffff, v36  }
0x10f: {  	s21 =	sor.u32 $0x30, s17;
	[tilespmem:s20+$0x0] =	vst.add.f32.msk $0xffff, v37  }
0x110: {  	s22 =	sor.u32 $0x40, s17;
	[tilespmem:s21+$0x0] =	vst.add.f32.msk $0xffff, v38  }
0x111: {  	s23 =	sor.u32 $0x50, s17;
	[tilespmem:s22+$0x0] =	vst.add.f32.msk $0xffff, v39  }
0x112: {  	s25 =	sor.u32 $0x60, s17;
	[tilespmem:s23+$0x0] =	vst.add.f32.msk $0xffff, v40  }
0x113: {  	s15 =	sadd.s32 $0x1B00, s7;
	s26 =	sor.u32 $0x70, s17;
	[tilespmem:s25+$0x0] =	vst.add.f32.msk $0xffff, v41  }
0x114: {  	s30 =	sadd.s32 s16, s15;
	[tilespmem:s26+$0x0] =	vst.add.f32.msk $0xffff, v43  }
0x115: {  	s31 =	sor.u32 $0x10, s30;
	[tilespmem:s30+$0x0] =	vst.add.f32.msk $0xffff, v49  }
0x116: {  	s7 =	sor.u32 $0x20, s30;
	[tilespmem:s31+$0x0] =	vst.add.f32.msk $0xffff, v44  }
0x117: {  	s18 =	sor.u32 $0x30, s30;
	[tilespmem:s7+$0x0] =	vst.add.f32.msk $0xffff, v45  }
0x118: {  	s19 =	sor.u32 $0x40, s30;
	[tilespmem:s18+$0x0] =	vst.add.f32.msk $0xffff, v46  }
0x119: {  	s20 =	sor.u32 $0x50, s30;
	[tilespmem:s19+$0x0] =	vst.add.f32.msk $0xffff, v47  }
0x11a: {  	s21 =	sor.u32 $0x60, s30;
	[tilespmem:s20+$0x0] =	vst.add.f32.msk $0xffff, v42  }
0x11b: {  	s22 =	sor.u32 $0x70, s30;
	s7 =	sor.u32 $0x80, s16;
	[tilespmem:s21+$0x0] =	vst.add.f32.msk $0xffff, v48  }
0x11c: {  	s23 =	sadd.s32 s7, s8;
	[tilespmem:s22+$0x0] =	vst.add.f32.msk $0xffff, v50  }
0x11d: {  	s8 =	sor.u32 $0x10, s23;
	[tilespmem:s23+$0x0] =	vst.add.f32.msk $0xffff, v3  }
0x11e: {  	s25 =	sor.u32 $0x20, s23;
	[tilespmem:s8+$0x0] =	vst.add.f32.msk $0xffff, v4  }
0x11f: {  	s26 =	sor.u32 $0x30, s23;
	[tilespmem:s25+$0x0] =	vst.add.f32.msk $0xffff, v5  }
0x120: {  	s30 =	sor.u32 $0x40, s23;
	[tilespmem:s26+$0x0] =	vst.add.f32.msk $0xffff, v6  }
0x121: {  	s31 =	sor.u32 $0x50, s23;
	[tilespmem:s30+$0x0] =	vst.add.f32.msk $0xffff, v7  }
0x122: {  	s16 =	sor.u32 $0x60, s23;
	[tilespmem:s31+$0x0] =	vst.add.f32.msk $0xffff, v8  }
0x123: {  	s17 =	sor.u32 $0x70, s23;
	[tilespmem:s16+$0x0] =	vst.add.f32.msk $0xffff, v9  }
0x124: {  	[tilespmem:s17+$0x0] =	vst.add.f32.msk $0xffff, v10  }
0x125: {  	[tilespmem:s23+$0x420] =	vst.add.f32.msk $0xffff, v13  }
0x126: {  	[tilespmem:s23+$0x470] =	vst.add.f32.msk $0xffff, v18  }
0x127: {  	[tilespmem:s23+$0x450] =	vst.add.f32.msk $0xffff, v16  }
0x128: {  	[tilespmem:s23+$0x410] =	vst.add.f32.msk $0xffff, v12  }
0x129: {  	[tilespmem:s23+$0x440] =	vst.add.f32.msk $0xffff, v15  }
0x12a: {  	[tilespmem:s23+$0x460] =	vst.add.f32.msk $0xffff, v17  }
0x12b: {  	[tilespmem:s23+$0x400] =	vst.add.f32.msk $0xffff, v11  }
0x12c: {  	s18 =	sadd.s32 s7, s12;
	[tilespmem:s23+$0x430] =	vst.add.f32.msk $0xffff, v14  }
0x12d: {  	s19 =	sor.u32 $0x10, s18;
	[tilespmem:s18+$0x0] =	vst.add.f32.msk $0xffff, v19  }
0x12e: {  	s12 =	sor.u32 $0x20, s18;
	[tilespmem:s19+$0x0] =	vst.add.f32.msk $0xffff, v20  }
0x12f: {  	s20 =	sor.u32 $0x30, s18;
	[tilespmem:s12+$0x0] =	vst.add.f32.msk $0xffff, v21  }
0x130: {  	s21 =	sor.u32 $0x40, s18;
	[tilespmem:s20+$0x0] =	vst.add.f32.msk $0xffff, v22  }
0x131: {  	s22 =	sor.u32 $0x50, s18;
	[tilespmem:s21+$0x0] =	vst.add.f32.msk $0xffff, v23  }
0x132: {  	s23 =	sor.u32 $0x60, s18;
	[tilespmem:s22+$0x0] =	vst.add.f32.msk $0xffff, v24  }
0x133: {  	s25 =	sor.u32 $0x70, s18;
	[tilespmem:s23+$0x0] =	vst.add.f32.msk $0xffff, v25  }
0x134: {  	s26 =	sadd.s32 s7, s13;
	[tilespmem:s25+$0x0] =	vst.add.f32.msk $0xffff, v26  }
0x135: {  	s30 =	sor.u32 $0x10, s26;
	[tilespmem:s26+$0x0] =	vst.add.f32.msk $0xffff, v27  }
0x136: {  	s31 =	sor.u32 $0x20, s26;
	[tilespmem:s30+$0x0] =	vst.add.f32.msk $0xffff, v28  }
0x137: {  	s13 =	sor.u32 $0x30, s26;
	[tilespmem:s31+$0x0] =	vst.add.f32.msk $0xffff, v29  }
0x138: {  	s16 =	sor.u32 $0x40, s26;
	[tilespmem:s13+$0x0] =	vst.add.f32.msk $0xffff, v30  }
0x139: {  	s17 =	sor.u32 $0x50, s26;
	[tilespmem:s16+$0x0] =	vst.add.f32.msk $0xffff, v31  }
0x13a: {  	s18 =	sor.u32 $0x60, s26;
	[tilespmem:s17+$0x0] =	vst.add.f32.msk $0xffff, v32  }
0x13b: {  	s19 =	sor.u32 $0x70, s26;
	[tilespmem:s18+$0x0] =	vst.add.f32.msk $0xffff, v33  }
0x13c: {  	s20 =	sadd.s32 s7, s14;
	[tilespmem:s19+$0x0] =	vst.add.f32.msk $0xffff, v34  }
0x13d: {  	s21 =	sor.u32 $0x10, s20;
	[tilespmem:s20+$0x0] =	vst.add.f32.msk $0xffff, v35  }
0x13e: {  	s22 =	sor.u32 $0x20, s20;
	[tilespmem:s21+$0x0] =	vst.add.f32.msk $0xffff, v36  }
0x13f: {  	s23 =	sor.u32 $0x30, s20;
	[tilespmem:s22+$0x0] =	vst.add.f32.msk $0xffff, v37  }
0x140: {  	s25 =	sor.u32 $0x40, s20;
	[tilespmem:s23+$0x0] =	vst.add.f32.msk $0xffff, v38  }
0x141: {  	s26 =	sor.u32 $0x50, s20;
	[tilespmem:s25+$0x0] =	vst.add.f32.msk $0xffff, v39  }
0x142: {  	s30 =	sor.u32 $0x60, s20;
	[tilespmem:s26+$0x0] =	vst.add.f32.msk $0xffff, v40  }
0x143: {  	s31 =	sor.u32 $0x70, s20;
	[tilespmem:s30+$0x0] =	vst.add.f32.msk $0xffff, v41  }
0x144: {  	s8 =	simm.s32 $0x0;
	s12 =	sadd.s32 s7, s15;
	[tilespmem:s31+$0x0] =	vst.add.f32.msk $0xffff, v43  }
0x145: {  	s14 =	sor.u32 $0x30, s12;
	s7 =	sor.u32 $0x10, s12;
	s2 =	sor.u32 $0x20, s12;
	[tilespmem:s12+$0x0] =	vst.add.f32.msk $0xffff, v49  }
.LBB2_3:
0x146: {  	s8 =	sadd.s32 $0x2, s8;
	[tilespmem:s7+$0x0] =	vst.add.f32.msk $0xffff, v44;
	s0 =	sadd.s32 $0x100, s0  }
0x147: {  	s7 =	sshrl.u32 s8, $0x3;
	p0 =	slt.u32 s8, $0x1E;
	[tilespmem:s2+$0x0] =	vst.add.f32.msk $0xffff, v45;
	s2 =	sor.u32 $0x40, s12  }
0x148: {  	s13 =	sor.u32 $0x50, s12;
	s7 =	smul.u32 $0x6000, s7;
	[tilespmem:s14+$0x0] =	vst.add.f32.msk $0xffff, v46  }
0x149: {  	[tilespmem:s2+$0x0] =	vst.add.f32.msk $0xffff, v47;
	s2 =	sor.u32 $0x60, s12  }
0x14a: {  	s12 =	sor.u32 $0x70, s12;
	s14 =	sshra.s32 s7, $0x2;
	[tilespmem:s13+$0x0] =	vst.add.f32.msk $0xffff, v42  }
0x14b: {  	s15 =	sand.u32 $0x300, s0;
	s19 =	sor.u32 $0x700, s14;
	s16 =	sadd.s32 $0xF00, s14;
	[tilespmem:s2+$0x0] =	vst.add.f32.msk $0xffff, v48  }
0x14c: {  	s22 =	sadd.s32 $0x1300, s14;
	s2 =	sadd.s32 s15, s19;
	s7 =	sadd.s32 s15, s16;
	[tilespmem:s12+$0x0] =	vst.add.f32.msk $0xffff, v50  }
0x14d: {  	s30 =	sadd.s32 $0x1700, s14;
	s13 =	sadd.s32 s15, s22;
	[tilespmem:s2+$0x0] =	vst.add.f32.msk $0xffff, v3;
	s12 =	sor.u32 $0x10, s2  }
0x14e: {  	s14 =	sadd.s32 $0x1B00, s14;
	s21 =	sadd.s32 s15, s30;
	[tilespmem:s12+$0x0] =	vst.add.f32.msk $0xffff, v4;
	s12 =	sor.u32 $0x20, s2  }
0x14f: {  	s20 =	sor.u32 $0x80, s15;
	s17 =	sadd.s32 s15, s14;
	[tilespmem:s12+$0x0] =	vst.add.f32.msk $0xffff, v5;
	s12 =	sor.u32 $0x30, s2  }
0x150: {  	s18 =	sadd.s32 s20, s16;
	s16 =	sadd.s32 s20, s22;
	[tilespmem:s12+$0x0] =	vst.add.f32.msk $0xffff, v6;
	s12 =	sor.u32 $0x40, s2  }
0x151: {  	s15 =	sadd.s32 s20, s30;
	s22 =	sor.u32 $0x50, s2;
	[tilespmem:s12+$0x0] =	vst.add.f32.msk $0xffff, v7;
	s12 =	sadd.s32 s20, s14  }
0x152: {  	[tilespmem:s22+$0x0] =	vst.add.f32.msk $0xffff, v8;
	s22 =	sor.u32 $0x60, s2;
	s14 =	sor.u32 $0x30, s12  }
0x153: {  	[tilespmem:s22+$0x0] =	vst.add.f32.msk $0xffff, v9;
	s22 =	sor.u32 $0x70, s2  }
0x154: {  	[tilespmem:s22+$0x0] =	vst.add.f32.msk $0xffff, v10  }
0x155: {  	[tilespmem:s2+$0x450] =	vst.add.f32.msk $0xffff, v16  }
0x156: {  	[tilespmem:s2+$0x470] =	vst.add.f32.msk $0xffff, v18  }
0x157: {  	[tilespmem:s2+$0x460] =	vst.add.f32.msk $0xffff, v17  }
0x158: {  	[tilespmem:s2+$0x440] =	vst.add.f32.msk $0xffff, v15  }
0x159: {  	[tilespmem:s2+$0x430] =	vst.add.f32.msk $0xffff, v14  }
0x15a: {  	[tilespmem:s2+$0x410] =	vst.add.f32.msk $0xffff, v12  }
0x15b: {  	[tilespmem:s2+$0x400] =	vst.add.f32.msk $0xffff, v11  }
0x15c: {  	[tilespmem:s2+$0x420] =	vst.add.f32.msk $0xffff, v13  }
0x15d: {  	s2 =	sor.u32 $0x10, s7;
	[tilespmem:s7+$0x0] =	vst.add.f32.msk $0xffff, v19  }
0x15e: {  	[tilespmem:s2+$0x0] =	vst.add.f32.msk $0xffff, v20;
	s2 =	sor.u32 $0x20, s7  }
0x15f: {  	[tilespmem:s2+$0x0] =	vst.add.f32.msk $0xffff, v21;
	s2 =	sor.u32 $0x30, s7  }
0x160: {  	[tilespmem:s2+$0x0] =	vst.add.f32.msk $0xffff, v22;
	s2 =	sor.u32 $0x40, s7  }
0x161: {  	[tilespmem:s2+$0x0] =	vst.add.f32.msk $0xffff, v23;
	s2 =	sor.u32 $0x50, s7  }
0x162: {  	[tilespmem:s2+$0x0] =	vst.add.f32.msk $0xffff, v24;
	s2 =	sor.u32 $0x60, s7  }
0x163: {  	[tilespmem:s2+$0x0] =	vst.add.f32.msk $0xffff, v25;
	s2 =	sor.u32 $0x70, s7  }
0x164: {  	[tilespmem:s2+$0x0] =	vst.add.f32.msk $0xffff, v26  }
0x165: {  	s2 =	sor.u32 $0x10, s13;
	[tilespmem:s13+$0x0] =	vst.add.f32.msk $0xffff, v27  }
0x166: {  	[tilespmem:s2+$0x0] =	vst.add.f32.msk $0xffff, v28;
	s2 =	sor.u32 $0x20, s13  }
0x167: {  	[tilespmem:s2+$0x0] =	vst.add.f32.msk $0xffff, v29;
	s2 =	sor.u32 $0x30, s13  }
0x168: {  	[tilespmem:s2+$0x0] =	vst.add.f32.msk $0xffff, v30;
	s2 =	sor.u32 $0x40, s13  }
0x169: {  	[tilespmem:s2+$0x0] =	vst.add.f32.msk $0xffff, v31;
	s2 =	sor.u32 $0x50, s13  }
0x16a: {  	[tilespmem:s2+$0x0] =	vst.add.f32.msk $0xffff, v32;
	s2 =	sor.u32 $0x60, s13  }
0x16b: {  	[tilespmem:s2+$0x0] =	vst.add.f32.msk $0xffff, v33;
	s2 =	sor.u32 $0x70, s13  }
0x16c: {  	[tilespmem:s2+$0x0] =	vst.add.f32.msk $0xffff, v34  }
0x16d: {  	s2 =	sor.u32 $0x10, s21;
	[tilespmem:s21+$0x0] =	vst.add.f32.msk $0xffff, v35  }
0x16e: {  	[tilespmem:s2+$0x0] =	vst.add.f32.msk $0xffff, v36;
	s2 =	sor.u32 $0x20, s21  }
0x16f: {  	[tilespmem:s2+$0x0] =	vst.add.f32.msk $0xffff, v37;
	s2 =	sor.u32 $0x30, s21  }
0x170: {  	[tilespmem:s2+$0x0] =	vst.add.f32.msk $0xffff, v38;
	s2 =	sor.u32 $0x40, s21  }
0x171: {  	[tilespmem:s2+$0x0] =	vst.add.f32.msk $0xffff, v39;
	s2 =	sor.u32 $0x50, s21  }
0x172: {  	[tilespmem:s2+$0x0] =	vst.add.f32.msk $0xffff, v40;
	s2 =	sor.u32 $0x60, s21  }
0x173: {  	[tilespmem:s2+$0x0] =	vst.add.f32.msk $0xffff, v41;
	s2 =	sor.u32 $0x70, s21  }
0x174: {  	[tilespmem:s2+$0x0] =	vst.add.f32.msk $0xffff, v43  }
0x175: {  	s2 =	sor.u32 $0x10, s17;
	[tilespmem:s17+$0x0] =	vst.add.f32.msk $0xffff, v49  }
0x176: {  	[tilespmem:s2+$0x0] =	vst.add.f32.msk $0xffff, v44;
	s2 =	sor.u32 $0x20, s17  }
0x177: {  	[tilespmem:s2+$0x0] =	vst.add.f32.msk $0xffff, v45;
	s2 =	sor.u32 $0x30, s17  }
0x178: {  	[tilespmem:s2+$0x0] =	vst.add.f32.msk $0xffff, v46;
	s2 =	sor.u32 $0x40, s17  }
0x179: {  	[tilespmem:s2+$0x0] =	vst.add.f32.msk $0xffff, v47;
	s2 =	sor.u32 $0x50, s17  }
0x17a: {  	[tilespmem:s2+$0x0] =	vst.add.f32.msk $0xffff, v42;
	s2 =	sor.u32 $0x60, s17  }
0x17b: {  	[tilespmem:s2+$0x0] =	vst.add.f32.msk $0xffff, v48;
	s2 =	sor.u32 $0x70, s17  }
0x17c: {  	[tilespmem:s2+$0x0] =	vst.add.f32.msk $0xffff, v50;
	s2 =	sadd.s32 s20, s19  }
0x17d: {  	[tilespmem:s2+$0x0] =	vst.add.f32.msk $0xffff, v3;
	s7 =	sor.u32 $0x10, s2  }
0x17e: {  	[tilespmem:s7+$0x0] =	vst.add.f32.msk $0xffff, v4;
	s7 =	sor.u32 $0x20, s2  }
0x17f: {  	[tilespmem:s7+$0x0] =	vst.add.f32.msk $0xffff, v5;
	s7 =	sor.u32 $0x30, s2  }
0x180: {  	[tilespmem:s7+$0x0] =	vst.add.f32.msk $0xffff, v6;
	s7 =	sor.u32 $0x40, s2  }
0x181: {  	[tilespmem:s7+$0x0] =	vst.add.f32.msk $0xffff, v7;
	s7 =	sor.u32 $0x50, s2  }
0x182: {  	[tilespmem:s7+$0x0] =	vst.add.f32.msk $0xffff, v8;
	s7 =	sor.u32 $0x60, s2  }
0x183: {  	[tilespmem:s7+$0x0] =	vst.add.f32.msk $0xffff, v9;
	s7 =	sor.u32 $0x70, s2  }
0x184: {  	[tilespmem:s7+$0x0] =	vst.add.f32.msk $0xffff, v10  }
0x185: {  	[tilespmem:s2+$0x420] =	vst.add.f32.msk $0xffff, v13  }
0x186: {  	[tilespmem:s2+$0x470] =	vst.add.f32.msk $0xffff, v18  }
0x187: {  	[tilespmem:s2+$0x450] =	vst.add.f32.msk $0xffff, v16  }
0x188: {  	[tilespmem:s2+$0x410] =	vst.add.f32.msk $0xffff, v12  }
0x189: {  	[tilespmem:s2+$0x440] =	vst.add.f32.msk $0xffff, v15  }
0x18a: {  	[tilespmem:s2+$0x460] =	vst.add.f32.msk $0xffff, v17  }
0x18b: {  	[tilespmem:s2+$0x400] =	vst.add.f32.msk $0xffff, v11  }
0x18c: {  	[tilespmem:s2+$0x430] =	vst.add.f32.msk $0xffff, v14;
	s2 =	sor.u32 $0x10, s18  }
0x18d: {  	s7 =	sor.u32 $0x20, s18;
	[tilespmem:s18+$0x0] =	vst.add.f32.msk $0xffff, v19  }
0x18e: {  	[tilespmem:s2+$0x0] =	vst.add.f32.msk $0xffff, v20;
	s2 =	sor.u32 $0x30, s18  }
0x18f: {  	[tilespmem:s7+$0x0] =	vst.add.f32.msk $0xffff, v21;
	s7 =	sor.u32 $0x40, s18  }
0x190: {  	[tilespmem:s2+$0x0] =	vst.add.f32.msk $0xffff, v22;
	s2 =	sor.u32 $0x50, s18  }
0x191: {  	[tilespmem:s7+$0x0] =	vst.add.f32.msk $0xffff, v23;
	s7 =	sor.u32 $0x60, s18  }
0x192: {  	[tilespmem:s2+$0x0] =	vst.add.f32.msk $0xffff, v24;
	s2 =	sor.u32 $0x70, s18  }
0x193: {  	[tilespmem:s7+$0x0] =	vst.add.f32.msk $0xffff, v25  }
0x194: {  	[tilespmem:s2+$0x0] =	vst.add.f32.msk $0xffff, v26;
	s2 =	sor.u32 $0x10, s16  }
0x195: {  	s7 =	sor.u32 $0x20, s16;
	[tilespmem:s16+$0x0] =	vst.add.f32.msk $0xffff, v27  }
0x196: {  	[tilespmem:s2+$0x0] =	vst.add.f32.msk $0xffff, v28;
	s2 =	sor.u32 $0x30, s16  }
0x197: {  	[tilespmem:s7+$0x0] =	vst.add.f32.msk $0xffff, v29;
	s7 =	sor.u32 $0x40, s16  }
0x198: {  	[tilespmem:s2+$0x0] =	vst.add.f32.msk $0xffff, v30;
	s2 =	sor.u32 $0x50, s16  }
0x199: {  	[tilespmem:s7+$0x0] =	vst.add.f32.msk $0xffff, v31;
	s7 =	sor.u32 $0x60, s16  }
0x19a: {  	[tilespmem:s2+$0x0] =	vst.add.f32.msk $0xffff, v32;
	s2 =	sor.u32 $0x70, s16  }
0x19b: {  	[tilespmem:s7+$0x0] =	vst.add.f32.msk $0xffff, v33  }
0x19c: {  	[tilespmem:s2+$0x0] =	vst.add.f32.msk $0xffff, v34;
	s2 =	sor.u32 $0x10, s15  }
0x19d: {  	s7 =	sor.u32 $0x20, s15;
	[tilespmem:s15+$0x0] =	vst.add.f32.msk $0xffff, v35  }
0x19e: {  	[tilespmem:s2+$0x0] =	vst.add.f32.msk $0xffff, v36;
	s2 =	sor.u32 $0x30, s15  }
0x19f: {  	[tilespmem:s7+$0x0] =	vst.add.f32.msk $0xffff, v37;
	s7 =	sor.u32 $0x40, s15  }
0x1a0: {  	[tilespmem:s2+$0x0] =	vst.add.f32.msk $0xffff, v38;
	s2 =	sor.u32 $0x50, s15  }
.Ltmp0:
0x1a1: {  	[tilespmem:s7+$0x0] =	vst.add.f32.msk $0xffff, v39;
	s7 =	sor.u32 $0x60, s15;
	(pc) =	sbr.rel @p0 .LBB2_3-.Ltmp0, $4  }
0x1a2: {  	[tilespmem:s2+$0x0] =	vst.add.f32.msk $0xffff, v40;
	s2 =	sor.u32 $0x70, s15  }
0x1a3: {  	[tilespmem:s7+$0x0] =	vst.add.f32.msk $0xffff, v41  }
0x1a4: {  	s7 =	sor.u32 $0x10, s12;
	[tilespmem:s2+$0x0] =	vst.add.f32.msk $0xffff, v43  }
0x1a5: {  	s2 =	sor.u32 $0x20, s12;
	[tilespmem:s12+$0x0] =	vst.add.f32.msk $0xffff, v49  }
0x1a6: {  	[tilespmem:s7+$0x0] =	vst.add.f32.msk $0xffff, v44  }
0x1a7: {  	s0 =	sshll.u32 s3, $0xC;
	[tilespmem:s2+$0x0] =	vst.add.f32.msk $0xffff, v45  }
0x1a8: {  	s22 =	sor.u32 $0x40, s12;
	s23 =	sor.u32 s6, s0;
	[tilespmem:s14+$0x0] =	vst.add.f32.msk $0xffff, v46  }
0x1a9: {  	s8 =	sor.u32 $0x50, s12;
	s25 =	sshrl.u32 s23, $0x3;
	[tilespmem:s22+$0x0] =	vst.add.f32.msk $0xffff, v47  }
0x1aa: {  	s26 =	sor.u32 $0x60, s12;
	s30 =	sor.u32 $0x70, s12;
	[tilespmem:s8+$0x0] =	vst.add.f32.msk $0xffff, v42;
	s8 =	smul.u32 $0x300, s25  }
0x1ab: {  	s13 =	simm.s32 $0x700;
	s31 =	sadd.s32 $0x1, s3;
	p0 =	seq.s32 s3, $0x4C;
	[tilespmem:s26+$0x0] =	vst.add.f32.msk $0xffff, v48  }
0x1ac: {  	s3 =	sshll.u32 @!p0 s31, $0xC;
	s14 =	simm.s32 $0x3;
	[tilespmem:s30+$0x0] =	vst.add.f32.msk $0xffff, v50;
	s12 =	sadd.s32 s24, s8  }
0x1ad: {  	[hbm4b:s12+s4] =	stream.linear.scatter [tilespmem:s13], [sflag:$0x5], $0x6000, $0x38;
	[tilespmem:$0x18700] =	vst v63  }
0x1ae: {  	s2 =	sor.u32 @!p0 s6, s3;
	_ =	swait.ge [sflag:s14], $0x6000  }
0x1af: {  	s2 =	sshrl.u32 @!p0 s2, $0x3;
	[sflag:s14] =	ssyncset.done $0x0  }
0x1b0: {  	s7 =	simm.s32 @!p0 $0x0;
	s2 =	sadd.s32 @!p0 s5, s2;
	[sflag:s14] =	ssyncadd.s32 $0xFFFFA000  }
0x1b1: {  	[tilespmem:s7], [sflag:$0x7] =	stream.linear.gather @!p0 [hbm4b:s2+s7], $0x40, $0x38;
	[tilespmem:$0x18700] =	vst v63  }
0x1b2: {  	s2 =	smul.u32 @!p0 $0x60, s31  }
0x1b3: {  	s15 =	simm.s32 $0x4;
	s13 =	rddreg [dreg:$0x4]  }
0x1b4: {  	s17 =	smul.u32 $0x6000, s15;
	s16 =	sadd.s32 @!p0 s13, s2;
	s2 =	simm.s32 @!p0 $0x100  }
0x1b5: {  	[tilespmem:s2], [sflag:$0x7] =	stream.linear.gather @!p0 [hbm4b:s16+s7], $0x300, $0x38;
	[tilespmem:$0x18700] =	vst v63  }
0x1b6: {  	s12 =	simm.s32 $0x1000;
	s7 =	sshra.s32 s17, $0x2  }
0x1b7: {  	s19 =	sand.u32 $0x300, s12;
	s13 =	sor.u32 $0x700, s7  }
0x1b8: {  	s18 =	sadd.s32 s19, s13  }
0x1b9: {  	[tilespmem:s18+$0x0] =	vst.add.f32.msk $0xffff, v3;
	s20 =	sor.u32 $0x10, s18  }
0x1ba: {  	s21 =	sor.u32 $0x20, s18;
	[tilespmem:s20+$0x0] =	vst.add.f32.msk $0xffff, v4  }
0x1bb: {  	s22 =	sor.u32 $0x30, s18;
	[tilespmem:s21+$0x0] =	vst.add.f32.msk $0xffff, v5  }
0x1bc: {  	s23 =	sor.u32 $0x40, s18;
	[tilespmem:s22+$0x0] =	vst.add.f32.msk $0xffff, v6  }
0x1bd: {  	s26 =	smov.u32 s24;
	s24 =	sor.u32 $0x50, s18;
	[tilespmem:s23+$0x0] =	vst.add.f32.msk $0xffff, v7  }
0x1be: {  	s25 =	sor.u32 $0x60, s18;
	[tilespmem:s24+$0x0] =	vst.add.f32.msk $0xffff, v8  }
0x1bf: {  	s30 =	sor.u32 $0x70, s18;
	[tilespmem:s25+$0x0] =	vst.add.f32.msk $0xffff, v9  }
0x1c0: {  	[tilespmem:s30+$0x0] =	vst.add.f32.msk $0xffff, v10  }
0x1c1: {  	[tilespmem:s18+$0x450] =	vst.add.f32.msk $0xffff, v16  }
0x1c2: {  	[tilespmem:s18+$0x470] =	vst.add.f32.msk $0xffff, v18  }
0x1c3: {  	[tilespmem:s18+$0x460] =	vst.add.f32.msk $0xffff, v17  }
0x1c4: {  	[tilespmem:s18+$0x440] =	vst.add.f32.msk $0xffff, v15  }
0x1c5: {  	[tilespmem:s18+$0x430] =	vst.add.f32.msk $0xffff, v14  }
0x1c6: {  	[tilespmem:s18+$0x410] =	vst.add.f32.msk $0xffff, v12  }
0x1c7: {  	s14 =	sadd.s32 $0xF00, s7;
	[tilespmem:s18+$0x400] =	vst.add.f32.msk $0xffff, v11  }
0x1c8: {  	s17 =	sadd.s32 s19, s14;
	[tilespmem:s18+$0x420] =	vst.add.f32.msk $0xffff, v13  }
0x1c9: {  	s15 =	sor.u32 $0x10, s17;
	[tilespmem:s17+$0x0] =	vst.add.f32.msk $0xffff, v19  }
0x1ca: {  	s18 =	sor.u32 $0x20, s17;
	[tilespmem:s15+$0x0] =	vst.add.f32.msk $0xffff, v20  }
0x1cb: {  	s20 =	sor.u32 $0x30, s17;
	[tilespmem:s18+$0x0] =	vst.add.f32.msk $0xffff, v21  }
0x1cc: {  	s21 =	sor.u32 $0x40, s17;
	[tilespmem:s20+$0x0] =	vst.add.f32.msk $0xffff, v22  }
0x1cd: {  	s22 =	sor.u32 $0x50, s17;
	[tilespmem:s21+$0x0] =	vst.add.f32.msk $0xffff, v23  }
0x1ce: {  	s23 =	sor.u32 $0x60, s17;
	[tilespmem:s22+$0x0] =	vst.add.f32.msk $0xffff, v24  }
0x1cf: {  	s24 =	sor.u32 $0x70, s17;
	s15 =	sadd.s32 $0x1300, s7;
	[tilespmem:s23+$0x0] =	vst.add.f32.msk $0xffff, v25  }
0x1d0: {  	s18 =	sadd.s32 s19, s15;
	[tilespmem:s24+$0x0] =	vst.add.f32.msk $0xffff, v26  }
0x1d1: {  	s25 =	sor.u32 $0x10, s18;
	[tilespmem:s18+$0x0] =	vst.add.f32.msk $0xffff, v27  }
0x1d2: {  	s30 =	sor.u32 $0x20, s18;
	[tilespmem:s25+$0x0] =	vst.add.f32.msk $0xffff, v28  }
0x1d3: {  	s17 =	sor.u32 $0x30, s18;
	[tilespmem:s30+$0x0] =	vst.add.f32.msk $0xffff, v29  }
0x1d4: {  	s20 =	sor.u32 $0x40, s18;
	[tilespmem:s17+$0x0] =	vst.add.f32.msk $0xffff, v30  }
0x1d5: {  	s21 =	sor.u32 $0x50, s18;
	[tilespmem:s20+$0x0] =	vst.add.f32.msk $0xffff, v31  }
0x1d6: {  	s22 =	sor.u32 $0x60, s18;
	[tilespmem:s21+$0x0] =	vst.add.f32.msk $0xffff, v32  }
0x1d7: {  	s23 =	sor.u32 $0x70, s18;
	s17 =	sadd.s32 $0x1700, s7;
	[tilespmem:s22+$0x0] =	vst.add.f32.msk $0xffff, v33  }
0x1d8: {  	s20 =	sadd.s32 s19, s17;
	[tilespmem:s23+$0x0] =	vst.add.f32.msk $0xffff, v34  }
0x1d9: {  	s24 =	sor.u32 $0x10, s20;
	[tilespmem:s20+$0x0] =	vst.add.f32.msk $0xffff, v35  }
0x1da: {  	s25 =	sor.u32 $0x20, s20;
	[tilespmem:s24+$0x0] =	vst.add.f32.msk $0xffff, v36  }
0x1db: {  	s30 =	sor.u32 $0x30, s20;
	[tilespmem:s25+$0x0] =	vst.add.f32.msk $0xffff, v37  }
0x1dc: {  	s18 =	sor.u32 $0x40, s20;
	[tilespmem:s30+$0x0] =	vst.add.f32.msk $0xffff, v38  }
0x1dd: {  	s21 =	sor.u32 $0x50, s20;
	[tilespmem:s18+$0x0] =	vst.add.f32.msk $0xffff, v39  }
0x1de: {  	s22 =	sor.u32 $0x60, s20;
	[tilespmem:s21+$0x0] =	vst.add.f32.msk $0xffff, v40  }
0x1df: {  	s23 =	sor.u32 $0x70, s20;
	s18 =	sadd.s32 $0x1B00, s7;
	[tilespmem:s22+$0x0] =	vst.add.f32.msk $0xffff, v41  }
0x1e0: {  	s24 =	sadd.s32 s19, s18;
	[tilespmem:s23+$0x0] =	vst.add.f32.msk $0xffff, v43  }
0x1e1: {  	s25 =	sor.u32 $0x10, s24;
	[tilespmem:s24+$0x0] =	vst.add.f32.msk $0xffff, v49  }
0x1e2: {  	s30 =	sor.u32 $0x20, s24;
	[tilespmem:s25+$0x0] =	vst.add.f32.msk $0xffff, v44  }
0x1e3: {  	s7 =	sor.u32 $0x30, s24;
	[tilespmem:s30+$0x0] =	vst.add.f32.msk $0xffff, v45  }
0x1e4: {  	s21 =	sor.u32 $0x40, s24;
	[tilespmem:s7+$0x0] =	vst.add.f32.msk $0xffff, v46  }
0x1e5: {  	s22 =	sor.u32 $0x50, s24;
	[tilespmem:s21+$0x0] =	vst.add.f32.msk $0xffff, v47  }
0x1e6: {  	s23 =	sor.u32 $0x60, s24;
	[tilespmem:s22+$0x0] =	vst.add.f32.msk $0xffff, v42  }
0x1e7: {  	s24 =	sor.u32 $0x70, s24;
	s7 =	sor.u32 $0x80, s19;
	[tilespmem:s23+$0x0] =	vst.add.f32.msk $0xffff, v48  }
0x1e8: {  	s25 =	sadd.s32 s7, s13;
	[tilespmem:s24+$0x0] =	vst.add.f32.msk $0xffff, v50  }
0x1e9: {  	s13 =	sor.u32 $0x10, s25;
	[tilespmem:s25+$0x0] =	vst.add.f32.msk $0xffff, v3  }
0x1ea: {  	s30 =	sor.u32 $0x20, s25;
	[tilespmem:s13+$0x0] =	vst.add.f32.msk $0xffff, v4  }
0x1eb: {  	s19 =	sor.u32 $0x30, s25;
	[tilespmem:s30+$0x0] =	vst.add.f32.msk $0xffff, v5  }
0x1ec: {  	s20 =	sor.u32 $0x40, s25;
	[tilespmem:s19+$0x0] =	vst.add.f32.msk $0xffff, v6  }
0x1ed: {  	s21 =	sor.u32 $0x50, s25;
	[tilespmem:s20+$0x0] =	vst.add.f32.msk $0xffff, v7  }
0x1ee: {  	s22 =	sor.u32 $0x60, s25;
	[tilespmem:s21+$0x0] =	vst.add.f32.msk $0xffff, v8  }
0x1ef: {  	s23 =	sor.u32 $0x70, s25;
	[tilespmem:s22+$0x0] =	vst.add.f32.msk $0xffff, v9  }
0x1f0: {  	[tilespmem:s23+$0x0] =	vst.add.f32.msk $0xffff, v10  }
0x1f1: {  	[tilespmem:s25+$0x420] =	vst.add.f32.msk $0xffff, v13  }
0x1f2: {  	[tilespmem:s25+$0x470] =	vst.add.f32.msk $0xffff, v18  }
0x1f3: {  	[tilespmem:s25+$0x450] =	vst.add.f32.msk $0xffff, v16  }
0x1f4: {  	[tilespmem:s25+$0x410] =	vst.add.f32.msk $0xffff, v12  }
0x1f5: {  	[tilespmem:s25+$0x440] =	vst.add.f32.msk $0xffff, v15  }
0x1f6: {  	[tilespmem:s25+$0x460] =	vst.add.f32.msk $0xffff, v17  }
0x1f7: {  	[tilespmem:s25+$0x400] =	vst.add.f32.msk $0xffff, v11  }
0x1f8: {  	s24 =	sadd.s32 s7, s14;
	[tilespmem:s25+$0x430] =	vst.add.f32.msk $0xffff, v14  }
0x1f9: {  	s25 =	sor.u32 $0x10, s24;
	[tilespmem:s24+$0x0] =	vst.add.f32.msk $0xffff, v19  }
0x1fa: {  	s30 =	sor.u32 $0x20, s24;
	[tilespmem:s25+$0x0] =	vst.add.f32.msk $0xffff, v20  }
0x1fb: {  	s14 =	sor.u32 $0x30, s24;
	[tilespmem:s30+$0x0] =	vst.add.f32.msk $0xffff, v21  }
0x1fc: {  	s19 =	sor.u32 $0x40, s24;
	[tilespmem:s14+$0x0] =	vst.add.f32.msk $0xffff, v22  }
0x1fd: {  	s20 =	sor.u32 $0x50, s24;
	[tilespmem:s19+$0x0] =	vst.add.f32.msk $0xffff, v23  }
0x1fe: {  	s21 =	sor.u32 $0x60, s24;
	[tilespmem:s20+$0x0] =	vst.add.f32.msk $0xffff, v24  }
0x1ff: {  	s22 =	sor.u32 $0x70, s24;
	[tilespmem:s21+$0x0] =	vst.add.f32.msk $0xffff, v25  }
0x200: {  	s23 =	sadd.s32 s7, s15;
	[tilespmem:s22+$0x0] =	vst.add.f32.msk $0xffff, v26  }
0x201: {  	s24 =	sor.u32 $0x10, s23;
	[tilespmem:s23+$0x0] =	vst.add.f32.msk $0xffff, v27  }
0x202: {  	s25 =	sor.u32 $0x20, s23;
	[tilespmem:s24+$0x0] =	vst.add.f32.msk $0xffff, v28  }
0x203: {  	s30 =	sor.u32 $0x30, s23;
	[tilespmem:s25+$0x0] =	vst.add.f32.msk $0xffff, v29  }
0x204: {  	s14 =	sor.u32 $0x40, s23;
	[tilespmem:s30+$0x0] =	vst.add.f32.msk $0xffff, v30  }
0x205: {  	s15 =	sor.u32 $0x50, s23;
	[tilespmem:s14+$0x0] =	vst.add.f32.msk $0xffff, v31  }
0x206: {  	s19 =	sor.u32 $0x60, s23;
	[tilespmem:s15+$0x0] =	vst.add.f32.msk $0xffff, v32  }
0x207: {  	s13 =	sor.u32 $0x70, s23;
	[tilespmem:s19+$0x0] =	vst.add.f32.msk $0xffff, v33  }
0x208: {  	s20 =	sadd.s32 s7, s17;
	[tilespmem:s13+$0x0] =	vst.add.f32.msk $0xffff, v34  }
0x209: {  	s21 =	sor.u32 $0x10, s20;
	[tilespmem:s20+$0x0] =	vst.add.f32.msk $0xffff, v35  }
0x20a: {  	s22 =	sor.u32 $0x20, s20;
	[tilespmem:s21+$0x0] =	vst.add.f32.msk $0xffff, v36  }
0x20b: {  	s23 =	sor.u32 $0x30, s20;
	[tilespmem:s22+$0x0] =	vst.add.f32.msk $0xffff, v37  }
0x20c: {  	s24 =	sor.u32 $0x40, s20;
	[tilespmem:s23+$0x0] =	vst.add.f32.msk $0xffff, v38  }
0x20d: {  	s25 =	sor.u32 $0x50, s20;
	[tilespmem:s24+$0x0] =	vst.add.f32.msk $0xffff, v39  }
0x20e: {  	s30 =	sor.u32 $0x60, s20;
	[tilespmem:s25+$0x0] =	vst.add.f32.msk $0xffff, v40  }
0x20f: {  	s2 =	sor.u32 $0x70, s20;
	[tilespmem:s30+$0x0] =	vst.add.f32.msk $0xffff, v41  }
0x210: {  	s14 =	simm.s32 $0x20;
	s15 =	sadd.s32 s7, s18;
	[tilespmem:s2+$0x0] =	vst.add.f32.msk $0xffff, v43  }
0x211: {  	s18 =	sor.u32 $0x30, s15;
	s7 =	sor.u32 $0x10, s15;
	s2 =	sor.u32 $0x20, s15;
	[tilespmem:s15+$0x0] =	vst.add.f32.msk $0xffff, v49  }
.LBB2_5:
0x212: {  	s14 =	sadd.s32 $0x2, s14;
	[tilespmem:s7+$0x0] =	vst.add.f32.msk $0xffff, v44;
	s12 =	sadd.s32 $0x100, s12  }
0x213: {  	s7 =	sshrl.u32 s14, $0x3;
	p1 =	slt.u32 s14, $0x3E;
	[tilespmem:s2+$0x0] =	vst.add.f32.msk $0xffff, v45;
	s2 =	sor.u32 $0x40, s15  }
0x214: {  	s13 =	sor.u32 $0x50, s15;
	s7 =	smul.u32 $0x6000, s7;
	[tilespmem:s18+$0x0] =	vst.add.f32.msk $0xffff, v46  }
0x215: {  	[tilespmem:s2+$0x0] =	vst.add.f32.msk $0xffff, v47;
	s2 =	sor.u32 $0x60, s15  }
0x216: {  	s17 =	sshra.s32 s7, $0x2;
	[tilespmem:s13+$0x0] =	vst.add.f32.msk $0xffff, v42;
	s7 =	sor.u32 $0x70, s15  }
0x217: {  	s15 =	sand.u32 $0x300, s12;
	s22 =	sor.u32 $0x700, s17;
	s18 =	sadd.s32 $0xF00, s17;
	[tilespmem:s2+$0x0] =	vst.add.f32.msk $0xffff, v48  }
0x218: {  	s19 =	sadd.s32 $0x1300, s17;
	s23 =	sadd.s32 s15, s22;
	s2 =	sadd.s32 s15, s18;
	[tilespmem:s7+$0x0] =	vst.add.f32.msk $0xffff, v50  }
0x219: {  	s24 =	sadd.s32 $0x1700, s17;
	s7 =	sadd.s32 s15, s19;
	[tilespmem:s23+$0x0] =	vst.add.f32.msk $0xffff, v3;
	s13 =	sor.u32 $0x10, s23  }
0x21a: {  	s25 =	sadd.s32 $0x1B00, s17;
	s20 =	sor.u32 $0x20, s23;
	[tilespmem:s13+$0x0] =	vst.add.f32.msk $0xffff, v4;
	s13 =	sadd.s32 s15, s24  }
0x21b: {  	s17 =	sor.u32 $0x80, s15;
	s30 =	sadd.s32 s15, s25;
	[tilespmem:s20+$0x0] =	vst.add.f32.msk $0xffff, v5;
	s20 =	sor.u32 $0x30, s23  }
0x21c: {  	s21 =	sadd.s32 s17, s18;
	s15 =	sor.u32 $0x40, s23;
	[tilespmem:s20+$0x0] =	vst.add.f32.msk $0xffff, v6;
	s20 =	sadd.s32 s17, s19  }
0x21d: {  	s18 =	sor.u32 $0x50, s23;
	s19 =	sadd.s32 s17, s24;
	[tilespmem:s15+$0x0] =	vst.add.f32.msk $0xffff, v7;
	s15 =	sadd.s32 s17, s25  }
0x21e: {  	s24 =	sor.u32 $0x60, s23;
	[tilespmem:s18+$0x0] =	vst.add.f32.msk $0xffff, v8;
	s18 =	sor.u32 $0x30, s15  }
0x21f: {  	[tilespmem:s24+$0x0] =	vst.add.f32.msk $0xffff, v9;
	s24 =	sor.u32 $0x70, s23  }
0x220: {  	[tilespmem:s24+$0x0] =	vst.add.f32.msk $0xffff, v10  }
0x221: {  	[tilespmem:s23+$0x450] =	vst.add.f32.msk $0xffff, v16  }
0x222: {  	[tilespmem:s23+$0x470] =	vst.add.f32.msk $0xffff, v18  }
0x223: {  	[tilespmem:s23+$0x460] =	vst.add.f32.msk $0xffff, v17  }
0x224: {  	[tilespmem:s23+$0x440] =	vst.add.f32.msk $0xffff, v15  }
0x225: {  	[tilespmem:s23+$0x430] =	vst.add.f32.msk $0xffff, v14  }
0x226: {  	[tilespmem:s23+$0x410] =	vst.add.f32.msk $0xffff, v12  }
0x227: {  	[tilespmem:s23+$0x400] =	vst.add.f32.msk $0xffff, v11  }
0x228: {  	[tilespmem:s23+$0x420] =	vst.add.f32.msk $0xffff, v13  }
0x229: {  	s23 =	sor.u32 $0x10, s2;
	[tilespmem:s2+$0x0] =	vst.add.f32.msk $0xffff, v19  }
0x22a: {  	[tilespmem:s23+$0x0] =	vst.add.f32.msk $0xffff, v20;
	s23 =	sor.u32 $0x20, s2  }
0x22b: {  	[tilespmem:s23+$0x0] =	vst.add.f32.msk $0xffff, v21;
	s23 =	sor.u32 $0x30, s2  }
0x22c: {  	[tilespmem:s23+$0x0] =	vst.add.f32.msk $0xffff, v22;
	s23 =	sor.u32 $0x40, s2  }
0x22d: {  	[tilespmem:s23+$0x0] =	vst.add.f32.msk $0xffff, v23;
	s23 =	sor.u32 $0x50, s2  }
0x22e: {  	[tilespmem:s23+$0x0] =	vst.add.f32.msk $0xffff, v24;
	s23 =	sor.u32 $0x60, s2  }
0x22f: {  	s2 =	sor.u32 $0x70, s2;
	[tilespmem:s23+$0x0] =	vst.add.f32.msk $0xffff, v25  }
0x230: {  	[tilespmem:s2+$0x0] =	vst.add.f32.msk $0xffff, v26  }
0x231: {  	s2 =	sor.u32 $0x10, s7;
	[tilespmem:s7+$0x0] =	vst.add.f32.msk $0xffff, v27  }
0x232: {  	[tilespmem:s2+$0x0] =	vst.add.f32.msk $0xffff, v28;
	s2 =	sor.u32 $0x20, s7  }
0x233: {  	[tilespmem:s2+$0x0] =	vst.add.f32.msk $0xffff, v29;
	s2 =	sor.u32 $0x30, s7  }
0x234: {  	[tilespmem:s2+$0x0] =	vst.add.f32.msk $0xffff, v30;
	s2 =	sor.u32 $0x40, s7  }
0x235: {  	[tilespmem:s2+$0x0] =	vst.add.f32.msk $0xffff, v31;
	s2 =	sor.u32 $0x50, s7  }
0x236: {  	[tilespmem:s2+$0x0] =	vst.add.f32.msk $0xffff, v32;
	s2 =	sor.u32 $0x60, s7  }
0x237: {  	[tilespmem:s2+$0x0] =	vst.add.f32.msk $0xffff, v33;
	s2 =	sor.u32 $0x70, s7  }
0x238: {  	[tilespmem:s2+$0x0] =	vst.add.f32.msk $0xffff, v34  }
0x239: {  	s2 =	sor.u32 $0x10, s13;
	[tilespmem:s13+$0x0] =	vst.add.f32.msk $0xffff, v35  }
0x23a: {  	[tilespmem:s2+$0x0] =	vst.add.f32.msk $0xffff, v36;
	s2 =	sor.u32 $0x20, s13  }
0x23b: {  	[tilespmem:s2+$0x0] =	vst.add.f32.msk $0xffff, v37;
	s2 =	sor.u32 $0x30, s13  }
0x23c: {  	[tilespmem:s2+$0x0] =	vst.add.f32.msk $0xffff, v38;
	s2 =	sor.u32 $0x40, s13  }
0x23d: {  	[tilespmem:s2+$0x0] =	vst.add.f32.msk $0xffff, v39;
	s2 =	sor.u32 $0x50, s13  }
0x23e: {  	[tilespmem:s2+$0x0] =	vst.add.f32.msk $0xffff, v40;
	s2 =	sor.u32 $0x60, s13  }
0x23f: {  	[tilespmem:s2+$0x0] =	vst.add.f32.msk $0xffff, v41;
	s2 =	sor.u32 $0x70, s13  }
0x240: {  	[tilespmem:s2+$0x0] =	vst.add.f32.msk $0xffff, v43  }
0x241: {  	s2 =	sor.u32 $0x10, s30;
	[tilespmem:s30+$0x0] =	vst.add.f32.msk $0xffff, v49  }
0x242: {  	[tilespmem:s2+$0x0] =	vst.add.f32.msk $0xffff, v44;
	s2 =	sor.u32 $0x20, s30  }
0x243: {  	[tilespmem:s2+$0x0] =	vst.add.f32.msk $0xffff, v45;
	s2 =	sor.u32 $0x30, s30  }
0x244: {  	[tilespmem:s2+$0x0] =	vst.add.f32.msk $0xffff, v46;
	s2 =	sor.u32 $0x40, s30  }
0x245: {  	[tilespmem:s2+$0x0] =	vst.add.f32.msk $0xffff, v47;
	s2 =	sor.u32 $0x50, s30  }
0x246: {  	[tilespmem:s2+$0x0] =	vst.add.f32.msk $0xffff, v42;
	s2 =	sor.u32 $0x60, s30  }
0x247: {  	[tilespmem:s2+$0x0] =	vst.add.f32.msk $0xffff, v48;
	s2 =	sor.u32 $0x70, s30  }
0x248: {  	[tilespmem:s2+$0x0] =	vst.add.f32.msk $0xffff, v50;
	s2 =	sadd.s32 s17, s22  }
0x249: {  	[tilespmem:s2+$0x0] =	vst.add.f32.msk $0xffff, v3;
	s7 =	sor.u32 $0x10, s2  }
0x24a: {  	[tilespmem:s7+$0x0] =	vst.add.f32.msk $0xffff, v4;
	s7 =	sor.u32 $0x20, s2  }
0x24b: {  	[tilespmem:s7+$0x0] =	vst.add.f32.msk $0xffff, v5;
	s7 =	sor.u32 $0x30, s2  }
0x24c: {  	[tilespmem:s7+$0x0] =	vst.add.f32.msk $0xffff, v6;
	s7 =	sor.u32 $0x40, s2  }
0x24d: {  	[tilespmem:s7+$0x0] =	vst.add.f32.msk $0xffff, v7;
	s7 =	sor.u32 $0x50, s2  }
0x24e: {  	[tilespmem:s7+$0x0] =	vst.add.f32.msk $0xffff, v8;
	s7 =	sor.u32 $0x60, s2  }
0x24f: {  	[tilespmem:s7+$0x0] =	vst.add.f32.msk $0xffff, v9;
	s7 =	sor.u32 $0x70, s2  }
0x250: {  	[tilespmem:s7+$0x0] =	vst.add.f32.msk $0xffff, v10  }
0x251: {  	[tilespmem:s2+$0x420] =	vst.add.f32.msk $0xffff, v13  }
0x252: {  	[tilespmem:s2+$0x470] =	vst.add.f32.msk $0xffff, v18  }
0x253: {  	[tilespmem:s2+$0x450] =	vst.add.f32.msk $0xffff, v16  }
0x254: {  	[tilespmem:s2+$0x410] =	vst.add.f32.msk $0xffff, v12  }
0x255: {  	[tilespmem:s2+$0x440] =	vst.add.f32.msk $0xffff, v15  }
0x256: {  	[tilespmem:s2+$0x460] =	vst.add.f32.msk $0xffff, v17  }
0x257: {  	[tilespmem:s2+$0x400] =	vst.add.f32.msk $0xffff, v11  }
0x258: {  	[tilespmem:s2+$0x430] =	vst.add.f32.msk $0xffff, v14;
	s2 =	sor.u32 $0x10, s21  }
0x259: {  	s7 =	sor.u32 $0x20, s21;
	[tilespmem:s21+$0x0] =	vst.add.f32.msk $0xffff, v19  }
0x25a: {  	[tilespmem:s2+$0x0] =	vst.add.f32.msk $0xffff, v20;
	s2 =	sor.u32 $0x30, s21  }
0x25b: {  	[tilespmem:s7+$0x0] =	vst.add.f32.msk $0xffff, v21;
	s7 =	sor.u32 $0x40, s21  }
0x25c: {  	[tilespmem:s2+$0x0] =	vst.add.f32.msk $0xffff, v22;
	s2 =	sor.u32 $0x50, s21  }
0x25d: {  	[tilespmem:s7+$0x0] =	vst.add.f32.msk $0xffff, v23;
	s7 =	sor.u32 $0x60, s21  }
0x25e: {  	[tilespmem:s2+$0x0] =	vst.add.f32.msk $0xffff, v24;
	s2 =	sor.u32 $0x70, s21  }
0x25f: {  	[tilespmem:s7+$0x0] =	vst.add.f32.msk $0xffff, v25  }
0x260: {  	[tilespmem:s2+$0x0] =	vst.add.f32.msk $0xffff, v26;
	s2 =	sor.u32 $0x10, s20  }
0x261: {  	s7 =	sor.u32 $0x20, s20;
	[tilespmem:s20+$0x0] =	vst.add.f32.msk $0xffff, v27  }
0x262: {  	[tilespmem:s2+$0x0] =	vst.add.f32.msk $0xffff, v28;
	s2 =	sor.u32 $0x30, s20  }
0x263: {  	[tilespmem:s7+$0x0] =	vst.add.f32.msk $0xffff, v29;
	s7 =	sor.u32 $0x40, s20  }
0x264: {  	[tilespmem:s2+$0x0] =	vst.add.f32.msk $0xffff, v30;
	s2 =	sor.u32 $0x50, s20  }
0x265: {  	[tilespmem:s7+$0x0] =	vst.add.f32.msk $0xffff, v31;
	s7 =	sor.u32 $0x60, s20  }
0x266: {  	[tilespmem:s2+$0x0] =	vst.add.f32.msk $0xffff, v32;
	s2 =	sor.u32 $0x70, s20  }
0x267: {  	[tilespmem:s7+$0x0] =	vst.add.f32.msk $0xffff, v33  }
0x268: {  	[tilespmem:s2+$0x0] =	vst.add.f32.msk $0xffff, v34;
	s2 =	sor.u32 $0x10, s19  }
0x269: {  	s7 =	sor.u32 $0x20, s19;
	[tilespmem:s19+$0x0] =	vst.add.f32.msk $0xffff, v35  }
0x26a: {  	[tilespmem:s2+$0x0] =	vst.add.f32.msk $0xffff, v36;
	s2 =	sor.u32 $0x30, s19  }
0x26b: {  	[tilespmem:s7+$0x0] =	vst.add.f32.msk $0xffff, v37;
	s7 =	sor.u32 $0x40, s19  }
0x26c: {  	[tilespmem:s2+$0x0] =	vst.add.f32.msk $0xffff, v38;
	s2 =	sor.u32 $0x50, s19  }
.Ltmp1:
0x26d: {  	[tilespmem:s7+$0x0] =	vst.add.f32.msk $0xffff, v39;
	s7 =	sor.u32 $0x60, s19;
	(pc) =	sbr.rel @p1 .LBB2_5-.Ltmp1, $4  }
0x26e: {  	[tilespmem:s2+$0x0] =	vst.add.f32.msk $0xffff, v40;
	s2 =	sor.u32 $0x70, s19  }
0x26f: {  	[tilespmem:s7+$0x0] =	vst.add.f32.msk $0xffff, v41  }
0x270: {  	s7 =	sor.u32 $0x10, s15;
	[tilespmem:s2+$0x0] =	vst.add.f32.msk $0xffff, v43  }
0x271: {  	s2 =	sor.u32 $0x20, s15;
	[tilespmem:s15+$0x0] =	vst.add.f32.msk $0xffff, v49  }
0x272: {  	[tilespmem:s7+$0x0] =	vst.add.f32.msk $0xffff, v44  }
0x273: {  	[tilespmem:s2+$0x0] =	vst.add.f32.msk $0xffff, v45  }
0x274: {  	s21 =	sor.u32 $0x40, s15;
	[tilespmem:s18+$0x0] =	vst.add.f32.msk $0xffff, v46  }
.Ltmp2:
0x275: {  	s22 =	sor.u32 $0x50, s15;
	[tilespmem:s21+$0x0] =	vst.add.f32.msk $0xffff, v47;
	(pc) =	sbr.rel @p0 .LBB2_8-.Ltmp2, $4  }
0x276: {  	s23 =	sor.u32 $0x60, s15;
	[tilespmem:s22+$0x0] =	vst.add.f32.msk $0xffff, v42  }
0x277: {  	s24 =	sor.u32 $0x70, s15;
	s25 =	rddreg [dreg:$0x7];
	[tilespmem:s23+$0x0] =	vst.add.f32.msk $0xffff, v48  }
0x278: {  	s30 =	simm.s32 $0x6700;
	s2 =	sadd.s32 s8, s25;
	[tilespmem:s24+$0x0] =	vst.add.f32.msk $0xffff, v50  }
0x279: {  	[hbm4b:s2+s4] =	stream.linear.scatter [tilespmem:s30], [sflag:$0x5], $0x6000, $0x38;
	[tilespmem:$0x18700] =	vst v63  }
0x27a: {  	_ =	swait.ge [sflag:s29], $0x40  }
0x27b: {  	[sflag:s29] =	ssyncset.done $0x0  }
0x27c: {  	[sflag:s29] =	ssyncadd.s32 $0xFFFFFFC0  }
0x27d: {  	_ =	swait.ge [sflag:s29], $0x300  }
0x27e: {  	[sflag:s29] =	ssyncset.done $0x0  }
0x27f: {  	[sflag:s29] =	ssyncadd.s32 $0xFFFFFD00  }
0x280: {  	_ =	swait.ge [sflag:s28], $0x6000  }
0x281: {  	[sflag:s28] =	ssyncset.done $0x0  }
0x282: {  	[sflag:s28] =	ssyncadd.s32 $0xFFFFA000  }
0x283: {  	_ =	swait.ge [sflag:s28], $0x6000  }
0x284: {  	[sflag:s28] =	ssyncset.done $0x0  }
0x285: {  	[sflag:s28] =	ssyncadd.s32 $0xFFFFA000  }
0x286: {  	v3 =	vld [tilespmem:$0x0];
	_ =	sdelay $0x4  }
0x287: {  	v4 =	vshrl.u32 v3, $0x3  }
0x288: {  	v4 =	vmul.u32 $0x30, v4  }
0x289: {  	v3 =	vand.u32 $0x7, v3  }
0x28a: {  	v3 =	vor.u32 v3, v4  }
0x28b: {  	v4 =	vperm.xlane v3, v0;
	_ =	sdelay $0x1  }
0x28c: {  	v4 =	vadd.s32 v1, v4;
	_ =	sdelay $0x3  }
0x28d: {  	s2 =	simm.s32 $0x700;
	v3 =	vperm.xlane v3, v2  }
0x28e: {  	[tilespmem:s2], [sflag:$0x1] =	stream.indirect_vreg.gather [hbm4b:s1+s4], $0x80, v4, vm0, $0xb8;
	[tilespmem:$0x18700] =	vst v63  }
0x28f: {  	s20 =	simm.s32 $0xF00;
	v3 =	vadd.s32 v1, v3  }
0x290: {  	[tilespmem:s20], [sflag:$0x1] =	stream.indirect_vreg.gather [hbm4b:s10+s4], $0x80, v4, vm0, $0xb8;
	[tilespmem:$0x18700] =	vst v63  }
0x291: {  	s21 =	simm.s32 $0x1700  }
0x292: {  	[tilespmem:s21], [sflag:$0x1] =	stream.indirect_vreg.gather [hbm4b:s11+s4], $0x80, v4, vm0, $0xb8;
	[tilespmem:$0x18700] =	vst v63  }
0x293: {  	s22 =	simm.s32 $0x1F00  }
0x294: {  	[tilespmem:s22], [sflag:$0x1] =	stream.indirect_vreg.gather [hbm4b:s1+s4], $0x80, v3, vm0, $0xb8;
	[tilespmem:$0x18700] =	vst v63  }
0x295: {  	s23 =	simm.s32 $0x2700  }
0x296: {  	[tilespmem:s23], [sflag:$0x1] =	stream.indirect_vreg.gather [hbm4b:s10+s4], $0x80, v3, vm0, $0xb8;
	[tilespmem:$0x18700] =	vst v63  }
0x297: {  	s24 =	simm.s32 $0x2F00  }
0x298: {  	[tilespmem:s24], [sflag:$0x1] =	stream.indirect_vreg.gather [hbm4b:s11+s4], $0x80, v3, vm0, $0xb8;
	[tilespmem:$0x18700] =	vst v63  }
0x299: {  	v3 =	vld [tilespmem:$0x10];
	_ =	sdelay $0x4  }
0x29a: {  	v61 =	vshrl.u32 v3, $0x3  }
0x29b: {  	v4 =	vmul.u32 $0x30, v61  }
0x29c: {  	v3 =	vand.u32 $0x7, v3  }
0x29d: {  	v3 =	vor.u32 v3, v4  }
0x29e: {  	v4 =	vperm.xlane v3, v0;
	_ =	sdelay $0x1  }
0x29f: {  	v4 =	vadd.s32 v1, v4;
	_ =	sdelay $0x3  }
0x2a0: {  	s25 =	simm.s32 $0x3700;
	v3 =	vperm.xlane v3, v2  }
0x2a1: {  	[tilespmem:s25], [sflag:$0x1] =	stream.indirect_vreg.gather [hbm4b:s1+s4], $0x80, v4, vm0, $0xb8;
	[tilespmem:$0x18700] =	vst v63  }
0x2a2: {  	s30 =	simm.s32 $0x3F00;
	v3 =	vadd.s32 v1, v3  }
0x2a3: {  	[tilespmem:s30], [sflag:$0x1] =	stream.indirect_vreg.gather [hbm4b:s10+s4], $0x80, v4, vm0, $0xb8;
	[tilespmem:$0x18700] =	vst v63  }
0x2a4: {  	s7 =	simm.s32 $0x4700  }
0x2a5: {  	[tilespmem:s7], [sflag:$0x1] =	stream.indirect_vreg.gather [hbm4b:s11+s4], $0x80, v4, vm0, $0xb8;
	[tilespmem:$0x18700] =	vst v63  }
0x2a6: {  	s8 =	simm.s32 $0x4F00  }
0x2a7: {  	[tilespmem:s8], [sflag:$0x1] =	stream.indirect_vreg.gather [hbm4b:s1+s4], $0x80, v3, vm0, $0xb8;
	[tilespmem:$0x18700] =	vst v63  }
0x2a8: {  	s12 =	simm.s32 $0x5700  }
0x2a9: {  	[tilespmem:s12], [sflag:$0x1] =	stream.indirect_vreg.gather [hbm4b:s10+s4], $0x80, v3, vm0, $0xb8;
	[tilespmem:$0x18700] =	vst v63  }
0x2aa: {  	s13 =	simm.s32 $0x5F00  }
0x2ab: {  	[tilespmem:s13], [sflag:$0x1] =	stream.indirect_vreg.gather [hbm4b:s11+s4], $0x80, v3, vm0, $0xb8;
	[tilespmem:$0x18700] =	vst v63  }
0x2ac: {  	v3 =	vld [tilespmem:$0x20];
	_ =	sdelay $0x4  }
0x2ad: {  	v62 =	vshrl.u32 v3, $0x3  }
0x2ae: {  	v4 =	vmul.u32 $0x30, v62  }
0x2af: {  	v3 =	vand.u32 $0x7, v3  }
0x2b0: {  	v3 =	vor.u32 v3, v4  }
0x2b1: {  	v4 =	vperm.xlane v3, v0;
	_ =	sdelay $0x1  }
0x2b2: {  	v4 =	vadd.s32 v1, v4;
	_ =	sdelay $0x3  }
0x2b3: {  	s14 =	simm.s32 $0x6700;
	v3 =	vperm.xlane v3, v2  }
0x2b4: {  	[tilespmem:s14], [sflag:$0x3] =	stream.indirect_vreg.gather [hbm4b:s1+s4], $0x80, v4, vm0, $0xb8;
	[tilespmem:$0x18700] =	vst v63  }
0x2b5: {  	s15 =	simm.s32 $0x6F00;
	v3 =	vadd.s32 v1, v3  }
0x2b6: {  	[tilespmem:s15], [sflag:$0x3] =	stream.indirect_vreg.gather [hbm4b:s10+s4], $0x80, v4, vm0, $0xb8;
	[tilespmem:$0x18700] =	vst v63  }
0x2b7: {  	s17 =	simm.s32 $0x7700  }
0x2b8: {  	[tilespmem:s17], [sflag:$0x3] =	stream.indirect_vreg.gather [hbm4b:s11+s4], $0x80, v4, vm0, $0xb8;
	[tilespmem:$0x18700] =	vst v63  }
0x2b9: {  	s18 =	simm.s32 $0x7F00  }
0x2ba: {  	[tilespmem:s18], [sflag:$0x3] =	stream.indirect_vreg.gather [hbm4b:s1+s4], $0x80, v3, vm0, $0xb8;
	[tilespmem:$0x18700] =	vst v63  }
0x2bb: {  	s19 =	simm.s32 $0x8700  }
0x2bc: {  	[tilespmem:s19], [sflag:$0x3] =	stream.indirect_vreg.gather [hbm4b:s10+s4], $0x80, v3, vm0, $0xb8;
	[tilespmem:$0x18700] =	vst v63  }
0x2bd: {  	s20 =	simm.s32 $0x8F00  }
0x2be: {  	[tilespmem:s20], [sflag:$0x3] =	stream.indirect_vreg.gather [hbm4b:s11+s4], $0x80, v3, vm0, $0xb8;
	[tilespmem:$0x18700] =	vst v63  }
0x2bf: {  	v3 =	vld [tilespmem:$0x30];
	_ =	sdelay $0x4  }
0x2c0: {  	v63 =	vshrl.u32 v3, $0x3  }
0x2c1: {  	v4 =	vmul.u32 $0x30, v63  }
0x2c2: {  	v3 =	vand.u32 $0x7, v3  }
0x2c3: {  	v3 =	vor.u32 v3, v4  }
0x2c4: {  	v4 =	vperm.xlane v3, v0;
	_ =	sdelay $0x1  }
0x2c5: {  	v4 =	vadd.s32 v1, v4;
	_ =	sdelay $0x3  }
0x2c6: {  	s21 =	simm.s32 $0x9700;
	v3 =	vperm.xlane v3, v2  }
0x2c7: {  	[tilespmem:s21], [sflag:$0x3] =	stream.indirect_vreg.gather [hbm4b:s1+s4], $0x80, v4, vm0, $0xb8;
	[tilespmem:$0x18700] =	vst v63  }
0x2c8: {  	s22 =	simm.s32 $0x9F00;
	v3 =	vadd.s32 v1, v3  }
0x2c9: {  	[tilespmem:s22], [sflag:$0x3] =	stream.indirect_vreg.gather [hbm4b:s10+s4], $0x80, v4, vm0, $0xb8;
	[tilespmem:$0x18700] =	vst v63  }
0x2ca: {  	s23 =	simm.s32 $0xA700  }
0x2cb: {  	[tilespmem:s23], [sflag:$0x3] =	stream.indirect_vreg.gather [hbm4b:s11+s4], $0x80, v4, vm0, $0xb8;
	[tilespmem:$0x18700] =	vst v63  }
0x2cc: {  	s24 =	simm.s32 $0xAF00  }
0x2cd: {  	[tilespmem:s24], [sflag:$0x3] =	stream.indirect_vreg.gather [hbm4b:s1+s4], $0x80, v3, vm0, $0xb8;
	[tilespmem:$0x18700] =	vst v63  }
0x2ce: {  	s25 =	simm.s32 $0xB700  }
0x2cf: {  	[tilespmem:s25], [sflag:$0x3] =	stream.indirect_vreg.gather [hbm4b:s10+s4], $0x80, v3, vm0, $0xb8;
	[tilespmem:$0x18700] =	vst v63  }
0x2d0: {  	s30 =	simm.s32 $0xBF00  }
0x2d1: {  	[tilespmem:s30], [sflag:$0x3] =	stream.indirect_vreg.gather [hbm4b:s11+s4], $0x80, v3, vm0, $0xb8;
	[tilespmem:$0x18700] =	vst v63  }
.LBB2_8:
0x2d2: {  	s2 =	simm.s32 $0x2  }
0x2d3: {  	_ =	swait.ge [sflag:s2], $0x6000  }
0x2d4: {  	[sflag:s2] =	ssyncset.done $0x0  }
0x2d5: {  	[sflag:s2] =	ssyncadd.s32 $0xFFFFA000  }
0x2d6: {  	v3 =	vld [tilespmem:$0x400]  }
0x2d7: {  	v4 =	vld [tilespmem:$0x410]  }
0x2d8: {  	v5 =	vld [tilespmem:$0x420]  }
0x2d9: {  	v6 =	vld [tilespmem:$0x430]  }
0x2da: {  	v7 =	vld [tilespmem:$0x440]  }
0x2db: {  	v8 =	vld [tilespmem:$0x450]  }
0x2dc: {  	v9 =	vld [tilespmem:$0x460]  }
0x2dd: {  	v10 =	vld [tilespmem:$0x470]  }
0x2de: {  	v11 =	vld [tilespmem:$0x480]  }
0x2df: {  	v12 =	vld [tilespmem:$0x490]  }
0x2e0: {  	v13 =	vld [tilespmem:$0x4A0]  }
0x2e1: {  	v14 =	vld [tilespmem:$0x4B0]  }
0x2e2: {  	v15 =	vld [tilespmem:$0x4C0]  }
0x2e3: {  	v16 =	vld [tilespmem:$0x4D0]  }
0x2e4: {  	v17 =	vld [tilespmem:$0x4E0]  }
0x2e5: {  	v18 =	vld [tilespmem:$0x4F0]  }
0x2e6: {  	v19 =	vld [tilespmem:$0x500]  }
0x2e7: {  	v20 =	vld [tilespmem:$0x510]  }
0x2e8: {  	v21 =	vld [tilespmem:$0x520]  }
0x2e9: {  	v22 =	vld [tilespmem:$0x530]  }
0x2ea: {  	v23 =	vld [tilespmem:$0x540]  }
0x2eb: {  	v24 =	vld [tilespmem:$0x550]  }
0x2ec: {  	v25 =	vld [tilespmem:$0x560]  }
0x2ed: {  	v26 =	vld [tilespmem:$0x570]  }
0x2ee: {  	v27 =	vld [tilespmem:$0x580]  }
0x2ef: {  	v28 =	vld [tilespmem:$0x590]  }
0x2f0: {  	v29 =	vld [tilespmem:$0x5A0]  }
0x2f1: {  	v30 =	vld [tilespmem:$0x5B0]  }
0x2f2: {  	v31 =	vld [tilespmem:$0x5C0]  }
0x2f3: {  	v32 =	vld [tilespmem:$0x5D0]  }
0x2f4: {  	v33 =	vld [tilespmem:$0x5E0]  }
0x2f5: {  	v34 =	vld [tilespmem:$0x5F0]  }
0x2f6: {  	v35 =	vld [tilespmem:$0x600]  }
0x2f7: {  	v36 =	vld [tilespmem:$0x610]  }
0x2f8: {  	v37 =	vld [tilespmem:$0x620]  }
0x2f9: {  	v38 =	vld [tilespmem:$0x630]  }
0x2fa: {  	v39 =	vld [tilespmem:$0x640]  }
0x2fb: {  	v40 =	vld [tilespmem:$0x650]  }
0x2fc: {  	v43 =	vld [tilespmem:$0x660]  }
0x2fd: {  	v46 =	vld [tilespmem:$0x670]  }
0x2fe: {  	v50 =	vld [tilespmem:$0x680]  }
0x2ff: {  	v47 =	vld [tilespmem:$0x690]  }
0x300: {  	s24 =	simm.s32 $0x0;
	v48 =	vld [tilespmem:$0x6A0]  }
0x301: {  	s2 =	smul.u32 $0x6000, s24;
	v49 =	vld [tilespmem:$0x6B0]  }
0x302: {  	v44 =	vld [tilespmem:$0x6C0]  }
0x303: {  	s8 =	simm.s32 $0x0;
	v41 =	vld [tilespmem:$0x6D0];
	s7 =	sshra.s32 s2, $0x2  }
0x304: {  	s18 =	sand.u32 $0x300, s8;
	v42 =	vld [tilespmem:$0x6E0];
	s12 =	sadd.s32 $0xC700, s7  }
0x305: {  	v45 =	vld [tilespmem:$0x6F0];
	s25 =	sadd.s32 s18, s12  }
0x306: {  	s13 =	sor.u32 $0x10, s25;
	[tilespmem:s25+$0x0] =	vst.add.f32.msk $0xffff, v3  }
0x307: {  	s30 =	sor.u32 $0x20, s25;
	[tilespmem:s13+$0x0] =	vst.add.f32.msk $0xffff, v4  }
0x308: {  	s14 =	sor.u32 $0x30, s25;
	[tilespmem:s30+$0x0] =	vst.add.f32.msk $0xffff, v5  }
0x309: {  	s15 =	sor.u32 $0x40, s25;
	[tilespmem:s14+$0x0] =	vst.add.f32.msk $0xffff, v6  }
0x30a: {  	s17 =	sor.u32 $0x50, s25;
	[tilespmem:s15+$0x0] =	vst.add.f32.msk $0xffff, v7  }
0x30b: {  	s19 =	sor.u32 $0x60, s25;
	[tilespmem:s17+$0x0] =	vst.add.f32.msk $0xffff, v8  }
0x30c: {  	s20 =	sor.u32 $0x70, s25;
	[tilespmem:s19+$0x0] =	vst.add.f32.msk $0xffff, v9  }
0x30d: {  	[tilespmem:s20+$0x0] =	vst.add.f32.msk $0xffff, v10  }
0x30e: {  	[tilespmem:s25+$0x450] =	vst.add.f32.msk $0xffff, v16  }
0x30f: {  	[tilespmem:s25+$0x470] =	vst.add.f32.msk $0xffff, v18  }
0x310: {  	[tilespmem:s25+$0x460] =	vst.add.f32.msk $0xffff, v17  }
0x311: {  	[tilespmem:s25+$0x440] =	vst.add.f32.msk $0xffff, v15  }
0x312: {  	[tilespmem:s25+$0x430] =	vst.add.f32.msk $0xffff, v14  }
0x313: {  	[tilespmem:s25+$0x410] =	vst.add.f32.msk $0xffff, v12  }
0x314: {  	s13 =	sadd.s32 $0xCF00, s7;
	[tilespmem:s25+$0x400] =	vst.add.f32.msk $0xffff, v11  }
0x315: {  	s15 =	sadd.s32 s18, s13;
	[tilespmem:s25+$0x420] =	vst.add.f32.msk $0xffff, v13  }
0x316: {  	s21 =	sor.u32 $0x10, s15;
	[tilespmem:s15+$0x0] =	vst.add.f32.msk $0xffff, v19  }
0x317: {  	s22 =	sor.u32 $0x20, s15;
	[tilespmem:s21+$0x0] =	vst.add.f32.msk $0xffff, v20  }
0x318: {  	s23 =	sor.u32 $0x30, s15;
	[tilespmem:s22+$0x0] =	vst.add.f32.msk $0xffff, v21  }
0x319: {  	s24 =	sor.u32 $0x40, s15;
	[tilespmem:s23+$0x0] =	vst.add.f32.msk $0xffff, v22  }
0x31a: {  	s25 =	sor.u32 $0x50, s15;
	[tilespmem:s24+$0x0] =	vst.add.f32.msk $0xffff, v23  }
0x31b: {  	s30 =	sor.u32 $0x60, s15;
	[tilespmem:s25+$0x0] =	vst.add.f32.msk $0xffff, v24  }
0x31c: {  	s14 =	sadd.s32 $0xD300, s7;
	s15 =	sor.u32 $0x70, s15;
	[tilespmem:s30+$0x0] =	vst.add.f32.msk $0xffff, v25  }
0x31d: {  	s17 =	sadd.s32 s18, s14;
	[tilespmem:s15+$0x0] =	vst.add.f32.msk $0xffff, v26  }
0x31e: {  	s19 =	sor.u32 $0x10, s17;
	[tilespmem:s17+$0x0] =	vst.add.f32.msk $0xffff, v27  }
0x31f: {  	s20 =	sor.u32 $0x20, s17;
	[tilespmem:s19+$0x0] =	vst.add.f32.msk $0xffff, v28  }
0x320: {  	s21 =	sor.u32 $0x30, s17;
	[tilespmem:s20+$0x0] =	vst.add.f32.msk $0xffff, v29  }
0x321: {  	s22 =	sor.u32 $0x40, s17;
	[tilespmem:s21+$0x0] =	vst.add.f32.msk $0xffff, v30  }
0x322: {  	s23 =	sor.u32 $0x50, s17;
	[tilespmem:s22+$0x0] =	vst.add.f32.msk $0xffff, v31  }
0x323: {  	s24 =	sor.u32 $0x60, s17;
	[tilespmem:s23+$0x0] =	vst.add.f32.msk $0xffff, v32  }
0x324: {  	s25 =	sor.u32 $0x70, s17;
	s15 =	sadd.s32 $0xD700, s7;
	[tilespmem:s24+$0x0] =	vst.add.f32.msk $0xffff, v33  }
0x325: {  	s19 =	sadd.s32 s18, s15;
	[tilespmem:s25+$0x0] =	vst.add.f32.msk $0xffff, v34  }
0x326: {  	s30 =	sor.u32 $0x10, s19;
	[tilespmem:s19+$0x0] =	vst.add.f32.msk $0xffff, v35  }
0x327: {  	s17 =	sor.u32 $0x20, s19;
	[tilespmem:s30+$0x0] =	vst.add.f32.msk $0xffff, v36  }
0x328: {  	s20 =	sor.u32 $0x30, s19;
	[tilespmem:s17+$0x0] =	vst.add.f32.msk $0xffff, v37  }
0x329: {  	s21 =	sor.u32 $0x40, s19;
	[tilespmem:s20+$0x0] =	vst.add.f32.msk $0xffff, v38  }
0x32a: {  	s22 =	sor.u32 $0x50, s19;
	[tilespmem:s21+$0x0] =	vst.add.f32.msk $0xffff, v39  }
0x32b: {  	s23 =	sor.u32 $0x60, s19;
	[tilespmem:s22+$0x0] =	vst.add.f32.msk $0xffff, v40  }
0x32c: {  	s24 =	sor.u32 $0x70, s19;
	s17 =	sadd.s32 $0xDB00, s7;
	[tilespmem:s23+$0x0] =	vst.add.f32.msk $0xffff, v43  }
0x32d: {  	s25 =	sadd.s32 s18, s17;
	[tilespmem:s24+$0x0] =	vst.add.f32.msk $0xffff, v46  }
0x32e: {  	s30 =	sor.u32 $0x10, s25;
	[tilespmem:s25+$0x0] =	vst.add.f32.msk $0xffff, v50  }
0x32f: {  	s7 =	sor.u32 $0x20, s25;
	[tilespmem:s30+$0x0] =	vst.add.f32.msk $0xffff, v47  }
0x330: {  	s20 =	sor.u32 $0x30, s25;
	[tilespmem:s7+$0x0] =	vst.add.f32.msk $0xffff, v48  }
0x331: {  	s21 =	sor.u32 $0x40, s25;
	[tilespmem:s20+$0x0] =	vst.add.f32.msk $0xffff, v49  }
0x332: {  	s22 =	sor.u32 $0x50, s25;
	[tilespmem:s21+$0x0] =	vst.add.f32.msk $0xffff, v44  }
0x333: {  	s23 =	sor.u32 $0x60, s25;
	[tilespmem:s22+$0x0] =	vst.add.f32.msk $0xffff, v41  }
0x334: {  	s24 =	sor.u32 $0x70, s25;
	s7 =	sor.u32 $0x80, s18;
	[tilespmem:s23+$0x0] =	vst.add.f32.msk $0xffff, v42  }
0x335: {  	s25 =	sadd.s32 s7, s12;
	[tilespmem:s24+$0x0] =	vst.add.f32.msk $0xffff, v45  }
0x336: {  	s12 =	sor.u32 $0x10, s25;
	[tilespmem:s25+$0x0] =	vst.add.f32.msk $0xffff, v3  }
0x337: {  	s30 =	sor.u32 $0x20, s25;
	[tilespmem:s12+$0x0] =	vst.add.f32.msk $0xffff, v4  }
0x338: {  	s18 =	sor.u32 $0x30, s25;
	[tilespmem:s30+$0x0] =	vst.add.f32.msk $0xffff, v5  }
0x339: {  	s19 =	sor.u32 $0x40, s25;
	[tilespmem:s18+$0x0] =	vst.add.f32.msk $0xffff, v6  }
0x33a: {  	s20 =	sor.u32 $0x50, s25;
	[tilespmem:s19+$0x0] =	vst.add.f32.msk $0xffff, v7  }
0x33b: {  	s21 =	sor.u32 $0x60, s25;
	[tilespmem:s20+$0x0] =	vst.add.f32.msk $0xffff, v8  }
0x33c: {  	s22 =	sor.u32 $0x70, s25;
	[tilespmem:s21+$0x0] =	vst.add.f32.msk $0xffff, v9  }
0x33d: {  	[tilespmem:s22+$0x0] =	vst.add.f32.msk $0xffff, v10  }
0x33e: {  	[tilespmem:s25+$0x420] =	vst.add.f32.msk $0xffff, v13  }
0x33f: {  	[tilespmem:s25+$0x470] =	vst.add.f32.msk $0xffff, v18  }
0x340: {  	[tilespmem:s25+$0x450] =	vst.add.f32.msk $0xffff, v16  }
0x341: {  	[tilespmem:s25+$0x410] =	vst.add.f32.msk $0xffff, v12  }
0x342: {  	[tilespmem:s25+$0x440] =	vst.add.f32.msk $0xffff, v15  }
0x343: {  	[tilespmem:s25+$0x460] =	vst.add.f32.msk $0xffff, v17  }
0x344: {  	[tilespmem:s25+$0x400] =	vst.add.f32.msk $0xffff, v11  }
0x345: {  	s23 =	sadd.s32 s7, s13;
	[tilespmem:s25+$0x430] =	vst.add.f32.msk $0xffff, v14  }
0x346: {  	s24 =	sor.u32 $0x10, s23;
	[tilespmem:s23+$0x0] =	vst.add.f32.msk $0xffff, v19  }
0x347: {  	s13 =	sor.u32 $0x20, s23;
	[tilespmem:s24+$0x0] =	vst.add.f32.msk $0xffff, v20  }
0x348: {  	s25 =	sor.u32 $0x30, s23;
	[tilespmem:s13+$0x0] =	vst.add.f32.msk $0xffff, v21  }
0x349: {  	s30 =	sor.u32 $0x40, s23;
	[tilespmem:s25+$0x0] =	vst.add.f32.msk $0xffff, v22  }
0x34a: {  	s18 =	sor.u32 $0x50, s23;
	[tilespmem:s30+$0x0] =	vst.add.f32.msk $0xffff, v23  }
0x34b: {  	s19 =	sor.u32 $0x60, s23;
	[tilespmem:s18+$0x0] =	vst.add.f32.msk $0xffff, v24  }
0x34c: {  	s20 =	sor.u32 $0x70, s23;
	[tilespmem:s19+$0x0] =	vst.add.f32.msk $0xffff, v25  }
0x34d: {  	s21 =	sadd.s32 s7, s14;
	[tilespmem:s20+$0x0] =	vst.add.f32.msk $0xffff, v26  }
0x34e: {  	s22 =	sor.u32 $0x10, s21;
	[tilespmem:s21+$0x0] =	vst.add.f32.msk $0xffff, v27  }
0x34f: {  	s23 =	sor.u32 $0x20, s21;
	[tilespmem:s22+$0x0] =	vst.add.f32.msk $0xffff, v28  }
0x350: {  	s24 =	sor.u32 $0x30, s21;
	[tilespmem:s23+$0x0] =	vst.add.f32.msk $0xffff, v29  }
0x351: {  	s25 =	sor.u32 $0x40, s21;
	[tilespmem:s24+$0x0] =	vst.add.f32.msk $0xffff, v30  }
0x352: {  	s30 =	sor.u32 $0x50, s21;
	[tilespmem:s25+$0x0] =	vst.add.f32.msk $0xffff, v31  }
0x353: {  	s14 =	sor.u32 $0x60, s21;
	[tilespmem:s30+$0x0] =	vst.add.f32.msk $0xffff, v32  }
0x354: {  	s18 =	sor.u32 $0x70, s21;
	[tilespmem:s14+$0x0] =	vst.add.f32.msk $0xffff, v33  }
0x355: {  	s19 =	sadd.s32 s7, s15;
	[tilespmem:s18+$0x0] =	vst.add.f32.msk $0xffff, v34  }
0x356: {  	s20 =	sor.u32 $0x10, s19;
	[tilespmem:s19+$0x0] =	vst.add.f32.msk $0xffff, v35  }
0x357: {  	s21 =	sor.u32 $0x20, s19;
	[tilespmem:s20+$0x0] =	vst.add.f32.msk $0xffff, v36  }
0x358: {  	s22 =	sor.u32 $0x30, s19;
	[tilespmem:s21+$0x0] =	vst.add.f32.msk $0xffff, v37  }
0x359: {  	s23 =	sor.u32 $0x40, s19;
	[tilespmem:s22+$0x0] =	vst.add.f32.msk $0xffff, v38  }
0x35a: {  	s24 =	sor.u32 $0x50, s19;
	[tilespmem:s23+$0x0] =	vst.add.f32.msk $0xffff, v39  }
0x35b: {  	s25 =	sor.u32 $0x60, s19;
	[tilespmem:s24+$0x0] =	vst.add.f32.msk $0xffff, v40  }
0x35c: {  	s30 =	sor.u32 $0x70, s19;
	[tilespmem:s25+$0x0] =	vst.add.f32.msk $0xffff, v43  }
0x35d: {  	s12 =	simm.s32 $0x0;
	s14 =	sadd.s32 s7, s17;
	[tilespmem:s30+$0x0] =	vst.add.f32.msk $0xffff, v46  }
0x35e: {  	s15 =	sor.u32 $0x30, s14;
	s7 =	sor.u32 $0x10, s14;
	s2 =	sor.u32 $0x20, s14;
	[tilespmem:s14+$0x0] =	vst.add.f32.msk $0xffff, v50  }
.LBB2_9:
0x35f: {  	s12 =	sadd.s32 $0x2, s12;
	[tilespmem:s7+$0x0] =	vst.add.f32.msk $0xffff, v47;
	s8 =	sadd.s32 $0x100, s8  }
0x360: {  	s7 =	sshrl.u32 s12, $0x3;
	p1 =	slt.u32 s12, $0x1E;
	[tilespmem:s2+$0x0] =	vst.add.f32.msk $0xffff, v48;
	s2 =	sor.u32 $0x40, s14  }
0x361: {  	s13 =	sor.u32 $0x50, s14;
	s7 =	smul.u32 $0x6000, s7;
	[tilespmem:s15+$0x0] =	vst.add.f32.msk $0xffff, v49  }
0x362: {  	[tilespmem:s2+$0x0] =	vst.add.f32.msk $0xffff, v44;
	s2 =	sor.u32 $0x60, s14  }
0x363: {  	s15 =	sshra.s32 s7, $0x2;
	[tilespmem:s13+$0x0] =	vst.add.f32.msk $0xffff, v41;
	s7 =	sor.u32 $0x70, s14  }
0x364: {  	s14 =	sand.u32 $0x300, s8;
	s21 =	sadd.s32 $0xC700, s15;
	s18 =	sadd.s32 $0xCF00, s15;
	[tilespmem:s2+$0x0] =	vst.add.f32.msk $0xffff, v42  }
0x365: {  	s19 =	sadd.s32 $0xD300, s15;
	s23 =	sadd.s32 s14, s21;
	s2 =	sadd.s32 s14, s18;
	[tilespmem:s7+$0x0] =	vst.add.f32.msk $0xffff, v45  }
0x366: {  	s24 =	sadd.s32 $0xD700, s15;
	s7 =	sadd.s32 s14, s19;
	[tilespmem:s23+$0x0] =	vst.add.f32.msk $0xffff, v3;
	s13 =	sor.u32 $0x10, s23  }
0x367: {  	s15 =	sadd.s32 $0xDB00, s15;
	s17 =	sor.u32 $0x20, s23;
	[tilespmem:s13+$0x0] =	vst.add.f32.msk $0xffff, v4;
	s13 =	sadd.s32 s14, s24  }
0x368: {  	s22 =	sadd.s32 s14, s15;
	s20 =	sor.u32 $0x30, s23;
	[tilespmem:s17+$0x0] =	vst.add.f32.msk $0xffff, v5;
	s17 =	sor.u32 $0x80, s14  }
0x369: {  	s14 =	sor.u32 $0x40, s23;
	[tilespmem:s20+$0x0] =	vst.add.f32.msk $0xffff, v6;
	s20 =	sadd.s32 s17, s18;
	s19 =	sadd.s32 s17, s19  }
0x36a: {  	s25 =	sor.u32 $0x50, s23;
	s18 =	sadd.s32 s17, s24;
	[tilespmem:s14+$0x0] =	vst.add.f32.msk $0xffff, v7;
	s14 =	sadd.s32 s17, s15  }
0x36b: {  	s24 =	sor.u32 $0x60, s23;
	[tilespmem:s25+$0x0] =	vst.add.f32.msk $0xffff, v8;
	s15 =	sor.u32 $0x30, s14  }
0x36c: {  	[tilespmem:s24+$0x0] =	vst.add.f32.msk $0xffff, v9;
	s24 =	sor.u32 $0x70, s23  }
0x36d: {  	[tilespmem:s24+$0x0] =	vst.add.f32.msk $0xffff, v10  }
0x36e: {  	[tilespmem:s23+$0x450] =	vst.add.f32.msk $0xffff, v16  }
0x36f: {  	[tilespmem:s23+$0x470] =	vst.add.f32.msk $0xffff, v18  }
0x370: {  	[tilespmem:s23+$0x460] =	vst.add.f32.msk $0xffff, v17  }
0x371: {  	[tilespmem:s23+$0x440] =	vst.add.f32.msk $0xffff, v15  }
0x372: {  	[tilespmem:s23+$0x430] =	vst.add.f32.msk $0xffff, v14  }
0x373: {  	[tilespmem:s23+$0x410] =	vst.add.f32.msk $0xffff, v12  }
0x374: {  	[tilespmem:s23+$0x400] =	vst.add.f32.msk $0xffff, v11  }
0x375: {  	[tilespmem:s23+$0x420] =	vst.add.f32.msk $0xffff, v13  }
0x376: {  	s23 =	sor.u32 $0x10, s2;
	[tilespmem:s2+$0x0] =	vst.add.f32.msk $0xffff, v19  }
0x377: {  	[tilespmem:s23+$0x0] =	vst.add.f32.msk $0xffff, v20;
	s23 =	sor.u32 $0x20, s2  }
0x378: {  	[tilespmem:s23+$0x0] =	vst.add.f32.msk $0xffff, v21;
	s23 =	sor.u32 $0x30, s2  }
0x379: {  	[tilespmem:s23+$0x0] =	vst.add.f32.msk $0xffff, v22;
	s23 =	sor.u32 $0x40, s2  }
0x37a: {  	[tilespmem:s23+$0x0] =	vst.add.f32.msk $0xffff, v23;
	s23 =	sor.u32 $0x50, s2  }
0x37b: {  	[tilespmem:s23+$0x0] =	vst.add.f32.msk $0xffff, v24;
	s23 =	sor.u32 $0x60, s2  }
0x37c: {  	s2 =	sor.u32 $0x70, s2;
	[tilespmem:s23+$0x0] =	vst.add.f32.msk $0xffff, v25  }
0x37d: {  	[tilespmem:s2+$0x0] =	vst.add.f32.msk $0xffff, v26  }
0x37e: {  	s2 =	sor.u32 $0x10, s7;
	[tilespmem:s7+$0x0] =	vst.add.f32.msk $0xffff, v27  }
0x37f: {  	[tilespmem:s2+$0x0] =	vst.add.f32.msk $0xffff, v28;
	s2 =	sor.u32 $0x20, s7  }
0x380: {  	[tilespmem:s2+$0x0] =	vst.add.f32.msk $0xffff, v29;
	s2 =	sor.u32 $0x30, s7  }
0x381: {  	[tilespmem:s2+$0x0] =	vst.add.f32.msk $0xffff, v30;
	s2 =	sor.u32 $0x40, s7  }
0x382: {  	[tilespmem:s2+$0x0] =	vst.add.f32.msk $0xffff, v31;
	s2 =	sor.u32 $0x50, s7  }
0x383: {  	[tilespmem:s2+$0x0] =	vst.add.f32.msk $0xffff, v32;
	s2 =	sor.u32 $0x60, s7  }
0x384: {  	[tilespmem:s2+$0x0] =	vst.add.f32.msk $0xffff, v33;
	s2 =	sor.u32 $0x70, s7  }
0x385: {  	[tilespmem:s2+$0x0] =	vst.add.f32.msk $0xffff, v34  }
0x386: {  	s2 =	sor.u32 $0x10, s13;
	[tilespmem:s13+$0x0] =	vst.add.f32.msk $0xffff, v35  }
0x387: {  	[tilespmem:s2+$0x0] =	vst.add.f32.msk $0xffff, v36;
	s2 =	sor.u32 $0x20, s13  }
0x388: {  	[tilespmem:s2+$0x0] =	vst.add.f32.msk $0xffff, v37;
	s2 =	sor.u32 $0x30, s13  }
0x389: {  	[tilespmem:s2+$0x0] =	vst.add.f32.msk $0xffff, v38;
	s2 =	sor.u32 $0x40, s13  }
0x38a: {  	[tilespmem:s2+$0x0] =	vst.add.f32.msk $0xffff, v39;
	s2 =	sor.u32 $0x50, s13  }
0x38b: {  	[tilespmem:s2+$0x0] =	vst.add.f32.msk $0xffff, v40;
	s2 =	sor.u32 $0x60, s13  }
0x38c: {  	[tilespmem:s2+$0x0] =	vst.add.f32.msk $0xffff, v43;
	s2 =	sor.u32 $0x70, s13  }
0x38d: {  	[tilespmem:s2+$0x0] =	vst.add.f32.msk $0xffff, v46  }
0x38e: {  	s2 =	sor.u32 $0x10, s22;
	[tilespmem:s22+$0x0] =	vst.add.f32.msk $0xffff, v50  }
0x38f: {  	[tilespmem:s2+$0x0] =	vst.add.f32.msk $0xffff, v47;
	s2 =	sor.u32 $0x20, s22  }
0x390: {  	[tilespmem:s2+$0x0] =	vst.add.f32.msk $0xffff, v48;
	s2 =	sor.u32 $0x30, s22  }
0x391: {  	[tilespmem:s2+$0x0] =	vst.add.f32.msk $0xffff, v49;
	s2 =	sor.u32 $0x40, s22  }
0x392: {  	[tilespmem:s2+$0x0] =	vst.add.f32.msk $0xffff, v44;
	s2 =	sor.u32 $0x50, s22  }
0x393: {  	[tilespmem:s2+$0x0] =	vst.add.f32.msk $0xffff, v41;
	s2 =	sor.u32 $0x60, s22  }
0x394: {  	[tilespmem:s2+$0x0] =	vst.add.f32.msk $0xffff, v42;
	s2 =	sor.u32 $0x70, s22  }
0x395: {  	[tilespmem:s2+$0x0] =	vst.add.f32.msk $0xffff, v45;
	s2 =	sadd.s32 s17, s21  }
0x396: {  	[tilespmem:s2+$0x0] =	vst.add.f32.msk $0xffff, v3;
	s7 =	sor.u32 $0x10, s2  }
0x397: {  	[tilespmem:s7+$0x0] =	vst.add.f32.msk $0xffff, v4;
	s7 =	sor.u32 $0x20, s2  }
0x398: {  	[tilespmem:s7+$0x0] =	vst.add.f32.msk $0xffff, v5;
	s7 =	sor.u32 $0x30, s2  }
0x399: {  	[tilespmem:s7+$0x0] =	vst.add.f32.msk $0xffff, v6;
	s7 =	sor.u32 $0x40, s2  }
0x39a: {  	[tilespmem:s7+$0x0] =	vst.add.f32.msk $0xffff, v7;
	s7 =	sor.u32 $0x50, s2  }
0x39b: {  	[tilespmem:s7+$0x0] =	vst.add.f32.msk $0xffff, v8;
	s7 =	sor.u32 $0x60, s2  }
0x39c: {  	[tilespmem:s7+$0x0] =	vst.add.f32.msk $0xffff, v9;
	s7 =	sor.u32 $0x70, s2  }
0x39d: {  	[tilespmem:s7+$0x0] =	vst.add.f32.msk $0xffff, v10  }
0x39e: {  	[tilespmem:s2+$0x420] =	vst.add.f32.msk $0xffff, v13  }
0x39f: {  	[tilespmem:s2+$0x470] =	vst.add.f32.msk $0xffff, v18  }
0x3a0: {  	[tilespmem:s2+$0x450] =	vst.add.f32.msk $0xffff, v16  }
0x3a1: {  	[tilespmem:s2+$0x410] =	vst.add.f32.msk $0xffff, v12  }
0x3a2: {  	[tilespmem:s2+$0x440] =	vst.add.f32.msk $0xffff, v15  }
0x3a3: {  	[tilespmem:s2+$0x460] =	vst.add.f32.msk $0xffff, v17  }
0x3a4: {  	[tilespmem:s2+$0x400] =	vst.add.f32.msk $0xffff, v11  }
0x3a5: {  	[tilespmem:s2+$0x430] =	vst.add.f32.msk $0xffff, v14;
	s2 =	sor.u32 $0x10, s20  }
0x3a6: {  	s7 =	sor.u32 $0x20, s20;
	[tilespmem:s20+$0x0] =	vst.add.f32.msk $0xffff, v19  }
0x3a7: {  	[tilespmem:s2+$0x0] =	vst.add.f32.msk $0xffff, v20;
	s2 =	sor.u32 $0x30, s20  }
0x3a8: {  	[tilespmem:s7+$0x0] =	vst.add.f32.msk $0xffff, v21;
	s7 =	sor.u32 $0x40, s20  }
0x3a9: {  	[tilespmem:s2+$0x0] =	vst.add.f32.msk $0xffff, v22;
	s2 =	sor.u32 $0x50, s20  }
0x3aa: {  	[tilespmem:s7+$0x0] =	vst.add.f32.msk $0xffff, v23;
	s7 =	sor.u32 $0x60, s20  }
0x3ab: {  	[tilespmem:s2+$0x0] =	vst.add.f32.msk $0xffff, v24;
	s2 =	sor.u32 $0x70, s20  }
0x3ac: {  	[tilespmem:s7+$0x0] =	vst.add.f32.msk $0xffff, v25  }
0x3ad: {  	[tilespmem:s2+$0x0] =	vst.add.f32.msk $0xffff, v26;
	s2 =	sor.u32 $0x10, s19  }
0x3ae: {  	s7 =	sor.u32 $0x20, s19;
	[tilespmem:s19+$0x0] =	vst.add.f32.msk $0xffff, v27  }
0x3af: {  	[tilespmem:s2+$0x0] =	vst.add.f32.msk $0xffff, v28;
	s2 =	sor.u32 $0x30, s19  }
0x3b0: {  	[tilespmem:s7+$0x0] =	vst.add.f32.msk $0xffff, v29;
	s7 =	sor.u32 $0x40, s19  }
0x3b1: {  	[tilespmem:s2+$0x0] =	vst.add.f32.msk $0xffff, v30;
	s2 =	sor.u32 $0x50, s19  }
0x3b2: {  	[tilespmem:s7+$0x0] =	vst.add.f32.msk $0xffff, v31;
	s7 =	sor.u32 $0x60, s19  }
0x3b3: {  	[tilespmem:s2+$0x0] =	vst.add.f32.msk $0xffff, v32;
	s2 =	sor.u32 $0x70, s19  }
0x3b4: {  	[tilespmem:s7+$0x0] =	vst.add.f32.msk $0xffff, v33  }
0x3b5: {  	[tilespmem:s2+$0x0] =	vst.add.f32.msk $0xffff, v34;
	s2 =	sor.u32 $0x10, s18  }
0x3b6: {  	s7 =	sor.u32 $0x20, s18;
	[tilespmem:s18+$0x0] =	vst.add.f32.msk $0xffff, v35  }
0x3b7: {  	[tilespmem:s2+$0x0] =	vst.add.f32.msk $0xffff, v36;
	s2 =	sor.u32 $0x30, s18  }
0x3b8: {  	[tilespmem:s7+$0x0] =	vst.add.f32.msk $0xffff, v37;
	s7 =	sor.u32 $0x40, s18  }
0x3b9: {  	[tilespmem:s2+$0x0] =	vst.add.f32.msk $0xffff, v38;
	s2 =	sor.u32 $0x50, s18  }
.Ltmp3:
0x3ba: {  	[tilespmem:s7+$0x0] =	vst.add.f32.msk $0xffff, v39;
	s7 =	sor.u32 $0x60, s18;
	(pc) =	sbr.rel @p1 .LBB2_9-.Ltmp3, $4  }
0x3bb: {  	[tilespmem:s2+$0x0] =	vst.add.f32.msk $0xffff, v40;
	s2 =	sor.u32 $0x70, s18  }
0x3bc: {  	[tilespmem:s7+$0x0] =	vst.add.f32.msk $0xffff, v43  }
0x3bd: {  	s7 =	sor.u32 $0x10, s14;
	[tilespmem:s2+$0x0] =	vst.add.f32.msk $0xffff, v46  }
0x3be: {  	s2 =	sor.u32 $0x20, s14;
	[tilespmem:s14+$0x0] =	vst.add.f32.msk $0xffff, v50  }
0x3bf: {  	[tilespmem:s7+$0x0] =	vst.add.f32.msk $0xffff, v47  }
0x3c0: {  	[tilespmem:s2+$0x0] =	vst.add.f32.msk $0xffff, v48  }
0x3c1: {  	s18 =	sor.u32 $0x40, s14;
	s0 =	sor.u32 s9, s0;
	[tilespmem:s15+$0x0] =	vst.add.f32.msk $0xffff, v49  }
0x3c2: {  	s19 =	sor.u32 $0x50, s14;
	s0 =	sshrl.u32 s0, $0x3;
	[tilespmem:s18+$0x0] =	vst.add.f32.msk $0xffff, v44  }
0x3c3: {  	s20 =	sor.u32 $0x60, s14;
	s21 =	smul.u32 $0x300, s0;
	[tilespmem:s19+$0x0] =	vst.add.f32.msk $0xffff, v41  }
0x3c4: {  	s8 =	sor.u32 $0x70, s14;
	s24 =	smov.u32 s26;
	[tilespmem:s20+$0x0] =	vst.add.f32.msk $0xffff, v42  }
0x3c5: {  	s23 =	simm.s32 $0xC700;
	s25 =	simm.s32 $0x4;
	s22 =	sadd.s32 s26, s21;
	[tilespmem:s8+$0x0] =	vst.add.f32.msk $0xffff, v45  }
0x3c6: {  	[hbm4b:s22+s4] =	stream.linear.scatter [tilespmem:s23], [sflag:$0x6], $0x6000, $0x38;
	[tilespmem:$0x18700] =	vst v63  }
0x3c7: {  	s7 =	simm.s32 @!p0 $0x80;
	s2 =	sor.u32 @!p0 s9, s3;
	_ =	swait.ge [sflag:s25], $0x6000  }
0x3c8: {  	s3 =	simm.s32 @!p0 $0x0;
	s2 =	sshrl.u32 @!p0 s2, $0x3;
	[sflag:s25] =	ssyncset.done $0x0  }
0x3c9: {  	s2 =	sadd.s32 @!p0 s5, s2;
	s26 =	simm.s32 $0x4;
	[sflag:s25] =	ssyncadd.s32 $0xFFFFA000  }
0x3ca: {  	[tilespmem:s7], [sflag:$0x8] =	stream.linear.gather @!p0 [hbm4b:s2+s3], $0x40, $0x38;
	[tilespmem:$0x18700] =	vst v63  }
0x3cb: {  	s7 =	simm.s32 @!p0 $0x400;
	s2 =	smul.u32 $0x6000, s26  }
0x3cc: {  	[tilespmem:s7], [sflag:$0x8] =	stream.linear.gather @!p0 [hbm4b:s16+s3], $0x300, $0x38;
	[tilespmem:$0x18700] =	vst v63  }
0x3cd: {  	s3 =	simm.s32 $0x1000;
	s7 =	sshra.s32 s2, $0x2  }
0x3ce: {  	s16 =	sand.u32 $0x300, s3;
	s8 =	sadd.s32 $0xC700, s7  }
0x3cf: {  	s30 =	sadd.s32 s16, s8  }
0x3d0: {  	[tilespmem:s30+$0x0] =	vst.add.f32.msk $0xffff, v3;
	s12 =	sor.u32 $0x10, s30  }
0x3d1: {  	s13 =	sor.u32 $0x20, s30;
	[tilespmem:s12+$0x0] =	vst.add.f32.msk $0xffff, v4  }
0x3d2: {  	s14 =	sor.u32 $0x30, s30;
	[tilespmem:s13+$0x0] =	vst.add.f32.msk $0xffff, v5  }
0x3d3: {  	s15 =	sor.u32 $0x40, s30;
	[tilespmem:s14+$0x0] =	vst.add.f32.msk $0xffff, v6  }
0x3d4: {  	s17 =	sor.u32 $0x50, s30;
	[tilespmem:s15+$0x0] =	vst.add.f32.msk $0xffff, v7  }
0x3d5: {  	s18 =	sor.u32 $0x60, s30;
	[tilespmem:s17+$0x0] =	vst.add.f32.msk $0xffff, v8  }
0x3d6: {  	s19 =	sor.u32 $0x70, s30;
	[tilespmem:s18+$0x0] =	vst.add.f32.msk $0xffff, v9  }
0x3d7: {  	[tilespmem:s19+$0x0] =	vst.add.f32.msk $0xffff, v10  }
0x3d8: {  	[tilespmem:s30+$0x450] =	vst.add.f32.msk $0xffff, v16  }
0x3d9: {  	[tilespmem:s30+$0x470] =	vst.add.f32.msk $0xffff, v18  }
0x3da: {  	[tilespmem:s30+$0x460] =	vst.add.f32.msk $0xffff, v17  }
0x3db: {  	[tilespmem:s30+$0x440] =	vst.add.f32.msk $0xffff, v15  }
0x3dc: {  	[tilespmem:s30+$0x430] =	vst.add.f32.msk $0xffff, v14  }
0x3dd: {  	[tilespmem:s30+$0x410] =	vst.add.f32.msk $0xffff, v12  }
0x3de: {  	s12 =	sadd.s32 $0xCF00, s7;
	[tilespmem:s30+$0x400] =	vst.add.f32.msk $0xffff, v11  }
0x3df: {  	s20 =	sadd.s32 s16, s12;
	[tilespmem:s30+$0x420] =	vst.add.f32.msk $0xffff, v13  }
0x3e0: {  	s21 =	sor.u32 $0x10, s20;
	[tilespmem:s20+$0x0] =	vst.add.f32.msk $0xffff, v19  }
0x3e1: {  	s22 =	sor.u32 $0x20, s20;
	[tilespmem:s21+$0x0] =	vst.add.f32.msk $0xffff, v20  }
0x3e2: {  	s23 =	sor.u32 $0x30, s20;
	[tilespmem:s22+$0x0] =	vst.add.f32.msk $0xffff, v21  }
0x3e3: {  	s25 =	sor.u32 $0x40, s20;
	[tilespmem:s23+$0x0] =	vst.add.f32.msk $0xffff, v22  }
0x3e4: {  	s26 =	sor.u32 $0x50, s20;
	[tilespmem:s25+$0x0] =	vst.add.f32.msk $0xffff, v23  }
0x3e5: {  	s30 =	sor.u32 $0x60, s20;
	[tilespmem:s26+$0x0] =	vst.add.f32.msk $0xffff, v24  }
0x3e6: {  	s13 =	sadd.s32 $0xD300, s7;
	s15 =	sor.u32 $0x70, s20;
	[tilespmem:s30+$0x0] =	vst.add.f32.msk $0xffff, v25  }
0x3e7: {  	s17 =	sadd.s32 s16, s13;
	[tilespmem:s15+$0x0] =	vst.add.f32.msk $0xffff, v26  }
0x3e8: {  	s18 =	sor.u32 $0x10, s17;
	[tilespmem:s17+$0x0] =	vst.add.f32.msk $0xffff, v27  }
0x3e9: {  	s19 =	sor.u32 $0x20, s17;
	[tilespmem:s18+$0x0] =	vst.add.f32.msk $0xffff, v28  }
0x3ea: {  	s20 =	sor.u32 $0x30, s17;
	[tilespmem:s19+$0x0] =	vst.add.f32.msk $0xffff, v29  }
0x3eb: {  	s21 =	sor.u32 $0x40, s17;
	[tilespmem:s20+$0x0] =	vst.add.f32.msk $0xffff, v30  }
0x3ec: {  	s22 =	sor.u32 $0x50, s17;
	[tilespmem:s21+$0x0] =	vst.add.f32.msk $0xffff, v31  }
0x3ed: {  	s23 =	sor.u32 $0x60, s17;
	[tilespmem:s22+$0x0] =	vst.add.f32.msk $0xffff, v32  }
0x3ee: {  	s14 =	sadd.s32 $0xD700, s7;
	s25 =	sor.u32 $0x70, s17;
	[tilespmem:s23+$0x0] =	vst.add.f32.msk $0xffff, v33  }
0x3ef: {  	s17 =	sadd.s32 s16, s14;
	[tilespmem:s25+$0x0] =	vst.add.f32.msk $0xffff, v34  }
0x3f0: {  	s26 =	sor.u32 $0x10, s17;
	[tilespmem:s17+$0x0] =	vst.add.f32.msk $0xffff, v35  }
0x3f1: {  	s30 =	sor.u32 $0x20, s17;
	[tilespmem:s26+$0x0] =	vst.add.f32.msk $0xffff, v36  }
0x3f2: {  	s15 =	sor.u32 $0x30, s17;
	[tilespmem:s30+$0x0] =	vst.add.f32.msk $0xffff, v37  }
0x3f3: {  	s18 =	sor.u32 $0x40, s17;
	[tilespmem:s15+$0x0] =	vst.add.f32.msk $0xffff, v38  }
0x3f4: {  	s19 =	sor.u32 $0x50, s17;
	[tilespmem:s18+$0x0] =	vst.add.f32.msk $0xffff, v39  }
0x3f5: {  	s20 =	sor.u32 $0x60, s17;
	[tilespmem:s19+$0x0] =	vst.add.f32.msk $0xffff, v40  }
0x3f6: {  	s21 =	sor.u32 $0x70, s17;
	s15 =	sadd.s32 $0xDB00, s7;
	[tilespmem:s20+$0x0] =	vst.add.f32.msk $0xffff, v43  }
0x3f7: {  	s22 =	sadd.s32 s16, s15;
	[tilespmem:s21+$0x0] =	vst.add.f32.msk $0xffff, v46  }
0x3f8: {  	s23 =	sor.u32 $0x10, s22;
	[tilespmem:s22+$0x0] =	vst.add.f32.msk $0xffff, v50  }
0x3f9: {  	s25 =	sor.u32 $0x20, s22;
	[tilespmem:s23+$0x0] =	vst.add.f32.msk $0xffff, v47  }
0x3fa: {  	s26 =	sor.u32 $0x30, s22;
	[tilespmem:s25+$0x0] =	vst.add.f32.msk $0xffff, v48  }
0x3fb: {  	s30 =	sor.u32 $0x40, s22;
	[tilespmem:s26+$0x0] =	vst.add.f32.msk $0xffff, v49  }
0x3fc: {  	s7 =	sor.u32 $0x50, s22;
	[tilespmem:s30+$0x0] =	vst.add.f32.msk $0xffff, v44  }
0x3fd: {  	s18 =	sor.u32 $0x60, s22;
	[tilespmem:s7+$0x0] =	vst.add.f32.msk $0xffff, v41  }
0x3fe: {  	s19 =	sor.u32 $0x70, s22;
	s7 =	sor.u32 $0x80, s16;
	[tilespmem:s18+$0x0] =	vst.add.f32.msk $0xffff, v42  }
0x3ff: {  	s20 =	sadd.s32 s7, s8;
	[tilespmem:s19+$0x0] =	vst.add.f32.msk $0xffff, v45  }
0x400: {  	s8 =	sor.u32 $0x10, s20;
	[tilespmem:s20+$0x0] =	vst.add.f32.msk $0xffff, v3  }
0x401: {  	s21 =	sor.u32 $0x20, s20;
	[tilespmem:s8+$0x0] =	vst.add.f32.msk $0xffff, v4  }
0x402: {  	s22 =	sor.u32 $0x30, s20;
	[tilespmem:s21+$0x0] =	vst.add.f32.msk $0xffff, v5  }
0x403: {  	s23 =	sor.u32 $0x40, s20;
	[tilespmem:s22+$0x0] =	vst.add.f32.msk $0xffff, v6  }
0x404: {  	s25 =	sor.u32 $0x50, s20;
	[tilespmem:s23+$0x0] =	vst.add.f32.msk $0xffff, v7  }
0x405: {  	s26 =	sor.u32 $0x60, s20;
	[tilespmem:s25+$0x0] =	vst.add.f32.msk $0xffff, v8  }
0x406: {  	s30 =	sor.u32 $0x70, s20;
	[tilespmem:s26+$0x0] =	vst.add.f32.msk $0xffff, v9  }
0x407: {  	[tilespmem:s30+$0x0] =	vst.add.f32.msk $0xffff, v10  }
0x408: {  	[tilespmem:s20+$0x420] =	vst.add.f32.msk $0xffff, v13  }
0x409: {  	[tilespmem:s20+$0x470] =	vst.add.f32.msk $0xffff, v18  }
0x40a: {  	[tilespmem:s20+$0x450] =	vst.add.f32.msk $0xffff, v16  }
0x40b: {  	[tilespmem:s20+$0x410] =	vst.add.f32.msk $0xffff, v12  }
0x40c: {  	[tilespmem:s20+$0x440] =	vst.add.f32.msk $0xffff, v15  }
0x40d: {  	[tilespmem:s20+$0x460] =	vst.add.f32.msk $0xffff, v17  }
0x40e: {  	[tilespmem:s20+$0x400] =	vst.add.f32.msk $0xffff, v11  }
0x40f: {  	s16 =	sadd.s32 s7, s12;
	[tilespmem:s20+$0x430] =	vst.add.f32.msk $0xffff, v14  }
0x410: {  	s17 =	sor.u32 $0x10, s16;
	[tilespmem:s16+$0x0] =	vst.add.f32.msk $0xffff, v19  }
0x411: {  	s12 =	sor.u32 $0x20, s16;
	[tilespmem:s17+$0x0] =	vst.add.f32.msk $0xffff, v20  }
0x412: {  	s18 =	sor.u32 $0x30, s16;
	[tilespmem:s12+$0x0] =	vst.add.f32.msk $0xffff, v21  }
0x413: {  	s19 =	sor.u32 $0x40, s16;
	[tilespmem:s18+$0x0] =	vst.add.f32.msk $0xffff, v22  }
0x414: {  	s20 =	sor.u32 $0x50, s16;
	[tilespmem:s19+$0x0] =	vst.add.f32.msk $0xffff, v23  }
0x415: {  	s21 =	sor.u32 $0x60, s16;
	[tilespmem:s20+$0x0] =	vst.add.f32.msk $0xffff, v24  }
0x416: {  	s22 =	sor.u32 $0x70, s16;
	[tilespmem:s21+$0x0] =	vst.add.f32.msk $0xffff, v25  }
0x417: {  	s23 =	sadd.s32 s7, s13;
	[tilespmem:s22+$0x0] =	vst.add.f32.msk $0xffff, v26  }
0x418: {  	s25 =	sor.u32 $0x10, s23;
	[tilespmem:s23+$0x0] =	vst.add.f32.msk $0xffff, v27  }
0x419: {  	s26 =	sor.u32 $0x20, s23;
	[tilespmem:s25+$0x0] =	vst.add.f32.msk $0xffff, v28  }
0x41a: {  	s30 =	sor.u32 $0x30, s23;
	[tilespmem:s26+$0x0] =	vst.add.f32.msk $0xffff, v29  }
0x41b: {  	s13 =	sor.u32 $0x40, s23;
	[tilespmem:s30+$0x0] =	vst.add.f32.msk $0xffff, v30  }
0x41c: {  	s16 =	sor.u32 $0x50, s23;
	[tilespmem:s13+$0x0] =	vst.add.f32.msk $0xffff, v31  }
0x41d: {  	s17 =	sor.u32 $0x60, s23;
	[tilespmem:s16+$0x0] =	vst.add.f32.msk $0xffff, v32  }
0x41e: {  	s18 =	sor.u32 $0x70, s23;
	[tilespmem:s17+$0x0] =	vst.add.f32.msk $0xffff, v33  }
0x41f: {  	s19 =	sadd.s32 s7, s14;
	[tilespmem:s18+$0x0] =	vst.add.f32.msk $0xffff, v34  }
0x420: {  	s20 =	sor.u32 $0x10, s19;
	[tilespmem:s19+$0x0] =	vst.add.f32.msk $0xffff, v35  }
0x421: {  	s21 =	sor.u32 $0x20, s19;
	[tilespmem:s20+$0x0] =	vst.add.f32.msk $0xffff, v36  }
0x422: {  	s22 =	sor.u32 $0x30, s19;
	[tilespmem:s21+$0x0] =	vst.add.f32.msk $0xffff, v37  }
0x423: {  	s23 =	sor.u32 $0x40, s19;
	[tilespmem:s22+$0x0] =	vst.add.f32.msk $0xffff, v38  }
0x424: {  	s25 =	sor.u32 $0x50, s19;
	[tilespmem:s23+$0x0] =	vst.add.f32.msk $0xffff, v39  }
0x425: {  	s26 =	sor.u32 $0x60, s19;
	[tilespmem:s25+$0x0] =	vst.add.f32.msk $0xffff, v40  }
0x426: {  	s30 =	sor.u32 $0x70, s19;
	[tilespmem:s26+$0x0] =	vst.add.f32.msk $0xffff, v43  }
0x427: {  	s8 =	simm.s32 $0x20;
	s12 =	sadd.s32 s7, s15;
	[tilespmem:s30+$0x0] =	vst.add.f32.msk $0xffff, v46  }
0x428: {  	s2 =	sor.u32 $0x20, s12;
	s14 =	sor.u32 $0x30, s12;
	s7 =	sor.u32 $0x10, s12;
	[tilespmem:s12+$0x0] =	vst.add.f32.msk $0xffff, v50  }
.LBB2_11:
0x429: {  	s8 =	sadd.s32 $0x2, s8;
	[tilespmem:s7+$0x0] =	vst.add.f32.msk $0xffff, v47;
	s3 =	sadd.s32 $0x100, s3  }
0x42a: {  	s7 =	sshrl.u32 s8, $0x3;
	p1 =	slt.u32 s8, $0x3E;
	[tilespmem:s2+$0x0] =	vst.add.f32.msk $0xffff, v48;
	s2 =	sor.u32 $0x40, s12  }
0x42b: {  	s13 =	sor.u32 $0x50, s12;
	s7 =	smul.u32 $0x6000, s7;
	[tilespmem:s14+$0x0] =	vst.add.f32.msk $0xffff, v49  }
0x42c: {  	[tilespmem:s2+$0x0] =	vst.add.f32.msk $0xffff, v44;
	s2 =	sor.u32 $0x60, s12  }
0x42d: {  	s14 =	sshra.s32 s7, $0x2;
	[tilespmem:s13+$0x0] =	vst.add.f32.msk $0xffff, v41;
	s7 =	sor.u32 $0x70, s12  }
0x42e: {  	s12 =	sand.u32 $0x300, s3;
	s19 =	sadd.s32 $0xC700, s14;
	s15 =	sadd.s32 $0xCF00, s14;
	[tilespmem:s2+$0x0] =	vst.add.f32.msk $0xffff, v42  }
0x42f: {  	s16 =	sadd.s32 $0xD300, s14;
	s21 =	sadd.s32 s12, s19;
	s2 =	sadd.s32 s12, s15;
	[tilespmem:s7+$0x0] =	vst.add.f32.msk $0xffff, v45  }
0x430: {  	s22 =	sadd.s32 $0xD700, s14;
	s7 =	sadd.s32 s12, s16;
	[tilespmem:s21+$0x0] =	vst.add.f32.msk $0xffff, v3;
	s13 =	sor.u32 $0x10, s21  }
0x431: {  	s14 =	sadd.s32 $0xDB00, s14;
	s17 =	sor.u32 $0x20, s21;
	[tilespmem:s13+$0x0] =	vst.add.f32.msk $0xffff, v4;
	s13 =	sadd.s32 s12, s22  }
0x432: {  	s20 =	sadd.s32 s12, s14;
	s18 =	sor.u32 $0x30, s21;
	[tilespmem:s17+$0x0] =	vst.add.f32.msk $0xffff, v5;
	s17 =	sor.u32 $0x80, s12  }
0x433: {  	s12 =	sor.u32 $0x40, s21;
	[tilespmem:s18+$0x0] =	vst.add.f32.msk $0xffff, v6;
	s18 =	sadd.s32 s17, s15;
	s16 =	sadd.s32 s17, s16  }
0x434: {  	s23 =	sor.u32 $0x50, s21;
	s15 =	sadd.s32 s17, s22;
	[tilespmem:s12+$0x0] =	vst.add.f32.msk $0xffff, v7;
	s12 =	sadd.s32 s17, s14  }
0x435: {  	s22 =	sor.u32 $0x60, s21;
	[tilespmem:s23+$0x0] =	vst.add.f32.msk $0xffff, v8;
	s14 =	sor.u32 $0x30, s12  }
0x436: {  	[tilespmem:s22+$0x0] =	vst.add.f32.msk $0xffff, v9;
	s22 =	sor.u32 $0x70, s21  }
0x437: {  	[tilespmem:s22+$0x0] =	vst.add.f32.msk $0xffff, v10  }
0x438: {  	[tilespmem:s21+$0x450] =	vst.add.f32.msk $0xffff, v16  }
0x439: {  	[tilespmem:s21+$0x470] =	vst.add.f32.msk $0xffff, v18  }
0x43a: {  	[tilespmem:s21+$0x460] =	vst.add.f32.msk $0xffff, v17  }
0x43b: {  	[tilespmem:s21+$0x440] =	vst.add.f32.msk $0xffff, v15  }
0x43c: {  	[tilespmem:s21+$0x430] =	vst.add.f32.msk $0xffff, v14  }
0x43d: {  	[tilespmem:s21+$0x410] =	vst.add.f32.msk $0xffff, v12  }
0x43e: {  	[tilespmem:s21+$0x400] =	vst.add.f32.msk $0xffff, v11  }
0x43f: {  	[tilespmem:s21+$0x420] =	vst.add.f32.msk $0xffff, v13  }
0x440: {  	s21 =	sor.u32 $0x10, s2;
	[tilespmem:s2+$0x0] =	vst.add.f32.msk $0xffff, v19  }
0x441: {  	[tilespmem:s21+$0x0] =	vst.add.f32.msk $0xffff, v20;
	s21 =	sor.u32 $0x20, s2  }
0x442: {  	[tilespmem:s21+$0x0] =	vst.add.f32.msk $0xffff, v21;
	s21 =	sor.u32 $0x30, s2  }
0x443: {  	[tilespmem:s21+$0x0] =	vst.add.f32.msk $0xffff, v22;
	s21 =	sor.u32 $0x40, s2  }
0x444: {  	[tilespmem:s21+$0x0] =	vst.add.f32.msk $0xffff, v23;
	s21 =	sor.u32 $0x50, s2  }
0x445: {  	[tilespmem:s21+$0x0] =	vst.add.f32.msk $0xffff, v24;
	s21 =	sor.u32 $0x60, s2  }
0x446: {  	s2 =	sor.u32 $0x70, s2;
	[tilespmem:s21+$0x0] =	vst.add.f32.msk $0xffff, v25  }
0x447: {  	[tilespmem:s2+$0x0] =	vst.add.f32.msk $0xffff, v26  }
0x448: {  	s2 =	sor.u32 $0x10, s7;
	[tilespmem:s7+$0x0] =	vst.add.f32.msk $0xffff, v27  }
0x449: {  	[tilespmem:s2+$0x0] =	vst.add.f32.msk $0xffff, v28;
	s2 =	sor.u32 $0x20, s7  }
0x44a: {  	[tilespmem:s2+$0x0] =	vst.add.f32.msk $0xffff, v29;
	s2 =	sor.u32 $0x30, s7  }
0x44b: {  	[tilespmem:s2+$0x0] =	vst.add.f32.msk $0xffff, v30;
	s2 =	sor.u32 $0x40, s7  }
0x44c: {  	[tilespmem:s2+$0x0] =	vst.add.f32.msk $0xffff, v31;
	s2 =	sor.u32 $0x50, s7  }
0x44d: {  	[tilespmem:s2+$0x0] =	vst.add.f32.msk $0xffff, v32;
	s2 =	sor.u32 $0x60, s7  }
0x44e: {  	[tilespmem:s2+$0x0] =	vst.add.f32.msk $0xffff, v33;
	s2 =	sor.u32 $0x70, s7  }
0x44f: {  	[tilespmem:s2+$0x0] =	vst.add.f32.msk $0xffff, v34  }
0x450: {  	s2 =	sor.u32 $0x10, s13;
	[tilespmem:s13+$0x0] =	vst.add.f32.msk $0xffff, v35  }
0x451: {  	[tilespmem:s2+$0x0] =	vst.add.f32.msk $0xffff, v36;
	s2 =	sor.u32 $0x20, s13  }
0x452: {  	[tilespmem:s2+$0x0] =	vst.add.f32.msk $0xffff, v37;
	s2 =	sor.u32 $0x30, s13  }
0x453: {  	[tilespmem:s2+$0x0] =	vst.add.f32.msk $0xffff, v38;
	s2 =	sor.u32 $0x40, s13  }
0x454: {  	[tilespmem:s2+$0x0] =	vst.add.f32.msk $0xffff, v39;
	s2 =	sor.u32 $0x50, s13  }
0x455: {  	[tilespmem:s2+$0x0] =	vst.add.f32.msk $0xffff, v40;
	s2 =	sor.u32 $0x60, s13  }
0x456: {  	[tilespmem:s2+$0x0] =	vst.add.f32.msk $0xffff, v43;
	s2 =	sor.u32 $0x70, s13  }
0x457: {  	[tilespmem:s2+$0x0] =	vst.add.f32.msk $0xffff, v46  }
0x458: {  	s2 =	sor.u32 $0x10, s20;
	[tilespmem:s20+$0x0] =	vst.add.f32.msk $0xffff, v50  }
0x459: {  	[tilespmem:s2+$0x0] =	vst.add.f32.msk $0xffff, v47;
	s2 =	sor.u32 $0x20, s20  }
0x45a: {  	[tilespmem:s2+$0x0] =	vst.add.f32.msk $0xffff, v48;
	s2 =	sor.u32 $0x30, s20  }
0x45b: {  	[tilespmem:s2+$0x0] =	vst.add.f32.msk $0xffff, v49;
	s2 =	sor.u32 $0x40, s20  }
0x45c: {  	[tilespmem:s2+$0x0] =	vst.add.f32.msk $0xffff, v44;
	s2 =	sor.u32 $0x50, s20  }
0x45d: {  	[tilespmem:s2+$0x0] =	vst.add.f32.msk $0xffff, v41;
	s2 =	sor.u32 $0x60, s20  }
0x45e: {  	[tilespmem:s2+$0x0] =	vst.add.f32.msk $0xffff, v42;
	s2 =	sor.u32 $0x70, s20  }
0x45f: {  	[tilespmem:s2+$0x0] =	vst.add.f32.msk $0xffff, v45;
	s2 =	sadd.s32 s17, s19  }
0x460: {  	[tilespmem:s2+$0x0] =	vst.add.f32.msk $0xffff, v3;
	s7 =	sor.u32 $0x10, s2  }
0x461: {  	[tilespmem:s7+$0x0] =	vst.add.f32.msk $0xffff, v4;
	s7 =	sor.u32 $0x20, s2  }
0x462: {  	[tilespmem:s7+$0x0] =	vst.add.f32.msk $0xffff, v5;
	s7 =	sor.u32 $0x30, s2  }
0x463: {  	[tilespmem:s7+$0x0] =	vst.add.f32.msk $0xffff, v6;
	s7 =	sor.u32 $0x40, s2  }
0x464: {  	[tilespmem:s7+$0x0] =	vst.add.f32.msk $0xffff, v7;
	s7 =	sor.u32 $0x50, s2  }
0x465: {  	[tilespmem:s7+$0x0] =	vst.add.f32.msk $0xffff, v8;
	s7 =	sor.u32 $0x60, s2  }
0x466: {  	[tilespmem:s7+$0x0] =	vst.add.f32.msk $0xffff, v9;
	s7 =	sor.u32 $0x70, s2  }
0x467: {  	[tilespmem:s7+$0x0] =	vst.add.f32.msk $0xffff, v10  }
0x468: {  	[tilespmem:s2+$0x420] =	vst.add.f32.msk $0xffff, v13  }
0x469: {  	[tilespmem:s2+$0x470] =	vst.add.f32.msk $0xffff, v18  }
0x46a: {  	[tilespmem:s2+$0x450] =	vst.add.f32.msk $0xffff, v16  }
0x46b: {  	[tilespmem:s2+$0x410] =	vst.add.f32.msk $0xffff, v12  }
0x46c: {  	[tilespmem:s2+$0x440] =	vst.add.f32.msk $0xffff, v15  }
0x46d: {  	[tilespmem:s2+$0x460] =	vst.add.f32.msk $0xffff, v17  }
0x46e: {  	[tilespmem:s2+$0x400] =	vst.add.f32.msk $0xffff, v11  }
0x46f: {  	[tilespmem:s2+$0x430] =	vst.add.f32.msk $0xffff, v14;
	s2 =	sor.u32 $0x10, s18  }
0x470: {  	s7 =	sor.u32 $0x20, s18;
	[tilespmem:s18+$0x0] =	vst.add.f32.msk $0xffff, v19  }
0x471: {  	[tilespmem:s2+$0x0] =	vst.add.f32.msk $0xffff, v20;
	s2 =	sor.u32 $0x30, s18  }
0x472: {  	[tilespmem:s7+$0x0] =	vst.add.f32.msk $0xffff, v21;
	s7 =	sor.u32 $0x40, s18  }
0x473: {  	[tilespmem:s2+$0x0] =	vst.add.f32.msk $0xffff, v22;
	s2 =	sor.u32 $0x50, s18  }
0x474: {  	[tilespmem:s7+$0x0] =	vst.add.f32.msk $0xffff, v23;
	s7 =	sor.u32 $0x60, s18  }
0x475: {  	[tilespmem:s2+$0x0] =	vst.add.f32.msk $0xffff, v24;
	s2 =	sor.u32 $0x70, s18  }
0x476: {  	[tilespmem:s7+$0x0] =	vst.add.f32.msk $0xffff, v25  }
0x477: {  	[tilespmem:s2+$0x0] =	vst.add.f32.msk $0xffff, v26;
	s2 =	sor.u32 $0x10, s16  }
0x478: {  	s7 =	sor.u32 $0x20, s16;
	[tilespmem:s16+$0x0] =	vst.add.f32.msk $0xffff, v27  }
0x479: {  	[tilespmem:s2+$0x0] =	vst.add.f32.msk $0xffff, v28;
	s2 =	sor.u32 $0x30, s16  }
0x47a: {  	[tilespmem:s7+$0x0] =	vst.add.f32.msk $0xffff, v29;
	s7 =	sor.u32 $0x40, s16  }
0x47b: {  	[tilespmem:s2+$0x0] =	vst.add.f32.msk $0xffff, v30;
	s2 =	sor.u32 $0x50, s16  }
0x47c: {  	[tilespmem:s7+$0x0] =	vst.add.f32.msk $0xffff, v31;
	s7 =	sor.u32 $0x60, s16  }
0x47d: {  	[tilespmem:s2+$0x0] =	vst.add.f32.msk $0xffff, v32;
	s2 =	sor.u32 $0x70, s16  }
0x47e: {  	[tilespmem:s7+$0x0] =	vst.add.f32.msk $0xffff, v33  }
0x47f: {  	[tilespmem:s2+$0x0] =	vst.add.f32.msk $0xffff, v34;
	s2 =	sor.u32 $0x10, s15  }
0x480: {  	s7 =	sor.u32 $0x20, s15;
	[tilespmem:s15+$0x0] =	vst.add.f32.msk $0xffff, v35  }
0x481: {  	[tilespmem:s2+$0x0] =	vst.add.f32.msk $0xffff, v36;
	s2 =	sor.u32 $0x30, s15  }
0x482: {  	[tilespmem:s7+$0x0] =	vst.add.f32.msk $0xffff, v37;
	s7 =	sor.u32 $0x40, s15  }
0x483: {  	[tilespmem:s2+$0x0] =	vst.add.f32.msk $0xffff, v38;
	s2 =	sor.u32 $0x50, s15  }
.Ltmp4:
0x484: {  	[tilespmem:s7+$0x0] =	vst.add.f32.msk $0xffff, v39;
	s7 =	sor.u32 $0x60, s15;
	(pc) =	sbr.rel @p1 .LBB2_11-.Ltmp4, $4  }
0x485: {  	[tilespmem:s2+$0x0] =	vst.add.f32.msk $0xffff, v40;
	s2 =	sor.u32 $0x70, s15  }
0x486: {  	[tilespmem:s7+$0x0] =	vst.add.f32.msk $0xffff, v43  }
0x487: {  	s7 =	sor.u32 $0x10, s12;
	[tilespmem:s2+$0x0] =	vst.add.f32.msk $0xffff, v46  }
0x488: {  	s2 =	sor.u32 $0x20, s12;
	[tilespmem:s12+$0x0] =	vst.add.f32.msk $0xffff, v50  }
0x489: {  	[tilespmem:s7+$0x0] =	vst.add.f32.msk $0xffff, v47  }
0x48a: {  	[tilespmem:s2+$0x0] =	vst.add.f32.msk $0xffff, v48  }
0x48b: {  	s23 =	sor.u32 $0x40, s12;
	s0 =	smul.u32 $0x1800, s0;
	[tilespmem:s14+$0x0] =	vst.add.f32.msk $0xffff, v49  }
0x48c: {  	s3 =	sor.u32 $0x50, s12;
	[tilespmem:s23+$0x0] =	vst.add.f32.msk $0xffff, v44  }
0x48d: {  	s25 =	sor.u32 $0x60, s12;
	s0 =	sshrl.u32 s0, $0x3;
	[tilespmem:s3+$0x0] =	vst.add.f32.msk $0xffff, v41  }
0x48e: {  	s26 =	sor.u32 $0x70, s12;
	s0 =	sadd.s32 s24, s0;
	[tilespmem:s25+$0x0] =	vst.add.f32.msk $0xffff, v42  }
0x48f: {  	s30 =	simm.s32 $0x12700;
	s0 =	sadd.s32 $0xC00, s0;
	[tilespmem:s26+$0x0] =	vst.add.f32.msk $0xffff, v45  }
0x490: {  	[hbm4b:s0+s4] =	stream.linear.scatter [tilespmem:s30], [sflag:$0x6], $0x6000, $0x38;
	[tilespmem:$0x18700] =	vst v63  }
0x491: {  	s0 =	simm.s32 @!p0 $0x8  }
0x492: {  	_ =	swait.ge @!p0 [sflag:s0], $0x40  }
0x493: {  	[sflag:s0] =	ssyncset.done @!p0 $0x0  }
0x494: {  	[sflag:s0] =	ssyncadd.s32 @!p0 $0xFFFFFFC0  }
0x495: {  	_ =	swait.ge @!p0 [sflag:s0], $0x300  }
0x496: {  	[sflag:s0] =	ssyncset.done @!p0 $0x0  }
0x497: {  	[sflag:s0] =	ssyncadd.s32 @!p0 $0xFFFFFD00;
	s0 =	simm.s32 @!p0 $0x6  }
0x498: {  	_ =	swait.ge @!p0 [sflag:s0], $0x6000  }
0x499: {  	[sflag:s0] =	ssyncset.done @!p0 $0x0  }
0x49a: {  	[sflag:s0] =	ssyncadd.s32 @!p0 $0xFFFFA000  }
0x49b: {  	_ =	swait.ge @!p0 [sflag:s0], $0x6000  }
0x49c: {  	[sflag:s0] =	ssyncset.done @!p0 $0x0  }
0x49d: {  	[sflag:s0] =	ssyncadd.s32 @!p0 $0xFFFFA000  }
0x49e: {  	v3 =	vld @!p0 [tilespmem:$0x80];
	_ =	sdelay $0x4  }
0x49f: {  	v4 =	vshrl.u32 @!p0 v3, $0x3  }
0x4a0: {  	v4 =	vmul.u32 @!p0 $0x30, v4  }
0x4a1: {  	v5 =	vlaneseq.u32 @!p0;
	v3 =	vand.u32 @!p0 $0x7, v3  }
0x4a2: {  	v6 =	vshrl.u32 @!p0 v5, $0x3;
	v3 =	vor.u32 @!p0 v3, v4;
	v4 =	vand.u32 @!p0 $0x7, v5  }
0x4a3: {  	v6 =	vmul.u32 @!p0 $0x8, v6;
	v7 =	vperm.xlane @!p0 v3, v4;
	_ =	sdelay $0x1  }
0x4a4: {  	v7 =	vadd.s32 @!p0 v6, v7;
	_ =	sdelay $0x2  }
0x4a5: {  	v5 =	vor.u32 @!p0 $0x8, v5  }
0x4a6: {  	vm1 =	vmmov @!p0 $0xffff;
	s2 =	simm.s32 @!p0 $0xC700;
	s0 =	simm.s32 @!p0 $0x0;
	v3 =	vperm.xlane @!p0 v3, v5  }
0x4a7: {  	[tilespmem:s2], [sflag:$0x2] =	stream.indirect_vreg.gather @!p0 [hbm4b:s1+s0], $0x80, v7, vm1, $0xb8;
	[tilespmem:$0x18700] =	vst v63  }
0x4a8: {  	v3 =	vadd.s32 @!p0 v6, v3;
	s2 =	simm.s32 @!p0 $0xCF00  }
0x4a9: {  	[tilespmem:s2], [sflag:$0x2] =	stream.indirect_vreg.gather @!p0 [hbm4b:s10+s0], $0x80, v7, vm1, $0xb8;
	[tilespmem:$0x18700] =	vst v63  }
0x4aa: {  	s2 =	simm.s32 @!p0 $0xD700  }
0x4ab: {  	[tilespmem:s2], [sflag:$0x2] =	stream.indirect_vreg.gather @!p0 [hbm4b:s11+s0], $0x80, v7, vm1, $0xb8;
	[tilespmem:$0x18700] =	vst v63  }
0x4ac: {  	s2 =	simm.s32 @!p0 $0xDF00  }
0x4ad: {  	[tilespmem:s2], [sflag:$0x2] =	stream.indirect_vreg.gather @!p0 [hbm4b:s1+s0], $0x80, v3, vm1, $0xb8;
	[tilespmem:$0x18700] =	vst v63  }
0x4ae: {  	s2 =	simm.s32 @!p0 $0xE700  }
0x4af: {  	[tilespmem:s2], [sflag:$0x2] =	stream.indirect_vreg.gather @!p0 [hbm4b:s10+s0], $0x80, v3, vm1, $0xb8;
	[tilespmem:$0x18700] =	vst v63  }
0x4b0: {  	s2 =	simm.s32 @!p0 $0xEF00  }
0x4b1: {  	[tilespmem:s2], [sflag:$0x2] =	stream.indirect_vreg.gather @!p0 [hbm4b:s11+s0], $0x80, v3, vm1, $0xb8;
	[tilespmem:$0x18700] =	vst v63  }
0x4b2: {  	v3 =	vld @!p0 [tilespmem:$0x90];
	_ =	sdelay $0x4  }
0x4b3: {  	v7 =	vshrl.u32 @!p0 v3, $0x3  }
0x4b4: {  	v7 =	vmul.u32 @!p0 $0x30, v7  }
0x4b5: {  	v3 =	vand.u32 @!p0 $0x7, v3  }
0x4b6: {  	v3 =	vor.u32 @!p0 v3, v7  }
0x4b7: {  	v7 =	vperm.xlane @!p0 v3, v4;
	_ =	sdelay $0x1  }
0x4b8: {  	v7 =	vadd.s32 @!p0 v6, v7;
	_ =	sdelay $0x3  }
0x4b9: {  	s2 =	simm.s32 @!p0 $0xF700;
	v3 =	vperm.xlane @!p0 v3, v5  }
0x4ba: {  	[tilespmem:s2], [sflag:$0x2] =	stream.indirect_vreg.gather @!p0 [hbm4b:s1+s0], $0x80, v7, vm1, $0xb8;
	[tilespmem:$0x18700] =	vst v63  }
0x4bb: {  	v3 =	vadd.s32 @!p0 v6, v3;
	s2 =	simm.s32 @!p0 $0xFF00  }
0x4bc: {  	[tilespmem:s2], [sflag:$0x2] =	stream.indirect_vreg.gather @!p0 [hbm4b:s10+s0], $0x80, v7, vm1, $0xb8;
	[tilespmem:$0x18700] =	vst v63  }
0x4bd: {  	s2 =	simm.s32 @!p0 $0x10700  }
0x4be: {  	[tilespmem:s2], [sflag:$0x2] =	stream.indirect_vreg.gather @!p0 [hbm4b:s11+s0], $0x80, v7, vm1, $0xb8;
	[tilespmem:$0x18700] =	vst v63  }
0x4bf: {  	s2 =	simm.s32 @!p0 $0x10F00  }
0x4c0: {  	[tilespmem:s2], [sflag:$0x2] =	stream.indirect_vreg.gather @!p0 [hbm4b:s1+s0], $0x80, v3, vm1, $0xb8;
	[tilespmem:$0x18700] =	vst v63  }
0x4c1: {  	s2 =	simm.s32 @!p0 $0x11700  }
0x4c2: {  	[tilespmem:s2], [sflag:$0x2] =	stream.indirect_vreg.gather @!p0 [hbm4b:s10+s0], $0x80, v3, vm1, $0xb8;
	[tilespmem:$0x18700] =	vst v63  }
0x4c3: {  	s2 =	simm.s32 @!p0 $0x11F00  }
0x4c4: {  	[tilespmem:s2], [sflag:$0x2] =	stream.indirect_vreg.gather @!p0 [hbm4b:s11+s0], $0x80, v3, vm1, $0xb8;
	[tilespmem:$0x18700] =	vst v63  }
0x4c5: {  	v3 =	vld @!p0 [tilespmem:$0xA0];
	_ =	sdelay $0x4  }
0x4c6: {  	v7 =	vshrl.u32 @!p0 v3, $0x3  }
0x4c7: {  	v7 =	vmul.u32 @!p0 $0x30, v7  }
0x4c8: {  	v3 =	vand.u32 @!p0 $0x7, v3  }
0x4c9: {  	v3 =	vor.u32 @!p0 v3, v7  }
0x4ca: {  	v7 =	vperm.xlane @!p0 v3, v4;
	_ =	sdelay $0x1  }
0x4cb: {  	v7 =	vadd.s32 @!p0 v6, v7;
	_ =	sdelay $0x3  }
0x4cc: {  	s2 =	simm.s32 @!p0 $0x12700;
	v3 =	vperm.xlane @!p0 v3, v5  }
0x4cd: {  	[tilespmem:s2], [sflag:$0x4] =	stream.indirect_vreg.gather @!p0 [hbm4b:s1+s0], $0x80, v7, vm1, $0xb8;
	[tilespmem:$0x18700] =	vst v63  }
0x4ce: {  	v3 =	vadd.s32 @!p0 v6, v3;
	s2 =	simm.s32 @!p0 $0x12F00  }
0x4cf: {  	[tilespmem:s2], [sflag:$0x4] =	stream.indirect_vreg.gather @!p0 [hbm4b:s10+s0], $0x80, v7, vm1, $0xb8;
	[tilespmem:$0x18700] =	vst v63  }
0x4d0: {  	s2 =	simm.s32 @!p0 $0x13700  }
0x4d1: {  	[tilespmem:s2], [sflag:$0x4] =	stream.indirect_vreg.gather @!p0 [hbm4b:s11+s0], $0x80, v7, vm1, $0xb8;
	[tilespmem:$0x18700] =	vst v63  }
0x4d2: {  	s2 =	simm.s32 @!p0 $0x13F00  }
0x4d3: {  	[tilespmem:s2], [sflag:$0x4] =	stream.indirect_vreg.gather @!p0 [hbm4b:s1+s0], $0x80, v3, vm1, $0xb8;
	[tilespmem:$0x18700] =	vst v63  }
0x4d4: {  	s2 =	simm.s32 @!p0 $0x14700  }
0x4d5: {  	[tilespmem:s2], [sflag:$0x4] =	stream.indirect_vreg.gather @!p0 [hbm4b:s10+s0], $0x80, v3, vm1, $0xb8;
	[tilespmem:$0x18700] =	vst v63  }
0x4d6: {  	s2 =	simm.s32 @!p0 $0x14F00  }
0x4d7: {  	[tilespmem:s2], [sflag:$0x4] =	stream.indirect_vreg.gather @!p0 [hbm4b:s11+s0], $0x80, v3, vm1, $0xb8;
	[tilespmem:$0x18700] =	vst v63  }
0x4d8: {  	v3 =	vld @!p0 [tilespmem:$0xB0];
	_ =	sdelay $0x4  }
0x4d9: {  	v7 =	vshrl.u32 @!p0 v3, $0x3  }
0x4da: {  	v7 =	vmul.u32 @!p0 $0x30, v7  }
0x4db: {  	v3 =	vand.u32 @!p0 $0x7, v3  }
0x4dc: {  	v3 =	vor.u32 @!p0 v3, v7  }
0x4dd: {  	v4 =	vperm.xlane @!p0 v3, v4;
	_ =	sdelay $0x1  }
0x4de: {  	v4 =	vadd.s32 @!p0 v6, v4;
	_ =	sdelay $0x3  }
0x4df: {  	s2 =	simm.s32 @!p0 $0x15700;
	v3 =	vperm.xlane @!p0 v3, v5  }
0x4e0: {  	[tilespmem:s2], [sflag:$0x4] =	stream.indirect_vreg.gather @!p0 [hbm4b:s1+s0], $0x80, v4, vm1, $0xb8;
	[tilespmem:$0x18700] =	vst v63  }
0x4e1: {  	v3 =	vadd.s32 @!p0 v6, v3;
	s2 =	simm.s32 @!p0 $0x15F00  }
0x4e2: {  	[tilespmem:s2], [sflag:$0x4] =	stream.indirect_vreg.gather @!p0 [hbm4b:s10+s0], $0x80, v4, vm1, $0xb8;
	[tilespmem:$0x18700] =	vst v63  }
0x4e3: {  	s2 =	simm.s32 @!p0 $0x16700  }
0x4e4: {  	[tilespmem:s2], [sflag:$0x4] =	stream.indirect_vreg.gather @!p0 [hbm4b:s11+s0], $0x80, v4, vm1, $0xb8;
	[tilespmem:$0x18700] =	vst v63  }
0x4e5: {  	s2 =	simm.s32 @!p0 $0x16F00  }
0x4e6: {  	[tilespmem:s2], [sflag:$0x4] =	stream.indirect_vreg.gather @!p0 [hbm4b:s1+s0], $0x80, v3, vm1, $0xb8;
	[tilespmem:$0x18700] =	vst v63  }
0x4e7: {  	s2 =	simm.s32 @!p0 $0x17700  }
0x4e8: {  	[tilespmem:s2], [sflag:$0x4] =	stream.indirect_vreg.gather @!p0 [hbm4b:s10+s0], $0x80, v3, vm1, $0xb8;
	[tilespmem:$0x18700] =	vst v63  }
0x4e9: {  	p1 =	sne.s32 @!p0 s31, $0x4D;
	s2 =	simm.s32 @!p0 $0x17F00  }
0x4ea: {  	[tilespmem:s2], [sflag:$0x4] =	stream.indirect_vreg.gather @!p0 [hbm4b:s11+s0], $0x80, v3, vm1, $0xb8;
	[tilespmem:$0x18700] =	vst v63  }
0x4eb: {  	p0 =	por p0, !p1  }
.Ltmp5:
0x4ec: {  	_ = 	snop;
	(pc) =	sbr.rel @!p0 .LBB2_2-.Ltmp5, $2  }
0x4ed: {  	_ =	sdelay $0x2  }
0x4ee: {  	s3 =	smov.u32 s31  }
0x4ef: {  	_ =	swait.ge [sflag:s28], $0x6000  }
0x4f0: {  	[sflag:s28] =	ssyncset.done $0x0  }
0x4f1: {  	[sflag:s28] =	ssyncadd.s32 $0xFFFFA000  }
0x4f2: {  	_ =	swait.ge [sflag:s28], $0x6000  }
0x4f3: {  	[sflag:s28] =	ssyncset.done $0x0  }
0x4f4: {  	s2 =	simm.s32 $0x6;
	[sflag:s28] =	ssyncadd.s32 $0xFFFFA000  }
0x4f5: {  	_ =	swait.ge [sflag:s2], $0x6000  }
0x4f6: {  	[sflag:s2] =	ssyncset.done $0x0  }
0x4f7: {  	[sflag:s2] =	ssyncadd.s32 $0xFFFFA000  }
0x4f8: {  	_ =	swait.ge [sflag:s2], $0x6000  }
0x4f9: {  	s3 =	rddreg [dreg:$0x9]  }
0x4fa: {  	s0 =	rddreg [dreg:$0x8];
	s3 =	sadd.s32 $0x1, s3  }
0x4fb: {  	p0 =	sne.s32 s3, s0  }
.Ltmp6:
0x4fc: {  	_ = 	snop;
	(pc) =	sbr.rel @p0 .LBB2_1-.Ltmp6, $3  }
0x4fd: {  	_ =	sdelay $0x1  }
0x4fe: {  	[sflag:s2] =	ssyncset.done $0x0  }
0x4ff: {  	[sflag:s2] =	ssyncadd.s32 $0xFFFFA000  }
0x500: {  	_ =	sfence.sel $0x180000  }
0x501: {  	[bflag:$0x0] =	sbarrier.arrive $0xFFFF  }
0x502: {  	_ =	strace $0x90000047  }
0x503: {  	s0 =	stileid.u32;
	[bflag:$0x2] =	sbarrier.arrive $0xFFFF  }
0x504: {  	p0 =	sne.s32 s0, $0x0;
	s0 =	rddreg [dreg:$0x3]  }
0x505: {  	s0 =	sadd.s32 @!p0 $0x100000, s0  }
0x506: {  	[sflag:s0] =	ssyncadd.tile.s32 @!p0 $0x1;
	_ =	shalt  }
.Lfunc_end2:
_tile_overlayer_lowered:
.L_overlay_start_2:
0x507: {  	(tag) =	ssettag $0x2  }
0x508: {  	s0 =	rddreg [dreg:$0x0];
	s2 =	stileid.u32  }
0x509: {  	s1 =	rddreg [dreg:$0x1];
	p0 =	sne.s32 s2, $0x0  }
0x50a: {  	s3 =	rddreg [dreg:$0x2];
	[bflag:$0x3] =	sbarrier.arrive $0xFFFF;
	s2 =	simm.s32 @!p0 $0x1C09  }
0x50b: {  	[timem:s3], [sflag:s2] =	dma.local @!p0 [hbm:s0], s1  }
0x50c: {  	s0 =	simm.s32 @!p0 $0x9  }
0x50d: {  	_ =	swait.ge @!p0 [sflag:s0], s1  }
0x50e: {  	s1 =	ssub.s32 @!p0 $0x0, s1;
	[sflag:s0] =	ssyncset.done @!p0 $0x0  }
0x50f: {  	[sflag:s0] =	ssyncadd.s32 @!p0 s1  }
0x510: {  	[bflag:$0x3] =	sbarrier.arrive $0xFFFF  }
0x511: {  	_ =	shalt  }

</sc_bundles>
